<compile_context>
chip_gen: v7x
topology: tpu7x:2x2x1
jax: 0.10.2.dev20260603
libtpu: 0.0.44.dev20260713+nightly
codegen_flags: <defaults>
</compile_context>

<pallas_src>
import functools

import jax
import jax.numpy as jnp
import numpy as np
from jax import lax
from jax.experimental import pallas as pl
from jax.experimental.pallas import tpu as pltpu
from jax.experimental.pallas import tpu_sc as plsc

K = 16
SPOTS = 4
SPOT_K = 16
BLOCKS = 2
SIGMA_C = 3.0
SEED_NUM = 64
SEED_THR = 0.5
HEADS = 4
N = 1024
C = 256
DH = C // HEADS
NEG = -1e30
BIGI = 2 ** 30
F32 = jnp.float32


def _f32(shape):
    return jax.ShapeDtypeStruct(shape, jnp.float32)


def _i32(shape):
    return jax.ShapeDtypeStruct(shape, jnp.int32)


def _pdist_topk_body(pts_ref, d_ref, idx_ref):
    pts = pts_ref[...]
    cx, cy, cz = pts[:, 0:1], pts[:, 1:2], pts[:, 2:3]
    sq_col = cx * cx + cy * cy + cz * cz
    eye3 = jnp.eye(3, dtype=F32)
    rows = jax.lax.dot_general(eye3, pts, (((1,), (1,)), ((), ())),
                               precision=jax.lax.Precision.HIGHEST,
                               preferred_element_type=F32)
    rx, ry, rz = rows[0:1, :], rows[1:2, :], rows[2:3, :]
    sq_row = rx * rx + ry * ry + rz * rz
    dotm = jax.lax.dot_general(pts, pts, (((1,), (1,)), ((), ())),
                               preferred_element_type=F32)
    d = sq_col + sq_row - 2.0 * dotm
    d_ref[...] = d
    ji = jax.lax.broadcasted_iota(jnp.int32, (N, N), 1)
    jk = jax.lax.broadcasted_iota(jnp.int32, (N, 32), 1)
    neg = -d

    def body(j, carry):
        neg, idxv = carry
        m = jnp.max(neg, axis=1, keepdims=True)
        cand = jnp.where(neg == m, ji, BIGI)
        mink = jnp.min(cand, axis=1, keepdims=True)
        idxv = jnp.where(jk == j, mink, idxv)
        neg = jnp.where(ji == mink, NEG, neg)
        return neg, idxv

    _, idxv = jax.lax.fori_loop(0, K + 1, body, (neg, jnp.zeros((N, 32), jnp.int32)))
    idx_ref[...] = idxv


def _pdist_topk(pts):
    return pl.pallas_call(
        _pdist_topk_body,
        out_shape=(_f32((N, N)), _i32((N, 32))),
    )(pts)


def _linproj_body(x_ref, w_ref, b_ref, o_ref):
    o_ref[...] = jnp.dot(x_ref[...], w_ref[...],
                         preferred_element_type=F32) + b_ref[...]


def _linproj(x, w, b):
    n, fi = x.shape
    fo = w.shape[1]
    return pl.pallas_call(
        _linproj_body,
        out_shape=_f32((n, fo)),
    )(x, w, b.reshape(1, fo))


def _matching_body(a_ref, b_ref, ms_ref, cr_ref, mir_ref, cs_ref, mis_ref):
    s = jax.lax.dot_general(a_ref[...], b_ref[...], (((1,), (1,)), ((), ())),
                            preferred_element_type=F32)
    rmax = jnp.max(s, axis=1, keepdims=True)
    er = jnp.exp(s - rmax)
    p = er / jnp.sum(er, axis=1, keepdims=True)
    cmax = jnp.max(s, axis=0, keepdims=True)
    ec = jnp.exp(s - cmax)
    q = ec / jnp.sum(ec, axis=0, keepdims=True)
    ms = p * q
    ms_ref[...] = ms
    ji = jax.lax.broadcasted_iota(jnp.int32, (N, N), 1)
    jc = jax.lax.broadcasted_iota(jnp.int32, (N, N), 0)
    cr = jnp.max(ms, axis=1, keepdims=True)
    cr_ref[...] = cr
    mir_ref[...] = jnp.min(jnp.where(ms == cr, ji, BIGI), axis=1, keepdims=True)
    cs = jnp.max(ms, axis=0, keepdims=True)
    cs_ref[...] = cs
    mis_ref[...] = jnp.min(jnp.where(ms == cs, jc, BIGI), axis=0, keepdims=True)


def _matching(a, b):
    return pl.pallas_call(
        _matching_body,
        out_shape=(_f32((N, N)), _f32((N, 1)), _i32((N, 1)),
                   _f32((1, N)), _i32((1, N))),
    )(a, b)


def _compat_body(down_ref, doth_ref, mi_ref, comp_ref):
    ji = jax.lax.broadcasted_iota(jnp.int32, (N, N), 1)
    p = (ji == mi_ref[...]).astype(F32)
    hi = jax.lax.Precision.HIGHEST
    g1 = jnp.dot(p, doth_ref[...], precision=hi, preferred_element_type=F32)
    dg = jax.lax.dot_general(g1, p, (((1,), (1,)), ((), ())), precision=hi,
                             preferred_element_type=F32)
    c = jnp.maximum(1.0 - jnp.abs(down_ref[...] - dg) / SIGMA_C, 0.0)
    comp_ref[...] = jnp.mean(c, axis=1, keepdims=True)


def _compat_k(d_own, d_other, mi):
    return pl.pallas_call(
        _compat_body,
        out_shape=_f32((N, 1)),
    )(d_own, d_other, mi)


def _seeds_body(comp_ref, conf_ref, confr_ref, tok_ref):
    comp = comp_ref[...]
    conf_r = conf_ref[...] * comp
    confr_ref[...] = conf_r
    sel = jnp.where(comp < jnp.max(comp, axis=1, keepdims=True) * SEED_THR,
                    conf_r, 0.0)
    ji = jax.lax.broadcasted_iota(jnp.int32, (1, N), 1)
    jk = jax.lax.broadcasted_iota(jnp.int32, (1, SEED_NUM), 1)

    def body(j, carry):
        sel, tokv = carry
        m = jnp.max(sel, axis=1, keepdims=True)
        t = jnp.min(jnp.where(sel == m, ji, BIGI), axis=1, keepdims=True)
        tokv = jnp.where(jk == j, t, tokv)
        sel = jnp.where(ji == t, -1.0, sel)
        return sel, tokv

    _, tokv = jax.lax.fori_loop(0, SEED_NUM, body,
                                (sel, jnp.zeros((1, SEED_NUM), jnp.int32)))
    tok_ref[...] = tokv


def _seeds(comp, conf):
    return pl.pallas_call(
        _seeds_body,
        out_shape=(_f32((1, N)), _i32((1, SEED_NUM))),
    )(comp, conf)


def _ln_in(x, s, b):
    m = jnp.mean(x, -1, keepdims=True)
    v = jnp.mean((x - m) ** 2, -1, keepdims=True)
    return (x - m) / jnp.sqrt(v + 1e-5) * s + b


def _attn_tail(x, out, p_refs):
    (wo, bo, n1s, n1b, f1w, f1b, f2w, f2b, n2s, n2b) = p_refs
    x1 = _ln_in(x + jnp.dot(out, wo[...], preferred_element_type=F32) + bo[...],
                n1s[...], n1b[...])
    h = jnp.maximum(jnp.dot(x1, f1w[...], preferred_element_type=F32) + f1b[...], 0.0)
    x2 = _ln_in(x1 + jnp.dot(h, f2w[...], preferred_element_type=F32) + f2b[...],
                n2s[...], n2b[...])
    return x2


def _caa_body(x_ref, tok_ref, wq, bq, wk, bk, wv, bv, wo, bo, n1s, n1b,
              f1w, f1b, f2w, f2b, n2s, n2b, o_ref, xs_ref):
    def gather(i, _):
        r = tok_ref[0, i]
        xs_ref[pl.ds(i, 1), :] = x_ref[pl.ds(r, 1), :]
        return 0

    jax.lax.fori_loop(0, SEED_NUM, gather, 0)
    x = x_ref[...]
    xs = xs_ref[...]
    q = jnp.dot(x, wq[...], preferred_element_type=F32) + bq[...]
    k = jnp.dot(xs, wk[...], preferred_element_type=F32) + bk[...]
    v = jnp.dot(xs, wv[...], preferred_element_type=F32) + bv[...]
    hi = jax.lax.Precision.HIGHEST
    outs = []
    for h in range(HEADS):
        sl = slice(h * DH, (h + 1) * DH)
        sh = jax.lax.dot_general(q[:, sl], k[:, sl], (((1,), (1,)), ((), ())),
                                 precision=hi,
                                 preferred_element_type=F32) / np.sqrt(DH)
        rm = jnp.max(sh, axis=1, keepdims=True)
        e = jnp.exp(sh - rm)
        ah = e / jnp.sum(e, axis=1, keepdims=True)
        outs.append(jnp.dot(ah, v[:, sl], precision=hi, preferred_element_type=F32))
    out = jnp.concatenate(outs, axis=1)
    o_ref[...] = _attn_tail(x, out, (wo, bo, n1s, n1b, f1w, f1b, f2w, f2b, n2s, n2b))


def _caa_layer(p, x, tok):
    return pl.pallas_call(
        _caa_body,
        out_shape=_f32((N, C)),
        in_specs=[pl.BlockSpec(memory_space=pltpu.VMEM),
                  pl.BlockSpec(memory_space=pltpu.SMEM)]
                 + [pl.BlockSpec(memory_space=pltpu.VMEM) for _ in range(16)],
        scratch_shapes=[pltpu.VMEM((SEED_NUM, C), F32)],
    )(x, tok,
      p["q"]["W"], p["q"]["b"].reshape(1, C),
      p["k"]["W"], p["k"]["b"].reshape(1, C),
      p["v"]["W"], p["v"]["b"].reshape(1, C),
      p["o"]["W"], p["o"]["b"].reshape(1, C),
      p["n1s"].reshape(1, C), p["n1b"].reshape(1, C),
      p["f1"]["W"], p["f1"]["b"].reshape(1, 2 * C),
      p["f2"]["W"], p["f2"]["b"].reshape(1, C),
      p["n2s"].reshape(1, C), p["n2b"].reshape(1, C))


def _sga_body(x_ref, mem_ref, cnt_ref, wq, bq, wk, bk, wv, bv, wo, bo,
              n1s, n1b, f1w, f1b, f2w, f2b, n2s, n2b, o_ref):
    x = x_ref[...]
    mem = mem_ref[...]
    cnt = cnt_ref[...]
    live = cnt > 0.0
    q = jnp.dot(x, wq[...], preferred_element_type=F32) + bq[...]
    k = jnp.dot(mem, wk[...], preferred_element_type=F32) + bk[...]
    v = jnp.dot(mem, wv[...], preferred_element_type=F32) + bv[...]
    hi = jax.lax.Precision.HIGHEST
    outs = []
    for h in range(HEADS):
        sl = slice(h * DH, (h + 1) * DH)
        sh = jax.lax.dot_general(q[:, sl], k[:, sl], (((1,), (1,)), ((), ())),
                                 precision=hi,
                                 preferred_element_type=F32) / np.sqrt(DH)
        m = jnp.max(jnp.where(live, sh, NEG), axis=1, keepdims=True)
        w = jnp.where(live, cnt * jnp.exp(sh - m), 0.0)
        ah = w / jnp.sum(w, axis=1, keepdims=True)
        outs.append(jnp.dot(ah, v[:, sl], precision=hi, preferred_element_type=F32))
    out = jnp.concatenate(outs, axis=1)
    o_ref[...] = _attn_tail(x, out, (wo, bo, n1s, n1b, f1w, f1b, f2w, f2b, n2s, n2b))


def _sga_layer(p, x, mem, cnt):
    return pl.pallas_call(
        _sga_body,
        out_shape=_f32((N, C)),
    )(x, mem, cnt,
      p["q"]["W"], p["q"]["b"].reshape(1, C),
      p["k"]["W"], p["k"]["b"].reshape(1, C),
      p["v"]["W"], p["v"]["b"].reshape(1, C),
      p["o"]["W"], p["o"]["b"].reshape(1, C),
      p["n1s"].reshape(1, C), p["n1b"].reshape(1, C),
      p["f1"]["W"], p["f1"]["b"].reshape(1, 2 * C),
      p["f2"]["W"], p["f2"]["b"].reshape(1, C),
      p["n2s"].reshape(1, C), p["n2b"].reshape(1, C))


_NW = 32
_RW = N // _NW


def _spots_sc_body(knn_hbm, cross_hbm, conf_hbm, mi_hbm, out_hbm,
                   knn_v, cross_v, conf_v, mi_v, out_v, crow, mrow):
    wid = lax.axis_index("s") * 2 + lax.axis_index("c")
    base = wid * _RW
    pltpu.sync_copy(knn_hbm.at[pl.ds(base * 32, _RW * 32)], knn_v)
    pltpu.sync_copy(cross_hbm.at[:], cross_v)
    pltpu.sync_copy(conf_hbm.at[:], conf_v)
    pltpu.sync_copy(mi_hbm.at[:], mi_v)
    iota = lax.iota(jnp.int32, 16)
    negv = jnp.full((16,), NEG, jnp.float32)
    mask0 = iota == 0

    def row(r, carry):
        off = r * 32
        idx_a = plsc.load_gather(knn_v, [off + iota])
        idx17 = plsc.load_gather(knn_v, [jnp.full((16,), 16, jnp.int32) + off])
        c_a = plsc.load_gather(conf_v, [idx_a])
        c17 = plsc.load_gather(conf_v, [idx17])
        m_a = plsc.load_gather(mi_v, [idx_a])
        m17 = plsc.load_gather(mi_v, [idx17])
        plsc.store_scatter(crow, [iota], c_a)
        plsc.store_scatter(crow, [iota + 16], jnp.where(mask0, c17, negv))
        plsc.store_scatter(mrow, [iota], m_a)
        plsc.store_scatter(mrow, [iota + 16], m17)

        def pick(k, carry2):
            ca = plsc.load_gather(crow, [iota])
            cb = plsc.load_gather(crow, [iota + 16])
            m = jnp.max(jnp.maximum(ca, cb))
            mask_a = ca == m
            has_a = plsc.all_reduce_population_count(mask_a) > 0
            pos_a = plsc.all_reduce_ffs(mask_a)
            pos_b = plsc.all_reduce_ffs(cb == m) + 16
            pos = jnp.where(has_a, pos_a, pos_b)
            center = plsc.load_gather(mrow, [pos])
            spot16 = plsc.load_gather(cross_v, [center * 32 + iota])
            plsc.store_scatter(out_v, [r * 64 + k * 16 + iota], spot16)
            plsc.store_scatter(crow, [pos], negv, mask=mask0)
            return carry2

        lax.fori_loop(0, SPOTS, pick, 0, unroll=True)
        return carry

    lax.fori_loop(0, _RW, row, 0)
    pltpu.sync_copy(out_v, out_hbm.at[pl.ds(base * 64, _RW * 64)])


def _compat_sc_body(down_hbm, doth_hbm, mi_hbm, comp_hbm,
                    mi_v, mi32_v, g_v, down_v, comp_v, sem):
    wid = lax.axis_index("s") * 2 + lax.axis_index("c")
    base = wid * _RW
    pltpu.sync_copy(mi_hbm.at[:], mi_v)
    pltpu.sync_copy(mi_hbm.at[pl.ds(base, _RW)], mi32_v)
    pltpu.async_copy(doth_hbm.at[mi32_v], g_v, sem).wait()
    pltpu.sync_copy(down_hbm.at[pl.ds(base, _RW)], down_v)
    iota = lax.iota(jnp.int32, 16)
    mask0 = iota == 0

    def row(r, c):
        rs = jnp.zeros((16,), jnp.int32) + r

        def col(j, acc):
            mc = plsc.load_gather(mi_v, [j * 16 + iota])
            g = plsc.load_gather(g_v, [rs, mc])
            dn = plsc.load_gather(down_v, [rs, j * 16 + iota])
            return acc + jnp.maximum(1.0 - jnp.abs(dn - g) / SIGMA_C, 0.0)

        acc = lax.fori_loop(0, N // 16, col, jnp.zeros((16,), jnp.float32))
        total = jnp.sum(acc) * (1.0 / N)
        plsc.store_scatter(comp_v, [rs], jnp.zeros((16,), jnp.float32) + total,
                           mask=mask0)
        return c

    lax.fori_loop(0, _RW, row, 0)
    pltpu.sync_copy(comp_v, comp_hbm.at[pl.ds(base, _RW)])


def _compat_sc(d_own, d_other, mi):
    mesh = plsc.VectorSubcoreMesh(core_axis_name="c", subcore_axis_name="s")
    kfn = functools.partial(
        pl.kernel, mesh=mesh,
        compiler_params=pltpu.CompilerParams(needs_layout_passes=False),
        out_type=jax.ShapeDtypeStruct((N,), jnp.float32),
        scratch_types=[
            pltpu.VMEM((N,), jnp.int32),
            pltpu.VMEM((_RW,), jnp.int32),
            pltpu.VMEM((_RW, N), jnp.float32),
            pltpu.VMEM((_RW, N), jnp.float32),
            pltpu.VMEM((_RW,), jnp.float32),
            pltpu.SemaphoreType.DMA,
        ],
    )(_compat_sc_body)
    return kfn(d_own, d_other, mi)


def _counts_sc_body(idx_hbm, out_hbm, idx_v, cnt_v):
    wid = lax.axis_index("s") * 2 + lax.axis_index("c")
    base = wid * _RW
    pltpu.sync_copy(idx_hbm.at[pl.ds(base * 64, _RW * 64)], idx_v)
    iota = lax.iota(jnp.int32, 16)
    zero = jnp.zeros((16,), jnp.float32)
    one = jnp.ones((16,), jnp.float32)

    def z(i, c):
        plsc.store_scatter(cnt_v, [i * 16 + iota], zero)
        return c

    lax.fori_loop(0, _RW * 64, z, 0)

    def row(r, c):
        def chunk(k, c2):
            t = plsc.load_gather(idx_v, [r * 64 + k * 16 + iota])
            plsc.addupdate_scatter(cnt_v, [r * 1024 + t], one)
            return c2

        lax.fori_loop(0, SPOTS, chunk, 0)
        return c

    lax.fori_loop(0, _RW, row, 0)
    pltpu.sync_copy(cnt_v, out_hbm.at[pl.ds(base * 1024, _RW * 1024)])


def _counts_sc(spot_flat):
    mesh = plsc.VectorSubcoreMesh(core_axis_name="c", subcore_axis_name="s")
    kfn = functools.partial(
        pl.kernel, mesh=mesh,
        compiler_params=pltpu.CompilerParams(needs_layout_passes=False),
        out_type=jax.ShapeDtypeStruct((N * N,), jnp.float32),
        scratch_types=[
            pltpu.VMEM((_RW * 64,), jnp.int32),
            pltpu.VMEM((_RW * N,), jnp.float32),
        ],
    )(_counts_sc_body)
    return kfn(spot_flat).reshape(N, N)


def _select_spots_sc(knn_flat, cross_flat, conf, mi):
    mesh = plsc.VectorSubcoreMesh(core_axis_name="c", subcore_axis_name="s")
    kfn = functools.partial(
        pl.kernel, mesh=mesh,
        compiler_params=pltpu.CompilerParams(needs_layout_passes=False),
        out_type=jax.ShapeDtypeStruct((N * 64,), jnp.int32),
        scratch_types=[
            pltpu.VMEM((_RW * 32,), jnp.int32),
            pltpu.VMEM((N * 32,), jnp.int32),
            pltpu.VMEM((N,), jnp.float32),
            pltpu.VMEM((N,), jnp.int32),
            pltpu.VMEM((_RW * 64,), jnp.int32),
            pltpu.VMEM((32,), jnp.float32),
            pltpu.VMEM((32,), jnp.int32),
        ],
    )(_spots_sc_body)
    return kfn(knn_flat, cross_flat, conf, mi).reshape(N, SPOTS * SPOT_K)


def kernel(ref_points, src_points, ref_feats, src_feats, params):
    ref_d, ref_idx = _pdist_topk(ref_points[0])
    src_d, src_idx = _pdist_topk(src_points[0])
    ref_f = _linproj(ref_feats[0], params["in_proj"]["W"], params["in_proj"]["b"])
    src_f = _linproj(src_feats[0], params["in_proj"]["W"], params["in_proj"]["b"])

    corr, ref_comps, src_comps = [], [], []
    new_ref = new_src = None
    for i in range(BLOCKS):
        last = (i == BLOCKS - 1)
        ms, conf_r_col, mi_r_col, conf_s_row, mi_s_row = _matching(ref_f, src_f)
        corr.append(ms)

        comp_r = _compat_sc(ref_d, src_d, mi_r_col[:, 0])
        conf_r_full, ref_tok = _seeds(comp_r.reshape(1, N), conf_r_col.reshape(1, N))
        ref_comps.append(comp_r.reshape(1, N))

        comp_s = _compat_sc(src_d, ref_d, mi_s_row[0])
        conf_s_full, src_tok = _seeds(comp_s.reshape(1, N), conf_s_row)
        src_comps.append(comp_s.reshape(1, N))

        if last:
            ref_spot = _select_spots_sc(ref_idx.reshape(-1), src_idx.reshape(-1),
                                        conf_r_full[0], mi_r_col[:, 0])
            src_spot = _select_spots_sc(src_idx.reshape(-1), ref_idx.reshape(-1),
                                        conf_s_full[0], mi_s_row[0])

        ref_f = _caa_layer(params["caa"][i], ref_f, ref_tok)
        src_f = _caa_layer(params["caa"][i], src_f, src_tok)
        if last:
            new_ref = _sga_layer(params["sga"][i], ref_f, src_f,
                                 _counts_sc(ref_spot.reshape(-1)))
            new_src = _sga_layer(params["sga"][i], src_f, ref_f,
                                 _counts_sc(src_spot.reshape(-1)))

    return (new_ref[None], new_src[None],
            jnp.stack(corr, -1)[None],
            jnp.stack([r[0] for r in ref_comps], -1)[None],
            jnp.stack([s[0] for s in src_comps], -1)[None])

# --- scband reference (transcript-rebuilt; emitter-appended) ---
"""Pipeline reference for scband-spot-guided-transformer-s2-77214922047579 (READ-ONLY COPY).

The authoritative reference and input builder live on the scoring server;
editing this copy changes nothing except your own understanding.
"""

import jax, jax.numpy as jnp
import numpy as np

K = 16
SPOTS = 4
SPOT_K = 16
BLOCKS = 2
SIGMA_C = 3.0
SEED_NUM = 64
SEED_THR = 0.5
DUAL = True
IN_DIM = 512
HID = 256
HEADS = 4
B, N, M = 1, 1024, 1024


def _lin_init(key, fi, fo):
    k1, k2 = jax.random.split(key)
    lim = 1.0 / np.sqrt(fi)
    return {"W": jax.random.uniform(k1, (fi, fo), jnp.float32, -lim, lim),
            "b": jax.random.uniform(k2, (fo,), jnp.float32, -lim, lim)}


def _layer_params(key, C):
    ks = jax.random.split(key, 6)
    return {"q": _lin_init(ks[0], C, C), "k": _lin_init(ks[1], C, C),
            "v": _lin_init(ks[2], C, C), "o": _lin_init(ks[3], C, C),
            "n1s": jnp.ones((C,), jnp.float32), "n1b": jnp.zeros((C,), jnp.float32),
            "f1": _lin_init(ks[4], C, 2 * C), "f2": _lin_init(ks[5], 2 * C, C),
            "n2s": jnp.ones((C,), jnp.float32), "n2b": jnp.zeros((C,), jnp.float32)}


def setup_inputs(seed: int = 0):
    key = jax.random.key(seed)
    ks = jax.random.split(key, 8)
    params = {"in_proj": _lin_init(ks[4], IN_DIM, HID),
              "lca": _layer_params(ks[5], HID),
              "sga": [_layer_params(jax.random.fold_in(ks[6], i), HID) for i in range(BLOCKS)],
              "caa": [_layer_params(jax.random.fold_in(ks[7], i), HID) for i in range(BLOCKS)]}
    return {"ref_points": jax.random.normal(ks[0], (B, N, 3), jnp.float32),
            "src_points": jax.random.normal(ks[1], (B, M, 3), jnp.float32),
            "ref_feats": jax.random.normal(ks[2], (B, N, IN_DIM), jnp.float32),
            "src_feats": jax.random.normal(ks[3], (B, M, IN_DIM), jnp.float32),
            "params": params}


def _ln(x, s, b):
    m = jnp.mean(x, -1, keepdims=True)
    v = jnp.mean((x - m) ** 2, -1, keepdims=True)
    return (x - m) / jnp.sqrt(v + 1e-5) * s + b


def _lin(p, x):
    return x @ p["W"] + p["b"]


def _ffn(p, x):
    return _lin(p["f2"], jax.nn.relu(_lin(p["f1"], x)))


def _linear_attn_layer(p, x, mem):
    Bq, Nq, C = x.shape
    Mk = mem.shape[1]
    Dh = C // HEADS
    q = jax.nn.elu(_lin(p["q"], x).reshape(Bq, Nq, HEADS, Dh)) + 1.0
    k = jax.nn.elu(_lin(p["k"], mem).reshape(Bq, Mk, HEADS, Dh)) + 1.0
    v = _lin(p["v"], mem).reshape(Bq, Mk, HEADS, Dh)
    kv = jnp.einsum('bmhd,bmhe->bhde', k, v)
    z = jnp.einsum('bnhd,bhd->bnh', q, jnp.sum(k, 1)) + 1e-6
    out = jnp.einsum('bnhd,bhde->bnhe', q, kv) / z[..., None]
    out = _lin(p["o"], out.reshape(Bq, Nq, C))
    x = _ln(x + out, p["n1s"], p["n1b"])
    return _ln(x + _ffn(p, x), p["n2s"], p["n2b"])


def _sparse_attn_layer(p, x, mem, indices, mask=None):
    Bq, Nq, C = x.shape
    Dh = C // HEADS
    if indices.shape[1] == 1:
        indices = jnp.broadcast_to(indices, (Bq, Nq, indices.shape[2]))
    S = indices.shape[2]
    bidx = jnp.arange(Bq)[:, None, None]
    q = _lin(p["q"], x).reshape(Bq, Nq, HEADS, Dh)
    k_s = _lin(p["k"], mem)[bidx, indices].reshape(Bq, Nq, S, HEADS, Dh)
    v_s = _lin(p["v"], mem)[bidx, indices].reshape(Bq, Nq, S, HEADS, Dh)
    scores = jnp.einsum('bnhd,bnshd->bnhs', q, k_s) / np.sqrt(Dh)
    if mask is not None:
        scores = jnp.where(mask[:, :, None, :], scores, -1e9)
    attn = jax.nn.softmax(scores, -1)
    out = jnp.einsum('bnhs,bnshd->bnhd', attn, v_s).reshape(Bq, Nq, C)
    x = _ln(x + _lin(p["o"], out), p["n1s"], p["n1b"])
    return _ln(x + _ffn(p, x), p["n2s"], p["n2b"])


def _pdist(a, b):
    return jnp.sum(a * a, -1)[:, :, None] + jnp.sum(b * b, -1)[:, None, :] - 2.0 * jnp.einsum('bnd,bmd->bnm', a, b)


def _knn_gather(x, idx):
    return x[jnp.arange(x.shape[0])[:, None, None], idx]


def _matching_scores(a, b):
    s = jnp.einsum('bmc,bnc->bmn', a, b)
    if DUAL:
        s = jax.nn.softmax(s, -1) * jax.nn.softmax(s, -2)
    return s


def _compat(ref_d, src_d, mi):
    g = _knn_gather(src_d, mi)[:, :, 0, :]
    g = _knn_gather(jnp.transpose(g, (0, 2, 1)), mi)[:, :, 0, :]
    return jax.nn.relu(1.0 - jnp.abs(ref_d - g) / SIGMA_C)


def _seeding(comp, conf):
    sel = (comp < jnp.max(comp, -1, keepdims=True) * SEED_THR).astype(jnp.float32) * conf[..., 0]
    return jax.lax.top_k(sel, SEED_NUM)[1]


def _select_spots(knn_idx, cross_knn_idx, conf, mi):
    Bq, Nq, _ = knn_idx.shape
    bidx = jnp.arange(Bq)[:, None, None]
    n_conf = conf[..., 0][bidx, knn_idx]
    n_match = mi[..., 0][bidx, knn_idx]
    sel = jax.lax.top_k(n_conf, SPOTS)[1]
    centers = jnp.take_along_axis(n_match, sel, -1)
    spot_idx = cross_knn_idx[bidx, centers].reshape(Bq, Nq, SPOTS * SPOT_K)
    return jnp.ones(spot_idx.shape, bool), spot_idx


def _forward(ref_points, src_points, ref_feats, src_feats, params):
    k1 = max(K + 1, SPOT_K)
    ref_d = jax.lax.stop_gradient(_pdist(ref_points, ref_points))
    src_d = jax.lax.stop_gradient(_pdist(src_points, src_points))
    ref_idx = jax.lax.top_k(-ref_d, k1)[1]
    src_idx = jax.lax.top_k(-src_d, k1)[1]
    ref_f = _lin(params["in_proj"], ref_feats)
    src_f = _lin(params["in_proj"], src_feats)
    new_ref = _linear_attn_layer(params["lca"], ref_f, src_f)
    new_src = _linear_attn_layer(params["lca"], src_f, ref_f)
    corr, ref_comp, src_comp = [], [], []
    for i in range(BLOCKS):
        ms = _matching_scores(ref_f, src_f)
        corr.append(ms)
        conf = jnp.max(ms, -1, keepdims=True)
        mi = jnp.argmax(ms, -1)[..., None]
        comp = jax.lax.stop_gradient(_compat(ref_d, src_d, mi)).mean(-1)
        conf_r = conf * comp[..., None]
        ref_tok = _seeding(comp, jax.lax.stop_gradient(conf_r))
        ref_mask, ref_spot = _select_spots(ref_idx[..., :K + 1], src_idx[..., :SPOT_K], conf_r, mi)
        ref_comp.append(comp)
        ms_t = jnp.transpose(ms, (0, 2, 1))
        conf = jnp.max(ms_t, -1, keepdims=True)
        mi = jnp.argmax(ms_t, -1)[..., None]
        comp = jax.lax.stop_gradient(_compat(src_d, ref_d, mi)).mean(-1)
        conf_s = conf * comp[..., None]
        src_tok = _seeding(comp, jax.lax.stop_gradient(conf_s))
        src_mask, src_spot = _select_spots(src_idx[..., :K + 1], ref_idx[..., :SPOT_K], conf_s, mi)
        src_comp.append(comp)
        ref_f = _sparse_attn_layer(params["caa"][i], ref_f, ref_f, ref_tok[:, None, :])
        src_f = _sparse_attn_layer(params["caa"][i], src_f, src_f, src_tok[:, None, :])
        new_ref = _sparse_attn_layer(params["sga"][i], ref_f, src_f, ref_spot, mask=ref_mask)
        new_src = _sparse_attn_layer(params["sga"][i], src_f, ref_f, src_spot, mask=src_mask)
    return (new_ref, new_src, jnp.stack(corr, -1), jnp.stack(ref_comp, -1), jnp.stack(src_comp, -1))


def reference(ref_points, src_points, ref_feats, src_feats, params):
    return _forward(ref_points, src_points, ref_feats, src_feats, params)

if __name__ == "__main__":
    import jax
    _d = setup_inputs()
    print(jax.jit(kernel)(*tuple(_d.values())))

</pallas_src>

<mosaic_0001>
#map = affine_map<(d0, d1) -> (0, 0)>
#map1 = affine_map<(d0, d1) -> (0)>
module attributes {stable_mosaic.version = 14 : i64} {
  func.func @_compat_sc_body(%arg0: i32, %arg1: i32, %arg2: memref<1024x1024xf32, #tpu.memory_space<hbm>>, %arg3: memref<1024x1024xf32, #tpu.memory_space<hbm>>, %arg4: memref<1024xi32, #tpu.memory_space<hbm>>, %arg5: memref<1024xf32, #tpu.memory_space<hbm>>, %arg6: memref<1024xi32, #tpu.memory_space<vmem>>, %arg7: memref<32xi32, #tpu.memory_space<vmem>>, %arg8: memref<32x1024xf32, #tpu.memory_space<vmem>>, %arg9: memref<32x1024xf32, #tpu.memory_space<vmem>>, %arg10: memref<32xf32, #tpu.memory_space<vmem>>, %arg11: memref<!tpu.dma_semaphore, #tpu.memory_space<semaphore_mem>>) attributes {dimension_semantics = [#tpu.dimension_semantics<core_parallel>, #tpu.dimension_semantics<subcore_parallel>], iteration_bounds = array<i64: 2, 16>, scalar_prefetch = 0 : i64, scratch_operands = 6 : i64, tpu.core_type = #tpu.core_type<sc_vector_subcore>, window_params = [{transform_indices = #map}, {transform_indices = #map}, {transform_indices = #map1}, {transform_indices = #map1}]} {
    %mul3A = arith.constant 2 : i32
    %mul3A_0 = arith.muli %arg1, %mul3A : i32
    %add3A = arith.addi %mul3A_0, %arg0 : i32
    %mul3A_1 = arith.constant 32 : i32
    %mul3A_2 = arith.muli %add3A, %mul3A_1 : i32
    "tpu.region"() ({
      %run_scoped3A = tpu.sem_alloc : memref<!tpu.dma_semaphore, #tpu.memory_space<semaphore_mem>>
      %dma_start3A_14 = arith.constant 0 : i32
      %dma_start3A_15 = tpu.memref_slice %arg4[%dma_start3A_14] : memref<1024xi32, #tpu.memory_space<hbm>> -> memref<1024xi32, #tpu.memory_space<hbm>>
      %dma_start3A_16 = arith.constant 0 : i32
      %dma_start3A_17 = tpu.memref_slice %arg4[%dma_start3A_16] : memref<1024xi32, #tpu.memory_space<hbm>> -> memref<1024xi32, #tpu.memory_space<hbm>>
      tpu.enqueue_dma source(%dma_start3A_17 : memref<1024xi32, #tpu.memory_space<hbm>>) target(%arg6 : memref<1024xi32, #tpu.memory_space<vmem>>) target_semaphore(%run_scoped3A : memref<!tpu.dma_semaphore, #tpu.memory_space<semaphore_mem>>)
      %dma_wait3A_18 = arith.constant 0 : i32
      %dma_wait3A_19 = tpu.memref_slice %arg4[%dma_wait3A_18] : memref<1024xi32, #tpu.memory_space<hbm>> -> memref<1024xi32, #tpu.memory_space<hbm>>
      %dma_wait3A_20 = arith.constant 0 : i32
      %dma_wait3A_21 = tpu.memref_slice %arg4[%dma_wait3A_20] : memref<1024xi32, #tpu.memory_space<hbm>> -> memref<1024xi32, #tpu.memory_space<hbm>>
      tpu.wait_dma2 semaphore(%run_scoped3A : memref<!tpu.dma_semaphore, #tpu.memory_space<semaphore_mem>>) src(%dma_wait3A_21 : memref<1024xi32, #tpu.memory_space<hbm>>) dst(%arg6 : memref<1024xi32, #tpu.memory_space<vmem>>)
      tpu.yield
    }) : () -> ()
    "tpu.region"() ({
      %run_scoped3A = tpu.sem_alloc : memref<!tpu.dma_semaphore, #tpu.memory_space<semaphore_mem>>
      %dma_start3A_14 = tpu.memref_slice %arg4[%mul3A_2] : memref<1024xi32, #tpu.memory_space<hbm>> -> memref<32xi32, #tpu.memory_space<hbm>>
      %dma_start3A_15 = tpu.memref_slice %arg4[%mul3A_2] : memref<1024xi32, #tpu.memory_space<hbm>> -> memref<32xi32, #tpu.memory_space<hbm>>
      tpu.enqueue_dma source(%dma_start3A_15 : memref<32xi32, #tpu.memory_space<hbm>>) target(%arg7 : memref<32xi32, #tpu.memory_space<vmem>>) target_semaphore(%run_scoped3A : memref<!tpu.dma_semaphore, #tpu.memory_space<semaphore_mem>>)
      %dma_wait3A_16 = tpu.memref_slice %arg4[%mul3A_2] : memref<1024xi32, #tpu.memory_space<hbm>> -> memref<32xi32, #tpu.memory_space<hbm>>
      %dma_wait3A_17 = tpu.memref_slice %arg4[%mul3A_2] : memref<1024xi32, #tpu.memory_space<hbm>> -> memref<32xi32, #tpu.memory_space<hbm>>
      tpu.wait_dma2 semaphore(%run_scoped3A : memref<!tpu.dma_semaphore, #tpu.memory_space<semaphore_mem>>) src(%dma_wait3A_17 : memref<32xi32, #tpu.memory_space<hbm>>) dst(%arg7 : memref<32xi32, #tpu.memory_space<vmem>>)
      tpu.yield
    }) : () -> ()
    %dma_start3A = arith.constant 0 : i32
    %dma_start3A_3 = arith.constant 0 : i32
    %dma_start3A_4 = tpu.memref_slice %arg3[%dma_start3A, %dma_start3A_3] : memref<1024x1024xf32, #tpu.memory_space<hbm>> -> memref<1024x1024xf32, #tpu.memory_space<hbm>>
    tpu.enqueue_indirect_dma source(%dma_start3A_4 : memref<1024x1024xf32, #tpu.memory_space<hbm>>) target(%arg8 : memref<32x1024xf32, #tpu.memory_space<vmem>>) offsets(%arg7 : memref<32xi32, #tpu.memory_space<vmem>>) semaphore(%arg11 : memref<!tpu.dma_semaphore, #tpu.memory_space<semaphore_mem>>)
    %dma_wait3A = arith.constant 0 : i32
    %dma_wait3A_5 = arith.constant 0 : i32
    %dma_wait3A_6 = tpu.memref_slice %arg3[%dma_wait3A, %dma_wait3A_5] : memref<1024x1024xf32, #tpu.memory_space<hbm>> -> memref<1024x1024xf32, #tpu.memory_space<hbm>>
    tpu.wait_indirect_dma semaphore(%arg11 : memref<!tpu.dma_semaphore, #tpu.memory_space<semaphore_mem>>) src(%dma_wait3A_6 : memref<1024x1024xf32, #tpu.memory_space<hbm>>) dst(%arg8 : memref<32x1024xf32, #tpu.memory_space<vmem>>)
    "tpu.region"() ({
      %run_scoped3A = tpu.sem_alloc : memref<!tpu.dma_semaphore, #tpu.memory_space<semaphore_mem>>
      %dma_start3A_14 = arith.constant 0 : i32
      %dma_start3A_15 = tpu.memref_slice %arg2[%mul3A_2, %dma_start3A_14] : memref<1024x1024xf32, #tpu.memory_space<hbm>> -> memref<32x1024xf32, #tpu.memory_space<hbm>>
      %dma_start3A_16 = arith.constant 0 : i32
      %dma_start3A_17 = tpu.memref_slice %arg2[%mul3A_2, %dma_start3A_16] : memref<1024x1024xf32, #tpu.memory_space<hbm>> -> memref<32x1024xf32, #tpu.memory_space<hbm>>
      tpu.enqueue_dma source(%dma_start3A_17 : memref<32x1024xf32, #tpu.memory_space<hbm>>) target(%arg9 : memref<32x1024xf32, #tpu.memory_space<vmem>>) target_semaphore(%run_scoped3A : memref<!tpu.dma_semaphore, #tpu.memory_space<semaphore_mem>>)
      %dma_wait3A_18 = arith.constant 0 : i32
      %dma_wait3A_19 = tpu.memref_slice %arg2[%mul3A_2, %dma_wait3A_18] : memref<1024x1024xf32, #tpu.memory_space<hbm>> -> memref<32x1024xf32, #tpu.memory_space<hbm>>
      %dma_wait3A_20 = arith.constant 0 : i32
      %dma_wait3A_21 = tpu.memref_slice %arg2[%mul3A_2, %dma_wait3A_20] : memref<1024x1024xf32, #tpu.memory_space<hbm>> -> memref<32x1024xf32, #tpu.memory_space<hbm>>
      tpu.wait_dma2 semaphore(%run_scoped3A : memref<!tpu.dma_semaphore, #tpu.memory_space<semaphore_mem>>) src(%dma_wait3A_21 : memref<32x1024xf32, #tpu.memory_space<hbm>>) dst(%arg9 : memref<32x1024xf32, #tpu.memory_space<vmem>>)
      tpu.yield
    }) : () -> ()
    %iota3A = tpu.iota {dimensions = array<i32: 0>} : vector<16xi32>
    %eq3A = arith.constant 0 : i32
    %eq3A_7 = vector.broadcast %eq3A : i32 to vector<16xi32>
    %eq3A_8 = arith.cmpi eq, %iota3A, %eq3A_7 : vector<16xi32>
    %scan3A = arith.constant 0 : i32
    %scan3A_9 = arith.constant 0 : i32
    %scan3A_10 = arith.constant 32 : i32
    %scan3A_11 = arith.addi %scan3A_9, %scan3A_10 : i32
    %scan3A_12 = arith.constant 1 : i32
    scf.for %scan3A_14 = %scan3A_9 to %scan3A_11 step %scan3A_12  : i32 {
      %broadcast_in_dim3A = arith.constant 0 : i32
      %broadcast_in_dim3A_15 = vector.broadcast %broadcast_in_dim3A : i32 to vector<16xi32>
      %add3A_16 = vector.broadcast %scan3A_14 : i32 to vector<16xi32>
      %add3A_17 = arith.addi %broadcast_in_dim3A_15, %add3A_16 : vector<16xi32>
      %broadcast_in_dim3A_18 = arith.constant 0.000000e+00 : f32
      %broadcast_in_dim3A_19 = vector.broadcast %broadcast_in_dim3A_18 : f32 to vector<16xf32>
      %scan3A_20 = arith.constant 0 : i32
      %scan3A_21 = arith.constant 64 : i32
      %scan3A_22 = arith.addi %scan3A_20, %scan3A_21 : i32
      %scan3A_23 = arith.constant 1 : i32
      %scan3A_24 = scf.for %scan3A_35 = %scan3A_20 to %scan3A_22 step %scan3A_23 iter_args(%scan3A_36 = %broadcast_in_dim3A_19) -> (vector<16xf32>)  : i32 {
        %mul3A_37 = arith.constant 16 : i32
        %mul3A_38 = arith.muli %scan3A_35, %mul3A_37 : i32
        %add3A_39 = vector.broadcast %mul3A_38 : i32 to vector<16xi32>
        %add3A_40 = arith.addi %add3A_39, %iota3A : vector<16xi32>
        %gather3A = tpu.vector_load_idx %arg6[%add3A_40] : memref<1024xi32, #tpu.memory_space<vmem>>[vector<16xi32>], vector<16xi32>,
        %gather3A_41 = tpu.vector_load_idx %arg8[%add3A_17, %gather3A] : memref<32x1024xf32, #tpu.memory_space<vmem>>[vector<16xi32>, vector<16xi32>], vector<16xf32>,
        %mul3A_42 = arith.constant 16 : i32
        %mul3A_43 = arith.muli %scan3A_35, %mul3A_42 : i32
        %add3A_44 = vector.broadcast %mul3A_43 : i32 to vector<16xi32>
        %add3A_45 = arith.addi %add3A_44, %iota3A : vector<16xi32>
        %gather3A_46 = tpu.vector_load_idx %arg9[%add3A_17, %add3A_45] : memref<32x1024xf32, #tpu.memory_space<vmem>>[vector<16xi32>, vector<16xi32>], vector<16xf32>,
        %sub3A = arith.subf %gather3A_46, %gather3A_41 : vector<16xf32>
        %abs3A = math.absf %sub3A : vector<16xf32>
        %div3A = arith.constant 3.000000e+00 : f32
        %div3A_47 = vector.broadcast %div3A : f32 to vector<16xf32>
        %div3A_48 = arith.divf %abs3A, %div3A_47 : vector<16xf32>
        %sub3A_49 = arith.constant 1.000000e+00 : f32
        %sub3A_50 = vector.broadcast %sub3A_49 : f32 to vector<16xf32>
        %sub3A_51 = arith.subf %sub3A_50, %div3A_48 : vector<16xf32>
        %max3A = arith.constant 0.000000e+00 : f32
        %max3A_52 = vector.broadcast %max3A : f32 to vector<16xf32>
        %max3A_53 = arith.maximumf %sub3A_51, %max3A_52 : vector<16xf32>
        %add3A_54 = arith.addf %scan3A_36, %max3A_53 : vector<16xf32>
        scf.yield %add3A_54 : vector<16xf32>
      }
      %scan3A_25 = arith.constant 64 : i32
      %reduce_sum3A = arith.constant true
      %reduce_sum3A_26 = vector.broadcast %reduce_sum3A : i1 to vector<16xi1>
      %reduce_sum3A_27 = tpu.scan <sum>, %scan3A_24 masked %reduce_sum3A_26 : vector<16xf32>, vector<16xi1> -> vector<16xf32>
      %reduce_sum3A_28 = vector.extract %reduce_sum3A_27[15] : f32 from vector<16xf32>
      %mul3A_29 = arith.constant 9.765625E-4 : f32
      %mul3A_30 = arith.mulf %reduce_sum3A_28, %mul3A_29 : f32
      %broadcast_in_dim3A_31 = arith.constant 0.000000e+00 : f32
      %broadcast_in_dim3A_32 = vector.broadcast %broadcast_in_dim3A_31 : f32 to vector<16xf32>
      %add3A_33 = vector.broadcast %mul3A_30 : f32 to vector<16xf32>
      %add3A_34 = arith.addf %broadcast_in_dim3A_32, %add3A_33 : vector<16xf32>
      tpu.vector_store_idx %arg10[%add3A_17], %add3A_34 masked %eq3A_8 : memref<32xf32, #tpu.memory_space<vmem>>[vector<16xi32>], vector<16xf32>, vector<16xi1>
    }
    %scan3A_13 = arith.constant 32 : i32
    "tpu.region"() ({
      %run_scoped3A = tpu.sem_alloc : memref<!tpu.dma_semaphore, #tpu.memory_space<semaphore_mem>>
      %dma_start3A_14 = tpu.memref_slice %arg5[%mul3A_2] : memref<1024xf32, #tpu.memory_space<hbm>> -> memref<32xf32, #tpu.memory_space<hbm>>
      %dma_start3A_15 = tpu.memref_slice %arg5[%mul3A_2] : memref<1024xf32, #tpu.memory_space<hbm>> -> memref<32xf32, #tpu.memory_space<hbm>>
      tpu.enqueue_dma source(%arg10 : memref<32xf32, #tpu.memory_space<vmem>>) target(%dma_start3A_15 : memref<32xf32, #tpu.memory_space<hbm>>) target_semaphore(%run_scoped3A : memref<!tpu.dma_semaphore, #tpu.memory_space<semaphore_mem>>)
      %dma_wait3A_16 = tpu.memref_slice %arg5[%mul3A_2] : memref<1024xf32, #tpu.memory_space<hbm>> -> memref<32xf32, #tpu.memory_space<hbm>>
      %dma_wait3A_17 = tpu.memref_slice %arg5[%mul3A_2] : memref<1024xf32, #tpu.memory_space<hbm>> -> memref<32xf32, #tpu.memory_space<hbm>>
      tpu.wait_dma2 semaphore(%run_scoped3A : memref<!tpu.dma_semaphore, #tpu.memory_space<semaphore_mem>>) src(%arg10 : memref<32xf32, #tpu.memory_space<vmem>>) dst(%dma_wait3A_17 : memref<32xf32, #tpu.memory_space<hbm>>)
      tpu.yield
    }) : () -> ()
    return
  }
}

#map = affine_map<(d0, d1) -> (0, 0)>
#map1 = affine_map<(d0, d1) -> (0)>
module attributes {stable_mosaic.version = 14 : i64} {
  func.func @_compat_sc_body(%arg0: i32, %arg1: i32, %arg2: memref<1024x1024xf32, #tpu.memory_space<hbm>>, %arg3: memref<1024x1024xf32, #tpu.memory_space<hbm>>, %arg4: memref<1024xi32, #tpu.memory_space<hbm>>, %arg5: memref<1024xf32, #tpu.memory_space<hbm>>, %arg6: memref<1024xi32, #tpu.memory_space<vmem>>, %arg7: memref<32xi32, #tpu.memory_space<vmem>>, %arg8: memref<32x1024xf32, #tpu.memory_space<vmem>>, %arg9: memref<32x1024xf32, #tpu.memory_space<vmem>>, %arg10: memref<32xf32, #tpu.memory_space<vmem>>, %arg11: memref<!tpu.dma_semaphore, #tpu.memory_space<semaphore_mem>>) attributes {dimension_semantics = [#tpu.dimension_semantics<core_parallel>, #tpu.dimension_semantics<subcore_parallel>], iteration_bounds = array<i64: 2, 16>, scalar_prefetch = 0 : i64, scratch_operands = 6 : i64, tpu.core_type = #tpu.core_type<sc_vector_subcore>, window_params = [{transform_indices = #map}, {transform_indices = #map}, {transform_indices = #map1}, {transform_indices = #map1}]} {
    %mul3A = arith.constant 2 : i32
    %mul3A_0 = arith.muli %arg1, %mul3A : i32
    %add3A = arith.addi %mul3A_0, %arg0 : i32
    %mul3A_1 = arith.constant 32 : i32
    %mul3A_2 = arith.muli %add3A, %mul3A_1 : i32
    "tpu.region"() ({
      %run_scoped3A = tpu.sem_alloc : memref<!tpu.dma_semaphore, #tpu.memory_space<semaphore_mem>>
      %dma_start3A_14 = arith.constant 0 : i32
      %dma_start3A_15 = tpu.memref_slice %arg4[%dma_start3A_14] : memref<1024xi32, #tpu.memory_space<hbm>> -> memref<1024xi32, #tpu.memory_space<hbm>>
      %dma_start3A_16 = arith.constant 0 : i32
      %dma_start3A_17 = tpu.memref_slice %arg4[%dma_start3A_16] : memref<1024xi32, #tpu.memory_space<hbm>> -> memref<1024xi32, #tpu.memory_space<hbm>>
      tpu.enqueue_dma source(%dma_start3A_17 : memref<1024xi32, #tpu.memory_space<hbm>>) target(%arg6 : memref<1024xi32, #tpu.memory_space<vmem>>) target_semaphore(%run_scoped3A : memref<!tpu.dma_semaphore, #tpu.memory_space<semaphore_mem>>)
      %dma_wait3A_18 = arith.constant 0 : i32
      %dma_wait3A_19 = tpu.memref_slice %arg4[%dma_wait3A_18] : memref<1024xi32, #tpu.memory_space<hbm>> -> memref<1024xi32, #tpu.memory_space<hbm>>
      %dma_wait3A_20 = arith.constant 0 : i32
      %dma_wait3A_21 = tpu.memref_slice %arg4[%dma_wait3A_20] : memref<1024xi32, #tpu.memory_space<hbm>> -> memref<1024xi32, #tpu.memory_space<hbm>>
      tpu.wait_dma2 semaphore(%run_scoped3A : memref<!tpu.dma_semaphore, #tpu.memory_space<semaphore_mem>>) src(%dma_wait3A_21 : memref<1024xi32, #tpu.memory_space<hbm>>) dst(%arg6 : memref<1024xi32, #tpu.memory_space<vmem>>)
      tpu.yield
    }) : () -> ()
    "tpu.region"() ({
      %run_scoped3A = tpu.sem_alloc : memref<!tpu.dma_semaphore, #tpu.memory_space<semaphore_mem>>
      %dma_start3A_14 = tpu.memref_slice %arg4[%mul3A_2] : memref<1024xi32, #tpu.memory_space<hbm>> -> memref<32xi32, #tpu.memory_space<hbm>>
      %dma_start3A_15 = tpu.memref_slice %arg4[%mul3A_2] : memref<1024xi32, #tpu.memory_space<hbm>> -> memref<32xi32, #tpu.memory_space<hbm>>
      tpu.enqueue_dma source(%dma_start3A_15 : memref<32xi32, #tpu.memory_space<hbm>>) target(%arg7 : memref<32xi32, #tpu.memory_space<vmem>>) target_semaphore(%run_scoped3A : memref<!tpu.dma_semaphore, #tpu.memory_space<semaphore_mem>>)
      %dma_wait3A_16 = tpu.memref_slice %arg4[%mul3A_2] : memref<1024xi32, #tpu.memory_space<hbm>> -> memref<32xi32, #tpu.memory_space<hbm>>
      %dma_wait3A_17 = tpu.memref_slice %arg4[%mul3A_2] : memref<1024xi32, #tpu.memory_space<hbm>> -> memref<32xi32, #tpu.memory_space<hbm>>
      tpu.wait_dma2 semaphore(%run_scoped3A : memref<!tpu.dma_semaphore, #tpu.memory_space<semaphore_mem>>) src(%dma_wait3A_17 : memref<32xi32, #tpu.memory_space<hbm>>) dst(%arg7 : memref<32xi32, #tpu.memory_space<vmem>>)
      tpu.yield
    }) : () -> ()
    %dma_start3A = arith.constant 0 : i32
    %dma_start3A_3 = arith.constant 0 : i32
    %dma_start3A_4 = tpu.memref_slice %arg3[%dma_start3A, %dma_start3A_3] : memref<1024x1024xf32, #tpu.memory_space<hbm>> -> memref<1024x1024xf32, #tpu.memory_space<hbm>>
    tpu.enqueue_indirect_dma source(%dma_start3A_4 : memref<1024x1024xf32, #tpu.memory_space<hbm>>) target(%arg8 : memref<32x1024xf32, #tpu.memory_space<vmem>>) offsets(%arg7 : memref<32xi32, #tpu.memory_space<vmem>>) semaphore(%arg11 : memref<!tpu.dma_semaphore, #tpu.memory_space<semaphore_mem>>)
    %dma_wait3A = arith.constant 0 : i32
    %dma_wait3A_5 = arith.constant 0 : i32
    %dma_wait3A_6 = tpu.memref_slice %arg3[%dma_wait3A, %dma_wait3A_5] : memref<1024x1024xf32, #tpu.memory_space<hbm>> -> memref<1024x1024xf32, #tpu.memory_space<hbm>>
    tpu.wait_indirect_dma semaphore(%arg11 : memref<!tpu.dma_semaphore, #tpu.memory_space<semaphore_mem>>) src(%dma_wait3A_6 : memref<1024x1024xf32, #tpu.memory_space<hbm>>) dst(%arg8 : memref<32x1024xf32, #tpu.memory_space<vmem>>)
    "tpu.region"() ({
      %run_scoped3A = tpu.sem_alloc : memref<!tpu.dma_semaphore, #tpu.memory_space<semaphore_mem>>
      %dma_start3A_14 = arith.constant 0 : i32
      %dma_start3A_15 = tpu.memref_slice %arg2[%mul3A_2, %dma_start3A_14] : memref<1024x1024xf32, #tpu.memory_space<hbm>> -> memref<32x1024xf32, #tpu.memory_space<hbm>>
      %dma_start3A_16 = arith.constant 0 : i32
      %dma_start3A_17 = tpu.memref_slice %arg2[%mul3A_2, %dma_start3A_16] : memref<1024x1024xf32, #tpu.memory_space<hbm>> -> memref<32x1024xf32, #tpu.memory_space<hbm>>
      tpu.enqueue_dma source(%dma_start3A_17 : memref<32x1024xf32, #tpu.memory_space<hbm>>) target(%arg9 : memref<32x1024xf32, #tpu.memory_space<vmem>>) target_semaphore(%run_scoped3A : memref<!tpu.dma_semaphore, #tpu.memory_space<semaphore_mem>>)
      %dma_wait3A_18 = arith.constant 0 : i32
      %dma_wait3A_19 = tpu.memref_slice %arg2[%mul3A_2, %dma_wait3A_18] : memref<1024x1024xf32, #tpu.memory_space<hbm>> -> memref<32x1024xf32, #tpu.memory_space<hbm>>
      %dma_wait3A_20 = arith.constant 0 : i32
      %dma_wait3A_21 = tpu.memref_slice %arg2[%mul3A_2, %dma_wait3A_20] : memref<1024x1024xf32, #tpu.memory_space<hbm>> -> memref<32x1024xf32, #tpu.memory_space<hbm>>
      tpu.wait_dma2 semaphore(%run_scoped3A : memref<!tpu.dma_semaphore, #tpu.memory_space<semaphore_mem>>) src(%dma_wait3A_21 : memref<32x1024xf32, #tpu.memory_space<hbm>>) dst(%arg9 : memref<32x1024xf32, #tpu.memory_space<vmem>>)
      tpu.yield
    }) : () -> ()
    %iota3A = tpu.iota {dimensions = array<i32: 0>} : vector<16xi32>
    %eq3A = arith.constant 0 : i32
    %eq3A_7 = vector.broadcast %eq3A : i32 to vector<16xi32>
    %eq3A_8 = arith.cmpi eq, %iota3A, %eq3A_7 : vector<16xi32>
    %scan3A = arith.constant 0 : i32
    %scan3A_9 = arith.constant 0 : i32
    %scan3A_10 = arith.constant 32 : i32
    %scan3A_11 = arith.addi %scan3A_9, %scan3A_10 : i32
    %scan3A_12 = arith.constant 1 : i32
    scf.for %scan3A_14 = %scan3A_9 to %scan3A_11 step %scan3A_12  : i32 {
      %broadcast_in_dim3A = arith.constant 0 : i32
      %broadcast_in_dim3A_15 = vector.broadcast %broadcast_in_dim3A : i32 to vector<16xi32>
      %add3A_16 = vector.broadcast %scan3A_14 : i32 to vector<16xi32>
      %add3A_17 = arith.addi %broadcast_in_dim3A_15, %add3A_16 : vector<16xi32>
      %broadcast_in_dim3A_18 = arith.constant 0.000000e+00 : f32
      %broadcast_in_dim3A_19 = vector.broadcast %broadcast_in_dim3A_18 : f32 to vector<16xf32>
      %scan3A_20 = arith.constant 0 : i32
      %scan3A_21 = arith.constant 64 : i32
      %scan3A_22 = arith.addi %scan3A_20, %scan3A_21 : i32
      %scan3A_23 = arith.constant 1 : i32
      %scan3A_24 = scf.for %scan3A_35 = %scan3A_20 to %scan3A_22 step %scan3A_23 iter_args(%scan3A_36 = %broadcast_in_dim3A_19) -> (vector<16xf32>)  : i32 {
        %mul3A_37 = arith.constant 16 : i32
        %mul3A_38 = arith.muli %scan3A_35, %mul3A_37 : i32
        %add3A_39 = vector.broadcast %mul3A_38 : i32 to vector<16xi32>
        %add3A_40 = arith.addi %add3A_39, %iota3A : vector<16xi32>
        %gather3A = tpu.vector_load_idx %arg6[%add3A_40] : memref<1024xi32, #tpu.memory_space<vmem>>[vector<16xi32>], vector<16xi32>,
        %gather3A_41 = tpu.vector_load_idx %arg8[%add3A_17, %gather3A] : memref<32x1024xf32, #tpu.memory_space<vmem>>[vector<16xi32>, vector<16xi32>], vector<16xf32>,
        %mul3A_42 = arith.constant 16 : i32
        %mul3A_43 = arith.muli %scan3A_35, %mul3A_42 : i32
        %add3A_44 = vector.broadcast %mul3A_43 : i32 to vector<16xi32>
        %add3A_45 = arith.addi %add3A_44, %iota3A : vector<16xi32>
        %gather3A_46 = tpu.vector_load_idx %arg9[%add3A_17, %add3A_45] : memref<32x1024xf32, #tpu.memory_space<vmem>>[vector<16xi32>, vector<16xi32>], vector<16xf32>,
        %sub3A = arith.subf %gather3A_46, %gather3A_41 : vector<16xf32>
        %abs3A = math.absf %sub3A : vector<16xf32>
        %div3A = arith.constant 3.000000e+00 : f32
        %div3A_47 = vector.broadcast %div3A : f32 to vector<16xf32>
        %div3A_48 = arith.divf %abs3A, %div3A_47 : vector<16xf32>
        %sub3A_49 = arith.constant 1.000000e+00 : f32
        %sub3A_50 = vector.broadcast %sub3A_49 : f32 to vector<16xf32>
        %sub3A_51 = arith.subf %sub3A_50, %div3A_48 : vector<16xf32>
        %max3A = arith.constant 0.000000e+00 : f32
        %max3A_52 = vector.broadcast %max3A : f32 to vector<16xf32>
        %max3A_53 = arith.maximumf %sub3A_51, %max3A_52 : vector<16xf32>
        %add3A_54 = arith.addf %scan3A_36, %max3A_53 : vector<16xf32>
        scf.yield %add3A_54 : vector<16xf32>
      }
      %scan3A_25 = arith.constant 64 : i32
      %reduce_sum3A = arith.constant true
      %reduce_sum3A_26 = vector.broadcast %reduce_sum3A : i1 to vector<16xi1>
      %reduce_sum3A_27 = tpu.scan <sum>, %scan3A_24 masked %reduce_sum3A_26 : vector<16xf32>, vector<16xi1> -> vector<16xf32>
      %reduce_sum3A_28 = vector.extract %reduce_sum3A_27[15] : f32 from vector<16xf32>
      %mul3A_29 = arith.constant 9.765625E-4 : f32
      %mul3A_30 = arith.mulf %reduce_sum3A_28, %mul3A_29 : f32
      %broadcast_in_dim3A_31 = arith.constant 0.000000e+00 : f32
      %broadcast_in_dim3A_32 = vector.broadcast %broadcast_in_dim3A_31 : f32 to vector<16xf32>
      %add3A_33 = vector.broadcast %mul3A_30 : f32 to vector<16xf32>
      %add3A_34 = arith.addf %broadcast_in_dim3A_32, %add3A_33 : vector<16xf32>
      tpu.vector_store_idx %arg10[%add3A_17], %add3A_34 masked %eq3A_8 : memref<32xf32, #tpu.memory_space<vmem>>[vector<16xi32>], vector<16xf32>, vector<16xi1>
    }
    %scan3A_13 = arith.constant 32 : i32
    "tpu.region"() ({
      %run_scoped3A = tpu.sem_alloc : memref<!tpu.dma_semaphore, #tpu.memory_space<semaphore_mem>>
      %dma_start3A_14 = tpu.memref_slice %arg5[%mul3A_2] : memref<1024xf32, #tpu.memory_space<hbm>> -> memref<32xf32, #tpu.memory_space<hbm>>
      %dma_start3A_15 = tpu.memref_slice %arg5[%mul3A_2] : memref<1024xf32, #tpu.memory_space<hbm>> -> memref<32xf32, #tpu.memory_space<hbm>>
      tpu.enqueue_dma source(%arg10 : memref<32xf32, #tpu.memory_space<vmem>>) target(%dma_start3A_15 : memref<32xf32, #tpu.memory_space<hbm>>) target_semaphore(%run_scoped3A : memref<!tpu.dma_semaphore, #tpu.memory_space<semaphore_mem>>)
      %dma_wait3A_16 = tpu.memref_slice %arg5[%mul3A_2] : memref<1024xf32, #tpu.memory_space<hbm>> -> memref<32xf32, #tpu.memory_space<hbm>>
      %dma_wait3A_17 = tpu.memref_slice %arg5[%mul3A_2] : memref<1024xf32, #tpu.memory_space<hbm>> -> memref<32xf32, #tpu.memory_space<hbm>>
      tpu.wait_dma2 semaphore(%run_scoped3A : memref<!tpu.dma_semaphore, #tpu.memory_space<semaphore_mem>>) src(%arg10 : memref<32xf32, #tpu.memory_space<vmem>>) dst(%dma_wait3A_17 : memref<32xf32, #tpu.memory_space<hbm>>)
      tpu.yield
    }) : () -> ()
    return
  }
}

#map = affine_map<(d0, d1) -> (0, 0)>
#map1 = affine_map<(d0, d1) -> (0)>
module attributes {stable_mosaic.version = 14 : i64} {
  func.func @_compat_sc_body(%arg0: i32, %arg1: i32, %arg2: memref<1024x1024xf32, #tpu.memory_space<hbm>>, %arg3: memref<1024x1024xf32, #tpu.memory_space<hbm>>, %arg4: memref<1024xi32, #tpu.memory_space<hbm>>, %arg5: memref<1024xf32, #tpu.memory_space<hbm>>, %arg6: memref<1024xi32, #tpu.memory_space<vmem>>, %arg7: memref<32xi32, #tpu.memory_space<vmem>>, %arg8: memref<32x1024xf32, #tpu.memory_space<vmem>>, %arg9: memref<32x1024xf32, #tpu.memory_space<vmem>>, %arg10: memref<32xf32, #tpu.memory_space<vmem>>, %arg11: memref<!tpu.dma_semaphore, #tpu.memory_space<semaphore_mem>>) attributes {dimension_semantics = [#tpu.dimension_semantics<core_parallel>, #tpu.dimension_semantics<subcore_parallel>], iteration_bounds = array<i64: 2, 16>, scalar_prefetch = 0 : i64, scratch_operands = 6 : i64, tpu.core_type = #tpu.core_type<sc_vector_subcore>, window_params = [{transform_indices = #map}, {transform_indices = #map}, {transform_indices = #map1}, {transform_indices = #map1}]} {
    %mul3A = arith.constant 2 : i32
    %mul3A_0 = arith.muli %arg1, %mul3A : i32
    %add3A = arith.addi %mul3A_0, %arg0 : i32
    %mul3A_1 = arith.constant 32 : i32
    %mul3A_2 = arith.muli %add3A, %mul3A_1 : i32
    "tpu.region"() ({
      %run_scoped3A = tpu.sem_alloc : memref<!tpu.dma_semaphore, #tpu.memory_space<semaphore_mem>>
      %dma_start3A_14 = arith.constant 0 : i32
      %dma_start3A_15 = tpu.memref_slice %arg4[%dma_start3A_14] : memref<1024xi32, #tpu.memory_space<hbm>> -> memref<1024xi32, #tpu.memory_space<hbm>>
      %dma_start3A_16 = arith.constant 0 : i32
      %dma_start3A_17 = tpu.memref_slice %arg4[%dma_start3A_16] : memref<1024xi32, #tpu.memory_space<hbm>> -> memref<1024xi32, #tpu.memory_space<hbm>>
      tpu.enqueue_dma source(%dma_start3A_17 : memref<1024xi32, #tpu.memory_space<hbm>>) target(%arg6 : memref<1024xi32, #tpu.memory_space<vmem>>) target_semaphore(%run_scoped3A : memref<!tpu.dma_semaphore, #tpu.memory_space<semaphore_mem>>)
      %dma_wait3A_18 = arith.constant 0 : i32
      %dma_wait3A_19 = tpu.memref_slice %arg4[%dma_wait3A_18] : memref<1024xi32, #tpu.memory_space<hbm>> -> memref<1024xi32, #tpu.memory_space<hbm>>
      %dma_wait3A_20 = arith.constant 0 : i32
      %dma_wait3A_21 = tpu.memref_slice %arg4[%dma_wait3A_20] : memref<1024xi32, #tpu.memory_space<hbm>> -> memref<1024xi32, #tpu.memory_space<hbm>>
      tpu.wait_dma2 semaphore(%run_scoped3A : memref<!tpu.dma_semaphore, #tpu.memory_space<semaphore_mem>>) src(%dma_wait3A_21 : memref<1024xi32, #tpu.memory_space<hbm>>) dst(%arg6 : memref<1024xi32, #tpu.memory_space<vmem>>)
      tpu.yield
    }) : () -> ()
    "tpu.region"() ({
      %run_scoped3A = tpu.sem_alloc : memref<!tpu.dma_semaphore, #tpu.memory_space<semaphore_mem>>
      %dma_start3A_14 = tpu.memref_slice %arg4[%mul3A_2] : memref<1024xi32, #tpu.memory_space<hbm>> -> memref<32xi32, #tpu.memory_space<hbm>>
      %dma_start3A_15 = tpu.memref_slice %arg4[%mul3A_2] : memref<1024xi32, #tpu.memory_space<hbm>> -> memref<32xi32, #tpu.memory_space<hbm>>
      tpu.enqueue_dma source(%dma_start3A_15 : memref<32xi32, #tpu.memory_space<hbm>>) target(%arg7 : memref<32xi32, #tpu.memory_space<vmem>>) target_semaphore(%run_scoped3A : memref<!tpu.dma_semaphore, #tpu.memory_space<semaphore_mem>>)
      %dma_wait3A_16 = tpu.memref_slice %arg4[%mul3A_2] : memref<1024xi32, #tpu.memory_space<hbm>> -> memref<32xi32, #tpu.memory_space<hbm>>
      %dma_wait3A_17 = tpu.memref_slice %arg4[%mul3A_2] : memref<1024xi32, #tpu.memory_space<hbm>> -> memref<32xi32, #tpu.memory_space<hbm>>
      tpu.wait_dma2 semaphore(%run_scoped3A : memref<!tpu.dma_semaphore, #tpu.memory_space<semaphore_mem>>) src(%dma_wait3A_17 : memref<32xi32, #tpu.memory_space<hbm>>) dst(%arg7 : memref<32xi32, #tpu.memory_space<vmem>>)
      tpu.yield
    }) : () -> ()
    %dma_start3A = arith.constant 0 : i32
    %dma_start3A_3 = arith.constant 0 : i32
    %dma_start3A_4 = tpu.memref_slice %arg3[%dma_start3A, %dma_start3A_3] : memref<1024x1024xf32, #tpu.memory_space<hbm>> -> memref<1024x1024xf32, #tpu.memory_space<hbm>>
    tpu.enqueue_indirect_dma source(%dma_start3A_4 : memref<1024x1024xf32, #tpu.memory_space<hbm>>) target(%arg8 : memref<32x1024xf32, #tpu.memory_space<vmem>>) offsets(%arg7 : memref<32xi32, #tpu.memory_space<vmem>>) semaphore(%arg11 : memref<!tpu.dma_semaphore, #tpu.memory_space<semaphore_mem>>)
    %dma_wait3A = arith.constant 0 : i32
    %dma_wait3A_5 = arith.constant 0 : i32
    %dma_wait3A_6 = tpu.memref_slice %arg3[%dma_wait3A, %dma_wait3A_5] : memref<1024x1024xf32, #tpu.memory_space<hbm>> -> memref<1024x1024xf32, #tpu.memory_space<hbm>>
    tpu.wait_indirect_dma semaphore(%arg11 : memref<!tpu.dma_semaphore, #tpu.memory_space<semaphore_mem>>) src(%dma_wait3A_6 : memref<1024x1024xf32, #tpu.memory_space<hbm>>) dst(%arg8 : memref<32x1024xf32, #tpu.memory_space<vmem>>)
    "tpu.region"() ({
      %run_scoped3A = tpu.sem_alloc : memref<!tpu.dma_semaphore, #tpu.memory_space<semaphore_mem>>
      %dma_start3A_14 = arith.constant 0 : i32
      %dma_start3A_15 = tpu.memref_slice %arg2[%mul3A_2, %dma_start3A_14] : memref<1024x1024xf32, #tpu.memory_space<hbm>> -> memref<32x1024xf32, #tpu.memory_space<hbm>>
      %dma_start3A_16 = arith.constant 0 : i32
      %dma_start3A_17 = tpu.memref_slice %arg2[%mul3A_2, %dma_start3A_16] : memref<1024x1024xf32, #tpu.memory_space<hbm>> -> memref<32x1024xf32, #tpu.memory_space<hbm>>
      tpu.enqueue_dma source(%dma_start3A_17 : memref<32x1024xf32, #tpu.memory_space<hbm>>) target(%arg9 : memref<32x1024xf32, #tpu.memory_space<vmem>>) target_semaphore(%run_scoped3A : memref<!tpu.dma_semaphore, #tpu.memory_space<semaphore_mem>>)
      %dma_wait3A_18 = arith.constant 0 : i32
      %dma_wait3A_19 = tpu.memref_slice %arg2[%mul3A_2, %dma_wait3A_18] : memref<1024x1024xf32, #tpu.memory_space<hbm>> -> memref<32x1024xf32, #tpu.memory_space<hbm>>
      %dma_wait3A_20 = arith.constant 0 : i32
      %dma_wait3A_21 = tpu.memref_slice %arg2[%mul3A_2, %dma_wait3A_20] : memref<1024x1024xf32, #tpu.memory_space<hbm>> -> memref<32x1024xf32, #tpu.memory_space<hbm>>
      tpu.wait_dma2 semaphore(%run_scoped3A : memref<!tpu.dma_semaphore, #tpu.memory_space<semaphore_mem>>) src(%dma_wait3A_21 : memref<32x1024xf32, #tpu.memory_space<hbm>>) dst(%arg9 : memref<32x1024xf32, #tpu.memory_space<vmem>>)
      tpu.yield
    }) : () -> ()
    %iota3A = tpu.iota {dimensions = array<i32: 0>} : vector<16xi32>
    %eq3A = arith.constant 0 : i32
    %eq3A_7 = vector.broadcast %eq3A : i32 to vector<16xi32>
    %eq3A_8 = arith.cmpi eq, %iota3A, %eq3A_7 : vector<16xi32>
    %scan3A = arith.constant 0 : i32
    %scan3A_9 = arith.constant 0 : i32
    %scan3A_10 = arith.constant 32 : i32
    %scan3A_11 = arith.addi %scan3A_9, %scan3A_10 : i32
    %scan3A_12 = arith.constant 1 : i32
    scf.for %scan3A_14 = %scan3A_9 to %scan3A_11 step %scan3A_12  : i32 {
      %broadcast_in_dim3A = arith.constant 0 : i32
      %broadcast_in_dim3A_15 = vector.broadcast %broadcast_in_dim3A : i32 to vector<16xi32>
      %add3A_16 = vector.broadcast %scan3A_14 : i32 to vector<16xi32>
      %add3A_17 = arith.addi %broadcast_in_dim3A_15, %add3A_16 : vector<16xi32>
      %broadcast_in_dim3A_18 = arith.constant 0.000000e+00 : f32
      %broadcast_in_dim3A_19 = vector.broadcast %broadcast_in_dim3A_18 : f32 to vector<16xf32>
      %scan3A_20 = arith.constant 0 : i32
      %scan3A_21 = arith.constant 64 : i32
      %scan3A_22 = arith.addi %scan3A_20, %scan3A_21 : i32
      %scan3A_23 = arith.constant 1 : i32
      %scan3A_24 = scf.for %scan3A_35 = %scan3A_20 to %scan3A_22 step %scan3A_23 iter_args(%scan3A_36 = %broadcast_in_dim3A_19) -> (vector<16xf32>)  : i32 {
        %mul3A_37 = arith.constant 16 : i32
        %mul3A_38 = arith.muli %scan3A_35, %mul3A_37 : i32
        %add3A_39 = vector.broadcast %mul3A_38 : i32 to vector<16xi32>
        %add3A_40 = arith.addi %add3A_39, %iota3A : vector<16xi32>
        %gather3A = tpu.vector_load_idx %arg6[%add3A_40] : memref<1024xi32, #tpu.memory_space<vmem>>[vector<16xi32>], vector<16xi32>,
        %gather3A_41 = tpu.vector_load_idx %arg8[%add3A_17, %gather3A] : memref<32x1024xf32, #tpu.memory_space<vmem>>[vector<16xi32>, vector<16xi32>], vector<16xf32>,
        %mul3A_42 = arith.constant 16 : i32
        %mul3A_43 = arith.muli %scan3A_35, %mul3A_42 : i32
        %add3A_44 = vector.broadcast %mul3A_43 : i32 to vector<16xi32>
        %add3A_45 = arith.addi %add3A_44, %iota3A : vector<16xi32>
        %gather3A_46 = tpu.vector_load_idx %arg9[%add3A_17, %add3A_45] : memref<32x1024xf32, #tpu.memory_space<vmem>>[vector<16xi32>, vector<16xi32>], vector<16xf32>,
        %sub3A = arith.subf %gather3A_46, %gather3A_41 : vector<16xf32>
        %abs3A = math.absf %sub3A : vector<16xf32>
        %div3A = arith.constant 3.000000e+00 : f32
        %div3A_47 = vector.broadcast %div3A : f32 to vector<16xf32>
        %div3A_48 = arith.divf %abs3A, %div3A_47 : vector<16xf32>
        %sub3A_49 = arith.constant 1.000000e+00 : f32
        %sub3A_50 = vector.broadcast %sub3A_49 : f32 to vector<16xf32>
        %sub3A_51 = arith.subf %sub3A_50, %div3A_48 : vector<16xf32>
        %max3A = arith.constant 0.000000e+00 : f32
        %max3A_52 = vector.broadcast %max3A : f32 to vector<16xf32>
        %max3A_53 = arith.maximumf %sub3A_51, %max3A_52 : vector<16xf32>
        %add3A_54 = arith.addf %scan3A_36, %max3A_53 : vector<16xf32>
        scf.yield %add3A_54 : vector<16xf32>
      }
      %scan3A_25 = arith.constant 64 : i32
      %reduce_sum3A = arith.constant true
      %reduce_sum3A_26 = vector.broadcast %reduce_sum3A : i1 to vector<16xi1>
      %reduce_sum3A_27 = tpu.scan <sum>, %scan3A_24 masked %reduce_sum3A_26 : vector<16xf32>, vector<16xi1> -> vector<16xf32>
      %reduce_sum3A_28 = vector.extract %reduce_sum3A_27[15] : f32 from vector<16xf32>
      %mul3A_29 = arith.constant 9.765625E-4 : f32
      %mul3A_30 = arith.mulf %reduce_sum3A_28, %mul3A_29 : f32
      %broadcast_in_dim3A_31 = arith.constant 0.000000e+00 : f32
      %broadcast_in_dim3A_32 = vector.broadcast %broadcast_in_dim3A_31 : f32 to vector<16xf32>
      %add3A_33 = vector.broadcast %mul3A_30 : f32 to vector<16xf32>
      %add3A_34 = arith.addf %broadcast_in_dim3A_32, %add3A_33 : vector<16xf32>
      tpu.vector_store_idx %arg10[%add3A_17], %add3A_34 masked %eq3A_8 : memref<32xf32, #tpu.memory_space<vmem>>[vector<16xi32>], vector<16xf32>, vector<16xi1>
    }
    %scan3A_13 = arith.constant 32 : i32
    "tpu.region"() ({
      %run_scoped3A = tpu.sem_alloc : memref<!tpu.dma_semaphore, #tpu.memory_space<semaphore_mem>>
      %dma_start3A_14 = tpu.memref_slice %arg5[%mul3A_2] : memref<1024xf32, #tpu.memory_space<hbm>> -> memref<32xf32, #tpu.memory_space<hbm>>
      %dma_start3A_15 = tpu.memref_slice %arg5[%mul3A_2] : memref<1024xf32, #tpu.memory_space<hbm>> -> memref<32xf32, #tpu.memory_space<hbm>>
      tpu.enqueue_dma source(%arg10 : memref<32xf32, #tpu.memory_space<vmem>>) target(%dma_start3A_15 : memref<32xf32, #tpu.memory_space<hbm>>) target_semaphore(%run_scoped3A : memref<!tpu.dma_semaphore, #tpu.memory_space<semaphore_mem>>)
      %dma_wait3A_16 = tpu.memref_slice %arg5[%mul3A_2] : memref<1024xf32, #tpu.memory_space<hbm>> -> memref<32xf32, #tpu.memory_space<hbm>>
      %dma_wait3A_17 = tpu.memref_slice %arg5[%mul3A_2] : memref<1024xf32, #tpu.memory_space<hbm>> -> memref<32xf32, #tpu.memory_space<hbm>>
      tpu.wait_dma2 semaphore(%run_scoped3A : memref<!tpu.dma_semaphore, #tpu.memory_space<semaphore_mem>>) src(%arg10 : memref<32xf32, #tpu.memory_space<vmem>>) dst(%dma_wait3A_17 : memref<32xf32, #tpu.memory_space<hbm>>)
      tpu.yield
    }) : () -> ()
    return
  }
}

#map = affine_map<(d0, d1) -> (0, 0)>
#map1 = affine_map<(d0, d1) -> (0)>
module attributes {stable_mosaic.version = 14 : i64} {
  func.func @_compat_sc_body(%arg0: i32, %arg1: i32, %arg2: memref<1024x1024xf32, #tpu.memory_space<hbm>>, %arg3: memref<1024x1024xf32, #tpu.memory_space<hbm>>, %arg4: memref<1024xi32, #tpu.memory_space<hbm>>, %arg5: memref<1024xf32, #tpu.memory_space<hbm>>, %arg6: memref<1024xi32, #tpu.memory_space<vmem>>, %arg7: memref<32xi32, #tpu.memory_space<vmem>>, %arg8: memref<32x1024xf32, #tpu.memory_space<vmem>>, %arg9: memref<32x1024xf32, #tpu.memory_space<vmem>>, %arg10: memref<32xf32, #tpu.memory_space<vmem>>, %arg11: memref<!tpu.dma_semaphore, #tpu.memory_space<semaphore_mem>>) attributes {dimension_semantics = [#tpu.dimension_semantics<core_parallel>, #tpu.dimension_semantics<subcore_parallel>], iteration_bounds = array<i64: 2, 16>, scalar_prefetch = 0 : i64, scratch_operands = 6 : i64, tpu.core_type = #tpu.core_type<sc_vector_subcore>, window_params = [{transform_indices = #map}, {transform_indices = #map}, {transform_indices = #map1}, {transform_indices = #map1}]} {
    %mul3A = arith.constant 2 : i32
    %mul3A_0 = arith.muli %arg1, %mul3A : i32
    %add3A = arith.addi %mul3A_0, %arg0 : i32
    %mul3A_1 = arith.constant 32 : i32
    %mul3A_2 = arith.muli %add3A, %mul3A_1 : i32
    "tpu.region"() ({
      %run_scoped3A = tpu.sem_alloc : memref<!tpu.dma_semaphore, #tpu.memory_space<semaphore_mem>>
      %dma_start3A_14 = arith.constant 0 : i32
      %dma_start3A_15 = tpu.memref_slice %arg4[%dma_start3A_14] : memref<1024xi32, #tpu.memory_space<hbm>> -> memref<1024xi32, #tpu.memory_space<hbm>>
      %dma_start3A_16 = arith.constant 0 : i32
      %dma_start3A_17 = tpu.memref_slice %arg4[%dma_start3A_16] : memref<1024xi32, #tpu.memory_space<hbm>> -> memref<1024xi32, #tpu.memory_space<hbm>>
      tpu.enqueue_dma source(%dma_start3A_17 : memref<1024xi32, #tpu.memory_space<hbm>>) target(%arg6 : memref<1024xi32, #tpu.memory_space<vmem>>) target_semaphore(%run_scoped3A : memref<!tpu.dma_semaphore, #tpu.memory_space<semaphore_mem>>)
      %dma_wait3A_18 = arith.constant 0 : i32
      %dma_wait3A_19 = tpu.memref_slice %arg4[%dma_wait3A_18] : memref<1024xi32, #tpu.memory_space<hbm>> -> memref<1024xi32, #tpu.memory_space<hbm>>
      %dma_wait3A_20 = arith.constant 0 : i32
      %dma_wait3A_21 = tpu.memref_slice %arg4[%dma_wait3A_20] : memref<1024xi32, #tpu.memory_space<hbm>> -> memref<1024xi32, #tpu.memory_space<hbm>>
      tpu.wait_dma2 semaphore(%run_scoped3A : memref<!tpu.dma_semaphore, #tpu.memory_space<semaphore_mem>>) src(%dma_wait3A_21 : memref<1024xi32, #tpu.memory_space<hbm>>) dst(%arg6 : memref<1024xi32, #tpu.memory_space<vmem>>)
      tpu.yield
    }) : () -> ()
    "tpu.region"() ({
      %run_scoped3A = tpu.sem_alloc : memref<!tpu.dma_semaphore, #tpu.memory_space<semaphore_mem>>
      %dma_start3A_14 = tpu.memref_slice %arg4[%mul3A_2] : memref<1024xi32, #tpu.memory_space<hbm>> -> memref<32xi32, #tpu.memory_space<hbm>>
      %dma_start3A_15 = tpu.memref_slice %arg4[%mul3A_2] : memref<1024xi32, #tpu.memory_space<hbm>> -> memref<32xi32, #tpu.memory_space<hbm>>
      tpu.enqueue_dma source(%dma_start3A_15 : memref<32xi32, #tpu.memory_space<hbm>>) target(%arg7 : memref<32xi32, #tpu.memory_space<vmem>>) target_semaphore(%run_scoped3A : memref<!tpu.dma_semaphore, #tpu.memory_space<semaphore_mem>>)
      %dma_wait3A_16 = tpu.memref_slice %arg4[%mul3A_2] : memref<1024xi32, #tpu.memory_space<hbm>> -> memref<32xi32, #tpu.memory_space<hbm>>
      %dma_wait3A_17 = tpu.memref_slice %arg4[%mul3A_2] : memref<1024xi32, #tpu.memory_space<hbm>> -> memref<32xi32, #tpu.memory_space<hbm>>
      tpu.wait_dma2 semaphore(%run_scoped3A : memref<!tpu.dma_semaphore, #tpu.memory_space<semaphore_mem>>) src(%dma_wait3A_17 : memref<32xi32, #tpu.memory_space<hbm>>) dst(%arg7 : memref<32xi32, #tpu.memory_space<vmem>>)
      tpu.yield
    }) : () -> ()
    %dma_start3A = arith.constant 0 : i32
    %dma_start3A_3 = arith.constant 0 : i32
    %dma_start3A_4 = tpu.memref_slice %arg3[%dma_start3A, %dma_start3A_3] : memref<1024x1024xf32, #tpu.memory_space<hbm>> -> memref<1024x1024xf32, #tpu.memory_space<hbm>>
    tpu.enqueue_indirect_dma source(%dma_start3A_4 : memref<1024x1024xf32, #tpu.memory_space<hbm>>) target(%arg8 : memref<32x1024xf32, #tpu.memory_space<vmem>>) offsets(%arg7 : memref<32xi32, #tpu.memory_space<vmem>>) semaphore(%arg11 : memref<!tpu.dma_semaphore, #tpu.memory_space<semaphore_mem>>)
    %dma_wait3A = arith.constant 0 : i32
    %dma_wait3A_5 = arith.constant 0 : i32
    %dma_wait3A_6 = tpu.memref_slice %arg3[%dma_wait3A, %dma_wait3A_5] : memref<1024x1024xf32, #tpu.memory_space<hbm>> -> memref<1024x1024xf32, #tpu.memory_space<hbm>>
    tpu.wait_indirect_dma semaphore(%arg11 : memref<!tpu.dma_semaphore, #tpu.memory_space<semaphore_mem>>) src(%dma_wait3A_6 : memref<1024x1024xf32, #tpu.memory_space<hbm>>) dst(%arg8 : memref<32x1024xf32, #tpu.memory_space<vmem>>)
    "tpu.region"() ({
      %run_scoped3A = tpu.sem_alloc : memref<!tpu.dma_semaphore, #tpu.memory_space<semaphore_mem>>
      %dma_start3A_14 = arith.constant 0 : i32
      %dma_start3A_15 = tpu.memref_slice %arg2[%mul3A_2, %dma_start3A_14] : memref<1024x1024xf32, #tpu.memory_space<hbm>> -> memref<32x1024xf32, #tpu.memory_space<hbm>>
      %dma_start3A_16 = arith.constant 0 : i32
      %dma_start3A_17 = tpu.memref_slice %arg2[%mul3A_2, %dma_start3A_16] : memref<1024x1024xf32, #tpu.memory_space<hbm>> -> memref<32x1024xf32, #tpu.memory_space<hbm>>
      tpu.enqueue_dma source(%dma_start3A_17 : memref<32x1024xf32, #tpu.memory_space<hbm>>) target(%arg9 : memref<32x1024xf32, #tpu.memory_space<vmem>>) target_semaphore(%run_scoped3A : memref<!tpu.dma_semaphore, #tpu.memory_space<semaphore_mem>>)
      %dma_wait3A_18 = arith.constant 0 : i32
      %dma_wait3A_19 = tpu.memref_slice %arg2[%mul3A_2, %dma_wait3A_18] : memref<1024x1024xf32, #tpu.memory_space<hbm>> -> memref<32x1024xf32, #tpu.memory_space<hbm>>
      %dma_wait3A_20 = arith.constant 0 : i32
      %dma_wait3A_21 = tpu.memref_slice %arg2[%mul3A_2, %dma_wait3A_20] : memref<1024x1024xf32, #tpu.memory_space<hbm>> -> memref<32x1024xf32, #tpu.memory_space<hbm>>
      tpu.wait_dma2 semaphore(%run_scoped3A : memref<!tpu.dma_semaphore, #tpu.memory_space<semaphore_mem>>) src(%dma_wait3A_21 : memref<32x1024xf32, #tpu.memory_space<hbm>>) dst(%arg9 : memref<32x1024xf32, #tpu.memory_space<vmem>>)
      tpu.yield
    }) : () -> ()
    %iota3A = tpu.iota {dimensions = array<i32: 0>} : vector<16xi32>
    %eq3A = arith.constant 0 : i32
    %eq3A_7 = vector.broadcast %eq3A : i32 to vector<16xi32>
    %eq3A_8 = arith.cmpi eq, %iota3A, %eq3A_7 : vector<16xi32>
    %scan3A = arith.constant 0 : i32
    %scan3A_9 = arith.constant 0 : i32
    %scan3A_10 = arith.constant 32 : i32
    %scan3A_11 = arith.addi %scan3A_9, %scan3A_10 : i32
    %scan3A_12 = arith.constant 1 : i32
    scf.for %scan3A_14 = %scan3A_9 to %scan3A_11 step %scan3A_12  : i32 {
      %broadcast_in_dim3A = arith.constant 0 : i32
      %broadcast_in_dim3A_15 = vector.broadcast %broadcast_in_dim3A : i32 to vector<16xi32>
      %add3A_16 = vector.broadcast %scan3A_14 : i32 to vector<16xi32>
      %add3A_17 = arith.addi %broadcast_in_dim3A_15, %add3A_16 : vector<16xi32>
      %broadcast_in_dim3A_18 = arith.constant 0.000000e+00 : f32
      %broadcast_in_dim3A_19 = vector.broadcast %broadcast_in_dim3A_18 : f32 to vector<16xf32>
      %scan3A_20 = arith.constant 0 : i32
      %scan3A_21 = arith.constant 64 : i32
      %scan3A_22 = arith.addi %scan3A_20, %scan3A_21 : i32
      %scan3A_23 = arith.constant 1 : i32
      %scan3A_24 = scf.for %scan3A_35 = %scan3A_20 to %scan3A_22 step %scan3A_23 iter_args(%scan3A_36 = %broadcast_in_dim3A_19) -> (vector<16xf32>)  : i32 {
        %mul3A_37 = arith.constant 16 : i32
        %mul3A_38 = arith.muli %scan3A_35, %mul3A_37 : i32
        %add3A_39 = vector.broadcast %mul3A_38 : i32 to vector<16xi32>
        %add3A_40 = arith.addi %add3A_39, %iota3A : vector<16xi32>
        %gather3A = tpu.vector_load_idx %arg6[%add3A_40] : memref<1024xi32, #tpu.memory_space<vmem>>[vector<16xi32>], vector<16xi32>,
        %gather3A_41 = tpu.vector_load_idx %arg8[%add3A_17, %gather3A] : memref<32x1024xf32, #tpu.memory_space<vmem>>[vector<16xi32>, vector<16xi32>], vector<16xf32>,
        %mul3A_42 = arith.constant 16 : i32
        %mul3A_43 = arith.muli %scan3A_35, %mul3A_42 : i32
        %add3A_44 = vector.broadcast %mul3A_43 : i32 to vector<16xi32>
        %add3A_45 = arith.addi %add3A_44, %iota3A : vector<16xi32>
        %gather3A_46 = tpu.vector_load_idx %arg9[%add3A_17, %add3A_45] : memref<32x1024xf32, #tpu.memory_space<vmem>>[vector<16xi32>, vector<16xi32>], vector<16xf32>,
        %sub3A = arith.subf %gather3A_46, %gather3A_41 : vector<16xf32>
        %abs3A = math.absf %sub3A : vector<16xf32>
        %div3A = arith.constant 3.000000e+00 : f32
        %div3A_47 = vector.broadcast %div3A : f32 to vector<16xf32>
        %div3A_48 = arith.divf %abs3A, %div3A_47 : vector<16xf32>
        %sub3A_49 = arith.constant 1.000000e+00 : f32
        %sub3A_50 = vector.broadcast %sub3A_49 : f32 to vector<16xf32>
        %sub3A_51 = arith.subf %sub3A_50, %div3A_48 : vector<16xf32>
        %max3A = arith.constant 0.000000e+00 : f32
        %max3A_52 = vector.broadcast %max3A : f32 to vector<16xf32>
        %max3A_53 = arith.maximumf %sub3A_51, %max3A_52 : vector<16xf32>
        %add3A_54 = arith.addf %scan3A_36, %max3A_53 : vector<16xf32>
        scf.yield %add3A_54 : vector<16xf32>
      }
      %scan3A_25 = arith.constant 64 : i32
      %reduce_sum3A = arith.constant true
      %reduce_sum3A_26 = vector.broadcast %reduce_sum3A : i1 to vector<16xi1>
      %reduce_sum3A_27 = tpu.scan <sum>, %scan3A_24 masked %reduce_sum3A_26 : vector<16xf32>, vector<16xi1> -> vector<16xf32>
      %reduce_sum3A_28 = vector.extract %reduce_sum3A_27[15] : f32 from vector<16xf32>
      %mul3A_29 = arith.constant 9.765625E-4 : f32
      %mul3A_30 = arith.mulf %reduce_sum3A_28, %mul3A_29 : f32
      %broadcast_in_dim3A_31 = arith.constant 0.000000e+00 : f32
      %broadcast_in_dim3A_32 = vector.broadcast %broadcast_in_dim3A_31 : f32 to vector<16xf32>
      %add3A_33 = vector.broadcast %mul3A_30 : f32 to vector<16xf32>
      %add3A_34 = arith.addf %broadcast_in_dim3A_32, %add3A_33 : vector<16xf32>
      tpu.vector_store_idx %arg10[%add3A_17], %add3A_34 masked %eq3A_8 : memref<32xf32, #tpu.memory_space<vmem>>[vector<16xi32>], vector<16xf32>, vector<16xi1>
    }
    %scan3A_13 = arith.constant 32 : i32
    "tpu.region"() ({
      %run_scoped3A = tpu.sem_alloc : memref<!tpu.dma_semaphore, #tpu.memory_space<semaphore_mem>>
      %dma_start3A_14 = tpu.memref_slice %arg5[%mul3A_2] : memref<1024xf32, #tpu.memory_space<hbm>> -> memref<32xf32, #tpu.memory_space<hbm>>
      %dma_start3A_15 = tpu.memref_slice %arg5[%mul3A_2] : memref<1024xf32, #tpu.memory_space<hbm>> -> memref<32xf32, #tpu.memory_space<hbm>>
      tpu.enqueue_dma source(%arg10 : memref<32xf32, #tpu.memory_space<vmem>>) target(%dma_start3A_15 : memref<32xf32, #tpu.memory_space<hbm>>) target_semaphore(%run_scoped3A : memref<!tpu.dma_semaphore, #tpu.memory_space<semaphore_mem>>)
      %dma_wait3A_16 = tpu.memref_slice %arg5[%mul3A_2] : memref<1024xf32, #tpu.memory_space<hbm>> -> memref<32xf32, #tpu.memory_space<hbm>>
      %dma_wait3A_17 = tpu.memref_slice %arg5[%mul3A_2] : memref<1024xf32, #tpu.memory_space<hbm>> -> memref<32xf32, #tpu.memory_space<hbm>>
      tpu.wait_dma2 semaphore(%run_scoped3A : memref<!tpu.dma_semaphore, #tpu.memory_space<semaphore_mem>>) src(%arg10 : memref<32xf32, #tpu.memory_space<vmem>>) dst(%dma_wait3A_17 : memref<32xf32, #tpu.memory_space<hbm>>)
      tpu.yield
    }) : () -> ()
    return
  }
}

#map = affine_map<(d0, d1) -> (0)>
module attributes {stable_mosaic.version = 14 : i64} {
  func.func @_spots_sc_body(%arg0: i32, %arg1: i32, %arg2: memref<32768xi32, #tpu.memory_space<hbm>>, %arg3: memref<32768xi32, #tpu.memory_space<hbm>>, %arg4: memref<1024xf32, #tpu.memory_space<hbm>>, %arg5: memref<1024xi32, #tpu.memory_space<hbm>>, %arg6: memref<65536xi32, #tpu.memory_space<hbm>>, %arg7: memref<1024xi32, #tpu.memory_space<vmem>>, %arg8: memref<32768xi32, #tpu.memory_space<vmem>>, %arg9: memref<1024xf32, #tpu.memory_space<vmem>>, %arg10: memref<1024xi32, #tpu.memory_space<vmem>>, %arg11: memref<2048xi32, #tpu.memory_space<vmem>>, %arg12: memref<32xf32, #tpu.memory_space<vmem>>, %arg13: memref<32xi32, #tpu.memory_space<vmem>>) attributes {dimension_semantics = [#tpu.dimension_semantics<core_parallel>, #tpu.dimension_semantics<subcore_parallel>], iteration_bounds = array<i64: 2, 16>, scalar_prefetch = 0 : i64, scratch_operands = 7 : i64, tpu.core_type = #tpu.core_type<sc_vector_subcore>, window_params = [{transform_indices = #map}, {transform_indices = #map}, {transform_indices = #map}, {transform_indices = #map}, {transform_indices = #map}]} {
    %mul3A = arith.constant 2 : i32
    %mul3A_0 = arith.muli %arg1, %mul3A : i32
    %add3A = arith.addi %mul3A_0, %arg0 : i32
    %mul3A_1 = arith.constant 32 : i32
    %mul3A_2 = arith.muli %add3A, %mul3A_1 : i32
    %mul3A_3 = arith.constant 32 : i32
    %mul3A_4 = arith.muli %mul3A_2, %mul3A_3 : i32
    "tpu.region"() ({
      %run_scoped3A = tpu.sem_alloc : memref<!tpu.dma_semaphore, #tpu.memory_space<semaphore_mem>>
      %dma_start3A = tpu.memref_slice %arg2[%mul3A_4] : memref<32768xi32, #tpu.memory_space<hbm>> -> memref<1024xi32, #tpu.memory_space<hbm>>
      %dma_start3A_15 = tpu.memref_slice %arg2[%mul3A_4] : memref<32768xi32, #tpu.memory_space<hbm>> -> memref<1024xi32, #tpu.memory_space<hbm>>
      tpu.enqueue_dma source(%dma_start3A_15 : memref<1024xi32, #tpu.memory_space<hbm>>) target(%arg7 : memref<1024xi32, #tpu.memory_space<vmem>>) target_semaphore(%run_scoped3A : memref<!tpu.dma_semaphore, #tpu.memory_space<semaphore_mem>>)
      %dma_wait3A = tpu.memref_slice %arg2[%mul3A_4] : memref<32768xi32, #tpu.memory_space<hbm>> -> memref<1024xi32, #tpu.memory_space<hbm>>
      %dma_wait3A_16 = tpu.memref_slice %arg2[%mul3A_4] : memref<32768xi32, #tpu.memory_space<hbm>> -> memref<1024xi32, #tpu.memory_space<hbm>>
      tpu.wait_dma2 semaphore(%run_scoped3A : memref<!tpu.dma_semaphore, #tpu.memory_space<semaphore_mem>>) src(%dma_wait3A_16 : memref<1024xi32, #tpu.memory_space<hbm>>) dst(%arg7 : memref<1024xi32, #tpu.memory_space<vmem>>)
      tpu.yield
    }) : () -> ()
    "tpu.region"() ({
      %run_scoped3A = tpu.sem_alloc : memref<!tpu.dma_semaphore, #tpu.memory_space<semaphore_mem>>
      %dma_start3A = arith.constant 0 : i32
      %dma_start3A_15 = tpu.memref_slice %arg3[%dma_start3A] : memref<32768xi32, #tpu.memory_space<hbm>> -> memref<32768xi32, #tpu.memory_space<hbm>>
      %dma_start3A_16 = arith.constant 0 : i32
      %dma_start3A_17 = tpu.memref_slice %arg3[%dma_start3A_16] : memref<32768xi32, #tpu.memory_space<hbm>> -> memref<32768xi32, #tpu.memory_space<hbm>>
      tpu.enqueue_dma source(%dma_start3A_17 : memref<32768xi32, #tpu.memory_space<hbm>>) target(%arg8 : memref<32768xi32, #tpu.memory_space<vmem>>) target_semaphore(%run_scoped3A : memref<!tpu.dma_semaphore, #tpu.memory_space<semaphore_mem>>)
      %dma_wait3A = arith.constant 0 : i32
      %dma_wait3A_18 = tpu.memref_slice %arg3[%dma_wait3A] : memref<32768xi32, #tpu.memory_space<hbm>> -> memref<32768xi32, #tpu.memory_space<hbm>>
      %dma_wait3A_19 = arith.constant 0 : i32
      %dma_wait3A_20 = tpu.memref_slice %arg3[%dma_wait3A_19] : memref<32768xi32, #tpu.memory_space<hbm>> -> memref<32768xi32, #tpu.memory_space<hbm>>
      tpu.wait_dma2 semaphore(%run_scoped3A : memref<!tpu.dma_semaphore, #tpu.memory_space<semaphore_mem>>) src(%dma_wait3A_20 : memref<32768xi32, #tpu.memory_space<hbm>>) dst(%arg8 : memref<32768xi32, #tpu.memory_space<vmem>>)
      tpu.yield
    }) : () -> ()
    "tpu.region"() ({
      %run_scoped3A = tpu.sem_alloc : memref<!tpu.dma_semaphore, #tpu.memory_space<semaphore_mem>>
      %dma_start3A = arith.constant 0 : i32
      %dma_start3A_15 = tpu.memref_slice %arg4[%dma_start3A] : memref<1024xf32, #tpu.memory_space<hbm>> -> memref<1024xf32, #tpu.memory_space<hbm>>
      %dma_start3A_16 = arith.constant 0 : i32
      %dma_start3A_17 = tpu.memref_slice %arg4[%dma_start3A_16] : memref<1024xf32, #tpu.memory_space<hbm>> -> memref<1024xf32, #tpu.memory_space<hbm>>
      tpu.enqueue_dma source(%dma_start3A_17 : memref<1024xf32, #tpu.memory_space<hbm>>) target(%arg9 : memref<1024xf32, #tpu.memory_space<vmem>>) target_semaphore(%run_scoped3A : memref<!tpu.dma_semaphore, #tpu.memory_space<semaphore_mem>>)
      %dma_wait3A = arith.constant 0 : i32
      %dma_wait3A_18 = tpu.memref_slice %arg4[%dma_wait3A] : memref<1024xf32, #tpu.memory_space<hbm>> -> memref<1024xf32, #tpu.memory_space<hbm>>
      %dma_wait3A_19 = arith.constant 0 : i32
      %dma_wait3A_20 = tpu.memref_slice %arg4[%dma_wait3A_19] : memref<1024xf32, #tpu.memory_space<hbm>> -> memref<1024xf32, #tpu.memory_space<hbm>>
      tpu.wait_dma2 semaphore(%run_scoped3A : memref<!tpu.dma_semaphore, #tpu.memory_space<semaphore_mem>>) src(%dma_wait3A_20 : memref<1024xf32, #tpu.memory_space<hbm>>) dst(%arg9 : memref<1024xf32, #tpu.memory_space<vmem>>)
      tpu.yield
    }) : () -> ()
    "tpu.region"() ({
      %run_scoped3A = tpu.sem_alloc : memref<!tpu.dma_semaphore, #tpu.memory_space<semaphore_mem>>
      %dma_start3A = arith.constant 0 : i32
      %dma_start3A_15 = tpu.memref_slice %arg5[%dma_start3A] : memref<1024xi32, #tpu.memory_space<hbm>> -> memref<1024xi32, #tpu.memory_space<hbm>>
      %dma_start3A_16 = arith.constant 0 : i32
      %dma_start3A_17 = tpu.memref_slice %arg5[%dma_start3A_16] : memref<1024xi32, #tpu.memory_space<hbm>> -> memref<1024xi32, #tpu.memory_space<hbm>>
      tpu.enqueue_dma source(%dma_start3A_17 : memref<1024xi32, #tpu.memory_space<hbm>>) target(%arg10 : memref<1024xi32, #tpu.memory_space<vmem>>) target_semaphore(%run_scoped3A : memref<!tpu.dma_semaphore, #tpu.memory_space<semaphore_mem>>)
      %dma_wait3A = arith.constant 0 : i32
      %dma_wait3A_18 = tpu.memref_slice %arg5[%dma_wait3A] : memref<1024xi32, #tpu.memory_space<hbm>> -> memref<1024xi32, #tpu.memory_space<hbm>>
      %dma_wait3A_19 = arith.constant 0 : i32
      %dma_wait3A_20 = tpu.memref_slice %arg5[%dma_wait3A_19] : memref<1024xi32, #tpu.memory_space<hbm>> -> memref<1024xi32, #tpu.memory_space<hbm>>
      tpu.wait_dma2 semaphore(%run_scoped3A : memref<!tpu.dma_semaphore, #tpu.memory_space<semaphore_mem>>) src(%dma_wait3A_20 : memref<1024xi32, #tpu.memory_space<hbm>>) dst(%arg10 : memref<1024xi32, #tpu.memory_space<vmem>>)
      tpu.yield
    }) : () -> ()
    %iota3A = tpu.iota {dimensions = array<i32: 0>} : vector<16xi32>
    %broadcast_in_dim3A = arith.constant -1.000000e+30 : f32
    %broadcast_in_dim3A_5 = vector.broadcast %broadcast_in_dim3A : f32 to vector<16xf32>
    %eq3A = arith.constant 0 : i32
    %eq3A_6 = vector.broadcast %eq3A : i32 to vector<16xi32>
    %eq3A_7 = arith.cmpi eq, %iota3A, %eq3A_6 : vector<16xi32>
    %scan3A = arith.constant 0 : i32
    %scan3A_8 = arith.constant 0 : i32
    %scan3A_9 = arith.constant 32 : i32
    %scan3A_10 = arith.addi %scan3A_8, %scan3A_9 : i32
    %scan3A_11 = arith.constant 1 : i32
    scf.for %scan3A_15 = %scan3A_8 to %scan3A_10 step %scan3A_11  : i32 {
      %mul3A_16 = arith.constant 32 : i32
      %mul3A_17 = arith.muli %scan3A_15, %mul3A_16 : i32
      %add3A_18 = vector.broadcast %mul3A_17 : i32 to vector<16xi32>
      %add3A_19 = arith.addi %add3A_18, %iota3A : vector<16xi32>
      %gather3A = tpu.vector_load_idx %arg7[%add3A_19] : memref<1024xi32, #tpu.memory_space<vmem>>[vector<16xi32>], vector<16xi32>,
      %broadcast_in_dim3A_20 = arith.constant 16 : i32
      %broadcast_in_dim3A_21 = vector.broadcast %broadcast_in_dim3A_20 : i32 to vector<16xi32>
      %add3A_22 = vector.broadcast %mul3A_17 : i32 to vector<16xi32>
      %add3A_23 = arith.addi %broadcast_in_dim3A_21, %add3A_22 : vector<16xi32>
      %gather3A_24 = tpu.vector_load_idx %arg7[%add3A_23] : memref<1024xi32, #tpu.memory_space<vmem>>[vector<16xi32>], vector<16xi32>,
      %gather3A_25 = tpu.vector_load_idx %arg9[%gather3A] : memref<1024xf32, #tpu.memory_space<vmem>>[vector<16xi32>], vector<16xf32>,
      %gather3A_26 = tpu.vector_load_idx %arg9[%gather3A_24] : memref<1024xf32, #tpu.memory_space<vmem>>[vector<16xi32>], vector<16xf32>,
      %gather3A_27 = tpu.vector_load_idx %arg10[%gather3A] : memref<1024xi32, #tpu.memory_space<vmem>>[vector<16xi32>], vector<16xi32>,
      %gather3A_28 = tpu.vector_load_idx %arg10[%gather3A_24] : memref<1024xi32, #tpu.memory_space<vmem>>[vector<16xi32>], vector<16xi32>,
      tpu.vector_store_idx %arg12[%iota3A], %gather3A_25 : memref<32xf32, #tpu.memory_space<vmem>>[vector<16xi32>], vector<16xf32>,
      %add3A_29 = arith.constant 16 : i32
      %add3A_30 = vector.broadcast %add3A_29 : i32 to vector<16xi32>
      %add3A_31 = arith.addi %iota3A, %add3A_30 : vector<16xi32>
      %select_n3A = arith.select %eq3A_7, %gather3A_26, %broadcast_in_dim3A_5 : vector<16xi1>, vector<16xf32>
      tpu.vector_store_idx %arg12[%add3A_31], %select_n3A : memref<32xf32, #tpu.memory_space<vmem>>[vector<16xi32>], vector<16xf32>,
      tpu.vector_store_idx %arg13[%iota3A], %gather3A_27 : memref<32xi32, #tpu.memory_space<vmem>>[vector<16xi32>], vector<16xi32>,
      %add3A_32 = arith.constant 16 : i32
      %add3A_33 = vector.broadcast %add3A_32 : i32 to vector<16xi32>
      %add3A_34 = arith.addi %iota3A, %add3A_33 : vector<16xi32>
      tpu.vector_store_idx %arg13[%add3A_34], %gather3A_28 : memref<32xi32, #tpu.memory_space<vmem>>[vector<16xi32>], vector<16xi32>,
      %scan3A_35 = arith.constant 0 : i32
      %scan3A_36 = arith.constant 0 : i32
      %gather3A_37 = tpu.vector_load_idx %arg12[%iota3A] : memref<32xf32, #tpu.memory_space<vmem>>[vector<16xi32>], vector<16xf32>,
      %add3A_38 = arith.constant 16 : i32
      %add3A_39 = vector.broadcast %add3A_38 : i32 to vector<16xi32>
      %add3A_40 = arith.addi %iota3A, %add3A_39 : vector<16xi32>
      %gather3A_41 = tpu.vector_load_idx %arg12[%add3A_40] : memref<32xf32, #tpu.memory_space<vmem>>[vector<16xi32>], vector<16xf32>,
      %max3A = arith.maximumf %gather3A_37, %gather3A_41 : vector<16xf32>
      %reduce_max3A = arith.constant true
      %reduce_max3A_42 = vector.broadcast %reduce_max3A : i1 to vector<16xi1>
      %reduce_max3A_43 = tpu.scan <max>, %max3A masked %reduce_max3A_42 : vector<16xf32>, vector<16xi1> -> vector<16xf32>
      %reduce_max3A_44 = vector.extract %reduce_max3A_43[15] : f32 from vector<16xf32>
      %eq3A_45 = vector.broadcast %reduce_max3A_44 : f32 to vector<16xf32>
      %eq3A_46 = arith.cmpf oeq, %gather3A_37, %eq3A_45 : vector<16xf32>
      %all_reduce_population_count3A = tpu.all_reduce %eq3A_46 {dim = 0 : i64, kind = #tpu.reduction_kind<sum>} : vector<16xi1> -> vector<16xi32>
      %gt3A = arith.constant 0 : i32
      %gt3A_47 = vector.broadcast %gt3A : i32 to vector<16xi32>
      %gt3A_48 = arith.cmpi sgt, %all_reduce_population_count3A, %gt3A_47 : vector<16xi32>
      %all_reduce_ffs3A = tpu.all_reduce %eq3A_46 {dim = 0 : i64, kind = #tpu.reduction_kind<find_first_set>} : vector<16xi1> -> vector<16xi32>
      %eq3A_49 = vector.broadcast %reduce_max3A_44 : f32 to vector<16xf32>
      %eq3A_50 = arith.cmpf oeq, %gather3A_41, %eq3A_49 : vector<16xf32>
      %all_reduce_ffs3A_51 = tpu.all_reduce %eq3A_50 {dim = 0 : i64, kind = #tpu.reduction_kind<find_first_set>} : vector<16xi1> -> vector<16xi32>
      %add3A_52 = arith.constant 16 : i32
      %add3A_53 = vector.broadcast %add3A_52 : i32 to vector<16xi32>
      %add3A_54 = arith.addi %all_reduce_ffs3A_51, %add3A_53 : vector<16xi32>
      %select_n3A_55 = arith.select %gt3A_48, %all_reduce_ffs3A, %add3A_54 : vector<16xi1>, vector<16xi32>
      %gather3A_56 = tpu.vector_load_idx %arg13[%select_n3A_55] : memref<32xi32, #tpu.memory_space<vmem>>[vector<16xi32>], vector<16xi32>,
      %mul3A_57 = arith.constant 32 : i32
      %mul3A_58 = vector.broadcast %mul3A_57 : i32 to vector<16xi32>
      %mul3A_59 = arith.muli %gather3A_56, %mul3A_58 : vector<16xi32>
      %add3A_60 = arith.addi %mul3A_59, %iota3A : vector<16xi32>
      %gather3A_61 = tpu.vector_load_idx %arg8[%add3A_60] : memref<32768xi32, #tpu.memory_space<vmem>>[vector<16xi32>], vector<16xi32>,
      %mul3A_62 = arith.constant 64 : i32
      %mul3A_63 = arith.muli %scan3A_15, %mul3A_62 : i32
      %mul3A_64 = arith.constant 16 : i32
      %mul3A_65 = arith.muli %scan3A_36, %mul3A_64 : i32
      %add3A_66 = arith.addi %mul3A_63, %mul3A_65 : i32
      %add3A_67 = vector.broadcast %add3A_66 : i32 to vector<16xi32>
      %add3A_68 = arith.addi %add3A_67, %iota3A : vector<16xi32>
      tpu.vector_store_idx %arg11[%add3A_68], %gather3A_61 : memref<2048xi32, #tpu.memory_space<vmem>>[vector<16xi32>], vector<16xi32>,
      tpu.vector_store_idx %arg12[%select_n3A_55], %broadcast_in_dim3A_5 masked %eq3A_7 : memref<32xf32, #tpu.memory_space<vmem>>[vector<16xi32>], vector<16xf32>, vector<16xi1>
      %scan3A_69 = arith.constant 1 : i32
      %gather3A_70 = tpu.vector_load_idx %arg12[%iota3A] : memref<32xf32, #tpu.memory_space<vmem>>[vector<16xi32>], vector<16xf32>,
      %add3A_71 = arith.constant 16 : i32
      %add3A_72 = vector.broadcast %add3A_71 : i32 to vector<16xi32>
      %add3A_73 = arith.addi %iota3A, %add3A_72 : vector<16xi32>
      %gather3A_74 = tpu.vector_load_idx %arg12[%add3A_73] : memref<32xf32, #tpu.memory_space<vmem>>[vector<16xi32>], vector<16xf32>,
      %max3A_75 = arith.maximumf %gather3A_70, %gather3A_74 : vector<16xf32>
      %reduce_max3A_76 = arith.constant true
      %reduce_max3A_77 = vector.broadcast %reduce_max3A_76 : i1 to vector<16xi1>
      %reduce_max3A_78 = tpu.scan <max>, %max3A_75 masked %reduce_max3A_77 : vector<16xf32>, vector<16xi1> -> vector<16xf32>
      %reduce_max3A_79 = vector.extract %reduce_max3A_78[15] : f32 from vector<16xf32>
      %eq3A_80 = vector.broadcast %reduce_max3A_79 : f32 to vector<16xf32>
      %eq3A_81 = arith.cmpf oeq, %gather3A_70, %eq3A_80 : vector<16xf32>
      %all_reduce_population_count3A_82 = tpu.all_reduce %eq3A_81 {dim = 0 : i64, kind = #tpu.reduction_kind<sum>} : vector<16xi1> -> vector<16xi32>
      %gt3A_83 = arith.constant 0 : i32
      %gt3A_84 = vector.broadcast %gt3A_83 : i32 to vector<16xi32>
      %gt3A_85 = arith.cmpi sgt, %all_reduce_population_count3A_82, %gt3A_84 : vector<16xi32>
      %all_reduce_ffs3A_86 = tpu.all_reduce %eq3A_81 {dim = 0 : i64, kind = #tpu.reduction_kind<find_first_set>} : vector<16xi1> -> vector<16xi32>
      %eq3A_87 = vector.broadcast %reduce_max3A_79 : f32 to vector<16xf32>
      %eq3A_88 = arith.cmpf oeq, %gather3A_74, %eq3A_87 : vector<16xf32>
      %all_reduce_ffs3A_89 = tpu.all_reduce %eq3A_88 {dim = 0 : i64, kind = #tpu.reduction_kind<find_first_set>} : vector<16xi1> -> vector<16xi32>
      %add3A_90 = arith.constant 16 : i32
      %add3A_91 = vector.broadcast %add3A_90 : i32 to vector<16xi32>
      %add3A_92 = arith.addi %all_reduce_ffs3A_89, %add3A_91 : vector<16xi32>
      %select_n3A_93 = arith.select %gt3A_85, %all_reduce_ffs3A_86, %add3A_92 : vector<16xi1>, vector<16xi32>
      %gather3A_94 = tpu.vector_load_idx %arg13[%select_n3A_93] : memref<32xi32, #tpu.memory_space<vmem>>[vector<16xi32>], vector<16xi32>,
      %mul3A_95 = arith.constant 32 : i32
      %mul3A_96 = vector.broadcast %mul3A_95 : i32 to vector<16xi32>
      %mul3A_97 = arith.muli %gather3A_94, %mul3A_96 : vector<16xi32>
      %add3A_98 = arith.addi %mul3A_97, %iota3A : vector<16xi32>
      %gather3A_99 = tpu.vector_load_idx %arg8[%add3A_98] : memref<32768xi32, #tpu.memory_space<vmem>>[vector<16xi32>], vector<16xi32>,
      %mul3A_100 = arith.constant 64 : i32
      %mul3A_101 = arith.muli %scan3A_15, %mul3A_100 : i32
      %mul3A_102 = arith.constant 16 : i32
      %mul3A_103 = arith.muli %scan3A_69, %mul3A_102 : i32
      %add3A_104 = arith.addi %mul3A_101, %mul3A_103 : i32
      %add3A_105 = vector.broadcast %add3A_104 : i32 to vector<16xi32>
      %add3A_106 = arith.addi %add3A_105, %iota3A : vector<16xi32>
      tpu.vector_store_idx %arg11[%add3A_106], %gather3A_99 : memref<2048xi32, #tpu.memory_space<vmem>>[vector<16xi32>], vector<16xi32>,
      tpu.vector_store_idx %arg12[%select_n3A_93], %broadcast_in_dim3A_5 masked %eq3A_7 : memref<32xf32, #tpu.memory_space<vmem>>[vector<16xi32>], vector<16xf32>, vector<16xi1>
      %scan3A_107 = arith.constant 2 : i32
      %gather3A_108 = tpu.vector_load_idx %arg12[%iota3A] : memref<32xf32, #tpu.memory_space<vmem>>[vector<16xi32>], vector<16xf32>,
      %add3A_109 = arith.constant 16 : i32
      %add3A_110 = vector.broadcast %add3A_109 : i32 to vector<16xi32>
      %add3A_111 = arith.addi %iota3A, %add3A_110 : vector<16xi32>
      %gather3A_112 = tpu.vector_load_idx %arg12[%add3A_111] : memref<32xf32, #tpu.memory_space<vmem>>[vector<16xi32>], vector<16xf32>,
      %max3A_113 = arith.maximumf %gather3A_108, %gather3A_112 : vector<16xf32>
      %reduce_max3A_114 = arith.constant true
      %reduce_max3A_115 = vector.broadcast %reduce_max3A_114 : i1 to vector<16xi1>
      %reduce_max3A_116 = tpu.scan <max>, %max3A_113 masked %reduce_max3A_115 : vector<16xf32>, vector<16xi1> -> vector<16xf32>
      %reduce_max3A_117 = vector.extract %reduce_max3A_116[15] : f32 from vector<16xf32>
      %eq3A_118 = vector.broadcast %reduce_max3A_117 : f32 to vector<16xf32>
      %eq3A_119 = arith.cmpf oeq, %gather3A_108, %eq3A_118 : vector<16xf32>
      %all_reduce_population_count3A_120 = tpu.all_reduce %eq3A_119 {dim = 0 : i64, kind = #tpu.reduction_kind<sum>} : vector<16xi1> -> vector<16xi32>
      %gt3A_121 = arith.constant 0 : i32
      %gt3A_122 = vector.broadcast %gt3A_121 : i32 to vector<16xi32>
      %gt3A_123 = arith.cmpi sgt, %all_reduce_population_count3A_120, %gt3A_122 : vector<16xi32>
      %all_reduce_ffs3A_124 = tpu.all_reduce %eq3A_119 {dim = 0 : i64, kind = #tpu.reduction_kind<find_first_set>} : vector<16xi1> -> vector<16xi32>
      %eq3A_125 = vector.broadcast %reduce_max3A_117 : f32 to vector<16xf32>
      %eq3A_126 = arith.cmpf oeq, %gather3A_112, %eq3A_125 : vector<16xf32>
      %all_reduce_ffs3A_127 = tpu.all_reduce %eq3A_126 {dim = 0 : i64, kind = #tpu.reduction_kind<find_first_set>} : vector<16xi1> -> vector<16xi32>
      %add3A_128 = arith.constant 16 : i32
      %add3A_129 = vector.broadcast %add3A_128 : i32 to vector<16xi32>
      %add3A_130 = arith.addi %all_reduce_ffs3A_127, %add3A_129 : vector<16xi32>
      %select_n3A_131 = arith.select %gt3A_123, %all_reduce_ffs3A_124, %add3A_130 : vector<16xi1>, vector<16xi32>
      %gather3A_132 = tpu.vector_load_idx %arg13[%select_n3A_131] : memref<32xi32, #tpu.memory_space<vmem>>[vector<16xi32>], vector<16xi32>,
      %mul3A_133 = arith.constant 32 : i32
      %mul3A_134 = vector.broadcast %mul3A_133 : i32 to vector<16xi32>
      %mul3A_135 = arith.muli %gather3A_132, %mul3A_134 : vector<16xi32>
      %add3A_136 = arith.addi %mul3A_135, %iota3A : vector<16xi32>
      %gather3A_137 = tpu.vector_load_idx %arg8[%add3A_136] : memref<32768xi32, #tpu.memory_space<vmem>>[vector<16xi32>], vector<16xi32>,
      %mul3A_138 = arith.constant 64 : i32
      %mul3A_139 = arith.muli %scan3A_15, %mul3A_138 : i32
      %mul3A_140 = arith.constant 16 : i32
      %mul3A_141 = arith.muli %scan3A_107, %mul3A_140 : i32
      %add3A_142 = arith.addi %mul3A_139, %mul3A_141 : i32
      %add3A_143 = vector.broadcast %add3A_142 : i32 to vector<16xi32>
      %add3A_144 = arith.addi %add3A_143, %iota3A : vector<16xi32>
      tpu.vector_store_idx %arg11[%add3A_144], %gather3A_137 : memref<2048xi32, #tpu.memory_space<vmem>>[vector<16xi32>], vector<16xi32>,
      tpu.vector_store_idx %arg12[%select_n3A_131], %broadcast_in_dim3A_5 masked %eq3A_7 : memref<32xf32, #tpu.memory_space<vmem>>[vector<16xi32>], vector<16xf32>, vector<16xi1>
      %scan3A_145 = arith.constant 3 : i32
      %gather3A_146 = tpu.vector_load_idx %arg12[%iota3A] : memref<32xf32, #tpu.memory_space<vmem>>[vector<16xi32>], vector<16xf32>,
      %add3A_147 = arith.constant 16 : i32
      %add3A_148 = vector.broadcast %add3A_147 : i32 to vector<16xi32>
      %add3A_149 = arith.addi %iota3A, %add3A_148 : vector<16xi32>
      %gather3A_150 = tpu.vector_load_idx %arg12[%add3A_149] : memref<32xf32, #tpu.memory_space<vmem>>[vector<16xi32>], vector<16xf32>,
      %max3A_151 = arith.maximumf %gather3A_146, %gather3A_150 : vector<16xf32>
      %reduce_max3A_152 = arith.constant true
      %reduce_max3A_153 = vector.broadcast %reduce_max3A_152 : i1 to vector<16xi1>
      %reduce_max3A_154 = tpu.scan <max>, %max3A_151 masked %reduce_max3A_153 : vector<16xf32>, vector<16xi1> -> vector<16xf32>
      %reduce_max3A_155 = vector.extract %reduce_max3A_154[15] : f32 from vector<16xf32>
      %eq3A_156 = vector.broadcast %reduce_max3A_155 : f32 to vector<16xf32>
      %eq3A_157 = arith.cmpf oeq, %gather3A_146, %eq3A_156 : vector<16xf32>
      %all_reduce_population_count3A_158 = tpu.all_reduce %eq3A_157 {dim = 0 : i64, kind = #tpu.reduction_kind<sum>} : vector<16xi1> -> vector<16xi32>
      %gt3A_159 = arith.constant 0 : i32
      %gt3A_160 = vector.broadcast %gt3A_159 : i32 to vector<16xi32>
      %gt3A_161 = arith.cmpi sgt, %all_reduce_population_count3A_158, %gt3A_160 : vector<16xi32>
      %all_reduce_ffs3A_162 = tpu.all_reduce %eq3A_157 {dim = 0 : i64, kind = #tpu.reduction_kind<find_first_set>} : vector<16xi1> -> vector<16xi32>
      %eq3A_163 = vector.broadcast %reduce_max3A_155 : f32 to vector<16xf32>
      %eq3A_164 = arith.cmpf oeq, %gather3A_150, %eq3A_163 : vector<16xf32>
      %all_reduce_ffs3A_165 = tpu.all_reduce %eq3A_164 {dim = 0 : i64, kind = #tpu.reduction_kind<find_first_set>} : vector<16xi1> -> vector<16xi32>
      %add3A_166 = arith.constant 16 : i32
      %add3A_167 = vector.broadcast %add3A_166 : i32 to vector<16xi32>
      %add3A_168 = arith.addi %all_reduce_ffs3A_165, %add3A_167 : vector<16xi32>
      %select_n3A_169 = arith.select %gt3A_161, %all_reduce_ffs3A_162, %add3A_168 : vector<16xi1>, vector<16xi32>
      %gather3A_170 = tpu.vector_load_idx %arg13[%select_n3A_169] : memref<32xi32, #tpu.memory_space<vmem>>[vector<16xi32>], vector<16xi32>,
      %mul3A_171 = arith.constant 32 : i32
      %mul3A_172 = vector.broadcast %mul3A_171 : i32 to vector<16xi32>
      %mul3A_173 = arith.muli %gather3A_170, %mul3A_172 : vector<16xi32>
      %add3A_174 = arith.addi %mul3A_173, %iota3A : vector<16xi32>
      %gather3A_175 = tpu.vector_load_idx %arg8[%add3A_174] : memref<32768xi32, #tpu.memory_space<vmem>>[vector<16xi32>], vector<16xi32>,
      %mul3A_176 = arith.constant 64 : i32
      %mul3A_177 = arith.muli %scan3A_15, %mul3A_176 : i32
      %mul3A_178 = arith.constant 16 : i32
      %mul3A_179 = arith.muli %scan3A_145, %mul3A_178 : i32
      %add3A_180 = arith.addi %mul3A_177, %mul3A_179 : i32
      %add3A_181 = vector.broadcast %add3A_180 : i32 to vector<16xi32>
      %add3A_182 = arith.addi %add3A_181, %iota3A : vector<16xi32>
      tpu.vector_store_idx %arg11[%add3A_182], %gather3A_175 : memref<2048xi32, #tpu.memory_space<vmem>>[vector<16xi32>], vector<16xi32>,
      tpu.vector_store_idx %arg12[%select_n3A_169], %broadcast_in_dim3A_5 masked %eq3A_7 : memref<32xf32, #tpu.memory_space<vmem>>[vector<16xi32>], vector<16xf32>, vector<16xi1>
      %scan3A_183 = arith.constant 4 : i32
    }
    %scan3A_12 = arith.constant 32 : i32
    %mul3A_13 = arith.constant 64 : i32
    %mul3A_14 = arith.muli %mul3A_2, %mul3A_13 : i32
    "tpu.region"() ({
      %run_scoped3A = tpu.sem_alloc : memref<!tpu.dma_semaphore, #tpu.memory_space<semaphore_mem>>
      %dma_start3A = tpu.memref_slice %arg6[%mul3A_14] : memref<65536xi32, #tpu.memory_space<hbm>> -> memref<2048xi32, #tpu.memory_space<hbm>>
      %dma_start3A_15 = tpu.memref_slice %arg6[%mul3A_14] : memref<65536xi32, #tpu.memory_space<hbm>> -> memref<2048xi32, #tpu.memory_space<hbm>>
      tpu.enqueue_dma source(%arg11 : memref<2048xi32, #tpu.memory_space<vmem>>) target(%dma_start3A_15 : memref<2048xi32, #tpu.memory_space<hbm>>) target_semaphore(%run_scoped3A : memref<!tpu.dma_semaphore, #tpu.memory_space<semaphore_mem>>)
      %dma_wait3A = tpu.memref_slice %arg6[%mul3A_14] : memref<65536xi32, #tpu.memory_space<hbm>> -> memref<2048xi32, #tpu.memory_space<hbm>>
      %dma_wait3A_16 = tpu.memref_slice %arg6[%mul3A_14] : memref<65536xi32, #tpu.memory_space<hbm>> -> memref<2048xi32, #tpu.memory_space<hbm>>
      tpu.wait_dma2 semaphore(%run_scoped3A : memref<!tpu.dma_semaphore, #tpu.memory_space<semaphore_mem>>) src(%arg11 : memref<2048xi32, #tpu.memory_space<vmem>>) dst(%dma_wait3A_16 : memref<2048xi32, #tpu.memory_space<hbm>>)
      tpu.yield
    }) : () -> ()
    return
  }
}

#map = affine_map<(d0, d1) -> (0)>
module attributes {stable_mosaic.version = 14 : i64} {
  func.func @_spots_sc_body(%arg0: i32, %arg1: i32, %arg2: memref<32768xi32, #tpu.memory_space<hbm>>, %arg3: memref<32768xi32, #tpu.memory_space<hbm>>, %arg4: memref<1024xf32, #tpu.memory_space<hbm>>, %arg5: memref<1024xi32, #tpu.memory_space<hbm>>, %arg6: memref<65536xi32, #tpu.memory_space<hbm>>, %arg7: memref<1024xi32, #tpu.memory_space<vmem>>, %arg8: memref<32768xi32, #tpu.memory_space<vmem>>, %arg9: memref<1024xf32, #tpu.memory_space<vmem>>, %arg10: memref<1024xi32, #tpu.memory_space<vmem>>, %arg11: memref<2048xi32, #tpu.memory_space<vmem>>, %arg12: memref<32xf32, #tpu.memory_space<vmem>>, %arg13: memref<32xi32, #tpu.memory_space<vmem>>) attributes {dimension_semantics = [#tpu.dimension_semantics<core_parallel>, #tpu.dimension_semantics<subcore_parallel>], iteration_bounds = array<i64: 2, 16>, scalar_prefetch = 0 : i64, scratch_operands = 7 : i64, tpu.core_type = #tpu.core_type<sc_vector_subcore>, window_params = [{transform_indices = #map}, {transform_indices = #map}, {transform_indices = #map}, {transform_indices = #map}, {transform_indices = #map}]} {
    %mul3A = arith.constant 2 : i32
    %mul3A_0 = arith.muli %arg1, %mul3A : i32
    %add3A = arith.addi %mul3A_0, %arg0 : i32
    %mul3A_1 = arith.constant 32 : i32
    %mul3A_2 = arith.muli %add3A, %mul3A_1 : i32
    %mul3A_3 = arith.constant 32 : i32
    %mul3A_4 = arith.muli %mul3A_2, %mul3A_3 : i32
    "tpu.region"() ({
      %run_scoped3A = tpu.sem_alloc : memref<!tpu.dma_semaphore, #tpu.memory_space<semaphore_mem>>
      %dma_start3A = tpu.memref_slice %arg2[%mul3A_4] : memref<32768xi32, #tpu.memory_space<hbm>> -> memref<1024xi32, #tpu.memory_space<hbm>>
      %dma_start3A_15 = tpu.memref_slice %arg2[%mul3A_4] : memref<32768xi32, #tpu.memory_space<hbm>> -> memref<1024xi32, #tpu.memory_space<hbm>>
      tpu.enqueue_dma source(%dma_start3A_15 : memref<1024xi32, #tpu.memory_space<hbm>>) target(%arg7 : memref<1024xi32, #tpu.memory_space<vmem>>) target_semaphore(%run_scoped3A : memref<!tpu.dma_semaphore, #tpu.memory_space<semaphore_mem>>)
      %dma_wait3A = tpu.memref_slice %arg2[%mul3A_4] : memref<32768xi32, #tpu.memory_space<hbm>> -> memref<1024xi32, #tpu.memory_space<hbm>>
      %dma_wait3A_16 = tpu.memref_slice %arg2[%mul3A_4] : memref<32768xi32, #tpu.memory_space<hbm>> -> memref<1024xi32, #tpu.memory_space<hbm>>
      tpu.wait_dma2 semaphore(%run_scoped3A : memref<!tpu.dma_semaphore, #tpu.memory_space<semaphore_mem>>) src(%dma_wait3A_16 : memref<1024xi32, #tpu.memory_space<hbm>>) dst(%arg7 : memref<1024xi32, #tpu.memory_space<vmem>>)
      tpu.yield
    }) : () -> ()
    "tpu.region"() ({
      %run_scoped3A = tpu.sem_alloc : memref<!tpu.dma_semaphore, #tpu.memory_space<semaphore_mem>>
      %dma_start3A = arith.constant 0 : i32
      %dma_start3A_15 = tpu.memref_slice %arg3[%dma_start3A] : memref<32768xi32, #tpu.memory_space<hbm>> -> memref<32768xi32, #tpu.memory_space<hbm>>
      %dma_start3A_16 = arith.constant 0 : i32
      %dma_start3A_17 = tpu.memref_slice %arg3[%dma_start3A_16] : memref<32768xi32, #tpu.memory_space<hbm>> -> memref<32768xi32, #tpu.memory_space<hbm>>
      tpu.enqueue_dma source(%dma_start3A_17 : memref<32768xi32, #tpu.memory_space<hbm>>) target(%arg8 : memref<32768xi32, #tpu.memory_space<vmem>>) target_semaphore(%run_scoped3A : memref<!tpu.dma_semaphore, #tpu.memory_space<semaphore_mem>>)
      %dma_wait3A = arith.constant 0 : i32
      %dma_wait3A_18 = tpu.memref_slice %arg3[%dma_wait3A] : memref<32768xi32, #tpu.memory_space<hbm>> -> memref<32768xi32, #tpu.memory_space<hbm>>
      %dma_wait3A_19 = arith.constant 0 : i32
      %dma_wait3A_20 = tpu.memref_slice %arg3[%dma_wait3A_19] : memref<32768xi32, #tpu.memory_space<hbm>> -> memref<32768xi32, #tpu.memory_space<hbm>>
      tpu.wait_dma2 semaphore(%run_scoped3A : memref<!tpu.dma_semaphore, #tpu.memory_space<semaphore_mem>>) src(%dma_wait3A_20 : memref<32768xi32, #tpu.memory_space<hbm>>) dst(%arg8 : memref<32768xi32, #tpu.memory_space<vmem>>)
      tpu.yield
    }) : () -> ()
    "tpu.region"() ({
      %run_scoped3A = tpu.sem_alloc : memref<!tpu.dma_semaphore, #tpu.memory_space<semaphore_mem>>
      %dma_start3A = arith.constant 0 : i32
      %dma_start3A_15 = tpu.memref_slice %arg4[%dma_start3A] : memref<1024xf32, #tpu.memory_space<hbm>> -> memref<1024xf32, #tpu.memory_space<hbm>>
      %dma_start3A_16 = arith.constant 0 : i32
      %dma_start3A_17 = tpu.memref_slice %arg4[%dma_start3A_16] : memref<1024xf32, #tpu.memory_space<hbm>> -> memref<1024xf32, #tpu.memory_space<hbm>>
      tpu.enqueue_dma source(%dma_start3A_17 : memref<1024xf32, #tpu.memory_space<hbm>>) target(%arg9 : memref<1024xf32, #tpu.memory_space<vmem>>) target_semaphore(%run_scoped3A : memref<!tpu.dma_semaphore, #tpu.memory_space<semaphore_mem>>)
      %dma_wait3A = arith.constant 0 : i32
      %dma_wait3A_18 = tpu.memref_slice %arg4[%dma_wait3A] : memref<1024xf32, #tpu.memory_space<hbm>> -> memref<1024xf32, #tpu.memory_space<hbm>>
      %dma_wait3A_19 = arith.constant 0 : i32
      %dma_wait3A_20 = tpu.memref_slice %arg4[%dma_wait3A_19] : memref<1024xf32, #tpu.memory_space<hbm>> -> memref<1024xf32, #tpu.memory_space<hbm>>
      tpu.wait_dma2 semaphore(%run_scoped3A : memref<!tpu.dma_semaphore, #tpu.memory_space<semaphore_mem>>) src(%dma_wait3A_20 : memref<1024xf32, #tpu.memory_space<hbm>>) dst(%arg9 : memref<1024xf32, #tpu.memory_space<vmem>>)
      tpu.yield
    }) : () -> ()
    "tpu.region"() ({
      %run_scoped3A = tpu.sem_alloc : memref<!tpu.dma_semaphore, #tpu.memory_space<semaphore_mem>>
      %dma_start3A = arith.constant 0 : i32
      %dma_start3A_15 = tpu.memref_slice %arg5[%dma_start3A] : memref<1024xi32, #tpu.memory_space<hbm>> -> memref<1024xi32, #tpu.memory_space<hbm>>
      %dma_start3A_16 = arith.constant 0 : i32
      %dma_start3A_17 = tpu.memref_slice %arg5[%dma_start3A_16] : memref<1024xi32, #tpu.memory_space<hbm>> -> memref<1024xi32, #tpu.memory_space<hbm>>
      tpu.enqueue_dma source(%dma_start3A_17 : memref<1024xi32, #tpu.memory_space<hbm>>) target(%arg10 : memref<1024xi32, #tpu.memory_space<vmem>>) target_semaphore(%run_scoped3A : memref<!tpu.dma_semaphore, #tpu.memory_space<semaphore_mem>>)
      %dma_wait3A = arith.constant 0 : i32
      %dma_wait3A_18 = tpu.memref_slice %arg5[%dma_wait3A] : memref<1024xi32, #tpu.memory_space<hbm>> -> memref<1024xi32, #tpu.memory_space<hbm>>
      %dma_wait3A_19 = arith.constant 0 : i32
      %dma_wait3A_20 = tpu.memref_slice %arg5[%dma_wait3A_19] : memref<1024xi32, #tpu.memory_space<hbm>> -> memref<1024xi32, #tpu.memory_space<hbm>>
      tpu.wait_dma2 semaphore(%run_scoped3A : memref<!tpu.dma_semaphore, #tpu.memory_space<semaphore_mem>>) src(%dma_wait3A_20 : memref<1024xi32, #tpu.memory_space<hbm>>) dst(%arg10 : memref<1024xi32, #tpu.memory_space<vmem>>)
      tpu.yield
    }) : () -> ()
    %iota3A = tpu.iota {dimensions = array<i32: 0>} : vector<16xi32>
    %broadcast_in_dim3A = arith.constant -1.000000e+30 : f32
    %broadcast_in_dim3A_5 = vector.broadcast %broadcast_in_dim3A : f32 to vector<16xf32>
    %eq3A = arith.constant 0 : i32
    %eq3A_6 = vector.broadcast %eq3A : i32 to vector<16xi32>
    %eq3A_7 = arith.cmpi eq, %iota3A, %eq3A_6 : vector<16xi32>
    %scan3A = arith.constant 0 : i32
    %scan3A_8 = arith.constant 0 : i32
    %scan3A_9 = arith.constant 32 : i32
    %scan3A_10 = arith.addi %scan3A_8, %scan3A_9 : i32
    %scan3A_11 = arith.constant 1 : i32
    scf.for %scan3A_15 = %scan3A_8 to %scan3A_10 step %scan3A_11  : i32 {
      %mul3A_16 = arith.constant 32 : i32
      %mul3A_17 = arith.muli %scan3A_15, %mul3A_16 : i32
      %add3A_18 = vector.broadcast %mul3A_17 : i32 to vector<16xi32>
      %add3A_19 = arith.addi %add3A_18, %iota3A : vector<16xi32>
      %gather3A = tpu.vector_load_idx %arg7[%add3A_19] : memref<1024xi32, #tpu.memory_space<vmem>>[vector<16xi32>], vector<16xi32>,
      %broadcast_in_dim3A_20 = arith.constant 16 : i32
      %broadcast_in_dim3A_21 = vector.broadcast %broadcast_in_dim3A_20 : i32 to vector<16xi32>
      %add3A_22 = vector.broadcast %mul3A_17 : i32 to vector<16xi32>
      %add3A_23 = arith.addi %broadcast_in_dim3A_21, %add3A_22 : vector<16xi32>
      %gather3A_24 = tpu.vector_load_idx %arg7[%add3A_23] : memref<1024xi32, #tpu.memory_space<vmem>>[vector<16xi32>], vector<16xi32>,
      %gather3A_25 = tpu.vector_load_idx %arg9[%gather3A] : memref<1024xf32, #tpu.memory_space<vmem>>[vector<16xi32>], vector<16xf32>,
      %gather3A_26 = tpu.vector_load_idx %arg9[%gather3A_24] : memref<1024xf32, #tpu.memory_space<vmem>>[vector<16xi32>], vector<16xf32>,
      %gather3A_27 = tpu.vector_load_idx %arg10[%gather3A] : memref<1024xi32, #tpu.memory_space<vmem>>[vector<16xi32>], vector<16xi32>,
      %gather3A_28 = tpu.vector_load_idx %arg10[%gather3A_24] : memref<1024xi32, #tpu.memory_space<vmem>>[vector<16xi32>], vector<16xi32>,
      tpu.vector_store_idx %arg12[%iota3A], %gather3A_25 : memref<32xf32, #tpu.memory_space<vmem>>[vector<16xi32>], vector<16xf32>,
      %add3A_29 = arith.constant 16 : i32
      %add3A_30 = vector.broadcast %add3A_29 : i32 to vector<16xi32>
      %add3A_31 = arith.addi %iota3A, %add3A_30 : vector<16xi32>
      %select_n3A = arith.select %eq3A_7, %gather3A_26, %broadcast_in_dim3A_5 : vector<16xi1>, vector<16xf32>
      tpu.vector_store_idx %arg12[%add3A_31], %select_n3A : memref<32xf32, #tpu.memory_space<vmem>>[vector<16xi32>], vector<16xf32>,
      tpu.vector_store_idx %arg13[%iota3A], %gather3A_27 : memref<32xi32, #tpu.memory_space<vmem>>[vector<16xi32>], vector<16xi32>,
      %add3A_32 = arith.constant 16 : i32
      %add3A_33 = vector.broadcast %add3A_32 : i32 to vector<16xi32>
      %add3A_34 = arith.addi %iota3A, %add3A_33 : vector<16xi32>
      tpu.vector_store_idx %arg13[%add3A_34], %gather3A_28 : memref<32xi32, #tpu.memory_space<vmem>>[vector<16xi32>], vector<16xi32>,
      %scan3A_35 = arith.constant 0 : i32
      %scan3A_36 = arith.constant 0 : i32
      %gather3A_37 = tpu.vector_load_idx %arg12[%iota3A] : memref<32xf32, #tpu.memory_space<vmem>>[vector<16xi32>], vector<16xf32>,
      %add3A_38 = arith.constant 16 : i32
      %add3A_39 = vector.broadcast %add3A_38 : i32 to vector<16xi32>
      %add3A_40 = arith.addi %iota3A, %add3A_39 : vector<16xi32>
      %gather3A_41 = tpu.vector_load_idx %arg12[%add3A_40] : memref<32xf32, #tpu.memory_space<vmem>>[vector<16xi32>], vector<16xf32>,
      %max3A = arith.maximumf %gather3A_37, %gather3A_41 : vector<16xf32>
      %reduce_max3A = arith.constant true
      %reduce_max3A_42 = vector.broadcast %reduce_max3A : i1 to vector<16xi1>
      %reduce_max3A_43 = tpu.scan <max>, %max3A masked %reduce_max3A_42 : vector<16xf32>, vector<16xi1> -> vector<16xf32>
      %reduce_max3A_44 = vector.extract %reduce_max3A_43[15] : f32 from vector<16xf32>
      %eq3A_45 = vector.broadcast %reduce_max3A_44 : f32 to vector<16xf32>
      %eq3A_46 = arith.cmpf oeq, %gather3A_37, %eq3A_45 : vector<16xf32>
      %all_reduce_population_count3A = tpu.all_reduce %eq3A_46 {dim = 0 : i64, kind = #tpu.reduction_kind<sum>} : vector<16xi1> -> vector<16xi32>
      %gt3A = arith.constant 0 : i32
      %gt3A_47 = vector.broadcast %gt3A : i32 to vector<16xi32>
      %gt3A_48 = arith.cmpi sgt, %all_reduce_population_count3A, %gt3A_47 : vector<16xi32>
      %all_reduce_ffs3A = tpu.all_reduce %eq3A_46 {dim = 0 : i64, kind = #tpu.reduction_kind<find_first_set>} : vector<16xi1> -> vector<16xi32>
      %eq3A_49 = vector.broadcast %reduce_max3A_44 : f32 to vector<16xf32>
      %eq3A_50 = arith.cmpf oeq, %gather3A_41, %eq3A_49 : vector<16xf32>
      %all_reduce_ffs3A_51 = tpu.all_reduce %eq3A_50 {dim = 0 : i64, kind = #tpu.reduction_kind<find_first_set>} : vector<16xi1> -> vector<16xi32>
      %add3A_52 = arith.constant 16 : i32
      %add3A_53 = vector.broadcast %add3A_52 : i32 to vector<16xi32>
      %add3A_54 = arith.addi %all_reduce_ffs3A_51, %add3A_53 : vector<16xi32>
      %select_n3A_55 = arith.select %gt3A_48, %all_reduce_ffs3A, %add3A_54 : vector<16xi1>, vector<16xi32>
      %gather3A_56 = tpu.vector_load_idx %arg13[%select_n3A_55] : memref<32xi32, #tpu.memory_space<vmem>>[vector<16xi32>], vector<16xi32>,
      %mul3A_57 = arith.constant 32 : i32
      %mul3A_58 = vector.broadcast %mul3A_57 : i32 to vector<16xi32>
      %mul3A_59 = arith.muli %gather3A_56, %mul3A_58 : vector<16xi32>
      %add3A_60 = arith.addi %mul3A_59, %iota3A : vector<16xi32>
      %gather3A_61 = tpu.vector_load_idx %arg8[%add3A_60] : memref<32768xi32, #tpu.memory_space<vmem>>[vector<16xi32>], vector<16xi32>,
      %mul3A_62 = arith.constant 64 : i32
      %mul3A_63 = arith.muli %scan3A_15, %mul3A_62 : i32
      %mul3A_64 = arith.constant 16 : i32
      %mul3A_65 = arith.muli %scan3A_36, %mul3A_64 : i32
      %add3A_66 = arith.addi %mul3A_63, %mul3A_65 : i32
      %add3A_67 = vector.broadcast %add3A_66 : i32 to vector<16xi32>
      %add3A_68 = arith.addi %add3A_67, %iota3A : vector<16xi32>
      tpu.vector_store_idx %arg11[%add3A_68], %gather3A_61 : memref<2048xi32, #tpu.memory_space<vmem>>[vector<16xi32>], vector<16xi32>,
      tpu.vector_store_idx %arg12[%select_n3A_55], %broadcast_in_dim3A_5 masked %eq3A_7 : memref<32xf32, #tpu.memory_space<vmem>>[vector<16xi32>], vector<16xf32>, vector<16xi1>
      %scan3A_69 = arith.constant 1 : i32
      %gather3A_70 = tpu.vector_load_idx %arg12[%iota3A] : memref<32xf32, #tpu.memory_space<vmem>>[vector<16xi32>], vector<16xf32>,
      %add3A_71 = arith.constant 16 : i32
      %add3A_72 = vector.broadcast %add3A_71 : i32 to vector<16xi32>
      %add3A_73 = arith.addi %iota3A, %add3A_72 : vector<16xi32>
      %gather3A_74 = tpu.vector_load_idx %arg12[%add3A_73] : memref<32xf32, #tpu.memory_space<vmem>>[vector<16xi32>], vector<16xf32>,
      %max3A_75 = arith.maximumf %gather3A_70, %gather3A_74 : vector<16xf32>
      %reduce_max3A_76 = arith.constant true
      %reduce_max3A_77 = vector.broadcast %reduce_max3A_76 : i1 to vector<16xi1>
      %reduce_max3A_78 = tpu.scan <max>, %max3A_75 masked %reduce_max3A_77 : vector<16xf32>, vector<16xi1> -> vector<16xf32>
      %reduce_max3A_79 = vector.extract %reduce_max3A_78[15] : f32 from vector<16xf32>
      %eq3A_80 = vector.broadcast %reduce_max3A_79 : f32 to vector<16xf32>
      %eq3A_81 = arith.cmpf oeq, %gather3A_70, %eq3A_80 : vector<16xf32>
      %all_reduce_population_count3A_82 = tpu.all_reduce %eq3A_81 {dim = 0 : i64, kind = #tpu.reduction_kind<sum>} : vector<16xi1> -> vector<16xi32>
      %gt3A_83 = arith.constant 0 : i32
      %gt3A_84 = vector.broadcast %gt3A_83 : i32 to vector<16xi32>
      %gt3A_85 = arith.cmpi sgt, %all_reduce_population_count3A_82, %gt3A_84 : vector<16xi32>
      %all_reduce_ffs3A_86 = tpu.all_reduce %eq3A_81 {dim = 0 : i64, kind = #tpu.reduction_kind<find_first_set>} : vector<16xi1> -> vector<16xi32>
      %eq3A_87 = vector.broadcast %reduce_max3A_79 : f32 to vector<16xf32>
      %eq3A_88 = arith.cmpf oeq, %gather3A_74, %eq3A_87 : vector<16xf32>
      %all_reduce_ffs3A_89 = tpu.all_reduce %eq3A_88 {dim = 0 : i64, kind = #tpu.reduction_kind<find_first_set>} : vector<16xi1> -> vector<16xi32>
      %add3A_90 = arith.constant 16 : i32
      %add3A_91 = vector.broadcast %add3A_90 : i32 to vector<16xi32>
      %add3A_92 = arith.addi %all_reduce_ffs3A_89, %add3A_91 : vector<16xi32>
      %select_n3A_93 = arith.select %gt3A_85, %all_reduce_ffs3A_86, %add3A_92 : vector<16xi1>, vector<16xi32>
      %gather3A_94 = tpu.vector_load_idx %arg13[%select_n3A_93] : memref<32xi32, #tpu.memory_space<vmem>>[vector<16xi32>], vector<16xi32>,
      %mul3A_95 = arith.constant 32 : i32
      %mul3A_96 = vector.broadcast %mul3A_95 : i32 to vector<16xi32>
      %mul3A_97 = arith.muli %gather3A_94, %mul3A_96 : vector<16xi32>
      %add3A_98 = arith.addi %mul3A_97, %iota3A : vector<16xi32>
      %gather3A_99 = tpu.vector_load_idx %arg8[%add3A_98] : memref<32768xi32, #tpu.memory_space<vmem>>[vector<16xi32>], vector<16xi32>,
      %mul3A_100 = arith.constant 64 : i32
      %mul3A_101 = arith.muli %scan3A_15, %mul3A_100 : i32
      %mul3A_102 = arith.constant 16 : i32
      %mul3A_103 = arith.muli %scan3A_69, %mul3A_102 : i32
      %add3A_104 = arith.addi %mul3A_101, %mul3A_103 : i32
      %add3A_105 = vector.broadcast %add3A_104 : i32 to vector<16xi32>
      %add3A_106 = arith.addi %add3A_105, %iota3A : vector<16xi32>
      tpu.vector_store_idx %arg11[%add3A_106], %gather3A_99 : memref<2048xi32, #tpu.memory_space<vmem>>[vector<16xi32>], vector<16xi32>,
      tpu.vector_store_idx %arg12[%select_n3A_93], %broadcast_in_dim3A_5 masked %eq3A_7 : memref<32xf32, #tpu.memory_space<vmem>>[vector<16xi32>], vector<16xf32>, vector<16xi1>
      %scan3A_107 = arith.constant 2 : i32
      %gather3A_108 = tpu.vector_load_idx %arg12[%iota3A] : memref<32xf32, #tpu.memory_space<vmem>>[vector<16xi32>], vector<16xf32>,
      %add3A_109 = arith.constant 16 : i32
      %add3A_110 = vector.broadcast %add3A_109 : i32 to vector<16xi32>
      %add3A_111 = arith.addi %iota3A, %add3A_110 : vector<16xi32>
      %gather3A_112 = tpu.vector_load_idx %arg12[%add3A_111] : memref<32xf32, #tpu.memory_space<vmem>>[vector<16xi32>], vector<16xf32>,
      %max3A_113 = arith.maximumf %gather3A_108, %gather3A_112 : vector<16xf32>
      %reduce_max3A_114 = arith.constant true
      %reduce_max3A_115 = vector.broadcast %reduce_max3A_114 : i1 to vector<16xi1>
      %reduce_max3A_116 = tpu.scan <max>, %max3A_113 masked %reduce_max3A_115 : vector<16xf32>, vector<16xi1> -> vector<16xf32>
      %reduce_max3A_117 = vector.extract %reduce_max3A_116[15] : f32 from vector<16xf32>
      %eq3A_118 = vector.broadcast %reduce_max3A_117 : f32 to vector<16xf32>
      %eq3A_119 = arith.cmpf oeq, %gather3A_108, %eq3A_118 : vector<16xf32>
      %all_reduce_population_count3A_120 = tpu.all_reduce %eq3A_119 {dim = 0 : i64, kind = #tpu.reduction_kind<sum>} : vector<16xi1> -> vector<16xi32>
      %gt3A_121 = arith.constant 0 : i32
      %gt3A_122 = vector.broadcast %gt3A_121 : i32 to vector<16xi32>
      %gt3A_123 = arith.cmpi sgt, %all_reduce_population_count3A_120, %gt3A_122 : vector<16xi32>
      %all_reduce_ffs3A_124 = tpu.all_reduce %eq3A_119 {dim = 0 : i64, kind = #tpu.reduction_kind<find_first_set>} : vector<16xi1> -> vector<16xi32>
      %eq3A_125 = vector.broadcast %reduce_max3A_117 : f32 to vector<16xf32>
      %eq3A_126 = arith.cmpf oeq, %gather3A_112, %eq3A_125 : vector<16xf32>
      %all_reduce_ffs3A_127 = tpu.all_reduce %eq3A_126 {dim = 0 : i64, kind = #tpu.reduction_kind<find_first_set>} : vector<16xi1> -> vector<16xi32>
      %add3A_128 = arith.constant 16 : i32
      %add3A_129 = vector.broadcast %add3A_128 : i32 to vector<16xi32>
      %add3A_130 = arith.addi %all_reduce_ffs3A_127, %add3A_129 : vector<16xi32>
      %select_n3A_131 = arith.select %gt3A_123, %all_reduce_ffs3A_124, %add3A_130 : vector<16xi1>, vector<16xi32>
      %gather3A_132 = tpu.vector_load_idx %arg13[%select_n3A_131] : memref<32xi32, #tpu.memory_space<vmem>>[vector<16xi32>], vector<16xi32>,
      %mul3A_133 = arith.constant 32 : i32
      %mul3A_134 = vector.broadcast %mul3A_133 : i32 to vector<16xi32>
      %mul3A_135 = arith.muli %gather3A_132, %mul3A_134 : vector<16xi32>
      %add3A_136 = arith.addi %mul3A_135, %iota3A : vector<16xi32>
      %gather3A_137 = tpu.vector_load_idx %arg8[%add3A_136] : memref<32768xi32, #tpu.memory_space<vmem>>[vector<16xi32>], vector<16xi32>,
      %mul3A_138 = arith.constant 64 : i32
      %mul3A_139 = arith.muli %scan3A_15, %mul3A_138 : i32
      %mul3A_140 = arith.constant 16 : i32
      %mul3A_141 = arith.muli %scan3A_107, %mul3A_140 : i32
      %add3A_142 = arith.addi %mul3A_139, %mul3A_141 : i32
      %add3A_143 = vector.broadcast %add3A_142 : i32 to vector<16xi32>
      %add3A_144 = arith.addi %add3A_143, %iota3A : vector<16xi32>
      tpu.vector_store_idx %arg11[%add3A_144], %gather3A_137 : memref<2048xi32, #tpu.memory_space<vmem>>[vector<16xi32>], vector<16xi32>,
      tpu.vector_store_idx %arg12[%select_n3A_131], %broadcast_in_dim3A_5 masked %eq3A_7 : memref<32xf32, #tpu.memory_space<vmem>>[vector<16xi32>], vector<16xf32>, vector<16xi1>
      %scan3A_145 = arith.constant 3 : i32
      %gather3A_146 = tpu.vector_load_idx %arg12[%iota3A] : memref<32xf32, #tpu.memory_space<vmem>>[vector<16xi32>], vector<16xf32>,
      %add3A_147 = arith.constant 16 : i32
      %add3A_148 = vector.broadcast %add3A_147 : i32 to vector<16xi32>
      %add3A_149 = arith.addi %iota3A, %add3A_148 : vector<16xi32>
      %gather3A_150 = tpu.vector_load_idx %arg12[%add3A_149] : memref<32xf32, #tpu.memory_space<vmem>>[vector<16xi32>], vector<16xf32>,
      %max3A_151 = arith.maximumf %gather3A_146, %gather3A_150 : vector<16xf32>
      %reduce_max3A_152 = arith.constant true
      %reduce_max3A_153 = vector.broadcast %reduce_max3A_152 : i1 to vector<16xi1>
      %reduce_max3A_154 = tpu.scan <max>, %max3A_151 masked %reduce_max3A_153 : vector<16xf32>, vector<16xi1> -> vector<16xf32>
      %reduce_max3A_155 = vector.extract %reduce_max3A_154[15] : f32 from vector<16xf32>
      %eq3A_156 = vector.broadcast %reduce_max3A_155 : f32 to vector<16xf32>
      %eq3A_157 = arith.cmpf oeq, %gather3A_146, %eq3A_156 : vector<16xf32>
      %all_reduce_population_count3A_158 = tpu.all_reduce %eq3A_157 {dim = 0 : i64, kind = #tpu.reduction_kind<sum>} : vector<16xi1> -> vector<16xi32>
      %gt3A_159 = arith.constant 0 : i32
      %gt3A_160 = vector.broadcast %gt3A_159 : i32 to vector<16xi32>
      %gt3A_161 = arith.cmpi sgt, %all_reduce_population_count3A_158, %gt3A_160 : vector<16xi32>
      %all_reduce_ffs3A_162 = tpu.all_reduce %eq3A_157 {dim = 0 : i64, kind = #tpu.reduction_kind<find_first_set>} : vector<16xi1> -> vector<16xi32>
      %eq3A_163 = vector.broadcast %reduce_max3A_155 : f32 to vector<16xf32>
      %eq3A_164 = arith.cmpf oeq, %gather3A_150, %eq3A_163 : vector<16xf32>
      %all_reduce_ffs3A_165 = tpu.all_reduce %eq3A_164 {dim = 0 : i64, kind = #tpu.reduction_kind<find_first_set>} : vector<16xi1> -> vector<16xi32>
      %add3A_166 = arith.constant 16 : i32
      %add3A_167 = vector.broadcast %add3A_166 : i32 to vector<16xi32>
      %add3A_168 = arith.addi %all_reduce_ffs3A_165, %add3A_167 : vector<16xi32>
      %select_n3A_169 = arith.select %gt3A_161, %all_reduce_ffs3A_162, %add3A_168 : vector<16xi1>, vector<16xi32>
      %gather3A_170 = tpu.vector_load_idx %arg13[%select_n3A_169] : memref<32xi32, #tpu.memory_space<vmem>>[vector<16xi32>], vector<16xi32>,
      %mul3A_171 = arith.constant 32 : i32
      %mul3A_172 = vector.broadcast %mul3A_171 : i32 to vector<16xi32>
      %mul3A_173 = arith.muli %gather3A_170, %mul3A_172 : vector<16xi32>
      %add3A_174 = arith.addi %mul3A_173, %iota3A : vector<16xi32>
      %gather3A_175 = tpu.vector_load_idx %arg8[%add3A_174] : memref<32768xi32, #tpu.memory_space<vmem>>[vector<16xi32>], vector<16xi32>,
      %mul3A_176 = arith.constant 64 : i32
      %mul3A_177 = arith.muli %scan3A_15, %mul3A_176 : i32
      %mul3A_178 = arith.constant 16 : i32
      %mul3A_179 = arith.muli %scan3A_145, %mul3A_178 : i32
      %add3A_180 = arith.addi %mul3A_177, %mul3A_179 : i32
      %add3A_181 = vector.broadcast %add3A_180 : i32 to vector<16xi32>
      %add3A_182 = arith.addi %add3A_181, %iota3A : vector<16xi32>
      tpu.vector_store_idx %arg11[%add3A_182], %gather3A_175 : memref<2048xi32, #tpu.memory_space<vmem>>[vector<16xi32>], vector<16xi32>,
      tpu.vector_store_idx %arg12[%select_n3A_169], %broadcast_in_dim3A_5 masked %eq3A_7 : memref<32xf32, #tpu.memory_space<vmem>>[vector<16xi32>], vector<16xf32>, vector<16xi1>
      %scan3A_183 = arith.constant 4 : i32
    }
    %scan3A_12 = arith.constant 32 : i32
    %mul3A_13 = arith.constant 64 : i32
    %mul3A_14 = arith.muli %mul3A_2, %mul3A_13 : i32
    "tpu.region"() ({
      %run_scoped3A = tpu.sem_alloc : memref<!tpu.dma_semaphore, #tpu.memory_space<semaphore_mem>>
      %dma_start3A = tpu.memref_slice %arg6[%mul3A_14] : memref<65536xi32, #tpu.memory_space<hbm>> -> memref<2048xi32, #tpu.memory_space<hbm>>
      %dma_start3A_15 = tpu.memref_slice %arg6[%mul3A_14] : memref<65536xi32, #tpu.memory_space<hbm>> -> memref<2048xi32, #tpu.memory_space<hbm>>
      tpu.enqueue_dma source(%arg11 : memref<2048xi32, #tpu.memory_space<vmem>>) target(%dma_start3A_15 : memref<2048xi32, #tpu.memory_space<hbm>>) target_semaphore(%run_scoped3A : memref<!tpu.dma_semaphore, #tpu.memory_space<semaphore_mem>>)
      %dma_wait3A = tpu.memref_slice %arg6[%mul3A_14] : memref<65536xi32, #tpu.memory_space<hbm>> -> memref<2048xi32, #tpu.memory_space<hbm>>
      %dma_wait3A_16 = tpu.memref_slice %arg6[%mul3A_14] : memref<65536xi32, #tpu.memory_space<hbm>> -> memref<2048xi32, #tpu.memory_space<hbm>>
      tpu.wait_dma2 semaphore(%run_scoped3A : memref<!tpu.dma_semaphore, #tpu.memory_space<semaphore_mem>>) src(%arg11 : memref<2048xi32, #tpu.memory_space<vmem>>) dst(%dma_wait3A_16 : memref<2048xi32, #tpu.memory_space<hbm>>)
      tpu.yield
    }) : () -> ()
    return
  }
}

#map = affine_map<(d0, d1) -> (0)>
module attributes {stable_mosaic.version = 14 : i64} {
  func.func @_counts_sc_body(%arg0: i32, %arg1: i32, %arg2: memref<65536xi32, #tpu.memory_space<hbm>>, %arg3: memref<1048576xf32, #tpu.memory_space<hbm>>, %arg4: memref<2048xi32, #tpu.memory_space<vmem>>, %arg5: memref<32768xf32, #tpu.memory_space<vmem>>) attributes {dimension_semantics = [#tpu.dimension_semantics<core_parallel>, #tpu.dimension_semantics<subcore_parallel>], iteration_bounds = array<i64: 2, 16>, scalar_prefetch = 0 : i64, scratch_operands = 2 : i64, tpu.core_type = #tpu.core_type<sc_vector_subcore>, window_params = [{transform_indices = #map}, {transform_indices = #map}]} {
    %mul3A = arith.constant 2 : i32
    %mul3A_0 = arith.muli %arg1, %mul3A : i32
    %add3A = arith.addi %mul3A_0, %arg0 : i32
    %mul3A_1 = arith.constant 32 : i32
    %mul3A_2 = arith.muli %add3A, %mul3A_1 : i32
    %mul3A_3 = arith.constant 64 : i32
    %mul3A_4 = arith.muli %mul3A_2, %mul3A_3 : i32
    "tpu.region"() ({
      %run_scoped3A = tpu.sem_alloc : memref<!tpu.dma_semaphore, #tpu.memory_space<semaphore_mem>>
      %dma_start3A = tpu.memref_slice %arg2[%mul3A_4] : memref<65536xi32, #tpu.memory_space<hbm>> -> memref<2048xi32, #tpu.memory_space<hbm>>
      %dma_start3A_21 = tpu.memref_slice %arg2[%mul3A_4] : memref<65536xi32, #tpu.memory_space<hbm>> -> memref<2048xi32, #tpu.memory_space<hbm>>
      tpu.enqueue_dma source(%dma_start3A_21 : memref<2048xi32, #tpu.memory_space<hbm>>) target(%arg4 : memref<2048xi32, #tpu.memory_space<vmem>>) target_semaphore(%run_scoped3A : memref<!tpu.dma_semaphore, #tpu.memory_space<semaphore_mem>>)
      %dma_wait3A = tpu.memref_slice %arg2[%mul3A_4] : memref<65536xi32, #tpu.memory_space<hbm>> -> memref<2048xi32, #tpu.memory_space<hbm>>
      %dma_wait3A_22 = tpu.memref_slice %arg2[%mul3A_4] : memref<65536xi32, #tpu.memory_space<hbm>> -> memref<2048xi32, #tpu.memory_space<hbm>>
      tpu.wait_dma2 semaphore(%run_scoped3A : memref<!tpu.dma_semaphore, #tpu.memory_space<semaphore_mem>>) src(%dma_wait3A_22 : memref<2048xi32, #tpu.memory_space<hbm>>) dst(%arg4 : memref<2048xi32, #tpu.memory_space<vmem>>)
      tpu.yield
    }) : () -> ()
    %iota3A = tpu.iota {dimensions = array<i32: 0>} : vector<16xi32>
    %broadcast_in_dim3A = arith.constant 0.000000e+00 : f32
    %broadcast_in_dim3A_5 = vector.broadcast %broadcast_in_dim3A : f32 to vector<16xf32>
    %broadcast_in_dim3A_6 = arith.constant 1.000000e+00 : f32
    %broadcast_in_dim3A_7 = vector.broadcast %broadcast_in_dim3A_6 : f32 to vector<16xf32>
    %scan3A = arith.constant 0 : i32
    %scan3A_8 = arith.constant 0 : i32
    %scan3A_9 = arith.constant 2048 : i32
    %scan3A_10 = arith.addi %scan3A_8, %scan3A_9 : i32
    %scan3A_11 = arith.constant 1 : i32
    scf.for %scan3A_21 = %scan3A_8 to %scan3A_10 step %scan3A_11  : i32 {
      %mul3A_22 = arith.constant 16 : i32
      %mul3A_23 = arith.muli %scan3A_21, %mul3A_22 : i32
      %add3A_24 = vector.broadcast %mul3A_23 : i32 to vector<16xi32>
      %add3A_25 = arith.addi %add3A_24, %iota3A : vector<16xi32>
      tpu.vector_store_idx %arg5[%add3A_25], %broadcast_in_dim3A_5 : memref<32768xf32, #tpu.memory_space<vmem>>[vector<16xi32>], vector<16xf32>,
    }
    %scan3A_12 = arith.constant 2048 : i32
    %scan3A_13 = arith.constant 0 : i32
    %scan3A_14 = arith.constant 0 : i32
    %scan3A_15 = arith.constant 32 : i32
    %scan3A_16 = arith.addi %scan3A_14, %scan3A_15 : i32
    %scan3A_17 = arith.constant 1 : i32
    scf.for %scan3A_21 = %scan3A_14 to %scan3A_16 step %scan3A_17  : i32 {
      %scan3A_22 = arith.constant 0 : i32
      %scan3A_23 = arith.constant 0 : i32
      %scan3A_24 = arith.constant 4 : i32
      %scan3A_25 = arith.addi %scan3A_23, %scan3A_24 : i32
      %scan3A_26 = arith.constant 1 : i32
      scf.for %scan3A_28 = %scan3A_23 to %scan3A_25 step %scan3A_26  : i32 {
        %mul3A_29 = arith.constant 64 : i32
        %mul3A_30 = arith.muli %scan3A_21, %mul3A_29 : i32
        %mul3A_31 = arith.constant 16 : i32
        %mul3A_32 = arith.muli %scan3A_28, %mul3A_31 : i32
        %add3A_33 = arith.addi %mul3A_30, %mul3A_32 : i32
        %add3A_34 = vector.broadcast %add3A_33 : i32 to vector<16xi32>
        %add3A_35 = arith.addi %add3A_34, %iota3A : vector<16xi32>
        %gather3A = tpu.vector_load_idx %arg4[%add3A_35] : memref<2048xi32, #tpu.memory_space<vmem>>[vector<16xi32>], vector<16xi32>,
        %mul3A_36 = arith.constant 1024 : i32
        %mul3A_37 = arith.muli %scan3A_21, %mul3A_36 : i32
        %add3A_38 = vector.broadcast %mul3A_37 : i32 to vector<16xi32>
        %add3A_39 = arith.addi %add3A_38, %gather3A : vector<16xi32>
        tpu.vector_store_idx %arg5[%add3A_39], %broadcast_in_dim3A_7 {add = true} : memref<32768xf32, #tpu.memory_space<vmem>>[vector<16xi32>], vector<16xf32>,
      }
      %scan3A_27 = arith.constant 4 : i32
    }
    %scan3A_18 = arith.constant 32 : i32
    %mul3A_19 = arith.constant 1024 : i32
    %mul3A_20 = arith.muli %mul3A_2, %mul3A_19 : i32
    "tpu.region"() ({
      %run_scoped3A = tpu.sem_alloc : memref<!tpu.dma_semaphore, #tpu.memory_space<semaphore_mem>>
      %dma_start3A = tpu.memref_slice %arg3[%mul3A_20] : memref<1048576xf32, #tpu.memory_space<hbm>> -> memref<32768xf32, #tpu.memory_space<hbm>>
      %dma_start3A_21 = tpu.memref_slice %arg3[%mul3A_20] : memref<1048576xf32, #tpu.memory_space<hbm>> -> memref<32768xf32, #tpu.memory_space<hbm>>
      tpu.enqueue_dma source(%arg5 : memref<32768xf32, #tpu.memory_space<vmem>>) target(%dma_start3A_21 : memref<32768xf32, #tpu.memory_space<hbm>>) target_semaphore(%run_scoped3A : memref<!tpu.dma_semaphore, #tpu.memory_space<semaphore_mem>>)
      %dma_wait3A = tpu.memref_slice %arg3[%mul3A_20] : memref<1048576xf32, #tpu.memory_space<hbm>> -> memref<32768xf32, #tpu.memory_space<hbm>>
      %dma_wait3A_22 = tpu.memref_slice %arg3[%mul3A_20] : memref<1048576xf32, #tpu.memory_space<hbm>> -> memref<32768xf32, #tpu.memory_space<hbm>>
      tpu.wait_dma2 semaphore(%run_scoped3A : memref<!tpu.dma_semaphore, #tpu.memory_space<semaphore_mem>>) src(%arg5 : memref<32768xf32, #tpu.memory_space<vmem>>) dst(%dma_wait3A_22 : memref<32768xf32, #tpu.memory_space<hbm>>)
      tpu.yield
    }) : () -> ()
    return
  }
}

#map = affine_map<(d0, d1) -> (0)>
module attributes {stable_mosaic.version = 14 : i64} {
  func.func @_counts_sc_body(%arg0: i32, %arg1: i32, %arg2: memref<65536xi32, #tpu.memory_space<hbm>>, %arg3: memref<1048576xf32, #tpu.memory_space<hbm>>, %arg4: memref<2048xi32, #tpu.memory_space<vmem>>, %arg5: memref<32768xf32, #tpu.memory_space<vmem>>) attributes {dimension_semantics = [#tpu.dimension_semantics<core_parallel>, #tpu.dimension_semantics<subcore_parallel>], iteration_bounds = array<i64: 2, 16>, scalar_prefetch = 0 : i64, scratch_operands = 2 : i64, tpu.core_type = #tpu.core_type<sc_vector_subcore>, window_params = [{transform_indices = #map}, {transform_indices = #map}]} {
    %mul3A = arith.constant 2 : i32
    %mul3A_0 = arith.muli %arg1, %mul3A : i32
    %add3A = arith.addi %mul3A_0, %arg0 : i32
    %mul3A_1 = arith.constant 32 : i32
    %mul3A_2 = arith.muli %add3A, %mul3A_1 : i32
    %mul3A_3 = arith.constant 64 : i32
    %mul3A_4 = arith.muli %mul3A_2, %mul3A_3 : i32
    "tpu.region"() ({
      %run_scoped3A = tpu.sem_alloc : memref<!tpu.dma_semaphore, #tpu.memory_space<semaphore_mem>>
      %dma_start3A = tpu.memref_slice %arg2[%mul3A_4] : memref<65536xi32, #tpu.memory_space<hbm>> -> memref<2048xi32, #tpu.memory_space<hbm>>
      %dma_start3A_21 = tpu.memref_slice %arg2[%mul3A_4] : memref<65536xi32, #tpu.memory_space<hbm>> -> memref<2048xi32, #tpu.memory_space<hbm>>
      tpu.enqueue_dma source(%dma_start3A_21 : memref<2048xi32, #tpu.memory_space<hbm>>) target(%arg4 : memref<2048xi32, #tpu.memory_space<vmem>>) target_semaphore(%run_scoped3A : memref<!tpu.dma_semaphore, #tpu.memory_space<semaphore_mem>>)
      %dma_wait3A = tpu.memref_slice %arg2[%mul3A_4] : memref<65536xi32, #tpu.memory_space<hbm>> -> memref<2048xi32, #tpu.memory_space<hbm>>
      %dma_wait3A_22 = tpu.memref_slice %arg2[%mul3A_4] : memref<65536xi32, #tpu.memory_space<hbm>> -> memref<2048xi32, #tpu.memory_space<hbm>>
      tpu.wait_dma2 semaphore(%run_scoped3A : memref<!tpu.dma_semaphore, #tpu.memory_space<semaphore_mem>>) src(%dma_wait3A_22 : memref<2048xi32, #tpu.memory_space<hbm>>) dst(%arg4 : memref<2048xi32, #tpu.memory_space<vmem>>)
      tpu.yield
    }) : () -> ()
    %iota3A = tpu.iota {dimensions = array<i32: 0>} : vector<16xi32>
    %broadcast_in_dim3A = arith.constant 0.000000e+00 : f32
    %broadcast_in_dim3A_5 = vector.broadcast %broadcast_in_dim3A : f32 to vector<16xf32>
    %broadcast_in_dim3A_6 = arith.constant 1.000000e+00 : f32
    %broadcast_in_dim3A_7 = vector.broadcast %broadcast_in_dim3A_6 : f32 to vector<16xf32>
    %scan3A = arith.constant 0 : i32
    %scan3A_8 = arith.constant 0 : i32
    %scan3A_9 = arith.constant 2048 : i32
    %scan3A_10 = arith.addi %scan3A_8, %scan3A_9 : i32
    %scan3A_11 = arith.constant 1 : i32
    scf.for %scan3A_21 = %scan3A_8 to %scan3A_10 step %scan3A_11  : i32 {
      %mul3A_22 = arith.constant 16 : i32
      %mul3A_23 = arith.muli %scan3A_21, %mul3A_22 : i32
      %add3A_24 = vector.broadcast %mul3A_23 : i32 to vector<16xi32>
      %add3A_25 = arith.addi %add3A_24, %iota3A : vector<16xi32>
      tpu.vector_store_idx %arg5[%add3A_25], %broadcast_in_dim3A_5 : memref<32768xf32, #tpu.memory_space<vmem>>[vector<16xi32>], vector<16xf32>,
    }
    %scan3A_12 = arith.constant 2048 : i32
    %scan3A_13 = arith.constant 0 : i32
    %scan3A_14 = arith.constant 0 : i32
    %scan3A_15 = arith.constant 32 : i32
    %scan3A_16 = arith.addi %scan3A_14, %scan3A_15 : i32
    %scan3A_17 = arith.constant 1 : i32
    scf.for %scan3A_21 = %scan3A_14 to %scan3A_16 step %scan3A_17  : i32 {
      %scan3A_22 = arith.constant 0 : i32
      %scan3A_23 = arith.constant 0 : i32
      %scan3A_24 = arith.constant 4 : i32
      %scan3A_25 = arith.addi %scan3A_23, %scan3A_24 : i32
      %scan3A_26 = arith.constant 1 : i32
      scf.for %scan3A_28 = %scan3A_23 to %scan3A_25 step %scan3A_26  : i32 {
        %mul3A_29 = arith.constant 64 : i32
        %mul3A_30 = arith.muli %scan3A_21, %mul3A_29 : i32
        %mul3A_31 = arith.constant 16 : i32
        %mul3A_32 = arith.muli %scan3A_28, %mul3A_31 : i32
        %add3A_33 = arith.addi %mul3A_30, %mul3A_32 : i32
        %add3A_34 = vector.broadcast %add3A_33 : i32 to vector<16xi32>
        %add3A_35 = arith.addi %add3A_34, %iota3A : vector<16xi32>
        %gather3A = tpu.vector_load_idx %arg4[%add3A_35] : memref<2048xi32, #tpu.memory_space<vmem>>[vector<16xi32>], vector<16xi32>,
        %mul3A_36 = arith.constant 1024 : i32
        %mul3A_37 = arith.muli %scan3A_21, %mul3A_36 : i32
        %add3A_38 = vector.broadcast %mul3A_37 : i32 to vector<16xi32>
        %add3A_39 = arith.addi %add3A_38, %gather3A : vector<16xi32>
        tpu.vector_store_idx %arg5[%add3A_39], %broadcast_in_dim3A_7 {add = true} : memref<32768xf32, #tpu.memory_space<vmem>>[vector<16xi32>], vector<16xf32>,
      }
      %scan3A_27 = arith.constant 4 : i32
    }
    %scan3A_18 = arith.constant 32 : i32
    %mul3A_19 = arith.constant 1024 : i32
    %mul3A_20 = arith.muli %mul3A_2, %mul3A_19 : i32
    "tpu.region"() ({
      %run_scoped3A = tpu.sem_alloc : memref<!tpu.dma_semaphore, #tpu.memory_space<semaphore_mem>>
      %dma_start3A = tpu.memref_slice %arg3[%mul3A_20] : memref<1048576xf32, #tpu.memory_space<hbm>> -> memref<32768xf32, #tpu.memory_space<hbm>>
      %dma_start3A_21 = tpu.memref_slice %arg3[%mul3A_20] : memref<1048576xf32, #tpu.memory_space<hbm>> -> memref<32768xf32, #tpu.memory_space<hbm>>
      tpu.enqueue_dma source(%arg5 : memref<32768xf32, #tpu.memory_space<vmem>>) target(%dma_start3A_21 : memref<32768xf32, #tpu.memory_space<hbm>>) target_semaphore(%run_scoped3A : memref<!tpu.dma_semaphore, #tpu.memory_space<semaphore_mem>>)
      %dma_wait3A = tpu.memref_slice %arg3[%mul3A_20] : memref<1048576xf32, #tpu.memory_space<hbm>> -> memref<32768xf32, #tpu.memory_space<hbm>>
      %dma_wait3A_22 = tpu.memref_slice %arg3[%mul3A_20] : memref<1048576xf32, #tpu.memory_space<hbm>> -> memref<32768xf32, #tpu.memory_space<hbm>>
      tpu.wait_dma2 semaphore(%run_scoped3A : memref<!tpu.dma_semaphore, #tpu.memory_space<semaphore_mem>>) src(%arg5 : memref<32768xf32, #tpu.memory_space<vmem>>) dst(%dma_wait3A_22 : memref<32768xf32, #tpu.memory_space<hbm>>)
      tpu.yield
    }) : () -> ()
    return
  }
}

module attributes {stable_mosaic.version = 14 : i64} {
  func.func @_matching_body(%arg0: memref<1024x256xf32, #tpu.memory_space<vmem>>, %arg1: memref<1024x256xf32, #tpu.memory_space<vmem>>, %arg2: memref<1024x1024xf32, #tpu.memory_space<vmem>>, %arg3: memref<1024x1xf32, #tpu.memory_space<vmem>>, %arg4: memref<1024x1xi32, #tpu.memory_space<vmem>>, %arg5: memref<1x1024xf32, #tpu.memory_space<vmem>>, %arg6: memref<1x1024xi32, #tpu.memory_space<vmem>>) attributes {dimension_semantics = [], scalar_prefetch = 0 : i64, scratch_operands = 0 : i64, tpu.core_type = #tpu.core_type<tc>} {
    %get3A = arith.constant 0 : index
    %get3A_0 = arith.constant 0 : index
    %get3A_1 = vector.load %arg0[%get3A, %get3A_0] : memref<1024x256xf32, #tpu.memory_space<vmem>>, vector<1024x256xf32>
    %get3A_2 = arith.constant 0 : index
    %get3A_3 = arith.constant 0 : index
    %get3A_4 = vector.load %arg1[%get3A_2, %get3A_3] : memref<1024x256xf32, #tpu.memory_space<vmem>>, vector<1024x256xf32>
    %dot_general3A = arith.constant dense<0.000000e+00> : vector<1024x1024xf32>
    %dot_general3A_5 = tpu.matmul %get3A_1, %get3A_4, %dot_general3A {dimension_numbers = #tpu.dot_dimension_numbers<[1], [1], [0], [0], [0, 0, 1, 0], [], []>, transpose_lhs_hint = false} : vector<1024x256xf32>, vector<1024x256xf32>, vector<1024x1024xf32> -> vector<1024x1024xf32>
    %reduce_max3A = arith.constant dense<0xFF800000> : vector<1024xf32>
    %reduce_max3A_6 = vector.multi_reduction <maximumf>, %dot_general3A_5, %reduce_max3A [1] : vector<1024x1024xf32> to vector<1024xf32>
    %broadcast_in_dim3A = vector.shape_cast %reduce_max3A_6 : vector<1024xf32> to vector<1024x1xf32>
    %sub3A = vector.broadcast %broadcast_in_dim3A : vector<1024x1xf32> to vector<1024x1024xf32>
    %sub3A_7 = arith.subf %dot_general3A_5, %sub3A : vector<1024x1024xf32>
    %exp3A = math.exp %sub3A_7 : vector<1024x1024xf32>
    %reduce_sum3A = arith.constant dense<0.000000e+00> : vector<1024xf32>
    %reduce_sum3A_8 = vector.multi_reduction <add>, %exp3A, %reduce_sum3A [1] : vector<1024x1024xf32> to vector<1024xf32>
    %broadcast_in_dim3A_9 = vector.shape_cast %reduce_sum3A_8 : vector<1024xf32> to vector<1024x1xf32>
    %div3A = vector.broadcast %broadcast_in_dim3A_9 : vector<1024x1xf32> to vector<1024x1024xf32>
    %div3A_10 = arith.divf %exp3A, %div3A : vector<1024x1024xf32>
    %reduce_max3A_11 = arith.constant dense<0xFF800000> : vector<1024xf32>
    %reduce_max3A_12 = vector.multi_reduction <maximumf>, %dot_general3A_5, %reduce_max3A_11 [0] : vector<1024x1024xf32> to vector<1024xf32>
    %broadcast_in_dim3A_13 = vector.shape_cast %reduce_max3A_12 : vector<1024xf32> to vector<1x1024xf32>
    %sub3A_14 = vector.broadcast %broadcast_in_dim3A_13 : vector<1x1024xf32> to vector<1024x1024xf32>
    %sub3A_15 = arith.subf %dot_general3A_5, %sub3A_14 : vector<1024x1024xf32>
    %exp3A_16 = math.exp %sub3A_15 : vector<1024x1024xf32>
    %reduce_sum3A_17 = arith.constant dense<0.000000e+00> : vector<1024xf32>
    %reduce_sum3A_18 = vector.multi_reduction <add>, %exp3A_16, %reduce_sum3A_17 [0] : vector<1024x1024xf32> to vector<1024xf32>
    %broadcast_in_dim3A_19 = vector.shape_cast %reduce_sum3A_18 : vector<1024xf32> to vector<1x1024xf32>
    %div3A_20 = vector.broadcast %broadcast_in_dim3A_19 : vector<1x1024xf32> to vector<1024x1024xf32>
    %div3A_21 = arith.divf %exp3A_16, %div3A_20 : vector<1024x1024xf32>
    %mul3A = arith.mulf %div3A_10, %div3A_21 : vector<1024x1024xf32>
    %swap3A = arith.constant 0 : index
    %swap3A_22 = arith.constant 0 : index
    %swap3A_23 = vector.load %arg2[%swap3A, %swap3A_22] : memref<1024x1024xf32, #tpu.memory_space<vmem>>, vector<1024x1024xf32>
    tpu.vector_store %arg2[%swap3A, %swap3A_22], %mul3A {strides = array<i32>} : memref<1024x1024xf32, #tpu.memory_space<vmem>>, vector<1024x1024xf32>,
    %iota3A = tpu.iota {dimensions = array<i32: 1>} : vector<1024x1024xi32>
    %iota3A_24 = tpu.iota {dimensions = array<i32: 0>} : vector<1024x1024xi32>
    %reduce_max3A_25 = arith.constant dense<0xFF800000> : vector<1024xf32>
    %reduce_max3A_26 = vector.multi_reduction <maximumf>, %mul3A, %reduce_max3A_25 [1] : vector<1024x1024xf32> to vector<1024xf32>
    %broadcast_in_dim3A_27 = vector.shape_cast %reduce_max3A_26 : vector<1024xf32> to vector<1024x1xf32>
    %swap3A_28 = arith.constant 0 : index
    %swap3A_29 = arith.constant 0 : index
    %swap3A_30 = vector.load %arg3[%swap3A_28, %swap3A_29] : memref<1024x1xf32, #tpu.memory_space<vmem>>, vector<1024x1xf32>
    tpu.vector_store %arg3[%swap3A_28, %swap3A_29], %broadcast_in_dim3A_27 {strides = array<i32>} : memref<1024x1xf32, #tpu.memory_space<vmem>>, vector<1024x1xf32>,
    %eq3A = vector.broadcast %broadcast_in_dim3A_27 : vector<1024x1xf32> to vector<1024x1024xf32>
    %eq3A_31 = arith.cmpf oeq, %mul3A, %eq3A : vector<1024x1024xf32>
    %jit3A = arith.constant 1073741824 : i32
    %broadcast_in_dim3A_32 = vector.broadcast %jit3A : i32 to vector<1024x1024xi32>
    %select_n3A = arith.select %eq3A_31, %iota3A, %broadcast_in_dim3A_32 : vector<1024x1024xi1>, vector<1024x1024xi32>
    %reduce_min3A = arith.constant dense<2147483647> : vector<1024xi32>
    %reduce_min3A_33 = vector.multi_reduction <minsi>, %select_n3A, %reduce_min3A [1] : vector<1024x1024xi32> to vector<1024xi32>
    %broadcast_in_dim3A_34 = vector.shape_cast %reduce_min3A_33 : vector<1024xi32> to vector<1024x1xi32>
    %swap3A_35 = arith.constant 0 : index
    %swap3A_36 = arith.constant 0 : index
    %swap3A_37 = vector.load %arg4[%swap3A_35, %swap3A_36] : memref<1024x1xi32, #tpu.memory_space<vmem>>, vector<1024x1xi32>
    tpu.vector_store %arg4[%swap3A_35, %swap3A_36], %broadcast_in_dim3A_34 {strides = array<i32>} : memref<1024x1xi32, #tpu.memory_space<vmem>>, vector<1024x1xi32>,
    %reduce_max3A_38 = arith.constant dense<0xFF800000> : vector<1024xf32>
    %reduce_max3A_39 = vector.multi_reduction <maximumf>, %mul3A, %reduce_max3A_38 [0] : vector<1024x1024xf32> to vector<1024xf32>
    %broadcast_in_dim3A_40 = vector.shape_cast %reduce_max3A_39 : vector<1024xf32> to vector<1x1024xf32>
    %swap3A_41 = arith.constant 0 : index
    %swap3A_42 = arith.constant 0 : index
    %swap3A_43 = vector.load %arg5[%swap3A_41, %swap3A_42] : memref<1x1024xf32, #tpu.memory_space<vmem>>, vector<1x1024xf32>
    tpu.vector_store %arg5[%swap3A_41, %swap3A_42], %broadcast_in_dim3A_40 {strides = array<i32>} : memref<1x1024xf32, #tpu.memory_space<vmem>>, vector<1x1024xf32>,
    %eq3A_44 = vector.broadcast %broadcast_in_dim3A_40 : vector<1x1024xf32> to vector<1024x1024xf32>
    %eq3A_45 = arith.cmpf oeq, %mul3A, %eq3A_44 : vector<1024x1024xf32>
    %jit3A_46 = arith.constant 1073741824 : i32
    %broadcast_in_dim3A_47 = vector.broadcast %jit3A_46 : i32 to vector<1024x1024xi32>
    %select_n3A_48 = arith.select %eq3A_45, %iota3A_24, %broadcast_in_dim3A_47 : vector<1024x1024xi1>, vector<1024x1024xi32>
    %reduce_min3A_49 = arith.constant dense<2147483647> : vector<1024xi32>
    %reduce_min3A_50 = vector.multi_reduction <minsi>, %select_n3A_48, %reduce_min3A_49 [0] : vector<1024x1024xi32> to vector<1024xi32>
    %broadcast_in_dim3A_51 = vector.shape_cast %reduce_min3A_50 : vector<1024xi32> to vector<1x1024xi32>
    %swap3A_52 = arith.constant 0 : index
    %swap3A_53 = arith.constant 0 : index
    %swap3A_54 = vector.load %arg6[%swap3A_52, %swap3A_53] : memref<1x1024xi32, #tpu.memory_space<vmem>>, vector<1x1024xi32>
    tpu.vector_store %arg6[%swap3A_52, %swap3A_53], %broadcast_in_dim3A_51 {strides = array<i32>} : memref<1x1024xi32, #tpu.memory_space<vmem>>, vector<1x1024xi32>,
    return
  }
}

module attributes {stable_mosaic.version = 14 : i64} {
  func.func @_linproj_body(%arg0: memref<1024x512xf32, #tpu.memory_space<vmem>>, %arg1: memref<512x256xf32, #tpu.memory_space<vmem>>, %arg2: memref<1x256xf32, #tpu.memory_space<vmem>>, %arg3: memref<1024x256xf32, #tpu.memory_space<vmem>>) attributes {dimension_semantics = [], scalar_prefetch = 0 : i64, scratch_operands = 0 : i64, tpu.core_type = #tpu.core_type<tc>} {
    %get3A = arith.constant 0 : index
    %get3A_0 = arith.constant 0 : index
    %get3A_1 = vector.load %arg0[%get3A, %get3A_0] : memref<1024x512xf32, #tpu.memory_space<vmem>>, vector<1024x512xf32>
    %get3A_2 = arith.constant 0 : index
    %get3A_3 = arith.constant 0 : index
    %get3A_4 = vector.load %arg1[%get3A_2, %get3A_3] : memref<512x256xf32, #tpu.memory_space<vmem>>, vector<512x256xf32>
    %dot_general3A = arith.constant dense<0.000000e+00> : vector<1024x256xf32>
    %dot_general3A_5 = tpu.matmul %get3A_1, %get3A_4, %dot_general3A {dimension_numbers = #tpu.dot_dimension_numbers<[1], [0], [0], [1], [0, 0, 1, 1], [], []>, transpose_lhs_hint = false} : vector<1024x512xf32>, vector<512x256xf32>, vector<1024x256xf32> -> vector<1024x256xf32>
    %get3A_6 = arith.constant 0 : index
    %get3A_7 = arith.constant 0 : index
    %get3A_8 = vector.load %arg2[%get3A_6, %get3A_7] : memref<1x256xf32, #tpu.memory_space<vmem>>, vector<1x256xf32>
    %add3A = vector.broadcast %get3A_8 : vector<1x256xf32> to vector<1024x256xf32>
    %add3A_9 = arith.addf %dot_general3A_5, %add3A : vector<1024x256xf32>
    %swap3A = arith.constant 0 : index
    %swap3A_10 = arith.constant 0 : index
    %swap3A_11 = vector.load %arg3[%swap3A, %swap3A_10] : memref<1024x256xf32, #tpu.memory_space<vmem>>, vector<1024x256xf32>
    tpu.vector_store %arg3[%swap3A, %swap3A_10], %add3A_9 {strides = array<i32>} : memref<1024x256xf32, #tpu.memory_space<vmem>>, vector<1024x256xf32>,
    return
  }
}

module attributes {stable_mosaic.version = 14 : i64} {
  func.func @_pdist_topk_body(%arg0: memref<1024x3xf32, #tpu.memory_space<vmem>>, %arg1: memref<1024x1024xf32, #tpu.memory_space<vmem>>, %arg2: memref<1024x32xi32, #tpu.memory_space<vmem>>) attributes {dimension_semantics = [], scalar_prefetch = 0 : i64, scratch_operands = 0 : i64, tpu.core_type = #tpu.core_type<tc>} {
    %get3A = arith.constant 0 : index
    %get3A_0 = arith.constant 0 : index
    %get3A_1 = vector.load %arg0[%get3A, %get3A_0] : memref<1024x3xf32, #tpu.memory_space<vmem>>, vector<1024x3xf32>
    %slice3A = vector.extract_strided_slice %get3A_1 {offsets = [0, 0], sizes = [1024, 1], strides = [1, 1]} : vector<1024x3xf32> to vector<1024x1xf32>
    %slice3A_2 = vector.extract_strided_slice %get3A_1 {offsets = [0, 1], sizes = [1024, 1], strides = [1, 1]} : vector<1024x3xf32> to vector<1024x1xf32>
    %slice3A_3 = vector.extract_strided_slice %get3A_1 {offsets = [0, 2], sizes = [1024, 1], strides = [1, 1]} : vector<1024x3xf32> to vector<1024x1xf32>
    %mul3A = arith.mulf %slice3A, %slice3A : vector<1024x1xf32>
    %mul3A_4 = arith.mulf %slice3A_2, %slice3A_2 : vector<1024x1xf32>
    %add3A = arith.addf %mul3A, %mul3A_4 : vector<1024x1xf32>
    %mul3A_5 = arith.mulf %slice3A_3, %slice3A_3 : vector<1024x1xf32>
    %add3A_6 = arith.addf %add3A, %mul3A_5 : vector<1024x1xf32>
    %iota3A = tpu.iota {dimensions = array<i32: 0>} : vector<3x3xi32>
    %iota3A_7 = tpu.iota {dimensions = array<i32: 1>} : vector<3x3xi32>
    %add3A_8 = arith.constant 0 : i32
    %add3A_9 = vector.broadcast %add3A_8 : i32 to vector<3x3xi32>
    %add3A_10 = arith.addi %iota3A, %add3A_9 : vector<3x3xi32>
    %eq3A = arith.cmpi eq, %add3A_10, %iota3A_7 : vector<3x3xi32>
    %convert_element_type3A = arith.extui %eq3A : vector<3x3xi1> to vector<3x3xi32>
    %convert_element_type3A_11 = arith.sitofp %convert_element_type3A : vector<3x3xi32> to vector<3x3xf32>
    %dot_general3A = arith.constant dense<0.000000e+00> : vector<3x1024xf32>
    %dot_general3A_12 = tpu.matmul %convert_element_type3A_11, %get3A_1, %dot_general3A {dimension_numbers = #tpu.dot_dimension_numbers<[1], [1], [0], [0], [0, 0, 1, 0], [], []>, precision = #tpu.contract_precision<fp32>, transpose_lhs_hint = false} : vector<3x3xf32>, vector<1024x3xf32>, vector<3x1024xf32> -> vector<3x1024xf32>
    %slice3A_13 = vector.extract_strided_slice %dot_general3A_12 {offsets = [0, 0], sizes = [1, 1024], strides = [1, 1]} : vector<3x1024xf32> to vector<1x1024xf32>
    %slice3A_14 = vector.extract_strided_slice %dot_general3A_12 {offsets = [1, 0], sizes = [1, 1024], strides = [1, 1]} : vector<3x1024xf32> to vector<1x1024xf32>
    %slice3A_15 = vector.extract_strided_slice %dot_general3A_12 {offsets = [2, 0], sizes = [1, 1024], strides = [1, 1]} : vector<3x1024xf32> to vector<1x1024xf32>
    %mul3A_16 = arith.mulf %slice3A_13, %slice3A_13 : vector<1x1024xf32>
    %mul3A_17 = arith.mulf %slice3A_14, %slice3A_14 : vector<1x1024xf32>
    %add3A_18 = arith.addf %mul3A_16, %mul3A_17 : vector<1x1024xf32>
    %mul3A_19 = arith.mulf %slice3A_15, %slice3A_15 : vector<1x1024xf32>
    %add3A_20 = arith.addf %add3A_18, %mul3A_19 : vector<1x1024xf32>
    %dot_general3A_21 = arith.constant dense<0.000000e+00> : vector<1024x1024xf32>
    %dot_general3A_22 = tpu.matmul %get3A_1, %get3A_1, %dot_general3A_21 {dimension_numbers = #tpu.dot_dimension_numbers<[1], [1], [0], [0], [0, 0, 1, 0], [], []>, transpose_lhs_hint = false} : vector<1024x3xf32>, vector<1024x3xf32>, vector<1024x1024xf32> -> vector<1024x1024xf32>
    %add3A_23 = vector.broadcast %add3A_6 : vector<1024x1xf32> to vector<1024x1024xf32>
    %add3A_24 = vector.broadcast %add3A_20 : vector<1x1024xf32> to vector<1024x1024xf32>
    %add3A_25 = arith.addf %add3A_23, %add3A_24 : vector<1024x1024xf32>
    %mul3A_26 = arith.constant 2.000000e+00 : f32
    %mul3A_27 = vector.broadcast %mul3A_26 : f32 to vector<1024x1024xf32>
    %mul3A_28 = arith.mulf %mul3A_27, %dot_general3A_22 : vector<1024x1024xf32>
    %sub3A = arith.subf %add3A_25, %mul3A_28 : vector<1024x1024xf32>
    %swap3A = arith.constant 0 : index
    %swap3A_29 = arith.constant 0 : index
    %swap3A_30 = vector.load %arg1[%swap3A, %swap3A_29] : memref<1024x1024xf32, #tpu.memory_space<vmem>>, vector<1024x1024xf32>
    tpu.vector_store %arg1[%swap3A, %swap3A_29], %sub3A {strides = array<i32>} : memref<1024x1024xf32, #tpu.memory_space<vmem>>, vector<1024x1024xf32>,
    %iota3A_31 = tpu.iota {dimensions = array<i32: 1>} : vector<1024x1024xi32>
    %iota3A_32 = tpu.iota {dimensions = array<i32: 1>} : vector<1024x32xi32>
    %neg3A = arith.constant 0.000000e+00 : f32
    %neg3A_33 = vector.broadcast %neg3A : f32 to vector<1024x1024xf32>
    %neg3A_34 = arith.subf %neg3A_33, %sub3A : vector<1024x1024xf32>
    %broadcast_in_dim3A = arith.constant 0 : i32
    %broadcast_in_dim3A_35 = vector.broadcast %broadcast_in_dim3A : i32 to vector<1024x32xi32>
    %scan3A = arith.constant 0 : i32
    %scan3A_36 = arith.constant 17 : i32
    %scan3A_37 = arith.addi %scan3A, %scan3A_36 : i32
    %scan3A_38 = arith.constant 1 : i32
    %scan3A_39:2 = scf.for %scan3A_44 = %scan3A to %scan3A_37 step %scan3A_38 iter_args(%scan3A_45 = %neg3A_34, %scan3A_46 = %broadcast_in_dim3A_35) -> (vector<1024x1024xf32>, vector<1024x32xi32>)  : i32 {
      %reduce_max3A = arith.constant dense<0xFF800000> : vector<1024xf32>
      %reduce_max3A_47 = vector.multi_reduction <maximumf>, %scan3A_45, %reduce_max3A [1] : vector<1024x1024xf32> to vector<1024xf32>
      %broadcast_in_dim3A_48 = vector.shape_cast %reduce_max3A_47 : vector<1024xf32> to vector<1024x1xf32>
      %eq3A_49 = vector.broadcast %broadcast_in_dim3A_48 : vector<1024x1xf32> to vector<1024x1024xf32>
      %eq3A_50 = arith.cmpf oeq, %scan3A_45, %eq3A_49 : vector<1024x1024xf32>
      %jit3A = arith.constant 1073741824 : i32
      %broadcast_in_dim3A_51 = vector.broadcast %jit3A : i32 to vector<1024x1024xi32>
      %select_n3A = arith.select %eq3A_50, %iota3A_31, %broadcast_in_dim3A_51 : vector<1024x1024xi1>, vector<1024x1024xi32>
      %reduce_min3A = arith.constant dense<2147483647> : vector<1024xi32>
      %reduce_min3A_52 = vector.multi_reduction <minsi>, %select_n3A, %reduce_min3A [1] : vector<1024x1024xi32> to vector<1024xi32>
      %broadcast_in_dim3A_53 = vector.shape_cast %reduce_min3A_52 : vector<1024xi32> to vector<1024x1xi32>
      %eq3A_54 = vector.broadcast %scan3A_44 : i32 to vector<1024x32xi32>
      %eq3A_55 = arith.cmpi eq, %iota3A_32, %eq3A_54 : vector<1024x32xi32>
      %broadcast_in_dim3A_56 = vector.shape_cast %broadcast_in_dim3A_53 : vector<1024x1xi32> to vector<1024x1xi32>
      %broadcast_in_dim3A_57 = vector.broadcast %broadcast_in_dim3A_56 : vector<1024x1xi32> to vector<1024x32xi32>
      %select_n3A_58 = arith.select %eq3A_55, %broadcast_in_dim3A_57, %scan3A_46 : vector<1024x32xi1>, vector<1024x32xi32>
      %eq3A_59 = vector.broadcast %broadcast_in_dim3A_53 : vector<1024x1xi32> to vector<1024x1024xi32>
      %eq3A_60 = arith.cmpi eq, %iota3A_31, %eq3A_59 : vector<1024x1024xi32>
      %jit3A_61 = arith.constant -1.000000e+30 : f32
      %broadcast_in_dim3A_62 = vector.broadcast %jit3A_61 : f32 to vector<1024x1024xf32>
      %select_n3A_63 = arith.select %eq3A_60, %broadcast_in_dim3A_62, %scan3A_45 : vector<1024x1024xi1>, vector<1024x1024xf32>
      scf.yield %select_n3A_63, %select_n3A_58 : vector<1024x1024xf32>, vector<1024x32xi32>
    }
    %scan3A_40 = arith.constant 17 : i32
    %swap3A_41 = arith.constant 0 : index
    %swap3A_42 = arith.constant 0 : index
    %swap3A_43 = vector.load %arg2[%swap3A_41, %swap3A_42] : memref<1024x32xi32, #tpu.memory_space<vmem>>, vector<1024x32xi32>
    tpu.vector_store %arg2[%swap3A_41, %swap3A_42], %scan3A_39#1 {strides = array<i32>} : memref<1024x32xi32, #tpu.memory_space<vmem>>, vector<1024x32xi32>,
    return
  }
}

module attributes {stable_mosaic.version = 14 : i64} {
  func.func @_seeds_body(%arg0: memref<1x1024xf32, #tpu.memory_space<vmem>>, %arg1: memref<1x1024xf32, #tpu.memory_space<vmem>>, %arg2: memref<1x1024xf32, #tpu.memory_space<vmem>>, %arg3: memref<1x64xi32, #tpu.memory_space<vmem>>) attributes {dimension_semantics = [], scalar_prefetch = 0 : i64, scratch_operands = 0 : i64, tpu.core_type = #tpu.core_type<tc>} {
    %get3A = arith.constant 0 : index
    %get3A_0 = arith.constant 0 : index
    %get3A_1 = vector.load %arg0[%get3A, %get3A_0] : memref<1x1024xf32, #tpu.memory_space<vmem>>, vector<1x1024xf32>
    %get3A_2 = arith.constant 0 : index
    %get3A_3 = arith.constant 0 : index
    %get3A_4 = vector.load %arg1[%get3A_2, %get3A_3] : memref<1x1024xf32, #tpu.memory_space<vmem>>, vector<1x1024xf32>
    %mul3A = arith.mulf %get3A_4, %get3A_1 : vector<1x1024xf32>
    %swap3A = arith.constant 0 : index
    %swap3A_5 = arith.constant 0 : index
    %swap3A_6 = vector.load %arg2[%swap3A, %swap3A_5] : memref<1x1024xf32, #tpu.memory_space<vmem>>, vector<1x1024xf32>
    tpu.vector_store %arg2[%swap3A, %swap3A_5], %mul3A {strides = array<i32>} : memref<1x1024xf32, #tpu.memory_space<vmem>>, vector<1x1024xf32>,
    %reduce_max3A = arith.constant dense<0xFF800000> : vector<1xf32>
    %reduce_max3A_7 = vector.multi_reduction <maximumf>, %get3A_1, %reduce_max3A [1] : vector<1x1024xf32> to vector<1xf32>
    %broadcast_in_dim3A = vector.shape_cast %reduce_max3A_7 : vector<1xf32> to vector<1x1xf32>
    %mul3A_8 = arith.constant 5.000000e-01 : f32
    %mul3A_9 = vector.broadcast %mul3A_8 : f32 to vector<1x1xf32>
    %mul3A_10 = arith.mulf %broadcast_in_dim3A, %mul3A_9 : vector<1x1xf32>
    %lt3A = vector.broadcast %mul3A_10 : vector<1x1xf32> to vector<1x1024xf32>
    %lt3A_11 = arith.cmpf olt, %get3A_1, %lt3A : vector<1x1024xf32>
    %jit3A = arith.constant 0.000000e+00 : f32
    %broadcast_in_dim3A_12 = vector.broadcast %jit3A : f32 to vector<1x1024xf32>
    %select_n3A = arith.select %lt3A_11, %mul3A, %broadcast_in_dim3A_12 : vector<1x1024xi1>, vector<1x1024xf32>
    %iota3A = tpu.iota {dimensions = array<i32: 1>} : vector<1x1024xi32>
    %iota3A_13 = tpu.iota {dimensions = array<i32: 1>} : vector<1x64xi32>
    %broadcast_in_dim3A_14 = arith.constant 0 : i32
    %broadcast_in_dim3A_15 = vector.broadcast %broadcast_in_dim3A_14 : i32 to vector<1x64xi32>
    %scan3A = arith.constant 0 : i32
    %scan3A_16 = arith.constant 64 : i32
    %scan3A_17 = arith.addi %scan3A, %scan3A_16 : i32
    %scan3A_18 = arith.constant 1 : i32
    %scan3A_19:2 = scf.for %scan3A_24 = %scan3A to %scan3A_17 step %scan3A_18 iter_args(%scan3A_25 = %select_n3A, %scan3A_26 = %broadcast_in_dim3A_15) -> (vector<1x1024xf32>, vector<1x64xi32>)  : i32 {
      %reduce_max3A_27 = arith.constant dense<0xFF800000> : vector<1xf32>
      %reduce_max3A_28 = vector.multi_reduction <maximumf>, %scan3A_25, %reduce_max3A_27 [1] : vector<1x1024xf32> to vector<1xf32>
      %broadcast_in_dim3A_29 = vector.shape_cast %reduce_max3A_28 : vector<1xf32> to vector<1x1xf32>
      %eq3A = vector.broadcast %broadcast_in_dim3A_29 : vector<1x1xf32> to vector<1x1024xf32>
      %eq3A_30 = arith.cmpf oeq, %scan3A_25, %eq3A : vector<1x1024xf32>
      %jit3A_31 = arith.constant 1073741824 : i32
      %broadcast_in_dim3A_32 = vector.broadcast %jit3A_31 : i32 to vector<1x1024xi32>
      %select_n3A_33 = arith.select %eq3A_30, %iota3A, %broadcast_in_dim3A_32 : vector<1x1024xi1>, vector<1x1024xi32>
      %reduce_min3A = arith.constant dense<2147483647> : vector<1xi32>
      %reduce_min3A_34 = vector.multi_reduction <minsi>, %select_n3A_33, %reduce_min3A [1] : vector<1x1024xi32> to vector<1xi32>
      %broadcast_in_dim3A_35 = vector.shape_cast %reduce_min3A_34 : vector<1xi32> to vector<1x1xi32>
      %eq3A_36 = vector.broadcast %scan3A_24 : i32 to vector<1x64xi32>
      %eq3A_37 = arith.cmpi eq, %iota3A_13, %eq3A_36 : vector<1x64xi32>
      %broadcast_in_dim3A_38 = vector.shape_cast %broadcast_in_dim3A_35 : vector<1x1xi32> to vector<1x1xi32>
      %broadcast_in_dim3A_39 = vector.broadcast %broadcast_in_dim3A_38 : vector<1x1xi32> to vector<1x64xi32>
      %select_n3A_40 = arith.select %eq3A_37, %broadcast_in_dim3A_39, %scan3A_26 : vector<1x64xi1>, vector<1x64xi32>
      %eq3A_41 = vector.broadcast %broadcast_in_dim3A_35 : vector<1x1xi32> to vector<1x1024xi32>
      %eq3A_42 = arith.cmpi eq, %iota3A, %eq3A_41 : vector<1x1024xi32>
      %jit3A_43 = arith.constant -1.000000e+00 : f32
      %broadcast_in_dim3A_44 = vector.broadcast %jit3A_43 : f32 to vector<1x1024xf32>
      %select_n3A_45 = arith.select %eq3A_42, %broadcast_in_dim3A_44, %scan3A_25 : vector<1x1024xi1>, vector<1x1024xf32>
      scf.yield %select_n3A_45, %select_n3A_40 : vector<1x1024xf32>, vector<1x64xi32>
    }
    %scan3A_20 = arith.constant 64 : i32
    %swap3A_21 = arith.constant 0 : index
    %swap3A_22 = arith.constant 0 : index
    %swap3A_23 = vector.load %arg3[%swap3A_21, %swap3A_22] : memref<1x64xi32, #tpu.memory_space<vmem>>, vector<1x64xi32>
    tpu.vector_store %arg3[%swap3A_21, %swap3A_22], %scan3A_19#1 {strides = array<i32>} : memref<1x64xi32, #tpu.memory_space<vmem>>, vector<1x64xi32>,
    return
  }
}

module attributes {stable_mosaic.version = 14 : i64} {
  func.func @_caa_body(%arg0: memref<1024x256xf32, #tpu.memory_space<vmem>>, %arg1: memref<1x64xi32, #tpu.memory_space<smem>>, %arg2: memref<256x256xf32, #tpu.memory_space<vmem>>, %arg3: memref<1x256xf32, #tpu.memory_space<vmem>>, %arg4: memref<256x256xf32, #tpu.memory_space<vmem>>, %arg5: memref<1x256xf32, #tpu.memory_space<vmem>>, %arg6: memref<256x256xf32, #tpu.memory_space<vmem>>, %arg7: memref<1x256xf32, #tpu.memory_space<vmem>>, %arg8: memref<256x256xf32, #tpu.memory_space<vmem>>, %arg9: memref<1x256xf32, #tpu.memory_space<vmem>>, %arg10: memref<1x256xf32, #tpu.memory_space<vmem>>, %arg11: memref<1x256xf32, #tpu.memory_space<vmem>>, %arg12: memref<256x512xf32, #tpu.memory_space<vmem>>, %arg13: memref<1x512xf32, #tpu.memory_space<vmem>>, %arg14: memref<512x256xf32, #tpu.memory_space<vmem>>, %arg15: memref<1x256xf32, #tpu.memory_space<vmem>>, %arg16: memref<1x256xf32, #tpu.memory_space<vmem>>, %arg17: memref<1x256xf32, #tpu.memory_space<vmem>>, %arg18: memref<1024x256xf32, #tpu.memory_space<vmem>>, %arg19: memref<64x256xf32, #tpu.memory_space<vmem>>) attributes {dimension_semantics = [], scalar_prefetch = 0 : i64, scratch_operands = 1 : i64, tpu.core_type = #tpu.core_type<tc>} {
    %scan3A = arith.constant 0 : i32
    %scan3A_0 = arith.constant 64 : i32
    %scan3A_1 = arith.addi %scan3A, %scan3A_0 : i32
    %scan3A_2 = arith.constant 1 : i32
    scf.for %scan3A_213 = %scan3A to %scan3A_1 step %scan3A_2  : i32 {
      %get3A_214 = arith.constant 0 : index
      %get3A_215 = arith.index_cast %scan3A_213 : i32 to index
      %get3A_216 = memref.load %arg1[%get3A_214, %get3A_215] : memref<1x64xi32, #tpu.memory_space<smem>>
      %get3A_217 = arith.index_cast %get3A_216 : i32 to index
      %get3A_218 = arith.constant 0 : index
      %get3A_219 = vector.load %arg0[%get3A_217, %get3A_218] : memref<1024x256xf32, #tpu.memory_space<vmem>>, vector<1x256xf32>
      %swap3A_220 = arith.index_cast %scan3A_213 : i32 to index
      %swap3A_221 = arith.constant 0 : index
      %swap3A_222 = vector.load %arg19[%swap3A_220, %swap3A_221] : memref<64x256xf32, #tpu.memory_space<vmem>>, vector<1x256xf32>
      tpu.vector_store %arg19[%swap3A_220, %swap3A_221], %get3A_219 {strides = array<i32>} : memref<64x256xf32, #tpu.memory_space<vmem>>, vector<1x256xf32>,
    }
    %scan3A_3 = arith.constant 64 : i32
    %get3A = arith.constant 0 : index
    %get3A_4 = arith.constant 0 : index
    %get3A_5 = vector.load %arg0[%get3A, %get3A_4] : memref<1024x256xf32, #tpu.memory_space<vmem>>, vector<1024x256xf32>
    %get3A_6 = arith.constant 0 : index
    %get3A_7 = arith.constant 0 : index
    %get3A_8 = vector.load %arg19[%get3A_6, %get3A_7] : memref<64x256xf32, #tpu.memory_space<vmem>>, vector<64x256xf32>
    %get3A_9 = arith.constant 0 : index
    %get3A_10 = arith.constant 0 : index
    %get3A_11 = vector.load %arg2[%get3A_9, %get3A_10] : memref<256x256xf32, #tpu.memory_space<vmem>>, vector<256x256xf32>
    %dot_general3A = arith.constant dense<0.000000e+00> : vector<1024x256xf32>
    %dot_general3A_12 = tpu.matmul %get3A_5, %get3A_11, %dot_general3A {dimension_numbers = #tpu.dot_dimension_numbers<[1], [0], [0], [1], [0, 0, 1, 1], [], []>, transpose_lhs_hint = false} : vector<1024x256xf32>, vector<256x256xf32>, vector<1024x256xf32> -> vector<1024x256xf32>
    %get3A_13 = arith.constant 0 : index
    %get3A_14 = arith.constant 0 : index
    %get3A_15 = vector.load %arg3[%get3A_13, %get3A_14] : memref<1x256xf32, #tpu.memory_space<vmem>>, vector<1x256xf32>
    %add3A = vector.broadcast %get3A_15 : vector<1x256xf32> to vector<1024x256xf32>
    %add3A_16 = arith.addf %dot_general3A_12, %add3A : vector<1024x256xf32>
    %get3A_17 = arith.constant 0 : index
    %get3A_18 = arith.constant 0 : index
    %get3A_19 = vector.load %arg4[%get3A_17, %get3A_18] : memref<256x256xf32, #tpu.memory_space<vmem>>, vector<256x256xf32>
    %dot_general3A_20 = arith.constant dense<0.000000e+00> : vector<64x256xf32>
    %dot_general3A_21 = tpu.matmul %get3A_8, %get3A_19, %dot_general3A_20 {dimension_numbers = #tpu.dot_dimension_numbers<[1], [0], [0], [1], [0, 0, 1, 1], [], []>, transpose_lhs_hint = false} : vector<64x256xf32>, vector<256x256xf32>, vector<64x256xf32> -> vector<64x256xf32>
    %get3A_22 = arith.constant 0 : index
    %get3A_23 = arith.constant 0 : index
    %get3A_24 = vector.load %arg5[%get3A_22, %get3A_23] : memref<1x256xf32, #tpu.memory_space<vmem>>, vector<1x256xf32>
    %add3A_25 = vector.broadcast %get3A_24 : vector<1x256xf32> to vector<64x256xf32>
    %add3A_26 = arith.addf %dot_general3A_21, %add3A_25 : vector<64x256xf32>
    %get3A_27 = arith.constant 0 : index
    %get3A_28 = arith.constant 0 : index
    %get3A_29 = vector.load %arg6[%get3A_27, %get3A_28] : memref<256x256xf32, #tpu.memory_space<vmem>>, vector<256x256xf32>
    %dot_general3A_30 = arith.constant dense<0.000000e+00> : vector<64x256xf32>
    %dot_general3A_31 = tpu.matmul %get3A_8, %get3A_29, %dot_general3A_30 {dimension_numbers = #tpu.dot_dimension_numbers<[1], [0], [0], [1], [0, 0, 1, 1], [], []>, transpose_lhs_hint = false} : vector<64x256xf32>, vector<256x256xf32>, vector<64x256xf32> -> vector<64x256xf32>
    %get3A_32 = arith.constant 0 : index
    %get3A_33 = arith.constant 0 : index
    %get3A_34 = vector.load %arg7[%get3A_32, %get3A_33] : memref<1x256xf32, #tpu.memory_space<vmem>>, vector<1x256xf32>
    %add3A_35 = vector.broadcast %get3A_34 : vector<1x256xf32> to vector<64x256xf32>
    %add3A_36 = arith.addf %dot_general3A_31, %add3A_35 : vector<64x256xf32>
    %slice3A = vector.extract_strided_slice %add3A_16 {offsets = [0, 0], sizes = [1024, 64], strides = [1, 1]} : vector<1024x256xf32> to vector<1024x64xf32>
    %slice3A_37 = vector.extract_strided_slice %add3A_26 {offsets = [0, 0], sizes = [64, 64], strides = [1, 1]} : vector<64x256xf32> to vector<64x64xf32>
    %dot_general3A_38 = arith.constant dense<0.000000e+00> : vector<1024x64xf32>
    %dot_general3A_39 = tpu.matmul %slice3A, %slice3A_37, %dot_general3A_38 {dimension_numbers = #tpu.dot_dimension_numbers<[1], [1], [0], [0], [0, 0, 1, 0], [], []>, precision = #tpu.contract_precision<fp32>, transpose_lhs_hint = false} : vector<1024x64xf32>, vector<64x64xf32>, vector<1024x64xf32> -> vector<1024x64xf32>
    %div3A = arith.constant 8.000000e+00 : f32
    %div3A_40 = vector.broadcast %div3A : f32 to vector<1024x64xf32>
    %div3A_41 = arith.divf %dot_general3A_39, %div3A_40 : vector<1024x64xf32>
    %reduce_max3A = arith.constant dense<0xFF800000> : vector<1024xf32>
    %reduce_max3A_42 = vector.multi_reduction <maximumf>, %div3A_41, %reduce_max3A [1] : vector<1024x64xf32> to vector<1024xf32>
    %broadcast_in_dim3A = vector.shape_cast %reduce_max3A_42 : vector<1024xf32> to vector<1024x1xf32>
    %sub3A = vector.broadcast %broadcast_in_dim3A : vector<1024x1xf32> to vector<1024x64xf32>
    %sub3A_43 = arith.subf %div3A_41, %sub3A : vector<1024x64xf32>
    %exp3A = math.exp %sub3A_43 : vector<1024x64xf32>
    %reduce_sum3A = arith.constant dense<0.000000e+00> : vector<1024xf32>
    %reduce_sum3A_44 = vector.multi_reduction <add>, %exp3A, %reduce_sum3A [1] : vector<1024x64xf32> to vector<1024xf32>
    %broadcast_in_dim3A_45 = vector.shape_cast %reduce_sum3A_44 : vector<1024xf32> to vector<1024x1xf32>
    %div3A_46 = vector.broadcast %broadcast_in_dim3A_45 : vector<1024x1xf32> to vector<1024x64xf32>
    %div3A_47 = arith.divf %exp3A, %div3A_46 : vector<1024x64xf32>
    %slice3A_48 = vector.extract_strided_slice %add3A_36 {offsets = [0, 0], sizes = [64, 64], strides = [1, 1]} : vector<64x256xf32> to vector<64x64xf32>
    %dot_general3A_49 = arith.constant dense<0.000000e+00> : vector<1024x64xf32>
    %dot_general3A_50 = tpu.matmul %div3A_47, %slice3A_48, %dot_general3A_49 {dimension_numbers = #tpu.dot_dimension_numbers<[1], [0], [0], [1], [0, 0, 1, 1], [], []>, precision = #tpu.contract_precision<fp32>, transpose_lhs_hint = false} : vector<1024x64xf32>, vector<64x64xf32>, vector<1024x64xf32> -> vector<1024x64xf32>
    %slice3A_51 = vector.extract_strided_slice %add3A_16 {offsets = [0, 64], sizes = [1024, 64], strides = [1, 1]} : vector<1024x256xf32> to vector<1024x64xf32>
    %slice3A_52 = vector.extract_strided_slice %add3A_26 {offsets = [0, 64], sizes = [64, 64], strides = [1, 1]} : vector<64x256xf32> to vector<64x64xf32>
    %dot_general3A_53 = arith.constant dense<0.000000e+00> : vector<1024x64xf32>
    %dot_general3A_54 = tpu.matmul %slice3A_51, %slice3A_52, %dot_general3A_53 {dimension_numbers = #tpu.dot_dimension_numbers<[1], [1], [0], [0], [0, 0, 1, 0], [], []>, precision = #tpu.contract_precision<fp32>, transpose_lhs_hint = false} : vector<1024x64xf32>, vector<64x64xf32>, vector<1024x64xf32> -> vector<1024x64xf32>
    %div3A_55 = arith.constant 8.000000e+00 : f32
    %div3A_56 = vector.broadcast %div3A_55 : f32 to vector<1024x64xf32>
    %div3A_57 = arith.divf %dot_general3A_54, %div3A_56 : vector<1024x64xf32>
    %reduce_max3A_58 = arith.constant dense<0xFF800000> : vector<1024xf32>
    %reduce_max3A_59 = vector.multi_reduction <maximumf>, %div3A_57, %reduce_max3A_58 [1] : vector<1024x64xf32> to vector<1024xf32>
    %broadcast_in_dim3A_60 = vector.shape_cast %reduce_max3A_59 : vector<1024xf32> to vector<1024x1xf32>
    %sub3A_61 = vector.broadcast %broadcast_in_dim3A_60 : vector<1024x1xf32> to vector<1024x64xf32>
    %sub3A_62 = arith.subf %div3A_57, %sub3A_61 : vector<1024x64xf32>
    %exp3A_63 = math.exp %sub3A_62 : vector<1024x64xf32>
    %reduce_sum3A_64 = arith.constant dense<0.000000e+00> : vector<1024xf32>
    %reduce_sum3A_65 = vector.multi_reduction <add>, %exp3A_63, %reduce_sum3A_64 [1] : vector<1024x64xf32> to vector<1024xf32>
    %broadcast_in_dim3A_66 = vector.shape_cast %reduce_sum3A_65 : vector<1024xf32> to vector<1024x1xf32>
    %div3A_67 = vector.broadcast %broadcast_in_dim3A_66 : vector<1024x1xf32> to vector<1024x64xf32>
    %div3A_68 = arith.divf %exp3A_63, %div3A_67 : vector<1024x64xf32>
    %slice3A_69 = vector.extract_strided_slice %add3A_36 {offsets = [0, 64], sizes = [64, 64], strides = [1, 1]} : vector<64x256xf32> to vector<64x64xf32>
    %dot_general3A_70 = arith.constant dense<0.000000e+00> : vector<1024x64xf32>
    %dot_general3A_71 = tpu.matmul %div3A_68, %slice3A_69, %dot_general3A_70 {dimension_numbers = #tpu.dot_dimension_numbers<[1], [0], [0], [1], [0, 0, 1, 1], [], []>, precision = #tpu.contract_precision<fp32>, transpose_lhs_hint = false} : vector<1024x64xf32>, vector<64x64xf32>, vector<1024x64xf32> -> vector<1024x64xf32>
    %slice3A_72 = vector.extract_strided_slice %add3A_16 {offsets = [0, 128], sizes = [1024, 64], strides = [1, 1]} : vector<1024x256xf32> to vector<1024x64xf32>
    %slice3A_73 = vector.extract_strided_slice %add3A_26 {offsets = [0, 128], sizes = [64, 64], strides = [1, 1]} : vector<64x256xf32> to vector<64x64xf32>
    %dot_general3A_74 = arith.constant dense<0.000000e+00> : vector<1024x64xf32>
    %dot_general3A_75 = tpu.matmul %slice3A_72, %slice3A_73, %dot_general3A_74 {dimension_numbers = #tpu.dot_dimension_numbers<[1], [1], [0], [0], [0, 0, 1, 0], [], []>, precision = #tpu.contract_precision<fp32>, transpose_lhs_hint = false} : vector<1024x64xf32>, vector<64x64xf32>, vector<1024x64xf32> -> vector<1024x64xf32>
    %div3A_76 = arith.constant 8.000000e+00 : f32
    %div3A_77 = vector.broadcast %div3A_76 : f32 to vector<1024x64xf32>
    %div3A_78 = arith.divf %dot_general3A_75, %div3A_77 : vector<1024x64xf32>
    %reduce_max3A_79 = arith.constant dense<0xFF800000> : vector<1024xf32>
    %reduce_max3A_80 = vector.multi_reduction <maximumf>, %div3A_78, %reduce_max3A_79 [1] : vector<1024x64xf32> to vector<1024xf32>
    %broadcast_in_dim3A_81 = vector.shape_cast %reduce_max3A_80 : vector<1024xf32> to vector<1024x1xf32>
    %sub3A_82 = vector.broadcast %broadcast_in_dim3A_81 : vector<1024x1xf32> to vector<1024x64xf32>
    %sub3A_83 = arith.subf %div3A_78, %sub3A_82 : vector<1024x64xf32>
    %exp3A_84 = math.exp %sub3A_83 : vector<1024x64xf32>
    %reduce_sum3A_85 = arith.constant dense<0.000000e+00> : vector<1024xf32>
    %reduce_sum3A_86 = vector.multi_reduction <add>, %exp3A_84, %reduce_sum3A_85 [1] : vector<1024x64xf32> to vector<1024xf32>
    %broadcast_in_dim3A_87 = vector.shape_cast %reduce_sum3A_86 : vector<1024xf32> to vector<1024x1xf32>
    %div3A_88 = vector.broadcast %broadcast_in_dim3A_87 : vector<1024x1xf32> to vector<1024x64xf32>
    %div3A_89 = arith.divf %exp3A_84, %div3A_88 : vector<1024x64xf32>
    %slice3A_90 = vector.extract_strided_slice %add3A_36 {offsets = [0, 128], sizes = [64, 64], strides = [1, 1]} : vector<64x256xf32> to vector<64x64xf32>
    %dot_general3A_91 = arith.constant dense<0.000000e+00> : vector<1024x64xf32>
    %dot_general3A_92 = tpu.matmul %div3A_89, %slice3A_90, %dot_general3A_91 {dimension_numbers = #tpu.dot_dimension_numbers<[1], [0], [0], [1], [0, 0, 1, 1], [], []>, precision = #tpu.contract_precision<fp32>, transpose_lhs_hint = false} : vector<1024x64xf32>, vector<64x64xf32>, vector<1024x64xf32> -> vector<1024x64xf32>
    %slice3A_93 = vector.extract_strided_slice %add3A_16 {offsets = [0, 192], sizes = [1024, 64], strides = [1, 1]} : vector<1024x256xf32> to vector<1024x64xf32>
    %slice3A_94 = vector.extract_strided_slice %add3A_26 {offsets = [0, 192], sizes = [64, 64], strides = [1, 1]} : vector<64x256xf32> to vector<64x64xf32>
    %dot_general3A_95 = arith.constant dense<0.000000e+00> : vector<1024x64xf32>
    %dot_general3A_96 = tpu.matmul %slice3A_93, %slice3A_94, %dot_general3A_95 {dimension_numbers = #tpu.dot_dimension_numbers<[1], [1], [0], [0], [0, 0, 1, 0], [], []>, precision = #tpu.contract_precision<fp32>, transpose_lhs_hint = false} : vector<1024x64xf32>, vector<64x64xf32>, vector<1024x64xf32> -> vector<1024x64xf32>
    %div3A_97 = arith.constant 8.000000e+00 : f32
    %div3A_98 = vector.broadcast %div3A_97 : f32 to vector<1024x64xf32>
    %div3A_99 = arith.divf %dot_general3A_96, %div3A_98 : vector<1024x64xf32>
    %reduce_max3A_100 = arith.constant dense<0xFF800000> : vector<1024xf32>
    %reduce_max3A_101 = vector.multi_reduction <maximumf>, %div3A_99, %reduce_max3A_100 [1] : vector<1024x64xf32> to vector<1024xf32>
    %broadcast_in_dim3A_102 = vector.shape_cast %reduce_max3A_101 : vector<1024xf32> to vector<1024x1xf32>
    %sub3A_103 = vector.broadcast %broadcast_in_dim3A_102 : vector<1024x1xf32> to vector<1024x64xf32>
    %sub3A_104 = arith.subf %div3A_99, %sub3A_103 : vector<1024x64xf32>
    %exp3A_105 = math.exp %sub3A_104 : vector<1024x64xf32>
    %reduce_sum3A_106 = arith.constant dense<0.000000e+00> : vector<1024xf32>
    %reduce_sum3A_107 = vector.multi_reduction <add>, %exp3A_105, %reduce_sum3A_106 [1] : vector<1024x64xf32> to vector<1024xf32>
    %broadcast_in_dim3A_108 = vector.shape_cast %reduce_sum3A_107 : vector<1024xf32> to vector<1024x1xf32>
    %div3A_109 = vector.broadcast %broadcast_in_dim3A_108 : vector<1024x1xf32> to vector<1024x64xf32>
    %div3A_110 = arith.divf %exp3A_105, %div3A_109 : vector<1024x64xf32>
    %slice3A_111 = vector.extract_strided_slice %add3A_36 {offsets = [0, 192], sizes = [64, 64], strides = [1, 1]} : vector<64x256xf32> to vector<64x64xf32>
    %dot_general3A_112 = arith.constant dense<0.000000e+00> : vector<1024x64xf32>
    %dot_general3A_113 = tpu.matmul %div3A_110, %slice3A_111, %dot_general3A_112 {dimension_numbers = #tpu.dot_dimension_numbers<[1], [0], [0], [1], [0, 0, 1, 1], [], []>, precision = #tpu.contract_precision<fp32>, transpose_lhs_hint = false} : vector<1024x64xf32>, vector<64x64xf32>, vector<1024x64xf32> -> vector<1024x64xf32>
    %concatenate3A = tpu.concatenate %dot_general3A_50, %dot_general3A_71, %dot_general3A_92, %dot_general3A_113 in 1 : vector<1024x64xf32>, vector<1024x64xf32>, vector<1024x64xf32>, vector<1024x64xf32> -> vector<1024x256xf32>
    %get3A_114 = arith.constant 0 : index
    %get3A_115 = arith.constant 0 : index
    %get3A_116 = vector.load %arg8[%get3A_114, %get3A_115] : memref<256x256xf32, #tpu.memory_space<vmem>>, vector<256x256xf32>
    %dot_general3A_117 = arith.constant dense<0.000000e+00> : vector<1024x256xf32>
    %dot_general3A_118 = tpu.matmul %concatenate3A, %get3A_116, %dot_general3A_117 {dimension_numbers = #tpu.dot_dimension_numbers<[1], [0], [0], [1], [0, 0, 1, 1], [], []>, transpose_lhs_hint = false} : vector<1024x256xf32>, vector<256x256xf32>, vector<1024x256xf32> -> vector<1024x256xf32>
    %add3A_119 = arith.addf %get3A_5, %dot_general3A_118 : vector<1024x256xf32>
    %get3A_120 = arith.constant 0 : index
    %get3A_121 = arith.constant 0 : index
    %get3A_122 = vector.load %arg9[%get3A_120, %get3A_121] : memref<1x256xf32, #tpu.memory_space<vmem>>, vector<1x256xf32>
    %add3A_123 = vector.broadcast %get3A_122 : vector<1x256xf32> to vector<1024x256xf32>
    %add3A_124 = arith.addf %add3A_119, %add3A_123 : vector<1024x256xf32>
    %get3A_125 = arith.constant 0 : index
    %get3A_126 = arith.constant 0 : index
    %get3A_127 = vector.load %arg10[%get3A_125, %get3A_126] : memref<1x256xf32, #tpu.memory_space<vmem>>, vector<1x256xf32>
    %get3A_128 = arith.constant 0 : index
    %get3A_129 = arith.constant 0 : index
    %get3A_130 = vector.load %arg11[%get3A_128, %get3A_129] : memref<1x256xf32, #tpu.memory_space<vmem>>, vector<1x256xf32>
    %reduce_sum3A_131 = arith.constant dense<0.000000e+00> : vector<1024xf32>
    %reduce_sum3A_132 = vector.multi_reduction <add>, %add3A_124, %reduce_sum3A_131 [1] : vector<1024x256xf32> to vector<1024xf32>
    %broadcast_in_dim3A_133 = vector.shape_cast %reduce_sum3A_132 : vector<1024xf32> to vector<1024x1xf32>
    %div3A_134 = arith.constant 2.560000e+02 : f32
    %div3A_135 = vector.broadcast %div3A_134 : f32 to vector<1024x1xf32>
    %div3A_136 = arith.divf %broadcast_in_dim3A_133, %div3A_135 : vector<1024x1xf32>
    %sub3A_137 = vector.broadcast %div3A_136 : vector<1024x1xf32> to vector<1024x256xf32>
    %sub3A_138 = arith.subf %add3A_124, %sub3A_137 : vector<1024x256xf32>
    %integer_pow3A = arith.mulf %sub3A_138, %sub3A_138 : vector<1024x256xf32>
    %reduce_sum3A_139 = arith.constant dense<0.000000e+00> : vector<1024xf32>
    %reduce_sum3A_140 = vector.multi_reduction <add>, %integer_pow3A, %reduce_sum3A_139 [1] : vector<1024x256xf32> to vector<1024xf32>
    %broadcast_in_dim3A_141 = vector.shape_cast %reduce_sum3A_140 : vector<1024xf32> to vector<1024x1xf32>
    %div3A_142 = arith.constant 2.560000e+02 : f32
    %div3A_143 = vector.broadcast %div3A_142 : f32 to vector<1024x1xf32>
    %div3A_144 = arith.divf %broadcast_in_dim3A_141, %div3A_143 : vector<1024x1xf32>
    %sub3A_145 = vector.broadcast %div3A_136 : vector<1024x1xf32> to vector<1024x256xf32>
    %sub3A_146 = arith.subf %add3A_124, %sub3A_145 : vector<1024x256xf32>
    %add3A_147 = arith.constant 9.99999974E-6 : f32
    %add3A_148 = vector.broadcast %add3A_147 : f32 to vector<1024x1xf32>
    %add3A_149 = arith.addf %div3A_144, %add3A_148 : vector<1024x1xf32>
    %sqrt3A = math.sqrt %add3A_149 : vector<1024x1xf32>
    %div3A_150 = vector.broadcast %sqrt3A : vector<1024x1xf32> to vector<1024x256xf32>
    %div3A_151 = arith.divf %sub3A_146, %div3A_150 : vector<1024x256xf32>
    %mul3A = vector.broadcast %get3A_127 : vector<1x256xf32> to vector<1024x256xf32>
    %mul3A_152 = arith.mulf %div3A_151, %mul3A : vector<1024x256xf32>
    %add3A_153 = vector.broadcast %get3A_130 : vector<1x256xf32> to vector<1024x256xf32>
    %add3A_154 = arith.addf %mul3A_152, %add3A_153 : vector<1024x256xf32>
    %get3A_155 = arith.constant 0 : index
    %get3A_156 = arith.constant 0 : index
    %get3A_157 = vector.load %arg12[%get3A_155, %get3A_156] : memref<256x512xf32, #tpu.memory_space<vmem>>, vector<256x512xf32>
    %dot_general3A_158 = arith.constant dense<0.000000e+00> : vector<1024x512xf32>
    %dot_general3A_159 = tpu.matmul %add3A_154, %get3A_157, %dot_general3A_158 {dimension_numbers = #tpu.dot_dimension_numbers<[1], [0], [0], [1], [0, 0, 1, 1], [], []>, transpose_lhs_hint = false} : vector<1024x256xf32>, vector<256x512xf32>, vector<1024x512xf32> -> vector<1024x512xf32>
    %get3A_160 = arith.constant 0 : index
    %get3A_161 = arith.constant 0 : index
    %get3A_162 = vector.load %arg13[%get3A_160, %get3A_161] : memref<1x512xf32, #tpu.memory_space<vmem>>, vector<1x512xf32>
    %add3A_163 = vector.broadcast %get3A_162 : vector<1x512xf32> to vector<1024x512xf32>
    %add3A_164 = arith.addf %dot_general3A_159, %add3A_163 : vector<1024x512xf32>
    %max3A = arith.constant 0.000000e+00 : f32
    %max3A_165 = vector.broadcast %max3A : f32 to vector<1024x512xf32>
    %max3A_166 = arith.maximumf %add3A_164, %max3A_165 : vector<1024x512xf32>
    %get3A_167 = arith.constant 0 : index
    %get3A_168 = arith.constant 0 : index
    %get3A_169 = vector.load %arg14[%get3A_167, %get3A_168] : memref<512x256xf32, #tpu.memory_space<vmem>>, vector<512x256xf32>
    %dot_general3A_170 = arith.constant dense<0.000000e+00> : vector<1024x256xf32>
    %dot_general3A_171 = tpu.matmul %max3A_166, %get3A_169, %dot_general3A_170 {dimension_numbers = #tpu.dot_dimension_numbers<[1], [0], [0], [1], [0, 0, 1, 1], [], []>, transpose_lhs_hint = false} : vector<1024x512xf32>, vector<512x256xf32>, vector<1024x256xf32> -> vector<1024x256xf32>
    %add3A_172 = arith.addf %add3A_154, %dot_general3A_171 : vector<1024x256xf32>
    %get3A_173 = arith.constant 0 : index
    %get3A_174 = arith.constant 0 : index
    %get3A_175 = vector.load %arg15[%get3A_173, %get3A_174] : memref<1x256xf32, #tpu.memory_space<vmem>>, vector<1x256xf32>
    %add3A_176 = vector.broadcast %get3A_175 : vector<1x256xf32> to vector<1024x256xf32>
    %add3A_177 = arith.addf %add3A_172, %add3A_176 : vector<1024x256xf32>
    %get3A_178 = arith.constant 0 : index
    %get3A_179 = arith.constant 0 : index
    %get3A_180 = vector.load %arg16[%get3A_178, %get3A_179] : memref<1x256xf32, #tpu.memory_space<vmem>>, vector<1x256xf32>
    %get3A_181 = arith.constant 0 : index
    %get3A_182 = arith.constant 0 : index
    %get3A_183 = vector.load %arg17[%get3A_181, %get3A_182] : memref<1x256xf32, #tpu.memory_space<vmem>>, vector<1x256xf32>
    %reduce_sum3A_184 = arith.constant dense<0.000000e+00> : vector<1024xf32>
    %reduce_sum3A_185 = vector.multi_reduction <add>, %add3A_177, %reduce_sum3A_184 [1] : vector<1024x256xf32> to vector<1024xf32>
    %broadcast_in_dim3A_186 = vector.shape_cast %reduce_sum3A_185 : vector<1024xf32> to vector<1024x1xf32>
    %div3A_187 = arith.constant 2.560000e+02 : f32
    %div3A_188 = vector.broadcast %div3A_187 : f32 to vector<1024x1xf32>
    %div3A_189 = arith.divf %broadcast_in_dim3A_186, %div3A_188 : vector<1024x1xf32>
    %sub3A_190 = vector.broadcast %div3A_189 : vector<1024x1xf32> to vector<1024x256xf32>
    %sub3A_191 = arith.subf %add3A_177, %sub3A_190 : vector<1024x256xf32>
    %integer_pow3A_192 = arith.mulf %sub3A_191, %sub3A_191 : vector<1024x256xf32>
    %reduce_sum3A_193 = arith.constant dense<0.000000e+00> : vector<1024xf32>
    %reduce_sum3A_194 = vector.multi_reduction <add>, %integer_pow3A_192, %reduce_sum3A_193 [1] : vector<1024x256xf32> to vector<1024xf32>
    %broadcast_in_dim3A_195 = vector.shape_cast %reduce_sum3A_194 : vector<1024xf32> to vector<1024x1xf32>
    %div3A_196 = arith.constant 2.560000e+02 : f32
    %div3A_197 = vector.broadcast %div3A_196 : f32 to vector<1024x1xf32>
    %div3A_198 = arith.divf %broadcast_in_dim3A_195, %div3A_197 : vector<1024x1xf32>
    %sub3A_199 = vector.broadcast %div3A_189 : vector<1024x1xf32> to vector<1024x256xf32>
    %sub3A_200 = arith.subf %add3A_177, %sub3A_199 : vector<1024x256xf32>
    %add3A_201 = arith.constant 9.99999974E-6 : f32
    %add3A_202 = vector.broadcast %add3A_201 : f32 to vector<1024x1xf32>
    %add3A_203 = arith.addf %div3A_198, %add3A_202 : vector<1024x1xf32>
    %sqrt3A_204 = math.sqrt %add3A_203 : vector<1024x1xf32>
    %div3A_205 = vector.broadcast %sqrt3A_204 : vector<1024x1xf32> to vector<1024x256xf32>
    %div3A_206 = arith.divf %sub3A_200, %div3A_205 : vector<1024x256xf32>
    %mul3A_207 = vector.broadcast %get3A_180 : vector<1x256xf32> to vector<1024x256xf32>
    %mul3A_208 = arith.mulf %div3A_206, %mul3A_207 : vector<1024x256xf32>
    %add3A_209 = vector.broadcast %get3A_183 : vector<1x256xf32> to vector<1024x256xf32>
    %add3A_210 = arith.addf %mul3A_208, %add3A_209 : vector<1024x256xf32>
    %swap3A = arith.constant 0 : index
    %swap3A_211 = arith.constant 0 : index
    %swap3A_212 = vector.load %arg18[%swap3A, %swap3A_211] : memref<1024x256xf32, #tpu.memory_space<vmem>>, vector<1024x256xf32>
    tpu.vector_store %arg18[%swap3A, %swap3A_211], %add3A_210 {strides = array<i32>} : memref<1024x256xf32, #tpu.memory_space<vmem>>, vector<1024x256xf32>,
    return
  }
}

module attributes {stable_mosaic.version = 14 : i64} {
  func.func @_seeds_body(%arg0: memref<1x1024xf32, #tpu.memory_space<vmem>>, %arg1: memref<1x1024xf32, #tpu.memory_space<vmem>>, %arg2: memref<1x1024xf32, #tpu.memory_space<vmem>>, %arg3: memref<1x64xi32, #tpu.memory_space<vmem>>) attributes {dimension_semantics = [], scalar_prefetch = 0 : i64, scratch_operands = 0 : i64, tpu.core_type = #tpu.core_type<tc>} {
    %get3A = arith.constant 0 : index
    %get3A_0 = arith.constant 0 : index
    %get3A_1 = vector.load %arg0[%get3A, %get3A_0] : memref<1x1024xf32, #tpu.memory_space<vmem>>, vector<1x1024xf32>
    %get3A_2 = arith.constant 0 : index
    %get3A_3 = arith.constant 0 : index
    %get3A_4 = vector.load %arg1[%get3A_2, %get3A_3] : memref<1x1024xf32, #tpu.memory_space<vmem>>, vector<1x1024xf32>
    %mul3A = arith.mulf %get3A_4, %get3A_1 : vector<1x1024xf32>
    %swap3A = arith.constant 0 : index
    %swap3A_5 = arith.constant 0 : index
    %swap3A_6 = vector.load %arg2[%swap3A, %swap3A_5] : memref<1x1024xf32, #tpu.memory_space<vmem>>, vector<1x1024xf32>
    tpu.vector_store %arg2[%swap3A, %swap3A_5], %mul3A {strides = array<i32>} : memref<1x1024xf32, #tpu.memory_space<vmem>>, vector<1x1024xf32>,
    %reduce_max3A = arith.constant dense<0xFF800000> : vector<1xf32>
    %reduce_max3A_7 = vector.multi_reduction <maximumf>, %get3A_1, %reduce_max3A [1] : vector<1x1024xf32> to vector<1xf32>
    %broadcast_in_dim3A = vector.shape_cast %reduce_max3A_7 : vector<1xf32> to vector<1x1xf32>
    %mul3A_8 = arith.constant 5.000000e-01 : f32
    %mul3A_9 = vector.broadcast %mul3A_8 : f32 to vector<1x1xf32>
    %mul3A_10 = arith.mulf %broadcast_in_dim3A, %mul3A_9 : vector<1x1xf32>
    %lt3A = vector.broadcast %mul3A_10 : vector<1x1xf32> to vector<1x1024xf32>
    %lt3A_11 = arith.cmpf olt, %get3A_1, %lt3A : vector<1x1024xf32>
    %jit3A = arith.constant 0.000000e+00 : f32
    %broadcast_in_dim3A_12 = vector.broadcast %jit3A : f32 to vector<1x1024xf32>
    %select_n3A = arith.select %lt3A_11, %mul3A, %broadcast_in_dim3A_12 : vector<1x1024xi1>, vector<1x1024xf32>
    %iota3A = tpu.iota {dimensions = array<i32: 1>} : vector<1x1024xi32>
    %iota3A_13 = tpu.iota {dimensions = array<i32: 1>} : vector<1x64xi32>
    %broadcast_in_dim3A_14 = arith.constant 0 : i32
    %broadcast_in_dim3A_15 = vector.broadcast %broadcast_in_dim3A_14 : i32 to vector<1x64xi32>
    %scan3A = arith.constant 0 : i32
    %scan3A_16 = arith.constant 64 : i32
    %scan3A_17 = arith.addi %scan3A, %scan3A_16 : i32
    %scan3A_18 = arith.constant 1 : i32
    %scan3A_19:2 = scf.for %scan3A_24 = %scan3A to %scan3A_17 step %scan3A_18 iter_args(%scan3A_25 = %select_n3A, %scan3A_26 = %broadcast_in_dim3A_15) -> (vector<1x1024xf32>, vector<1x64xi32>)  : i32 {
      %reduce_max3A_27 = arith.constant dense<0xFF800000> : vector<1xf32>
      %reduce_max3A_28 = vector.multi_reduction <maximumf>, %scan3A_25, %reduce_max3A_27 [1] : vector<1x1024xf32> to vector<1xf32>
      %broadcast_in_dim3A_29 = vector.shape_cast %reduce_max3A_28 : vector<1xf32> to vector<1x1xf32>
      %eq3A = vector.broadcast %broadcast_in_dim3A_29 : vector<1x1xf32> to vector<1x1024xf32>
      %eq3A_30 = arith.cmpf oeq, %scan3A_25, %eq3A : vector<1x1024xf32>
      %jit3A_31 = arith.constant 1073741824 : i32
      %broadcast_in_dim3A_32 = vector.broadcast %jit3A_31 : i32 to vector<1x1024xi32>
      %select_n3A_33 = arith.select %eq3A_30, %iota3A, %broadcast_in_dim3A_32 : vector<1x1024xi1>, vector<1x1024xi32>
      %reduce_min3A = arith.constant dense<2147483647> : vector<1xi32>
      %reduce_min3A_34 = vector.multi_reduction <minsi>, %select_n3A_33, %reduce_min3A [1] : vector<1x1024xi32> to vector<1xi32>
      %broadcast_in_dim3A_35 = vector.shape_cast %reduce_min3A_34 : vector<1xi32> to vector<1x1xi32>
      %eq3A_36 = vector.broadcast %scan3A_24 : i32 to vector<1x64xi32>
      %eq3A_37 = arith.cmpi eq, %iota3A_13, %eq3A_36 : vector<1x64xi32>
      %broadcast_in_dim3A_38 = vector.shape_cast %broadcast_in_dim3A_35 : vector<1x1xi32> to vector<1x1xi32>
      %broadcast_in_dim3A_39 = vector.broadcast %broadcast_in_dim3A_38 : vector<1x1xi32> to vector<1x64xi32>
      %select_n3A_40 = arith.select %eq3A_37, %broadcast_in_dim3A_39, %scan3A_26 : vector<1x64xi1>, vector<1x64xi32>
      %eq3A_41 = vector.broadcast %broadcast_in_dim3A_35 : vector<1x1xi32> to vector<1x1024xi32>
      %eq3A_42 = arith.cmpi eq, %iota3A, %eq3A_41 : vector<1x1024xi32>
      %jit3A_43 = arith.constant -1.000000e+00 : f32
      %broadcast_in_dim3A_44 = vector.broadcast %jit3A_43 : f32 to vector<1x1024xf32>
      %select_n3A_45 = arith.select %eq3A_42, %broadcast_in_dim3A_44, %scan3A_25 : vector<1x1024xi1>, vector<1x1024xf32>
      scf.yield %select_n3A_45, %select_n3A_40 : vector<1x1024xf32>, vector<1x64xi32>
    }
    %scan3A_20 = arith.constant 64 : i32
    %swap3A_21 = arith.constant 0 : index
    %swap3A_22 = arith.constant 0 : index
    %swap3A_23 = vector.load %arg3[%swap3A_21, %swap3A_22] : memref<1x64xi32, #tpu.memory_space<vmem>>, vector<1x64xi32>
    tpu.vector_store %arg3[%swap3A_21, %swap3A_22], %scan3A_19#1 {strides = array<i32>} : memref<1x64xi32, #tpu.memory_space<vmem>>, vector<1x64xi32>,
    return
  }
}

module attributes {stable_mosaic.version = 14 : i64} {
  func.func @_sga_body(%arg0: memref<1024x256xf32, #tpu.memory_space<vmem>>, %arg1: memref<1024x256xf32, #tpu.memory_space<vmem>>, %arg2: memref<1024x1024xf32, #tpu.memory_space<vmem>>, %arg3: memref<256x256xf32, #tpu.memory_space<vmem>>, %arg4: memref<1x256xf32, #tpu.memory_space<vmem>>, %arg5: memref<256x256xf32, #tpu.memory_space<vmem>>, %arg6: memref<1x256xf32, #tpu.memory_space<vmem>>, %arg7: memref<256x256xf32, #tpu.memory_space<vmem>>, %arg8: memref<1x256xf32, #tpu.memory_space<vmem>>, %arg9: memref<256x256xf32, #tpu.memory_space<vmem>>, %arg10: memref<1x256xf32, #tpu.memory_space<vmem>>, %arg11: memref<1x256xf32, #tpu.memory_space<vmem>>, %arg12: memref<1x256xf32, #tpu.memory_space<vmem>>, %arg13: memref<256x512xf32, #tpu.memory_space<vmem>>, %arg14: memref<1x512xf32, #tpu.memory_space<vmem>>, %arg15: memref<512x256xf32, #tpu.memory_space<vmem>>, %arg16: memref<1x256xf32, #tpu.memory_space<vmem>>, %arg17: memref<1x256xf32, #tpu.memory_space<vmem>>, %arg18: memref<1x256xf32, #tpu.memory_space<vmem>>, %arg19: memref<1024x256xf32, #tpu.memory_space<vmem>>) attributes {dimension_semantics = [], scalar_prefetch = 0 : i64, scratch_operands = 0 : i64, tpu.core_type = #tpu.core_type<tc>} {
    %get3A = arith.constant 0 : index
    %get3A_0 = arith.constant 0 : index
    %get3A_1 = vector.load %arg0[%get3A, %get3A_0] : memref<1024x256xf32, #tpu.memory_space<vmem>>, vector<1024x256xf32>
    %get3A_2 = arith.constant 0 : index
    %get3A_3 = arith.constant 0 : index
    %get3A_4 = vector.load %arg1[%get3A_2, %get3A_3] : memref<1024x256xf32, #tpu.memory_space<vmem>>, vector<1024x256xf32>
    %get3A_5 = arith.constant 0 : index
    %get3A_6 = arith.constant 0 : index
    %get3A_7 = vector.load %arg2[%get3A_5, %get3A_6] : memref<1024x1024xf32, #tpu.memory_space<vmem>>, vector<1024x1024xf32>
    %gt3A = arith.constant 0.000000e+00 : f32
    %gt3A_8 = vector.broadcast %gt3A : f32 to vector<1024x1024xf32>
    %gt3A_9 = arith.cmpf ogt, %get3A_7, %gt3A_8 : vector<1024x1024xf32>
    %get3A_10 = arith.constant 0 : index
    %get3A_11 = arith.constant 0 : index
    %get3A_12 = vector.load %arg3[%get3A_10, %get3A_11] : memref<256x256xf32, #tpu.memory_space<vmem>>, vector<256x256xf32>
    %dot_general3A = arith.constant dense<0.000000e+00> : vector<1024x256xf32>
    %dot_general3A_13 = tpu.matmul %get3A_1, %get3A_12, %dot_general3A {dimension_numbers = #tpu.dot_dimension_numbers<[1], [0], [0], [1], [0, 0, 1, 1], [], []>, transpose_lhs_hint = false} : vector<1024x256xf32>, vector<256x256xf32>, vector<1024x256xf32> -> vector<1024x256xf32>
    %get3A_14 = arith.constant 0 : index
    %get3A_15 = arith.constant 0 : index
    %get3A_16 = vector.load %arg4[%get3A_14, %get3A_15] : memref<1x256xf32, #tpu.memory_space<vmem>>, vector<1x256xf32>
    %add3A = vector.broadcast %get3A_16 : vector<1x256xf32> to vector<1024x256xf32>
    %add3A_17 = arith.addf %dot_general3A_13, %add3A : vector<1024x256xf32>
    %get3A_18 = arith.constant 0 : index
    %get3A_19 = arith.constant 0 : index
    %get3A_20 = vector.load %arg5[%get3A_18, %get3A_19] : memref<256x256xf32, #tpu.memory_space<vmem>>, vector<256x256xf32>
    %dot_general3A_21 = arith.constant dense<0.000000e+00> : vector<1024x256xf32>
    %dot_general3A_22 = tpu.matmul %get3A_4, %get3A_20, %dot_general3A_21 {dimension_numbers = #tpu.dot_dimension_numbers<[1], [0], [0], [1], [0, 0, 1, 1], [], []>, transpose_lhs_hint = false} : vector<1024x256xf32>, vector<256x256xf32>, vector<1024x256xf32> -> vector<1024x256xf32>
    %get3A_23 = arith.constant 0 : index
    %get3A_24 = arith.constant 0 : index
    %get3A_25 = vector.load %arg6[%get3A_23, %get3A_24] : memref<1x256xf32, #tpu.memory_space<vmem>>, vector<1x256xf32>
    %add3A_26 = vector.broadcast %get3A_25 : vector<1x256xf32> to vector<1024x256xf32>
    %add3A_27 = arith.addf %dot_general3A_22, %add3A_26 : vector<1024x256xf32>
    %get3A_28 = arith.constant 0 : index
    %get3A_29 = arith.constant 0 : index
    %get3A_30 = vector.load %arg7[%get3A_28, %get3A_29] : memref<256x256xf32, #tpu.memory_space<vmem>>, vector<256x256xf32>
    %dot_general3A_31 = arith.constant dense<0.000000e+00> : vector<1024x256xf32>
    %dot_general3A_32 = tpu.matmul %get3A_4, %get3A_30, %dot_general3A_31 {dimension_numbers = #tpu.dot_dimension_numbers<[1], [0], [0], [1], [0, 0, 1, 1], [], []>, transpose_lhs_hint = false} : vector<1024x256xf32>, vector<256x256xf32>, vector<1024x256xf32> -> vector<1024x256xf32>
    %get3A_33 = arith.constant 0 : index
    %get3A_34 = arith.constant 0 : index
    %get3A_35 = vector.load %arg8[%get3A_33, %get3A_34] : memref<1x256xf32, #tpu.memory_space<vmem>>, vector<1x256xf32>
    %add3A_36 = vector.broadcast %get3A_35 : vector<1x256xf32> to vector<1024x256xf32>
    %add3A_37 = arith.addf %dot_general3A_32, %add3A_36 : vector<1024x256xf32>
    %slice3A = vector.extract_strided_slice %add3A_17 {offsets = [0, 0], sizes = [1024, 64], strides = [1, 1]} : vector<1024x256xf32> to vector<1024x64xf32>
    %slice3A_38 = vector.extract_strided_slice %add3A_27 {offsets = [0, 0], sizes = [1024, 64], strides = [1, 1]} : vector<1024x256xf32> to vector<1024x64xf32>
    %dot_general3A_39 = arith.constant dense<0.000000e+00> : vector<1024x1024xf32>
    %dot_general3A_40 = tpu.matmul %slice3A, %slice3A_38, %dot_general3A_39 {dimension_numbers = #tpu.dot_dimension_numbers<[1], [1], [0], [0], [0, 0, 1, 0], [], []>, precision = #tpu.contract_precision<fp32>, transpose_lhs_hint = false} : vector<1024x64xf32>, vector<1024x64xf32>, vector<1024x1024xf32> -> vector<1024x1024xf32>
    %div3A = arith.constant 8.000000e+00 : f32
    %div3A_41 = vector.broadcast %div3A : f32 to vector<1024x1024xf32>
    %div3A_42 = arith.divf %dot_general3A_40, %div3A_41 : vector<1024x1024xf32>
    %jit3A = arith.constant -1.000000e+30 : f32
    %broadcast_in_dim3A = vector.broadcast %jit3A : f32 to vector<1024x1024xf32>
    %select_n3A = arith.select %gt3A_9, %div3A_42, %broadcast_in_dim3A : vector<1024x1024xi1>, vector<1024x1024xf32>
    %reduce_max3A = arith.constant dense<0xFF800000> : vector<1024xf32>
    %reduce_max3A_43 = vector.multi_reduction <maximumf>, %select_n3A, %reduce_max3A [1] : vector<1024x1024xf32> to vector<1024xf32>
    %broadcast_in_dim3A_44 = vector.shape_cast %reduce_max3A_43 : vector<1024xf32> to vector<1024x1xf32>
    %sub3A = vector.broadcast %broadcast_in_dim3A_44 : vector<1024x1xf32> to vector<1024x1024xf32>
    %sub3A_45 = arith.subf %div3A_42, %sub3A : vector<1024x1024xf32>
    %exp3A = math.exp %sub3A_45 : vector<1024x1024xf32>
    %mul3A = arith.mulf %get3A_7, %exp3A : vector<1024x1024xf32>
    %jit3A_46 = arith.constant 0.000000e+00 : f32
    %broadcast_in_dim3A_47 = vector.broadcast %jit3A_46 : f32 to vector<1024x1024xf32>
    %select_n3A_48 = arith.select %gt3A_9, %mul3A, %broadcast_in_dim3A_47 : vector<1024x1024xi1>, vector<1024x1024xf32>
    %reduce_sum3A = arith.constant dense<0.000000e+00> : vector<1024xf32>
    %reduce_sum3A_49 = vector.multi_reduction <add>, %select_n3A_48, %reduce_sum3A [1] : vector<1024x1024xf32> to vector<1024xf32>
    %broadcast_in_dim3A_50 = vector.shape_cast %reduce_sum3A_49 : vector<1024xf32> to vector<1024x1xf32>
    %div3A_51 = vector.broadcast %broadcast_in_dim3A_50 : vector<1024x1xf32> to vector<1024x1024xf32>
    %div3A_52 = arith.divf %select_n3A_48, %div3A_51 : vector<1024x1024xf32>
    %slice3A_53 = vector.extract_strided_slice %add3A_37 {offsets = [0, 0], sizes = [1024, 64], strides = [1, 1]} : vector<1024x256xf32> to vector<1024x64xf32>
    %dot_general3A_54 = arith.constant dense<0.000000e+00> : vector<1024x64xf32>
    %dot_general3A_55 = tpu.matmul %div3A_52, %slice3A_53, %dot_general3A_54 {dimension_numbers = #tpu.dot_dimension_numbers<[1], [0], [0], [1], [0, 0, 1, 1], [], []>, precision = #tpu.contract_precision<fp32>, transpose_lhs_hint = false} : vector<1024x1024xf32>, vector<1024x64xf32>, vector<1024x64xf32> -> vector<1024x64xf32>
    %slice3A_56 = vector.extract_strided_slice %add3A_17 {offsets = [0, 64], sizes = [1024, 64], strides = [1, 1]} : vector<1024x256xf32> to vector<1024x64xf32>
    %slice3A_57 = vector.extract_strided_slice %add3A_27 {offsets = [0, 64], sizes = [1024, 64], strides = [1, 1]} : vector<1024x256xf32> to vector<1024x64xf32>
    %dot_general3A_58 = arith.constant dense<0.000000e+00> : vector<1024x1024xf32>
    %dot_general3A_59 = tpu.matmul %slice3A_56, %slice3A_57, %dot_general3A_58 {dimension_numbers = #tpu.dot_dimension_numbers<[1], [1], [0], [0], [0, 0, 1, 0], [], []>, precision = #tpu.contract_precision<fp32>, transpose_lhs_hint = false} : vector<1024x64xf32>, vector<1024x64xf32>, vector<1024x1024xf32> -> vector<1024x1024xf32>
    %div3A_60 = arith.constant 8.000000e+00 : f32
    %div3A_61 = vector.broadcast %div3A_60 : f32 to vector<1024x1024xf32>
    %div3A_62 = arith.divf %dot_general3A_59, %div3A_61 : vector<1024x1024xf32>
    %jit3A_63 = arith.constant -1.000000e+30 : f32
    %broadcast_in_dim3A_64 = vector.broadcast %jit3A_63 : f32 to vector<1024x1024xf32>
    %select_n3A_65 = arith.select %gt3A_9, %div3A_62, %broadcast_in_dim3A_64 : vector<1024x1024xi1>, vector<1024x1024xf32>
    %reduce_max3A_66 = arith.constant dense<0xFF800000> : vector<1024xf32>
    %reduce_max3A_67 = vector.multi_reduction <maximumf>, %select_n3A_65, %reduce_max3A_66 [1] : vector<1024x1024xf32> to vector<1024xf32>
    %broadcast_in_dim3A_68 = vector.shape_cast %reduce_max3A_67 : vector<1024xf32> to vector<1024x1xf32>
    %sub3A_69 = vector.broadcast %broadcast_in_dim3A_68 : vector<1024x1xf32> to vector<1024x1024xf32>
    %sub3A_70 = arith.subf %div3A_62, %sub3A_69 : vector<1024x1024xf32>
    %exp3A_71 = math.exp %sub3A_70 : vector<1024x1024xf32>
    %mul3A_72 = arith.mulf %get3A_7, %exp3A_71 : vector<1024x1024xf32>
    %jit3A_73 = arith.constant 0.000000e+00 : f32
    %broadcast_in_dim3A_74 = vector.broadcast %jit3A_73 : f32 to vector<1024x1024xf32>
    %select_n3A_75 = arith.select %gt3A_9, %mul3A_72, %broadcast_in_dim3A_74 : vector<1024x1024xi1>, vector<1024x1024xf32>
    %reduce_sum3A_76 = arith.constant dense<0.000000e+00> : vector<1024xf32>
    %reduce_sum3A_77 = vector.multi_reduction <add>, %select_n3A_75, %reduce_sum3A_76 [1] : vector<1024x1024xf32> to vector<1024xf32>
    %broadcast_in_dim3A_78 = vector.shape_cast %reduce_sum3A_77 : vector<1024xf32> to vector<1024x1xf32>
    %div3A_79 = vector.broadcast %broadcast_in_dim3A_78 : vector<1024x1xf32> to vector<1024x1024xf32>
    %div3A_80 = arith.divf %select_n3A_75, %div3A_79 : vector<1024x1024xf32>
    %slice3A_81 = vector.extract_strided_slice %add3A_37 {offsets = [0, 64], sizes = [1024, 64], strides = [1, 1]} : vector<1024x256xf32> to vector<1024x64xf32>
    %dot_general3A_82 = arith.constant dense<0.000000e+00> : vector<1024x64xf32>
    %dot_general3A_83 = tpu.matmul %div3A_80, %slice3A_81, %dot_general3A_82 {dimension_numbers = #tpu.dot_dimension_numbers<[1], [0], [0], [1], [0, 0, 1, 1], [], []>, precision = #tpu.contract_precision<fp32>, transpose_lhs_hint = false} : vector<1024x1024xf32>, vector<1024x64xf32>, vector<1024x64xf32> -> vector<1024x64xf32>
    %slice3A_84 = vector.extract_strided_slice %add3A_17 {offsets = [0, 128], sizes = [1024, 64], strides = [1, 1]} : vector<1024x256xf32> to vector<1024x64xf32>
    %slice3A_85 = vector.extract_strided_slice %add3A_27 {offsets = [0, 128], sizes = [1024, 64], strides = [1, 1]} : vector<1024x256xf32> to vector<1024x64xf32>
    %dot_general3A_86 = arith.constant dense<0.000000e+00> : vector<1024x1024xf32>
    %dot_general3A_87 = tpu.matmul %slice3A_84, %slice3A_85, %dot_general3A_86 {dimension_numbers = #tpu.dot_dimension_numbers<[1], [1], [0], [0], [0, 0, 1, 0], [], []>, precision = #tpu.contract_precision<fp32>, transpose_lhs_hint = false} : vector<1024x64xf32>, vector<1024x64xf32>, vector<1024x1024xf32> -> vector<1024x1024xf32>
    %div3A_88 = arith.constant 8.000000e+00 : f32
    %div3A_89 = vector.broadcast %div3A_88 : f32 to vector<1024x1024xf32>
    %div3A_90 = arith.divf %dot_general3A_87, %div3A_89 : vector<1024x1024xf32>
    %jit3A_91 = arith.constant -1.000000e+30 : f32
    %broadcast_in_dim3A_92 = vector.broadcast %jit3A_91 : f32 to vector<1024x1024xf32>
    %select_n3A_93 = arith.select %gt3A_9, %div3A_90, %broadcast_in_dim3A_92 : vector<1024x1024xi1>, vector<1024x1024xf32>
    %reduce_max3A_94 = arith.constant dense<0xFF800000> : vector<1024xf32>
    %reduce_max3A_95 = vector.multi_reduction <maximumf>, %select_n3A_93, %reduce_max3A_94 [1] : vector<1024x1024xf32> to vector<1024xf32>
    %broadcast_in_dim3A_96 = vector.shape_cast %reduce_max3A_95 : vector<1024xf32> to vector<1024x1xf32>
    %sub3A_97 = vector.broadcast %broadcast_in_dim3A_96 : vector<1024x1xf32> to vector<1024x1024xf32>
    %sub3A_98 = arith.subf %div3A_90, %sub3A_97 : vector<1024x1024xf32>
    %exp3A_99 = math.exp %sub3A_98 : vector<1024x1024xf32>
    %mul3A_100 = arith.mulf %get3A_7, %exp3A_99 : vector<1024x1024xf32>
    %jit3A_101 = arith.constant 0.000000e+00 : f32
    %broadcast_in_dim3A_102 = vector.broadcast %jit3A_101 : f32 to vector<1024x1024xf32>
    %select_n3A_103 = arith.select %gt3A_9, %mul3A_100, %broadcast_in_dim3A_102 : vector<1024x1024xi1>, vector<1024x1024xf32>
    %reduce_sum3A_104 = arith.constant dense<0.000000e+00> : vector<1024xf32>
    %reduce_sum3A_105 = vector.multi_reduction <add>, %select_n3A_103, %reduce_sum3A_104 [1] : vector<1024x1024xf32> to vector<1024xf32>
    %broadcast_in_dim3A_106 = vector.shape_cast %reduce_sum3A_105 : vector<1024xf32> to vector<1024x1xf32>
    %div3A_107 = vector.broadcast %broadcast_in_dim3A_106 : vector<1024x1xf32> to vector<1024x1024xf32>
    %div3A_108 = arith.divf %select_n3A_103, %div3A_107 : vector<1024x1024xf32>
    %slice3A_109 = vector.extract_strided_slice %add3A_37 {offsets = [0, 128], sizes = [1024, 64], strides = [1, 1]} : vector<1024x256xf32> to vector<1024x64xf32>
    %dot_general3A_110 = arith.constant dense<0.000000e+00> : vector<1024x64xf32>
    %dot_general3A_111 = tpu.matmul %div3A_108, %slice3A_109, %dot_general3A_110 {dimension_numbers = #tpu.dot_dimension_numbers<[1], [0], [0], [1], [0, 0, 1, 1], [], []>, precision = #tpu.contract_precision<fp32>, transpose_lhs_hint = false} : vector<1024x1024xf32>, vector<1024x64xf32>, vector<1024x64xf32> -> vector<1024x64xf32>
    %slice3A_112 = vector.extract_strided_slice %add3A_17 {offsets = [0, 192], sizes = [1024, 64], strides = [1, 1]} : vector<1024x256xf32> to vector<1024x64xf32>
    %slice3A_113 = vector.extract_strided_slice %add3A_27 {offsets = [0, 192], sizes = [1024, 64], strides = [1, 1]} : vector<1024x256xf32> to vector<1024x64xf32>
    %dot_general3A_114 = arith.constant dense<0.000000e+00> : vector<1024x1024xf32>
    %dot_general3A_115 = tpu.matmul %slice3A_112, %slice3A_113, %dot_general3A_114 {dimension_numbers = #tpu.dot_dimension_numbers<[1], [1], [0], [0], [0, 0, 1, 0], [], []>, precision = #tpu.contract_precision<fp32>, transpose_lhs_hint = false} : vector<1024x64xf32>, vector<1024x64xf32>, vector<1024x1024xf32> -> vector<1024x1024xf32>
    %div3A_116 = arith.constant 8.000000e+00 : f32
    %div3A_117 = vector.broadcast %div3A_116 : f32 to vector<1024x1024xf32>
    %div3A_118 = arith.divf %dot_general3A_115, %div3A_117 : vector<1024x1024xf32>
    %jit3A_119 = arith.constant -1.000000e+30 : f32
    %broadcast_in_dim3A_120 = vector.broadcast %jit3A_119 : f32 to vector<1024x1024xf32>
    %select_n3A_121 = arith.select %gt3A_9, %div3A_118, %broadcast_in_dim3A_120 : vector<1024x1024xi1>, vector<1024x1024xf32>
    %reduce_max3A_122 = arith.constant dense<0xFF800000> : vector<1024xf32>
    %reduce_max3A_123 = vector.multi_reduction <maximumf>, %select_n3A_121, %reduce_max3A_122 [1] : vector<1024x1024xf32> to vector<1024xf32>
    %broadcast_in_dim3A_124 = vector.shape_cast %reduce_max3A_123 : vector<1024xf32> to vector<1024x1xf32>
    %sub3A_125 = vector.broadcast %broadcast_in_dim3A_124 : vector<1024x1xf32> to vector<1024x1024xf32>
    %sub3A_126 = arith.subf %div3A_118, %sub3A_125 : vector<1024x1024xf32>
    %exp3A_127 = math.exp %sub3A_126 : vector<1024x1024xf32>
    %mul3A_128 = arith.mulf %get3A_7, %exp3A_127 : vector<1024x1024xf32>
    %jit3A_129 = arith.constant 0.000000e+00 : f32
    %broadcast_in_dim3A_130 = vector.broadcast %jit3A_129 : f32 to vector<1024x1024xf32>
    %select_n3A_131 = arith.select %gt3A_9, %mul3A_128, %broadcast_in_dim3A_130 : vector<1024x1024xi1>, vector<1024x1024xf32>
    %reduce_sum3A_132 = arith.constant dense<0.000000e+00> : vector<1024xf32>
    %reduce_sum3A_133 = vector.multi_reduction <add>, %select_n3A_131, %reduce_sum3A_132 [1] : vector<1024x1024xf32> to vector<1024xf32>
    %broadcast_in_dim3A_134 = vector.shape_cast %reduce_sum3A_133 : vector<1024xf32> to vector<1024x1xf32>
    %div3A_135 = vector.broadcast %broadcast_in_dim3A_134 : vector<1024x1xf32> to vector<1024x1024xf32>
    %div3A_136 = arith.divf %select_n3A_131, %div3A_135 : vector<1024x1024xf32>
    %slice3A_137 = vector.extract_strided_slice %add3A_37 {offsets = [0, 192], sizes = [1024, 64], strides = [1, 1]} : vector<1024x256xf32> to vector<1024x64xf32>
    %dot_general3A_138 = arith.constant dense<0.000000e+00> : vector<1024x64xf32>
    %dot_general3A_139 = tpu.matmul %div3A_136, %slice3A_137, %dot_general3A_138 {dimension_numbers = #tpu.dot_dimension_numbers<[1], [0], [0], [1], [0, 0, 1, 1], [], []>, precision = #tpu.contract_precision<fp32>, transpose_lhs_hint = false} : vector<1024x1024xf32>, vector<1024x64xf32>, vector<1024x64xf32> -> vector<1024x64xf32>
    %concatenate3A = tpu.concatenate %dot_general3A_55, %dot_general3A_83, %dot_general3A_111, %dot_general3A_139 in 1 : vector<1024x64xf32>, vector<1024x64xf32>, vector<1024x64xf32>, vector<1024x64xf32> -> vector<1024x256xf32>
    %get3A_140 = arith.constant 0 : index
    %get3A_141 = arith.constant 0 : index
    %get3A_142 = vector.load %arg9[%get3A_140, %get3A_141] : memref<256x256xf32, #tpu.memory_space<vmem>>, vector<256x256xf32>
    %dot_general3A_143 = arith.constant dense<0.000000e+00> : vector<1024x256xf32>
    %dot_general3A_144 = tpu.matmul %concatenate3A, %get3A_142, %dot_general3A_143 {dimension_numbers = #tpu.dot_dimension_numbers<[1], [0], [0], [1], [0, 0, 1, 1], [], []>, transpose_lhs_hint = false} : vector<1024x256xf32>, vector<256x256xf32>, vector<1024x256xf32> -> vector<1024x256xf32>
    %add3A_145 = arith.addf %get3A_1, %dot_general3A_144 : vector<1024x256xf32>
    %get3A_146 = arith.constant 0 : index
    %get3A_147 = arith.constant 0 : index
    %get3A_148 = vector.load %arg10[%get3A_146, %get3A_147] : memref<1x256xf32, #tpu.memory_space<vmem>>, vector<1x256xf32>
    %add3A_149 = vector.broadcast %get3A_148 : vector<1x256xf32> to vector<1024x256xf32>
    %add3A_150 = arith.addf %add3A_145, %add3A_149 : vector<1024x256xf32>
    %get3A_151 = arith.constant 0 : index
    %get3A_152 = arith.constant 0 : index
    %get3A_153 = vector.load %arg11[%get3A_151, %get3A_152] : memref<1x256xf32, #tpu.memory_space<vmem>>, vector<1x256xf32>
    %get3A_154 = arith.constant 0 : index
    %get3A_155 = arith.constant 0 : index
    %get3A_156 = vector.load %arg12[%get3A_154, %get3A_155] : memref<1x256xf32, #tpu.memory_space<vmem>>, vector<1x256xf32>
    %reduce_sum3A_157 = arith.constant dense<0.000000e+00> : vector<1024xf32>
    %reduce_sum3A_158 = vector.multi_reduction <add>, %add3A_150, %reduce_sum3A_157 [1] : vector<1024x256xf32> to vector<1024xf32>
    %broadcast_in_dim3A_159 = vector.shape_cast %reduce_sum3A_158 : vector<1024xf32> to vector<1024x1xf32>
    %div3A_160 = arith.constant 2.560000e+02 : f32
    %div3A_161 = vector.broadcast %div3A_160 : f32 to vector<1024x1xf32>
    %div3A_162 = arith.divf %broadcast_in_dim3A_159, %div3A_161 : vector<1024x1xf32>
    %sub3A_163 = vector.broadcast %div3A_162 : vector<1024x1xf32> to vector<1024x256xf32>
    %sub3A_164 = arith.subf %add3A_150, %sub3A_163 : vector<1024x256xf32>
    %integer_pow3A = arith.mulf %sub3A_164, %sub3A_164 : vector<1024x256xf32>
    %reduce_sum3A_165 = arith.constant dense<0.000000e+00> : vector<1024xf32>
    %reduce_sum3A_166 = vector.multi_reduction <add>, %integer_pow3A, %reduce_sum3A_165 [1] : vector<1024x256xf32> to vector<1024xf32>
    %broadcast_in_dim3A_167 = vector.shape_cast %reduce_sum3A_166 : vector<1024xf32> to vector<1024x1xf32>
    %div3A_168 = arith.constant 2.560000e+02 : f32
    %div3A_169 = vector.broadcast %div3A_168 : f32 to vector<1024x1xf32>
    %div3A_170 = arith.divf %broadcast_in_dim3A_167, %div3A_169 : vector<1024x1xf32>
    %sub3A_171 = vector.broadcast %div3A_162 : vector<1024x1xf32> to vector<1024x256xf32>
    %sub3A_172 = arith.subf %add3A_150, %sub3A_171 : vector<1024x256xf32>
    %add3A_173 = arith.constant 9.99999974E-6 : f32
    %add3A_174 = vector.broadcast %add3A_173 : f32 to vector<1024x1xf32>
    %add3A_175 = arith.addf %div3A_170, %add3A_174 : vector<1024x1xf32>
    %sqrt3A = math.sqrt %add3A_175 : vector<1024x1xf32>
    %div3A_176 = vector.broadcast %sqrt3A : vector<1024x1xf32> to vector<1024x256xf32>
    %div3A_177 = arith.divf %sub3A_172, %div3A_176 : vector<1024x256xf32>
    %mul3A_178 = vector.broadcast %get3A_153 : vector<1x256xf32> to vector<1024x256xf32>
    %mul3A_179 = arith.mulf %div3A_177, %mul3A_178 : vector<1024x256xf32>
    %add3A_180 = vector.broadcast %get3A_156 : vector<1x256xf32> to vector<1024x256xf32>
    %add3A_181 = arith.addf %mul3A_179, %add3A_180 : vector<1024x256xf32>
    %get3A_182 = arith.constant 0 : index
    %get3A_183 = arith.constant 0 : index
    %get3A_184 = vector.load %arg13[%get3A_182, %get3A_183] : memref<256x512xf32, #tpu.memory_space<vmem>>, vector<256x512xf32>
    %dot_general3A_185 = arith.constant dense<0.000000e+00> : vector<1024x512xf32>
    %dot_general3A_186 = tpu.matmul %add3A_181, %get3A_184, %dot_general3A_185 {dimension_numbers = #tpu.dot_dimension_numbers<[1], [0], [0], [1], [0, 0, 1, 1], [], []>, transpose_lhs_hint = false} : vector<1024x256xf32>, vector<256x512xf32>, vector<1024x512xf32> -> vector<1024x512xf32>
    %get3A_187 = arith.constant 0 : index
    %get3A_188 = arith.constant 0 : index
    %get3A_189 = vector.load %arg14[%get3A_187, %get3A_188] : memref<1x512xf32, #tpu.memory_space<vmem>>, vector<1x512xf32>
    %add3A_190 = vector.broadcast %get3A_189 : vector<1x512xf32> to vector<1024x512xf32>
    %add3A_191 = arith.addf %dot_general3A_186, %add3A_190 : vector<1024x512xf32>
    %max3A = arith.constant 0.000000e+00 : f32
    %max3A_192 = vector.broadcast %max3A : f32 to vector<1024x512xf32>
    %max3A_193 = arith.maximumf %add3A_191, %max3A_192 : vector<1024x512xf32>
    %get3A_194 = arith.constant 0 : index
    %get3A_195 = arith.constant 0 : index
    %get3A_196 = vector.load %arg15[%get3A_194, %get3A_195] : memref<512x256xf32, #tpu.memory_space<vmem>>, vector<512x256xf32>
    %dot_general3A_197 = arith.constant dense<0.000000e+00> : vector<1024x256xf32>
    %dot_general3A_198 = tpu.matmul %max3A_193, %get3A_196, %dot_general3A_197 {dimension_numbers = #tpu.dot_dimension_numbers<[1], [0], [0], [1], [0, 0, 1, 1], [], []>, transpose_lhs_hint = false} : vector<1024x512xf32>, vector<512x256xf32>, vector<1024x256xf32> -> vector<1024x256xf32>
    %add3A_199 = arith.addf %add3A_181, %dot_general3A_198 : vector<1024x256xf32>
    %get3A_200 = arith.constant 0 : index
    %get3A_201 = arith.constant 0 : index
    %get3A_202 = vector.load %arg16[%get3A_200, %get3A_201] : memref<1x256xf32, #tpu.memory_space<vmem>>, vector<1x256xf32>
    %add3A_203 = vector.broadcast %get3A_202 : vector<1x256xf32> to vector<1024x256xf32>
    %add3A_204 = arith.addf %add3A_199, %add3A_203 : vector<1024x256xf32>
    %get3A_205 = arith.constant 0 : index
    %get3A_206 = arith.constant 0 : index
    %get3A_207 = vector.load %arg17[%get3A_205, %get3A_206] : memref<1x256xf32, #tpu.memory_space<vmem>>, vector<1x256xf32>
    %get3A_208 = arith.constant 0 : index
    %get3A_209 = arith.constant 0 : index
    %get3A_210 = vector.load %arg18[%get3A_208, %get3A_209] : memref<1x256xf32, #tpu.memory_space<vmem>>, vector<1x256xf32>
    %reduce_sum3A_211 = arith.constant dense<0.000000e+00> : vector<1024xf32>
    %reduce_sum3A_212 = vector.multi_reduction <add>, %add3A_204, %reduce_sum3A_211 [1] : vector<1024x256xf32> to vector<1024xf32>
    %broadcast_in_dim3A_213 = vector.shape_cast %reduce_sum3A_212 : vector<1024xf32> to vector<1024x1xf32>
    %div3A_214 = arith.constant 2.560000e+02 : f32
    %div3A_215 = vector.broadcast %div3A_214 : f32 to vector<1024x1xf32>
    %div3A_216 = arith.divf %broadcast_in_dim3A_213, %div3A_215 : vector<1024x1xf32>
    %sub3A_217 = vector.broadcast %div3A_216 : vector<1024x1xf32> to vector<1024x256xf32>
    %sub3A_218 = arith.subf %add3A_204, %sub3A_217 : vector<1024x256xf32>
    %integer_pow3A_219 = arith.mulf %sub3A_218, %sub3A_218 : vector<1024x256xf32>
    %reduce_sum3A_220 = arith.constant dense<0.000000e+00> : vector<1024xf32>
    %reduce_sum3A_221 = vector.multi_reduction <add>, %integer_pow3A_219, %reduce_sum3A_220 [1] : vector<1024x256xf32> to vector<1024xf32>
    %broadcast_in_dim3A_222 = vector.shape_cast %reduce_sum3A_221 : vector<1024xf32> to vector<1024x1xf32>
    %div3A_223 = arith.constant 2.560000e+02 : f32
    %div3A_224 = vector.broadcast %div3A_223 : f32 to vector<1024x1xf32>
    %div3A_225 = arith.divf %broadcast_in_dim3A_222, %div3A_224 : vector<1024x1xf32>
    %sub3A_226 = vector.broadcast %div3A_216 : vector<1024x1xf32> to vector<1024x256xf32>
    %sub3A_227 = arith.subf %add3A_204, %sub3A_226 : vector<1024x256xf32>
    %add3A_228 = arith.constant 9.99999974E-6 : f32
    %add3A_229 = vector.broadcast %add3A_228 : f32 to vector<1024x1xf32>
    %add3A_230 = arith.addf %div3A_225, %add3A_229 : vector<1024x1xf32>
    %sqrt3A_231 = math.sqrt %add3A_230 : vector<1024x1xf32>
    %div3A_232 = vector.broadcast %sqrt3A_231 : vector<1024x1xf32> to vector<1024x256xf32>
    %div3A_233 = arith.divf %sub3A_227, %div3A_232 : vector<1024x256xf32>
    %mul3A_234 = vector.broadcast %get3A_207 : vector<1x256xf32> to vector<1024x256xf32>
    %mul3A_235 = arith.mulf %div3A_233, %mul3A_234 : vector<1024x256xf32>
    %add3A_236 = vector.broadcast %get3A_210 : vector<1x256xf32> to vector<1024x256xf32>
    %add3A_237 = arith.addf %mul3A_235, %add3A_236 : vector<1024x256xf32>
    %swap3A = arith.constant 0 : index
    %swap3A_238 = arith.constant 0 : index
    %swap3A_239 = vector.load %arg19[%swap3A, %swap3A_238] : memref<1024x256xf32, #tpu.memory_space<vmem>>, vector<1024x256xf32>
    tpu.vector_store %arg19[%swap3A, %swap3A_238], %add3A_237 {strides = array<i32>} : memref<1024x256xf32, #tpu.memory_space<vmem>>, vector<1024x256xf32>,
    return
  }
}

</mosaic_0001>

<sc_bundles>
// kernel: kernel.26.cloned.1.call-start
scs
__scs_entry_jumppad:
0x0: {  	(pc) =	sbr.rel $0x88, $3  }
0x1: {  	(tag) =	ssettag $0x0;
	lr =	simm.s32 $0x1  }
0x2: {  	[smem:$0x3F6B] =	sst lr;
	_ =	strace $0xD0000000  }
0x3: {  	_ = 	snop  }
0x4: {  	_ = 	snop  }
0x5: {  	_ = 	snop  }
0x6: {  	_ = 	snop  }
0x7: {  	_ = 	snop  }
__scs_overlays_trampoline_lowered:
0x8: {  	[smem:$0x3F7A] =	sst s0  }
0x9: {  	[smem:$0x3F7B] =	sst s1  }
0xa: {  	[smem:$0x3F7C] =	sst s2  }
0xb: {  	[smem:$0x3F7D] =	sst s3  }
0xc: {  	[smem:$0x3F7E] =	sst s4  }
0xd: {  	[smem:$0x3F7F] =	sst s5  }
0xe: {  	[smem:$0x3F80] =	sst s6  }
0xf: {  	[smem:$0x3F81] =	sst s7  }
0x10: {  	[smem:$0x3F82] =	sst s8  }
0x11: {  	[smem:$0x3F83] =	sst s9;
	s0 =	simm.s32 @!p0 $0x0  }
0x12: {  	s1 =	sld [smem:$0x3F69];
	s0 =	simm.s32 @p0 $0x1  }
0x13: {  	[smem:$0x3F84] =	sst s0;
	s0 =	simm.s32 @!p1 $0x0  }
0x14: {  	s2 =	sld [smem:$0x3F68];
	s0 =	simm.s32 @p1 $0x1  }
0x15: {  	[smem:$0x3F85] =	sst s0;
	s0 =	simm.s32 @!p2 $0x0  }
0x16: {  	s3 =	sld [smem:$0x3FDB];
	s0 =	simm.s32 @p2 $0x1  }
0x17: {  	s4 =	simm.s32 $0x1BF5;
	[smem:$0x3F87] =	sst s0  }
0x18: {  	s0 =	sld [smem:$0x3F6A];
	_ =	swait.ge [sflag:s4], $0x0  }
0x19: {  	s7 =	sld [smem:$0x3F6B]  }
0x1a: {  	s8 =	sadd.s32 $0xFFFFE003, lr  }
0x1b: {  	s9 =	sadd.s32 $0xFFFFFEF7, lr;
	s5 =	simm.s32 $0xFFFFFFFF;
	p2 =	slt.u32 s8, $0xFFFFF086  }
0x1c: {  	p1 =	slt.u32 s9, $0xF7A;
	s5 =	simm.s32 @!p2 $0x0  }
0x1d: {  	s5 =	simm.s32 @p1 $0x1;
	p0 =	seq.s32 s7, s2  }
0x1e: {  	s7 =	smul.u32 @!p0 $0xF7A, s2;
	p2 =	seq.s32 @!p0 s5, $0x0  }
0x1f: {  	s9 =	smul.u32 $0xF7A, s1;
	s8 =	simm.s32 @!p0 $0x1BF5;
	p2 =	por !p2, p0  }
0x20: {  	[sflag:s8] =	ssyncset.s32 @!p0 $0xFFFFF086;
	s6 =	sadd.s32 @!p0 s3, s7;
	s7 =	simm.s32 @!p0 $0x108  }
0x21: {  	s3 =	sadd.s32 s3, s9;
	s6 =	sadd.s32 @!p0 $0x88, s6;
	s7 =	simm.s32 @p2 $0x1082  }
0x22: {  	[simem:s7], [sflag:s8] =	dma.local @!p0 [hbm:s6], $0xF7A  }
0x23: {  	s9 =	sor.u32 $0xD0000000, s2;
	s6 =	simm.s32 $0x108;
	_ =	swait.ge @!p0 [sflag:s8], $0x0  }
0x24: {  	s3 =	sadd.s32 $0x88, s3;
	s6 =	simm.s32 @!p1 $0x1082;
	[sflag:s4] =	ssyncset.s32 $0xFFFFF086  }
0x25: {  	[simem:s6], [sflag:s4] =	dma.local [hbm:s3], $0xF7A  }
0x26: {  	[smem:$0x3F6B] =	sst s1;
	(tag) =	ssettag s2;
	_ =	strace s9  }
0x27: {  	s1 =	sld [smem:$0x3F7B]  }
0x28: {  	s2 =	sld [smem:$0x3F7C]  }
0x29: {  	s4 =	sld [smem:$0x3F7E]  }
0x2a: {  	p0 =	seq.s32 s5, $0x0;
	s5 =	sld [smem:$0x3F7F]  }
0x2b: {  	s6 =	sld [smem:$0x3F80]  }
0x2c: {  	s7 =	sld [smem:$0x3F81]  }
0x2d: {  	s3 =	simm.s32 $0x108;
	s8 =	sld [smem:$0x3F82]  }
0x2e: {  	s3 =	simm.s32 @!p0 $0x1082;
	s9 =	sld [smem:$0x3F83]  }
0x2f: {  	lr =	sadd.s32 s0, s3;
	s0 =	sld [smem:$0x3F7A]  }
0x30: {  	s3 =	sld [smem:$0x3F7D]  }
0x31: {  	[smem:$0x3F86] =	sst s10  }
0x32: {  	s10 =	sld [smem:$0x3F84];
	_ =	sdelay $0x3  }
0x33: {  	p0 =	seq.s32 s10, $0x1;
	s10 =	sld [smem:$0x3F86];
	_ =	sdelay $0x3  }
0x34: {  	[smem:$0x3F86] =	sst s10  }
0x35: {  	s10 =	sld [smem:$0x3F85];
	_ =	sdelay $0x3  }
0x36: {  	p1 =	seq.s32 s10, $0x1;
	s10 =	sld [smem:$0x3F86];
	_ =	sdelay $0x3  }
0x37: {  	[smem:$0x3F86] =	sst s10  }
0x38: {  	s10 =	sld [smem:$0x3F87]  }
0x39: {  	_ = 	snop;
	(pc) =	sbr.ind lr, $3  }
0x3a: {  	_ = 	snop  }
0x3b: {  	_ = 	snop  }
0x3c: {  	p2 =	seq.s32 s10, $0x1;
	s10 =	sld [smem:$0x3F86]  }
0x3d: {  	_ =	shalt  }
0x3e: {  	_ =	shalt  }
0x3f: {  	_ =	shalt  }
0x40: {  	_ =	shalt  }
0x41: {  	_ =	shalt  }
0x42: {  	_ =	shalt  }
0x43: {  	_ =	shalt  }
0x44: {  	_ =	shalt  }
0x45: {  	_ =	shalt  }
0x46: {  	_ =	shalt  }
0x47: {  	_ =	shalt  }
0x48: {  	_ =	shalt  }
0x49: {  	_ =	shalt  }
0x4a: {  	_ =	shalt  }
0x4b: {  	_ =	shalt  }
0x4c: {  	_ =	shalt  }
0x4d: {  	_ =	shalt  }
0x4e: {  	_ =	shalt  }
0x4f: {  	_ =	shalt  }
0x50: {  	_ =	shalt  }
0x51: {  	_ =	shalt  }
0x52: {  	_ =	shalt  }
0x53: {  	_ =	shalt  }
0x54: {  	_ =	shalt  }
0x55: {  	_ =	shalt  }
0x56: {  	_ =	shalt  }
0x57: {  	_ =	shalt  }
0x58: {  	_ =	shalt  }
0x59: {  	_ =	shalt  }
0x5a: {  	_ =	shalt  }
0x5b: {  	_ =	shalt  }
0x5c: {  	_ =	shalt  }
0x5d: {  	_ =	shalt  }
0x5e: {  	_ =	shalt  }
0x5f: {  	_ =	shalt  }
0x60: {  	_ =	shalt  }
0x61: {  	_ =	shalt  }
0x62: {  	_ =	shalt  }
0x63: {  	_ =	shalt  }
0x64: {  	_ =	shalt  }
0x65: {  	_ =	shalt  }
0x66: {  	_ =	shalt  }
0x67: {  	_ =	shalt  }
0x68: {  	_ =	shalt  }
0x69: {  	_ =	shalt  }
0x6a: {  	_ =	shalt  }
0x6b: {  	_ =	shalt  }
0x6c: {  	_ =	shalt  }
0x6d: {  	_ =	shalt  }
0x6e: {  	_ =	shalt  }
0x6f: {  	_ =	shalt  }
0x70: {  	_ =	shalt  }
0x71: {  	_ =	shalt  }
0x72: {  	_ =	shalt  }
0x73: {  	_ =	shalt  }
0x74: {  	_ =	shalt  }
0x75: {  	_ =	shalt  }
0x76: {  	_ =	shalt  }
0x77: {  	_ =	shalt  }
0x78: {  	_ =	shalt  }
0x79: {  	_ =	shalt  }
0x7a: {  	_ =	shalt  }
0x7b: {  	_ =	shalt  }
0x7c: {  	_ =	shalt  }
0x7d: {  	_ =	shalt  }
0x7e: {  	_ =	shalt  }
0x7f: {  	_ =	shalt  }
0x80: {  	_ =	shalt  }
0x81: {  	_ =	shalt  }
0x82: {  	_ =	shalt  }
0x83: {  	_ =	shalt  }
0x84: {  	_ =	shalt  }
0x85: {  	_ =	shalt  }
0x86: {  	_ =	shalt  }
0x87: {  	_ =	shalt  }
.Lfunc_end0:
.L_simem_size_0:
called_computation_lowered:
.L_overlay_start_0:
0x88: {  	s2 =	sld [smem:$0x3FD9]  }
0x89: {  	s3 =	sld [smem:$0x3FFE];
	_ =	sdelay $0x1  }
0x8a: {  	s1 =	srdreg.scid  }
0x8b: {  	s0 =	sand.u32 $0x1, s1  }
0x8c: {  	s14 =	sshll.u32 s0, $0xA;
	s2 =	sadd.s32 s3, s2  }
0x8d: {  	s2 =	sadd.s32 s2, s14  }
0x8e: {  	[smem:$0x3F92] =	sst s2  }
0x8f: {  	_ = 	snop  }
0x90: {  	s2 =	sld [smem:$0x3FD0];
	_ =	sdelay $0x2  }
0x91: {  	s15 =	simm.s32 $0xB;
	s4 =	simm.s32 $0x10  }
0x92: {  	[smem:s4], [sflag:s15] =	dma.local [hbm:s2], $0x1  }
0x93: {  	_ =	swait.eq [sflag:s15], $0x1  }
0x94: {  	[sflag:s15] =	ssyncset.done $0x0  }
0x95: {  	s16 =	sld [smem:$0x12];
	[sflag:s15] =	ssyncadd.s32 $0xFFFFFFFF  }
0x96: {  	s17 =	sld [smem:$0x14];
	(tm) =	ssettm $0x1  }
0x97: {  	s18 =	sld [smem:$0x3FFB];
	_ =	sdelay $0x3  }
0x98: {  	_ =	strace s18  }
0x99: {  	s4 =	sld [smem:$0x3FFC];
	_ =	sdelay $0x3  }
0x9a: {  	_ =	strace s4  }
0x9b: {  	s4 =	sld [smem:$0x3FFD];
	_ =	sdelay $0x3  }
0x9c: {  	_ =	strace s4  }
0x9d: {  	_ =	strace $0x8FFFFFFF  }
0x9e: {  	s19 =	sld [smem:$0x3FDB];
	_ =	sdelay $0x1  }
0x9f: {  	s5 =	simm.s32 $_scs_section_size  }
0xa0: {  	s6 =	simm.s32 $_size__tile_overlayer_lowered;
	s7 =	simm.s32 $_tile_overlayer_lowered  }
0xa1: {  	s22 =	simm.s32 $0x1BFF;
	s21 =	sshll.u32 s7, $0x1;
	s4 =	sadd.s32 s5, s19  }
0xa2: {  	s8 =	simm.s32 $0x0;
	s20 =	sshll.u32 s6, $0x1;
	s6 =	sadd.s32 s21, s4  }
0xa3: {  	[timem:s8], [sflag:s22] =	dma.local [hbm:s6], s20  }
0xa4: {  	_ =	swait.ge [sflag:s22], s20  }
0xa5: {  	s5 =	ssub.s32 $0x0, s20;
	[sflag:s22] =	ssyncset.done $0x0  }
0xa6: {  	[sflag:s22] =	ssyncadd.s32 s5;
	_ =	sdelay $0x1  }
0xa7: {  	s23 =	simm.s32 $0x1B8B  }
0xa8: {  	_ =	swait.ge [sflag:s23], $0x1  }
0xa9: {  	[sflag:s23] =	ssyncset.done $0x0  }
0xaa: {  	s25 =	simm.s32 $0x1B8E;
	s24 =	sld [smem:$0x3FFE];
	[sflag:s23] =	ssyncadd.s32 $0xFFFFFFFF  }
0xab: {  	s26 =	simm.s32 $execute0_lowered;
	[smem:$0x3FD2] =	sst s25  }
0xac: {  	s6 =	sshll.u32 s26, $0x1;
	_ =	strace $0x80000046;
	[dreg:$0x1] =	wrdreg $0xFFFFFFFF  }
0xad: {  	s28 =	simm.s32 $_size_execute0_lowered;
	s4 =	sadd.s32 s4, s6;
	[dreg:$0x0] =	wrdreg $0x0  }
0xae: {  	s6 =	sshll.u32 s28, $0x1;
	[dreg:$0x2] =	wrdreg s4  }
0xaf: {  	[dreg:$0x3] =	wrdreg s6  }
0xb0: {  	[dreg:$0x4] =	wrdreg $0xC0  }
0xb1: {  	_ =	task [dreg:s8], $0x5FFFF  }
0xb2: {  	[dreg:$0x1] =	wrdreg $0xFFFFFFFF  }
0xb3: {  	[dreg:$0x0] =	wrdreg $0x60  }
0xb4: {  	[dreg:$0x2] =	wrdreg s16  }
0xb5: {  	[dreg:$0x3] =	wrdreg s24  }
0xb6: {  	[dreg:$0x4] =	wrdreg s17  }
0xb7: {  	[dreg:$0x5] =	wrdreg $0x9  }
0xb8: {  	_ =	task.clear_ibuf [dreg:s8], $0x6FFFF;
	_ =	strace $0x90000046  }
0xb9: {  	s29 =	simm.s32 $0x9;
	_ =	strace $0x80000048  }
0xba: {  	_ =	swait.ge [sflag:s29], $0x1  }
0xbb: {  	[sflag:s29] =	ssyncadd.s32 $0xFFFFFFFF  }
0xbc: {  	_ =	strace $0x90000048  }
0xbd: {  	_ =	sfence  }
0xbe: {  	s30 =	sld [smem:$0x0];
	_ =	sdelay $0x2  }
0xbf: {  	s31 =	sshll.u32 s1, $0xD;
	s1 =	sshrl.u32 s1, $0x2  }
0xc0: {  	s3 =	sand.u32 $0x4000, s31;
	s1 =	sadd.s32 s1, s30  }
0xc1: {  	s0 =	sor.u32 s3, s0;
	s1 =	sshll.u32 s1, $0x11  }
0xc2: {  	s0 =	sor.u32 s1, s0  }
0xc3: {  	s0 =	sadd.s32 $0x8F2B, s0  }
0xc4: {  	[sflag:s0] =	ssyncadd.remote.s32 $0x1  }
0xc5: {  	_ =	sfence.sel $0xFFFF  }
0xc6: {  	[dreg:$0x0] =	wrdreg $0xFFFFFFFF;
	(pc) =	sbr.abs _section_cstart, $3  }
0xc7: {  	[dreg:$0x1] =	wrdreg $0xFFFFFFFF  }
0xc8: {  	_ =	task.clear_ibuf [dreg:s8], $0x2FFFF;
	_ =	strace $0x9FFFFFFF  }
0xc9: {  	(tm) =	ssettm $0x7FFFFFFF  }
tec
execute0_lowered:
.L_overlay_start_1:
0x0: {  	(tag) =	ssettag $0x1  }
0x1: {  	s0 =	rddreg [dreg:$0x0]  }
0x2: {  	s1 =	rddreg [dreg:$0x1]  }
0x3: {  	s8 =	rddreg [dreg:$0x2]  }
0x4: {  	s2 =	srdreg.scid;
	s4 =	stileid.u32  }
0x5: {  	s3 =	simm.s32 $0x0;
	s12 =	simm.s32 $0x2;
	s14 =	simm.s32 $0x480  }
0x6: {  	s18 =	simm.s32 $0x2480;
	s19 =	simm.s32 $0x2C80;
	[smem:$0x7FF] =	sst s3  }
0x7: {  	v0 =	vimm.f32 $3.000000000e+00;
	s20 =	simm.s32 $0x3480;
	s21 =	simm.s32 $0x3C80;
	_ =	strace $0x80000047  }
0x8: {  	s22 =	simm.s32 $0x4480;
	s23 =	simm.s32 $0x4C80;
	s24 =	simm.s32 $0x5480;
	(erf) = vrcp.f32 v0  }
0x9: {  	s25 =	simm.s32 $0x5C80;
	s26 =	simm.s32 $0x6480;
	s28 =	simm.s32 $0x6C80  }
0xa: {  	s29 =	simm.s32 $0x7480;
	s30 =	simm.s32 $0x7C80;
	s2 =	sand.u32 $0x1, s2  }
0xb: {  	s4 =	sshll.u32 s4, $0x6;
	s5 =	sshll.u32 s2, $0x5;
	s2 =	ssub.s32 $0x2, s2  }
0xc: {  	s31 =	simm.s32 $0x1;
	s7 =	sor.u32 s5, s4;
	s6 =	sshrl.u32 s2, $0x1  }
0xd: {  	s4 =	sadd.s32 $0xA000, s1;
	s5 =	sshrl.u32 s7, $0x3;
	s2 =	ssub.s32 s2, s6  }
0xe: {  	s6 =	sadd.s32 $0xA100, s1;
	s9 =	sshll.u32 s7, $0x7;
	s7 =	sadd.s32 $0xA200, s1  }
0xf: {  	v0 =	vlaneseq.u32;
	s10 =	sadd.s32 s5, s1;
	s5 =	sadd.s32 s8, s5;
	s8 =	sadd.s32 $0xA300, s1  }
0x10: {  	vm0 =	vmmov $0xffff;
	v3 =	vshrl.u32 v0, $0x3;
	s9 =	sadd.s32 s0, s9;
	s11 =	smax.u32 s2, $0x1;
	s0 =	simm.s32 $0x8480  }
0x11: {  	v1 =	vand.u32 $0x7, v0;
	v4 =	vor.u32 $0x8, v0;
	v3 =	vmul.u32 $0x8, v3;
	s1 =	simm.s32 $0x10480;
	s2 =	simm.s32 $0x0;
	s10 =	sadd.s32 $0x2A000, s10;
	v2 =	vpop (erf)  }
.LBB2_1:
0x12: {  	s13 =	rddreg [dreg:$0x2]  }
0x13: {  	[tilespmem:s3], [sflag:$0x2] =	stream.linear.gather [hbm4b:s13+s3], $0x400, $0x38;
	[tilespmem:$0x10500] =	vst v63  }
0x14: {  	_ =	swait.ge [sflag:s12], $0x400  }
0x15: {  	[sflag:s12] =	ssyncset.done $0x0  }
0x16: {  	s17 =	simm.s32 $0x400;
	[sflag:s12] =	ssyncadd.s32 $0xFFFFFC00  }
0x17: {  	[tilespmem:s17], [sflag:$0x2] =	stream.linear.gather [hbm4b:s5+s3], $0x20, $0x38;
	[tilespmem:$0x10500] =	vst v63  }
0x18: {  	_ =	swait.ge [sflag:s12], $0x20  }
0x19: {  	[sflag:s12] =	ssyncset.done $0x0  }
0x1a: {  	[sflag:s12] =	ssyncadd.s32 $0xFFFFFFE0  }
0x1b: {  	v5 =	vld [tilespmem:$0x400];
	_ =	sdelay $0x4  }
0x1c: {  	v6 =	vshll.u32 v5, $0x3  }
0x1d: {  	v5 =	vand.u32 $0x7, v5;
	v6 =	vand.u32 $0xFFFFFFC0, v6  }
0x1e: {  	v5 =	vor.u32 v5, v6  }
0x1f: {  	v6 =	vperm.xlane v5, v1;
	_ =	sdelay $0x1  }
0x20: {  	v6 =	vadd.s32 v3, v6;
	_ =	sdelay $0x4  }
0x21: {  	[tilespmem:s14], [sflag:$0x1] =	stream.indirect_vreg.gather [hbm4b:s4+s3], $0x80, v6, vm0, $0xb8;
	[tilespmem:$0x10500] =	vst v63  }
0x22: {  	s15 =	simm.s32 $0xC80;
	v5 =	vperm.xlane v5, v4  }
0x23: {  	[tilespmem:s15], [sflag:$0x1] =	stream.indirect_vreg.gather [hbm4b:s6+s3], $0x80, v6, vm0, $0xb8;
	[tilespmem:$0x10500] =	vst v63  }
0x24: {  	s16 =	simm.s32 $0x1480;
	v5 =	vadd.s32 v3, v5  }
0x25: {  	[tilespmem:s16], [sflag:$0x1] =	stream.indirect_vreg.gather [hbm4b:s7+s3], $0x80, v6, vm0, $0xb8;
	[tilespmem:$0x10500] =	vst v63  }
0x26: {  	s17 =	simm.s32 $0x1C80  }
0x27: {  	[tilespmem:s17], [sflag:$0x1] =	stream.indirect_vreg.gather [hbm4b:s8+s3], $0x80, v6, vm0, $0xb8;
	[tilespmem:$0x10500] =	vst v63  }
0x28: {  	_ = 	snop  }
0x29: {  	[tilespmem:s18], [sflag:$0x1] =	stream.indirect_vreg.gather [hbm4b:s4+s3], $0x80, v5, vm0, $0xb8;
	[tilespmem:$0x10500] =	vst v63  }
0x2a: {  	_ = 	snop  }
0x2b: {  	[tilespmem:s19], [sflag:$0x1] =	stream.indirect_vreg.gather [hbm4b:s6+s3], $0x80, v5, vm0, $0xb8;
	[tilespmem:$0x10500] =	vst v63  }
0x2c: {  	_ = 	snop  }
0x2d: {  	[tilespmem:s20], [sflag:$0x1] =	stream.indirect_vreg.gather [hbm4b:s7+s3], $0x80, v5, vm0, $0xb8;
	[tilespmem:$0x10500] =	vst v63  }
0x2e: {  	_ = 	snop  }
0x2f: {  	[tilespmem:s21], [sflag:$0x1] =	stream.indirect_vreg.gather [hbm4b:s8+s3], $0x80, v5, vm0, $0xb8;
	[tilespmem:$0x10500] =	vst v63  }
0x30: {  	v5 =	vld [tilespmem:$0x410];
	_ =	sdelay $0x4  }
0x31: {  	v6 =	vshll.u32 v5, $0x3  }
0x32: {  	v5 =	vand.u32 $0x7, v5;
	v6 =	vand.u32 $0xFFFFFFC0, v6  }
0x33: {  	v5 =	vor.u32 v5, v6  }
0x34: {  	v6 =	vperm.xlane v5, v1;
	_ =	sdelay $0x1  }
0x35: {  	v6 =	vadd.s32 v3, v6;
	_ =	sdelay $0x4  }
0x36: {  	[tilespmem:s22], [sflag:$0x1] =	stream.indirect_vreg.gather [hbm4b:s4+s3], $0x80, v6, vm0, $0xb8;
	[tilespmem:$0x10500] =	vst v63  }
0x37: {  	v5 =	vperm.xlane v5, v4  }
0x38: {  	[tilespmem:s23], [sflag:$0x1] =	stream.indirect_vreg.gather [hbm4b:s6+s3], $0x80, v6, vm0, $0xb8;
	[tilespmem:$0x10500] =	vst v63  }
0x39: {  	v5 =	vadd.s32 v3, v5  }
0x3a: {  	[tilespmem:s24], [sflag:$0x1] =	stream.indirect_vreg.gather [hbm4b:s7+s3], $0x80, v6, vm0, $0xb8;
	[tilespmem:$0x10500] =	vst v63  }
0x3b: {  	_ = 	snop  }
0x3c: {  	[tilespmem:s25], [sflag:$0x1] =	stream.indirect_vreg.gather [hbm4b:s8+s3], $0x80, v6, vm0, $0xb8;
	[tilespmem:$0x10500] =	vst v63  }
0x3d: {  	_ = 	snop  }
0x3e: {  	[tilespmem:s26], [sflag:$0x1] =	stream.indirect_vreg.gather [hbm4b:s4+s3], $0x80, v5, vm0, $0xb8;
	[tilespmem:$0x10500] =	vst v63  }
0x3f: {  	_ = 	snop  }
0x40: {  	[tilespmem:s28], [sflag:$0x1] =	stream.indirect_vreg.gather [hbm4b:s6+s3], $0x80, v5, vm0, $0xb8;
	[tilespmem:$0x10500] =	vst v63  }
0x41: {  	_ = 	snop  }
0x42: {  	[tilespmem:s29], [sflag:$0x1] =	stream.indirect_vreg.gather [hbm4b:s7+s3], $0x80, v5, vm0, $0xb8;
	[tilespmem:$0x10500] =	vst v63  }
0x43: {  	_ = 	snop  }
0x44: {  	[tilespmem:s30], [sflag:$0x1] =	stream.indirect_vreg.gather [hbm4b:s8+s3], $0x80, v5, vm0, $0xb8;
	[tilespmem:$0x10500] =	vst v63  }
0x45: {  	_ =	swait.ge [sflag:s31], $0x8000  }
0x46: {  	[sflag:s31] =	ssyncset.done $0x0  }
0x47: {  	[sflag:s31] =	ssyncadd.s32 $0xFFFF8000  }
0x48: {  	[tilespmem:s0], [sflag:$0x2] =	stream.linear.gather [hbm4b:s9+s3], $0x8000, $0x38;
	[tilespmem:$0x10500] =	vst v63  }
0x49: {  	_ =	swait.ge [sflag:s12], $0x8000  }
0x4a: {  	[sflag:s12] =	ssyncset.done $0x0  }
0x4b: {  	s13 =	simm.s32 $0x0;
	[sflag:s12] =	ssyncadd.s32 $0xFFFF8000  }
.LBB2_2:
0x4c: {  	s15 =	simm.s32 $0x0  }
0x4d: {  	v9 =	vor.u32 s15, v0;
	_ =	sdelay $0x4  }
0x4e: {  	s16 =	simm.s32 $0x10;
	v10 =	vld.idx.msk [tilespmem:v9+s3+$0x0], $0xffff  }
0x4f: {  	v11 =	vor.u32 s16, v0  }
0x50: {  	v5 =	vmov s13  }
0x51: {  	s17 =	simm.s32 $0x20;
	v6 =	vshll.u32 v5, $0xA;
	v8 =	vshll.u32 v5, $0x7;
	v12 =	vmov s15  }
0x52: {  	v14 =	vor.u32 s17, v0;
	v7 =	vand.u32 $0x6000, v6;
	v6 =	vand.u32 $0x380, v8  }
0x53: {  	v12 =	vshll.u32 v12, $0x3;
	v8 =	vor.u32 v6, v7;
	v13 =	vshll.u32 v10, $0x3  }
0x54: {  	v12 =	vand.u32 $0x1C00, v12;
	v9 =	vand.u32 $0x7F, v9;
	v15 =	vld.idx.msk [tilespmem:v11+s3+$0x0], $0xffff;
	v13 =	vand.u32 $0xFFFFFC00, v13  }
0x55: {  	v9 =	vor.u32 v12, v9;
	v10 =	vand.u32 $0x7F, v10;
	v12 =	vadd.s32 v7, v13  }
0x56: {  	v9 =	vor.u32 v8, v9;
	v10 =	vor.u32 v10, v12  }
0x57: {  	v10 =	vor.u32 v6, v10;
	_ =	sdelay $0x1  }
0x58: {  	v17 =	vshll.u32 v15, $0x3;
	v12 =	vmov s16  }
0x59: {  	s15 =	simm.s32 $0x30;
	v16 =	vld.idx.msk [tilespmem:v14+s3+$0x0], $0xffff;
	v17 =	vand.u32 $0xFFFFFC00, v17;
	v12 =	vshll.u32 v12, $0x3  }
0x5a: {  	v13 =	vand.u32 $0x7F, v11;
	v11 =	vor.u32 s15, v0;
	v18 =	vld.idx.msk [tilespmem:v9+s0+$0x0], $0xffff;
	v12 =	vand.u32 $0x1C00, v12  }
0x5b: {  	v9 =	vor.u32 v12, v13;
	v12 =	vand.u32 $0x7F, v15;
	v13 =	vadd.s32 v7, v17;
	v10 =	vld.idx.msk [tilespmem:v10+s14+$0x0], $0xffff  }
0x5c: {  	v12 =	vor.u32 v12, v13;
	v13 =	vor.u32 v8, v9  }
0x5d: {  	v17 =	vor.u32 v6, v12  }
0x5e: {  	v20 =	vshll.u32 v16, $0x3;
	v16 =	vand.u32 $0x7F, v16;
	v15 =	vmov s17  }
0x5f: {  	v20 =	vand.u32 $0xFFFFFC00, v20;
	v9 =	vimm.f32 $0.0e+00;
	v12 =	vshll.u32 v15, $0x3  }
0x60: {  	s16 =	simm.s32 $0x40;
	v15 =	vand.u32 $0x7F, v14;
	v14 =	vld.idx.msk [tilespmem:v11+s3+$0x0], $0xffff;
	v19 =	vand.u32 $0x1C00, v12;
	v18 =	vsub.f32 v18, v10  }
0x61: {  	v12 =	vor.u32 s16, v0;
	v15 =	vor.u32 v19, v15;
	v19 =	vadd.s32 v7, v20;
	v10 =	vld.idx.msk [tilespmem:v13+s0+$0x0], $0xffff  }
0x62: {  	s17 =	simm.s32 $0x50;
	v15 =	vor.u32 v8, v15;
	v13 =	vld.idx.msk [tilespmem:v17+s14+$0x0], $0xffff;
	v17 =	vor.u32 v16, v19;
	v16 =	vand.u32 $0x7FFFFFFF, v18  }
.LBB2_3:
0x63: {  	p0 =	sne.s32 s17, $0x3F0;
	v18 =	vmov s15;
	v17 =	vor.u32 v6, v17;
	v16 =	vmul.f32 v16, v2;
	s15 =	smov.u32 s16;
	s16 =	smov.u32 s17  }
0x64: {  	v18 =	vshll.u32 v18, $0x3  }
.Ltmp0:
0x65: {  	v19 =	vand.u32 $0x7F, v11;
	v11 =	vmovc v12;
	v20 =	vmovc v14;
	v18 =	vand.u32 $0x1C00, v18;
	v16 =	vsub.f32 $1.000000000e+00, v16;
	(pc) =	sbr.rel @p0 .LBB2_3-.Ltmp0, $4  }
0x66: {  	v21 =	vshll.u32 v20, $0x3;
	v14 =	vld.idx.msk [tilespmem:v12+s3+$0x0], $0xffff;
	v12 =	vor.u32 s17, v0;
	v18 =	vor.u32 v18, v19  }
0x67: {  	v19 =	vand.u32 $0xFFFFFC00, v21;
	v21 =	vsub.f32 v10, v13;
	v10 =	vld.idx.msk [tilespmem:v15+s0+$0x0], $0xffff;
	v15 =	vmax.f32 v16, $0.0e+00  }
0x68: {  	v16 =	vand.u32 $0x7F, v20;
	v19 =	vadd.s32 v7, v19;
	v13 =	vld.idx.msk [tilespmem:v17+s14+$0x0], $0xffff;
	v9 =	vadd.f32 v15, v9  }
0x69: {  	s17 =	sadd.s32 $0x10, s17;
	v17 =	vor.u32 v16, v19;
	v15 =	vor.u32 v8, v18;
	v16 =	vand.u32 $0x7FFFFFFF, v21  }
0x6a: {  	_ =	sdelay $0x3  }
0x6b: {  	v18 =	vmov s15;
	v19 =	vld.idx.msk [tilespmem:v12+s3+$0x0], $0xffff  }
0x6c: {  	v17 =	vor.u32 v6, v17;
	v11 =	vand.u32 $0x7F, v11;
	v52 =	vmov s16  }
0x6d: {  	v54 =	vand.u32 $0x7F, v12;
	v18 =	vshll.u32 v18, $0x3;
	v20 =	vshll.u32 v14, $0x3  }
0x6e: {  	v50 =	vand.u32 $0x7F, v14;
	v18 =	vand.u32 $0x1C00, v18;
	v20 =	vand.u32 $0xFFFFFC00, v20  }
0x6f: {  	v11 =	vor.u32 v18, v11;
	v51 =	vadd.s32 v7, v20;
	v18 =	vshll.u32 v52, $0x3  }
0x70: {  	v14 =	vor.u32 v50, v51;
	v11 =	vor.u32 v8, v11;
	v53 =	vshll.u32 v19, $0x3  }
0x71: {  	v18 =	vand.u32 $0x1C00, v18;
	v14 =	vor.u32 v6, v14;
	v20 =	vand.u32 $0xFFFFFC00, v53  }
0x72: {  	v12 =	vor.u32 v18, v54;
	v55 =	vand.u32 $0x7F, v19;
	v7 =	vadd.s32 v7, v20  }
0x73: {  	v56 =	vor.u32 v8, v12;
	v7 =	vor.u32 v55, v7  }
0x74: {  	v57 =	vld.idx.msk [tilespmem:v15+s0+$0x0], $0xffff;
	v6 =	vor.u32 v6, v7  }
0x75: {  	v7 =	vld.idx.msk [tilespmem:v17+s14+$0x0], $0xffff  }
0x76: {  	v11 =	vld.idx.msk [tilespmem:v11+s0+$0x0], $0xffff  }
0x77: {  	v14 =	vld.idx.msk [tilespmem:v14+s14+$0x0], $0xffff  }
0x78: {  	v10 =	vsub.f32 v10, v13;
	v8 =	vld.idx.msk [tilespmem:v56+s0+$0x0], $0xffff  }
0x79: {  	v58 =	vmul.f32 v16, v2;
	v6 =	vld.idx.msk [tilespmem:v6+s14+$0x0], $0xffff  }
0x7a: {  	v10 =	vand.u32 $0x7FFFFFFF, v10;
	v7 =	vsub.f32 v57, v7  }
0x7b: {  	v59 =	vsub.f32 $1.000000000e+00, v58;
	v10 =	vmul.f32 v10, v2  }
0x7c: {  	v11 =	vsub.f32 v11, v14;
	v7 =	vand.u32 $0x7FFFFFFF, v7  }
0x7d: {  	v12 =	vmax.f32 v59, $0.0e+00;
	v10 =	vsub.f32 $1.000000000e+00, v10;
	v7 =	vmul.f32 v7, v2  }
0x7e: {  	v9 =	vadd.f32 v12, v9;
	v11 =	vand.u32 $0x7FFFFFFF, v11;
	v6 =	vsub.f32 v8, v6  }
0x7f: {  	v60 =	vmax.f32 v10, $0.0e+00;
	v61 =	vmul.f32 v11, v2;
	v7 =	vsub.f32 $1.000000000e+00, v7  }
0x80: {  	v8 =	vadd.f32 v60, v9;
	v6 =	vand.u32 $0x7FFFFFFF, v6  }
0x81: {  	v62 =	vsub.f32 $1.000000000e+00, v61;
	v7 =	vmax.f32 v7, $0.0e+00;
	v6 =	vmul.f32 v6, v2  }
0x82: {  	v7 =	vadd.f32 v7, v8  }
0x83: {  	v63 =	vmax.f32 v62, $0.0e+00;
	v6 =	vsub.f32 $1.000000000e+00, v6  }
0x84: {  	v7 =	vadd.f32 v63, v7  }
0x85: {  	v6 =	vmax.f32 v6, $0.0e+00  }
0x86: {  	v6 =	vadd.f32 v6, v7;
	_ =	sdelay $0x1  }
0x87: {  	(xrf2) =	vadd.scan.msk.f32 $0xffff, v6;
	_ =	sdelay $0x9  }
0x88: {  	v6, _, _ =	vpop (xrf2)  }
0x89: {  	(v2sf) =	vpush v6, $0xF;
	_ =	sdelay $0xe  }
0x8a: {  	s17 =	spop (v2sf)  }
0x8b: {  	s15 =	smul.f32 $9.765625000e-04, s17  }
0x8c: {  	s13 =	sadd.s32 $0x1, s13  }
0x8d: {  	p0 =	sne.s32 s13, $0x20;
	v6 =	vmov s15  }
.Ltmp1:
0x8e: {  	v6 =	vadd.f32 $0.0e+00, v6;
	(pc) =	sbr.rel @p0 .LBB2_2-.Ltmp1, $3  }
0x8f: {  	_ = 	snop  }
0x90: {  	v6 =	vbroadcast v6, $0x0;
	_ =	sdelay $0x1  }
0x91: {  	[tilespmem:v5+s1+$0x0] =	vst.idx.msk $0x1, v6  }
0x92: {  	s2 =	sadd.s32 $0x1, s2  }
0x93: {  	p0 =	sne.s32 s2, s11  }
.Ltmp2:
0x94: {  	_ = 	snop;
	(pc) =	sbr.rel @p0 .LBB2_1-.Ltmp2, $4  }
0x95: {  	[hbm4b:s10+s3] =	stream.linear.scatter [tilespmem:s1], [sflag:$0x2], $0x20, $0x38;
	[tilespmem:$0x10500] =	vst v63  }
0x96: {  	_ =	swait.ge [sflag:s12], $0x20  }
0x97: {  	[sflag:s12] =	ssyncset.done $0x0  }
0x98: {  	[sflag:s12] =	ssyncadd.s32 $0xFFFFFFE0  }
0x99: {  	_ =	sfence.sel $0x180000  }
0x9a: {  	[bflag:$0x0] =	sbarrier.arrive $0xFFFF  }
0x9b: {  	_ =	strace $0x90000047  }
0x9c: {  	s0 =	stileid.u32;
	[bflag:$0x2] =	sbarrier.arrive $0xFFFF  }
0x9d: {  	p0 =	sne.s32 s0, $0x0;
	s0 =	rddreg [dreg:$0x3]  }
0x9e: {  	s0 =	sadd.s32 @!p0 $0x100000, s0  }
0x9f: {  	[sflag:s0] =	ssyncadd.tile.s32 @!p0 $0x1;
	_ =	shalt  }
.Lfunc_end2:
_tile_overlayer_lowered:
.L_overlay_start_2:
0xa0: {  	(tag) =	ssettag $0x2  }
0xa1: {  	s0 =	rddreg [dreg:$0x0];
	s2 =	stileid.u32  }
0xa2: {  	s1 =	rddreg [dreg:$0x1];
	p0 =	sne.s32 s2, $0x0  }
0xa3: {  	s3 =	rddreg [dreg:$0x2];
	[bflag:$0x3] =	sbarrier.arrive $0xFFFF;
	s2 =	simm.s32 @!p0 $0x1C02  }
0xa4: {  	[timem:s3], [sflag:s2] =	dma.local @!p0 [hbm:s0], s1  }
0xa5: {  	s0 =	simm.s32 @!p0 $0x2  }
0xa6: {  	_ =	swait.ge @!p0 [sflag:s0], s1  }
0xa7: {  	s1 =	ssub.s32 @!p0 $0x0, s1;
	[sflag:s0] =	ssyncset.done @!p0 $0x0  }
0xa8: {  	[sflag:s0] =	ssyncadd.s32 @!p0 s1  }
0xa9: {  	[bflag:$0x3] =	sbarrier.arrive $0xFFFF  }
0xaa: {  	_ =	shalt  }

// kernel: kernel.29.cloned.1.call-start
scs
__scs_entry_jumppad:
0x0: {  	(pc) =	sbr.rel $0x88, $3  }
0x1: {  	(tag) =	ssettag $0x0;
	lr =	simm.s32 $0x1  }
0x2: {  	[smem:$0x3F6B] =	sst lr;
	_ =	strace $0xD0000000  }
0x3: {  	_ = 	snop  }
0x4: {  	_ = 	snop  }
0x5: {  	_ = 	snop  }
0x6: {  	_ = 	snop  }
0x7: {  	_ = 	snop  }
__scs_overlays_trampoline_lowered:
0x8: {  	[smem:$0x3F7A] =	sst s0  }
0x9: {  	[smem:$0x3F7B] =	sst s1  }
0xa: {  	[smem:$0x3F7C] =	sst s2  }
0xb: {  	[smem:$0x3F7D] =	sst s3  }
0xc: {  	[smem:$0x3F7E] =	sst s4  }
0xd: {  	[smem:$0x3F7F] =	sst s5  }
0xe: {  	[smem:$0x3F80] =	sst s6  }
0xf: {  	[smem:$0x3F81] =	sst s7  }
0x10: {  	[smem:$0x3F82] =	sst s8  }
0x11: {  	[smem:$0x3F83] =	sst s9;
	s0 =	simm.s32 @!p0 $0x0  }
0x12: {  	s1 =	sld [smem:$0x3F69];
	s0 =	simm.s32 @p0 $0x1  }
0x13: {  	[smem:$0x3F84] =	sst s0;
	s0 =	simm.s32 @!p1 $0x0  }
0x14: {  	s2 =	sld [smem:$0x3F68];
	s0 =	simm.s32 @p1 $0x1  }
0x15: {  	[smem:$0x3F85] =	sst s0;
	s0 =	simm.s32 @!p2 $0x0  }
0x16: {  	s3 =	sld [smem:$0x3FDB];
	s0 =	simm.s32 @p2 $0x1  }
0x17: {  	s4 =	simm.s32 $0x1BF5;
	[smem:$0x3F87] =	sst s0  }
0x18: {  	s0 =	sld [smem:$0x3F6A];
	_ =	swait.ge [sflag:s4], $0x0  }
0x19: {  	s7 =	sld [smem:$0x3F6B]  }
0x1a: {  	s8 =	sadd.s32 $0xFFFFE003, lr  }
0x1b: {  	s9 =	sadd.s32 $0xFFFFFEF7, lr;
	s5 =	simm.s32 $0xFFFFFFFF;
	p2 =	slt.u32 s8, $0xFFFFF086  }
0x1c: {  	p1 =	slt.u32 s9, $0xF7A;
	s5 =	simm.s32 @!p2 $0x0  }
0x1d: {  	s5 =	simm.s32 @p1 $0x1;
	p0 =	seq.s32 s7, s2  }
0x1e: {  	s7 =	smul.u32 @!p0 $0xF7A, s2;
	p2 =	seq.s32 @!p0 s5, $0x0  }
0x1f: {  	s9 =	smul.u32 $0xF7A, s1;
	s8 =	simm.s32 @!p0 $0x1BF5;
	p2 =	por !p2, p0  }
0x20: {  	[sflag:s8] =	ssyncset.s32 @!p0 $0xFFFFF086;
	s6 =	sadd.s32 @!p0 s3, s7;
	s7 =	simm.s32 @!p0 $0x108  }
0x21: {  	s3 =	sadd.s32 s3, s9;
	s6 =	sadd.s32 @!p0 $0x88, s6;
	s7 =	simm.s32 @p2 $0x1082  }
0x22: {  	[simem:s7], [sflag:s8] =	dma.local @!p0 [hbm:s6], $0xF7A  }
0x23: {  	s9 =	sor.u32 $0xD0000000, s2;
	s6 =	simm.s32 $0x108;
	_ =	swait.ge @!p0 [sflag:s8], $0x0  }
0x24: {  	s3 =	sadd.s32 $0x88, s3;
	s6 =	simm.s32 @!p1 $0x1082;
	[sflag:s4] =	ssyncset.s32 $0xFFFFF086  }
0x25: {  	[simem:s6], [sflag:s4] =	dma.local [hbm:s3], $0xF7A  }
0x26: {  	[smem:$0x3F6B] =	sst s1;
	(tag) =	ssettag s2;
	_ =	strace s9  }
0x27: {  	s1 =	sld [smem:$0x3F7B]  }
0x28: {  	s2 =	sld [smem:$0x3F7C]  }
0x29: {  	s4 =	sld [smem:$0x3F7E]  }
0x2a: {  	p0 =	seq.s32 s5, $0x0;
	s5 =	sld [smem:$0x3F7F]  }
0x2b: {  	s6 =	sld [smem:$0x3F80]  }
0x2c: {  	s7 =	sld [smem:$0x3F81]  }
0x2d: {  	s3 =	simm.s32 $0x108;
	s8 =	sld [smem:$0x3F82]  }
0x2e: {  	s3 =	simm.s32 @!p0 $0x1082;
	s9 =	sld [smem:$0x3F83]  }
0x2f: {  	lr =	sadd.s32 s0, s3;
	s0 =	sld [smem:$0x3F7A]  }
0x30: {  	s3 =	sld [smem:$0x3F7D]  }
0x31: {  	[smem:$0x3F86] =	sst s10  }
0x32: {  	s10 =	sld [smem:$0x3F84];
	_ =	sdelay $0x3  }
0x33: {  	p0 =	seq.s32 s10, $0x1;
	s10 =	sld [smem:$0x3F86];
	_ =	sdelay $0x3  }
0x34: {  	[smem:$0x3F86] =	sst s10  }
0x35: {  	s10 =	sld [smem:$0x3F85];
	_ =	sdelay $0x3  }
0x36: {  	p1 =	seq.s32 s10, $0x1;
	s10 =	sld [smem:$0x3F86];
	_ =	sdelay $0x3  }
0x37: {  	[smem:$0x3F86] =	sst s10  }
0x38: {  	s10 =	sld [smem:$0x3F87]  }
0x39: {  	_ = 	snop;
	(pc) =	sbr.ind lr, $3  }
0x3a: {  	_ = 	snop  }
0x3b: {  	_ = 	snop  }
0x3c: {  	p2 =	seq.s32 s10, $0x1;
	s10 =	sld [smem:$0x3F86]  }
0x3d: {  	_ =	shalt  }
0x3e: {  	_ =	shalt  }
0x3f: {  	_ =	shalt  }
0x40: {  	_ =	shalt  }
0x41: {  	_ =	shalt  }
0x42: {  	_ =	shalt  }
0x43: {  	_ =	shalt  }
0x44: {  	_ =	shalt  }
0x45: {  	_ =	shalt  }
0x46: {  	_ =	shalt  }
0x47: {  	_ =	shalt  }
0x48: {  	_ =	shalt  }
0x49: {  	_ =	shalt  }
0x4a: {  	_ =	shalt  }
0x4b: {  	_ =	shalt  }
0x4c: {  	_ =	shalt  }
0x4d: {  	_ =	shalt  }
0x4e: {  	_ =	shalt  }
0x4f: {  	_ =	shalt  }
0x50: {  	_ =	shalt  }
0x51: {  	_ =	shalt  }
0x52: {  	_ =	shalt  }
0x53: {  	_ =	shalt  }
0x54: {  	_ =	shalt  }
0x55: {  	_ =	shalt  }
0x56: {  	_ =	shalt  }
0x57: {  	_ =	shalt  }
0x58: {  	_ =	shalt  }
0x59: {  	_ =	shalt  }
0x5a: {  	_ =	shalt  }
0x5b: {  	_ =	shalt  }
0x5c: {  	_ =	shalt  }
0x5d: {  	_ =	shalt  }
0x5e: {  	_ =	shalt  }
0x5f: {  	_ =	shalt  }
0x60: {  	_ =	shalt  }
0x61: {  	_ =	shalt  }
0x62: {  	_ =	shalt  }
0x63: {  	_ =	shalt  }
0x64: {  	_ =	shalt  }
0x65: {  	_ =	shalt  }
0x66: {  	_ =	shalt  }
0x67: {  	_ =	shalt  }
0x68: {  	_ =	shalt  }
0x69: {  	_ =	shalt  }
0x6a: {  	_ =	shalt  }
0x6b: {  	_ =	shalt  }
0x6c: {  	_ =	shalt  }
0x6d: {  	_ =	shalt  }
0x6e: {  	_ =	shalt  }
0x6f: {  	_ =	shalt  }
0x70: {  	_ =	shalt  }
0x71: {  	_ =	shalt  }
0x72: {  	_ =	shalt  }
0x73: {  	_ =	shalt  }
0x74: {  	_ =	shalt  }
0x75: {  	_ =	shalt  }
0x76: {  	_ =	shalt  }
0x77: {  	_ =	shalt  }
0x78: {  	_ =	shalt  }
0x79: {  	_ =	shalt  }
0x7a: {  	_ =	shalt  }
0x7b: {  	_ =	shalt  }
0x7c: {  	_ =	shalt  }
0x7d: {  	_ =	shalt  }
0x7e: {  	_ =	shalt  }
0x7f: {  	_ =	shalt  }
0x80: {  	_ =	shalt  }
0x81: {  	_ =	shalt  }
0x82: {  	_ =	shalt  }
0x83: {  	_ =	shalt  }
0x84: {  	_ =	shalt  }
0x85: {  	_ =	shalt  }
0x86: {  	_ =	shalt  }
0x87: {  	_ =	shalt  }
.Lfunc_end0:
.L_simem_size_0:
called_computation.1_lowered:
.L_overlay_start_0:
0x88: {  	s2 =	sld [smem:$0x3FD9]  }
0x89: {  	s3 =	sld [smem:$0x3FFE];
	_ =	sdelay $0x1  }
0x8a: {  	s1 =	srdreg.scid  }
0x8b: {  	s0 =	sand.u32 $0x1, s1  }
0x8c: {  	s15 =	sshll.u32 s0, $0xA;
	s2 =	sadd.s32 s3, s2  }
0x8d: {  	s2 =	sadd.s32 s2, s15  }
0x8e: {  	[smem:$0x3F92] =	sst s2  }
0x8f: {  	_ = 	snop  }
0x90: {  	s2 =	sld [smem:$0x3FD0];
	_ =	sdelay $0x2  }
0x91: {  	s4 =	simm.s32 $0xB;
	s16 =	simm.s32 $0x10  }
0x92: {  	[smem:s16], [sflag:s4] =	dma.local [hbm:s2], $0x1  }
0x93: {  	_ =	swait.eq [sflag:s4], $0x1  }
0x94: {  	[sflag:s4] =	ssyncset.done $0x0  }
0x95: {  	s17 =	sld [smem:$0x12];
	[sflag:s4] =	ssyncadd.s32 $0xFFFFFFFF  }
0x96: {  	s18 =	sld [smem:$0x13];
	(tm) =	ssettm $0x1  }
0x97: {  	s19 =	sld [smem:$0x3FFB];
	_ =	sdelay $0x3  }
0x98: {  	_ =	strace s19  }
0x99: {  	s2 =	sld [smem:$0x3FFC];
	_ =	sdelay $0x3  }
0x9a: {  	_ =	strace s2  }
0x9b: {  	s2 =	sld [smem:$0x3FFD];
	_ =	sdelay $0x3  }
0x9c: {  	_ =	strace s2  }
0x9d: {  	_ =	strace $0x8FFFFFFF  }
0x9e: {  	s20 =	sld [smem:$0x3FDB];
	_ =	sdelay $0x1  }
0x9f: {  	s5 =	simm.s32 $_scs_section_size  }
0xa0: {  	s6 =	simm.s32 $_size__tile_overlayer_lowered;
	s7 =	simm.s32 $_tile_overlayer_lowered  }
0xa1: {  	s8 =	simm.s32 $0x1BFF;
	s21 =	sshll.u32 s7, $0x1;
	s5 =	sadd.s32 s5, s20  }
0xa2: {  	s22 =	simm.s32 $0x0;
	s6 =	sshll.u32 s6, $0x1;
	s7 =	sadd.s32 s21, s5  }
0xa3: {  	[timem:s22], [sflag:s8] =	dma.local [hbm:s7], s6  }
0xa4: {  	_ =	swait.ge [sflag:s8], s6  }
0xa5: {  	s6 =	ssub.s32 $0x0, s6;
	[sflag:s8] =	ssyncset.done $0x0  }
0xa6: {  	[sflag:s8] =	ssyncadd.s32 s6;
	_ =	sdelay $0x1  }
0xa7: {  	s23 =	simm.s32 $0x1B8B  }
0xa8: {  	_ =	swait.ge [sflag:s23], $0x1  }
0xa9: {  	[sflag:s23] =	ssyncset.done $0x0  }
0xaa: {  	[sflag:s23] =	ssyncadd.s32 $0xFFFFFFFF  }
0xab: {  	s6 =	sld [smem:$0x0]  }
0xac: {  	s7 =	sand.u32 $0xFFFFFFFE, s1  }
0xad: {  	p0 =	sne.s32 s1, s7  }
0xae: {  	s7 =	sshll.u32 @p0 s7, $0xE  }
0xaf: {  	s7 =	sadd.s32 @p0 $0x11B8D, s7;
	s8 =	sshll.u32 @p0 s6, $0x11  }
0xb0: {  	s7 =	sor.u32 @p0 s8, s7  }
0xb1: {  	[sflag:s7] =	ssyncadd.remote.s32 @p0 $0x1;
	_ =	sdelay $0x1  }
0xb2: {  	s7 =	simm.s32 @p0 $0x1B8D  }
0xb3: {  	_ =	swait.eq @p0 [sflag:s7], $0x1  }
0xb4: {  	[sflag:s7] =	ssyncadd.s32 @p0 $0xFFFFFFFF  }
0xb5: {  	s8 =	sshll.u32 @!p0 s1, $0xE  }
0xb6: {  	s8 =	sor.u32 @!p0 $0x4000, s8;
	s7 =	simm.s32 @!p0 $0x1B8D  }
0xb7: {  	s6 =	sshll.u32 @!p0 s6, $0x11;
	s8 =	sadd.s32 @!p0 $0x11B8D, s8;
	_ =	swait.eq @!p0 [sflag:s7], $0x1  }
0xb8: {  	s6 =	sor.u32 @!p0 s6, s8;
	[sflag:s7] =	ssyncadd.s32 @!p0 $0xFFFFFFFF  }
0xb9: {  	s25 =	simm.s32 $0x1B8E;
	s24 =	sld [smem:$0x3FFE];
	[sflag:s6] =	ssyncadd.remote.s32 @!p0 $0x1  }
0xba: {  	s26 =	simm.s32 $execute0_lowered;
	[smem:$0x3FD2] =	sst s25  }
0xbb: {  	s7 =	sshll.u32 s26, $0x1;
	_ =	strace $0x80000049;
	[dreg:$0x1] =	wrdreg $0xFFFFFFFF  }
0xbc: {  	s28 =	simm.s32 $_size_execute0_lowered;
	s5 =	sadd.s32 s5, s7;
	[dreg:$0x0] =	wrdreg $0x0  }
0xbd: {  	s7 =	sshll.u32 s28, $0x1;
	[dreg:$0x2] =	wrdreg s5  }
0xbe: {  	[dreg:$0x3] =	wrdreg s7  }
0xbf: {  	[dreg:$0x4] =	wrdreg $0xC0  }
0xc0: {  	_ =	task [dreg:s22], $0x5FFFF  }
0xc1: {  	[dreg:$0x1] =	wrdreg $0xFFFFFFFF  }
0xc2: {  	[dreg:$0x0] =	wrdreg $0x60  }
0xc3: {  	[dreg:$0x2] =	wrdreg s24  }
0xc4: {  	[dreg:$0x3] =	wrdreg s17  }
0xc5: {  	[dreg:$0x4] =	wrdreg s18  }
0xc6: {  	[dreg:$0x5] =	wrdreg $0xA  }
0xc7: {  	_ =	task.clear_ibuf [dreg:s22], $0x6FFFF;
	_ =	strace $0x90000049  }
0xc8: {  	s29 =	simm.s32 $0xA;
	_ =	strace $0x8000004B  }
0xc9: {  	_ =	swait.ge [sflag:s29], $0x1  }
0xca: {  	[sflag:s29] =	ssyncadd.s32 $0xFFFFFFFF  }
0xcb: {  	_ =	strace $0x9000004B  }
0xcc: {  	_ =	sfence  }
0xcd: {  	s30 =	sld [smem:$0x0];
	_ =	sdelay $0x2  }
0xce: {  	s31 =	sshll.u32 s1, $0xD;
	s1 =	sshrl.u32 s1, $0x2  }
0xcf: {  	s4 =	sand.u32 $0x4000, s31;
	s1 =	sadd.s32 s1, s30  }
0xd0: {  	s0 =	sor.u32 s4, s0;
	s1 =	sshll.u32 s1, $0x11  }
0xd1: {  	s0 =	sor.u32 s1, s0  }
0xd2: {  	s0 =	sadd.s32 $0x8F2B, s0  }
0xd3: {  	[sflag:s0] =	ssyncadd.remote.s32 $0x1  }
0xd4: {  	_ =	sfence.sel $0xFFFF  }
0xd5: {  	[dreg:$0x0] =	wrdreg $0xFFFFFFFF;
	(pc) =	sbr.abs _section_cstart, $3  }
0xd6: {  	[dreg:$0x1] =	wrdreg $0xFFFFFFFF  }
0xd7: {  	_ =	task.clear_ibuf [dreg:s22], $0x2FFFF;
	_ =	strace $0x9FFFFFFF  }
0xd8: {  	(tm) =	ssettm $0x7FFFFFFF  }
0xd9: {  	_ =	shalt  }
tec
execute0_lowered:
.L_overlay_start_1:
0x0: {  	(tag) =	ssettag $0x1  }
0x1: {  	s0 =	rddreg [dreg:$0x0]  }
0x2: {  	s1 =	rddreg [dreg:$0x1]  }
0x3: {  	s6 =	rddreg [dreg:$0x2];
	s2 =	srdreg.scid;
	s4 =	simm.s32 $0x0  }
0x4: {  	s3 =	stileid.u32;
	s12 =	simm.s32 $0x2;
	s14 =	simm.s32 $0x480  }
0x5: {  	s18 =	simm.s32 $0x2480;
	s19 =	simm.s32 $0x2C80;
	[smem:$0x7FF] =	sst s4  }
0x6: {  	v0 =	vimm.f32 $3.000000000e+00;
	s20 =	simm.s32 $0x3480;
	s21 =	simm.s32 $0x3C80;
	_ =	strace $0x8000004A  }
0x7: {  	s22 =	simm.s32 $0x4480;
	s23 =	simm.s32 $0x4C80;
	s24 =	simm.s32 $0x5480;
	(erf) = vrcp.f32 v0  }
0x8: {  	s25 =	simm.s32 $0x5C80;
	s28 =	simm.s32 $0x6C80;
	s29 =	simm.s32 $0x7480  }
0x9: {  	s30 =	simm.s32 $0x7C80;
	s31 =	simm.s32 $0x1;
	s2 =	sand.u32 $0x1, s2  }
0xa: {  	s3 =	sshll.u32 s3, $0x6;
	s7 =	sadd.s32 $0x200, s1;
	s5 =	sshll.u32 s2, $0x5  }
0xb: {  	s8 =	sadd.s32 $0x300, s1;
	s2 =	ssub.s32 $0x2, s2;
	s3 =	sor.u32 s5, s3  }
0xc: {  	s26 =	sshrl.u32 s2, $0x1;
	s5 =	sshll.u32 s3, $0x7;
	s3 =	sshrl.u32 s3, $0x3  }
0xd: {  	s2 =	ssub.s32 s2, s26;
	s26 =	simm.s32 $0x6480;
	s9 =	sadd.s32 s5, s0  }
0xe: {  	v0 =	vlaneseq.u32;
	s0 =	sadd.s32 s3, s0;
	s5 =	sadd.s32 s6, s3;
	s6 =	sadd.s32 $0x100, s1  }
0xf: {  	vm0 =	vmmov $0xffff;
	v3 =	vshrl.u32 v0, $0x3;
	s11 =	smax.u32 s2, $0x1;
	s2 =	simm.s32 $0x10480;
	s3 =	simm.s32 $0x0  }
0x10: {  	v1 =	vand.u32 $0x7, v0;
	v4 =	vor.u32 $0x8, v0;
	v3 =	vmul.u32 $0x8, v3;
	s9 =	sadd.s32 $0xA000, s9;
	s10 =	sadd.s32 $0x2A200, s0;
	s0 =	simm.s32 $0x8480;
	v2 =	vpop (erf)  }
.LBB2_1:
0x11: {  	s13 =	rddreg [dreg:$0x2]  }
0x12: {  	[tilespmem:s4], [sflag:$0x2] =	stream.linear.gather [hbm4b:s13+s4], $0x400, $0x38;
	[tilespmem:$0x10500] =	vst v63  }
0x13: {  	_ =	swait.ge [sflag:s12], $0x400  }
0x14: {  	[sflag:s12] =	ssyncset.done $0x0  }
0x15: {  	s17 =	simm.s32 $0x400;
	[sflag:s12] =	ssyncadd.s32 $0xFFFFFC00  }
0x16: {  	[tilespmem:s17], [sflag:$0x2] =	stream.linear.gather [hbm4b:s5+s4], $0x20, $0x38;
	[tilespmem:$0x10500] =	vst v63  }
0x17: {  	_ =	swait.ge [sflag:s12], $0x20  }
0x18: {  	[sflag:s12] =	ssyncset.done $0x0  }
0x19: {  	[sflag:s12] =	ssyncadd.s32 $0xFFFFFFE0  }
0x1a: {  	v5 =	vld [tilespmem:$0x400];
	_ =	sdelay $0x4  }
0x1b: {  	v6 =	vshll.u32 v5, $0x3  }
0x1c: {  	v5 =	vand.u32 $0x7, v5;
	v6 =	vand.u32 $0xFFFFFFC0, v6  }
0x1d: {  	v5 =	vor.u32 v5, v6  }
0x1e: {  	v6 =	vperm.xlane v5, v1;
	_ =	sdelay $0x1  }
0x1f: {  	v6 =	vadd.s32 v3, v6;
	_ =	sdelay $0x4  }
0x20: {  	[tilespmem:s14], [sflag:$0x1] =	stream.indirect_vreg.gather [hbm4b:s1+s4], $0x80, v6, vm0, $0xb8;
	[tilespmem:$0x10500] =	vst v63  }
0x21: {  	s15 =	simm.s32 $0xC80;
	v5 =	vperm.xlane v5, v4  }
0x22: {  	[tilespmem:s15], [sflag:$0x1] =	stream.indirect_vreg.gather [hbm4b:s6+s4], $0x80, v6, vm0, $0xb8;
	[tilespmem:$0x10500] =	vst v63  }
0x23: {  	s16 =	simm.s32 $0x1480;
	v5 =	vadd.s32 v3, v5  }
0x24: {  	[tilespmem:s16], [sflag:$0x1] =	stream.indirect_vreg.gather [hbm4b:s7+s4], $0x80, v6, vm0, $0xb8;
	[tilespmem:$0x10500] =	vst v63  }
0x25: {  	s17 =	simm.s32 $0x1C80  }
0x26: {  	[tilespmem:s17], [sflag:$0x1] =	stream.indirect_vreg.gather [hbm4b:s8+s4], $0x80, v6, vm0, $0xb8;
	[tilespmem:$0x10500] =	vst v63  }
0x27: {  	_ = 	snop  }
0x28: {  	[tilespmem:s18], [sflag:$0x1] =	stream.indirect_vreg.gather [hbm4b:s1+s4], $0x80, v5, vm0, $0xb8;
	[tilespmem:$0x10500] =	vst v63  }
0x29: {  	_ = 	snop  }
0x2a: {  	[tilespmem:s19], [sflag:$0x1] =	stream.indirect_vreg.gather [hbm4b:s6+s4], $0x80, v5, vm0, $0xb8;
	[tilespmem:$0x10500] =	vst v63  }
0x2b: {  	_ = 	snop  }
0x2c: {  	[tilespmem:s20], [sflag:$0x1] =	stream.indirect_vreg.gather [hbm4b:s7+s4], $0x80, v5, vm0, $0xb8;
	[tilespmem:$0x10500] =	vst v63  }
0x2d: {  	_ = 	snop  }
0x2e: {  	[tilespmem:s21], [sflag:$0x1] =	stream.indirect_vreg.gather [hbm4b:s8+s4], $0x80, v5, vm0, $0xb8;
	[tilespmem:$0x10500] =	vst v63  }
0x2f: {  	v5 =	vld [tilespmem:$0x410];
	_ =	sdelay $0x4  }
0x30: {  	v6 =	vshll.u32 v5, $0x3  }
0x31: {  	v5 =	vand.u32 $0x7, v5;
	v6 =	vand.u32 $0xFFFFFFC0, v6  }
0x32: {  	v5 =	vor.u32 v5, v6  }
0x33: {  	v6 =	vperm.xlane v5, v1;
	_ =	sdelay $0x1  }
0x34: {  	v6 =	vadd.s32 v3, v6;
	_ =	sdelay $0x4  }
0x35: {  	[tilespmem:s22], [sflag:$0x1] =	stream.indirect_vreg.gather [hbm4b:s1+s4], $0x80, v6, vm0, $0xb8;
	[tilespmem:$0x10500] =	vst v63  }
0x36: {  	v5 =	vperm.xlane v5, v4  }
0x37: {  	[tilespmem:s23], [sflag:$0x1] =	stream.indirect_vreg.gather [hbm4b:s6+s4], $0x80, v6, vm0, $0xb8;
	[tilespmem:$0x10500] =	vst v63  }
0x38: {  	v5 =	vadd.s32 v3, v5  }
0x39: {  	[tilespmem:s24], [sflag:$0x1] =	stream.indirect_vreg.gather [hbm4b:s7+s4], $0x80, v6, vm0, $0xb8;
	[tilespmem:$0x10500] =	vst v63  }
0x3a: {  	_ = 	snop  }
0x3b: {  	[tilespmem:s25], [sflag:$0x1] =	stream.indirect_vreg.gather [hbm4b:s8+s4], $0x80, v6, vm0, $0xb8;
	[tilespmem:$0x10500] =	vst v63  }
0x3c: {  	_ = 	snop  }
0x3d: {  	[tilespmem:s26], [sflag:$0x1] =	stream.indirect_vreg.gather [hbm4b:s1+s4], $0x80, v5, vm0, $0xb8;
	[tilespmem:$0x10500] =	vst v63  }
0x3e: {  	_ = 	snop  }
0x3f: {  	[tilespmem:s28], [sflag:$0x1] =	stream.indirect_vreg.gather [hbm4b:s6+s4], $0x80, v5, vm0, $0xb8;
	[tilespmem:$0x10500] =	vst v63  }
0x40: {  	_ = 	snop  }
0x41: {  	[tilespmem:s29], [sflag:$0x1] =	stream.indirect_vreg.gather [hbm4b:s7+s4], $0x80, v5, vm0, $0xb8;
	[tilespmem:$0x10500] =	vst v63  }
0x42: {  	_ = 	snop  }
0x43: {  	[tilespmem:s30], [sflag:$0x1] =	stream.indirect_vreg.gather [hbm4b:s8+s4], $0x80, v5, vm0, $0xb8;
	[tilespmem:$0x10500] =	vst v63  }
0x44: {  	_ =	swait.ge [sflag:s31], $0x8000  }
0x45: {  	[sflag:s31] =	ssyncset.done $0x0  }
0x46: {  	[sflag:s31] =	ssyncadd.s32 $0xFFFF8000  }
0x47: {  	[tilespmem:s0], [sflag:$0x2] =	stream.linear.gather [hbm4b:s9+s4], $0x8000, $0x38;
	[tilespmem:$0x10500] =	vst v63  }
0x48: {  	_ =	swait.ge [sflag:s12], $0x8000  }
0x49: {  	[sflag:s12] =	ssyncset.done $0x0  }
0x4a: {  	s13 =	simm.s32 $0x0;
	[sflag:s12] =	ssyncadd.s32 $0xFFFF8000  }
.LBB2_2:
0x4b: {  	s15 =	simm.s32 $0x0  }
0x4c: {  	v9 =	vor.u32 s15, v0;
	_ =	sdelay $0x4  }
0x4d: {  	s16 =	simm.s32 $0x10;
	v10 =	vld.idx.msk [tilespmem:v9+s4+$0x0], $0xffff  }
0x4e: {  	v11 =	vor.u32 s16, v0  }
0x4f: {  	v5 =	vmov s13  }
0x50: {  	s17 =	simm.s32 $0x20;
	v6 =	vshll.u32 v5, $0xA;
	v8 =	vshll.u32 v5, $0x7;
	v12 =	vmov s15  }
0x51: {  	v14 =	vor.u32 s17, v0;
	v7 =	vand.u32 $0x6000, v6;
	v6 =	vand.u32 $0x380, v8  }
0x52: {  	v12 =	vshll.u32 v12, $0x3;
	v8 =	vor.u32 v6, v7;
	v13 =	vshll.u32 v10, $0x3  }
0x53: {  	v12 =	vand.u32 $0x1C00, v12;
	v9 =	vand.u32 $0x7F, v9;
	v15 =	vld.idx.msk [tilespmem:v11+s4+$0x0], $0xffff;
	v13 =	vand.u32 $0xFFFFFC00, v13  }
0x54: {  	v9 =	vor.u32 v12, v9;
	v10 =	vand.u32 $0x7F, v10;
	v12 =	vadd.s32 v7, v13  }
0x55: {  	v9 =	vor.u32 v8, v9;
	v10 =	vor.u32 v10, v12  }
0x56: {  	v10 =	vor.u32 v6, v10;
	_ =	sdelay $0x1  }
0x57: {  	v17 =	vshll.u32 v15, $0x3;
	v12 =	vmov s16  }
0x58: {  	s15 =	simm.s32 $0x30;
	v16 =	vld.idx.msk [tilespmem:v14+s4+$0x0], $0xffff;
	v17 =	vand.u32 $0xFFFFFC00, v17;
	v12 =	vshll.u32 v12, $0x3  }
0x59: {  	v13 =	vand.u32 $0x7F, v11;
	v11 =	vor.u32 s15, v0;
	v18 =	vld.idx.msk [tilespmem:v9+s0+$0x0], $0xffff;
	v12 =	vand.u32 $0x1C00, v12  }
0x5a: {  	v9 =	vor.u32 v12, v13;
	v12 =	vand.u32 $0x7F, v15;
	v13 =	vadd.s32 v7, v17;
	v10 =	vld.idx.msk [tilespmem:v10+s14+$0x0], $0xffff  }
0x5b: {  	v12 =	vor.u32 v12, v13;
	v13 =	vor.u32 v8, v9  }
0x5c: {  	v17 =	vor.u32 v6, v12  }
0x5d: {  	v20 =	vshll.u32 v16, $0x3;
	v16 =	vand.u32 $0x7F, v16;
	v15 =	vmov s17  }
0x5e: {  	v20 =	vand.u32 $0xFFFFFC00, v20;
	v9 =	vimm.f32 $0.0e+00;
	v12 =	vshll.u32 v15, $0x3  }
0x5f: {  	s16 =	simm.s32 $0x40;
	v15 =	vand.u32 $0x7F, v14;
	v14 =	vld.idx.msk [tilespmem:v11+s4+$0x0], $0xffff;
	v19 =	vand.u32 $0x1C00, v12;
	v18 =	vsub.f32 v18, v10  }
0x60: {  	v12 =	vor.u32 s16, v0;
	v15 =	vor.u32 v19, v15;
	v19 =	vadd.s32 v7, v20;
	v10 =	vld.idx.msk [tilespmem:v13+s0+$0x0], $0xffff  }
0x61: {  	s17 =	simm.s32 $0x50;
	v15 =	vor.u32 v8, v15;
	v13 =	vld.idx.msk [tilespmem:v17+s14+$0x0], $0xffff;
	v17 =	vor.u32 v16, v19;
	v16 =	vand.u32 $0x7FFFFFFF, v18  }
.LBB2_3:
0x62: {  	p0 =	sne.s32 s17, $0x3F0;
	v18 =	vmov s15;
	v17 =	vor.u32 v6, v17;
	v16 =	vmul.f32 v16, v2;
	s15 =	smov.u32 s16;
	s16 =	smov.u32 s17  }
0x63: {  	v18 =	vshll.u32 v18, $0x3  }
.Ltmp0:
0x64: {  	v19 =	vand.u32 $0x7F, v11;
	v11 =	vmovc v12;
	v20 =	vmovc v14;
	v18 =	vand.u32 $0x1C00, v18;
	v16 =	vsub.f32 $1.000000000e+00, v16;
	(pc) =	sbr.rel @p0 .LBB2_3-.Ltmp0, $4  }
0x65: {  	v21 =	vshll.u32 v20, $0x3;
	v14 =	vld.idx.msk [tilespmem:v12+s4+$0x0], $0xffff;
	v12 =	vor.u32 s17, v0;
	v18 =	vor.u32 v18, v19  }
0x66: {  	v19 =	vand.u32 $0xFFFFFC00, v21;
	v21 =	vsub.f32 v10, v13;
	v10 =	vld.idx.msk [tilespmem:v15+s0+$0x0], $0xffff;
	v15 =	vmax.f32 v16, $0.0e+00  }
0x67: {  	v16 =	vand.u32 $0x7F, v20;
	v19 =	vadd.s32 v7, v19;
	v13 =	vld.idx.msk [tilespmem:v17+s14+$0x0], $0xffff;
	v9 =	vadd.f32 v15, v9  }
0x68: {  	s17 =	sadd.s32 $0x10, s17;
	v17 =	vor.u32 v16, v19;
	v15 =	vor.u32 v8, v18;
	v16 =	vand.u32 $0x7FFFFFFF, v21  }
0x69: {  	_ =	sdelay $0x3  }
0x6a: {  	v18 =	vmov s15;
	v19 =	vld.idx.msk [tilespmem:v12+s4+$0x0], $0xffff  }
0x6b: {  	v17 =	vor.u32 v6, v17;
	v11 =	vand.u32 $0x7F, v11;
	v52 =	vmov s16  }
0x6c: {  	v54 =	vand.u32 $0x7F, v12;
	v18 =	vshll.u32 v18, $0x3;
	v20 =	vshll.u32 v14, $0x3  }
0x6d: {  	v50 =	vand.u32 $0x7F, v14;
	v18 =	vand.u32 $0x1C00, v18;
	v20 =	vand.u32 $0xFFFFFC00, v20  }
0x6e: {  	v11 =	vor.u32 v18, v11;
	v51 =	vadd.s32 v7, v20;
	v18 =	vshll.u32 v52, $0x3  }
0x6f: {  	v14 =	vor.u32 v50, v51;
	v11 =	vor.u32 v8, v11;
	v53 =	vshll.u32 v19, $0x3  }
0x70: {  	v18 =	vand.u32 $0x1C00, v18;
	v14 =	vor.u32 v6, v14;
	v20 =	vand.u32 $0xFFFFFC00, v53  }
0x71: {  	v12 =	vor.u32 v18, v54;
	v55 =	vand.u32 $0x7F, v19;
	v7 =	vadd.s32 v7, v20  }
0x72: {  	v56 =	vor.u32 v8, v12;
	v7 =	vor.u32 v55, v7  }
0x73: {  	v57 =	vld.idx.msk [tilespmem:v15+s0+$0x0], $0xffff;
	v6 =	vor.u32 v6, v7  }
0x74: {  	v7 =	vld.idx.msk [tilespmem:v17+s14+$0x0], $0xffff  }
0x75: {  	v11 =	vld.idx.msk [tilespmem:v11+s0+$0x0], $0xffff  }
0x76: {  	v14 =	vld.idx.msk [tilespmem:v14+s14+$0x0], $0xffff  }
0x77: {  	v10 =	vsub.f32 v10, v13;
	v8 =	vld.idx.msk [tilespmem:v56+s0+$0x0], $0xffff  }
0x78: {  	v58 =	vmul.f32 v16, v2;
	v6 =	vld.idx.msk [tilespmem:v6+s14+$0x0], $0xffff  }
0x79: {  	v10 =	vand.u32 $0x7FFFFFFF, v10;
	v7 =	vsub.f32 v57, v7  }
0x7a: {  	v59 =	vsub.f32 $1.000000000e+00, v58;
	v10 =	vmul.f32 v10, v2  }
0x7b: {  	v11 =	vsub.f32 v11, v14;
	v7 =	vand.u32 $0x7FFFFFFF, v7  }
0x7c: {  	v12 =	vmax.f32 v59, $0.0e+00;
	v10 =	vsub.f32 $1.000000000e+00, v10;
	v7 =	vmul.f32 v7, v2  }
0x7d: {  	v9 =	vadd.f32 v12, v9;
	v11 =	vand.u32 $0x7FFFFFFF, v11;
	v6 =	vsub.f32 v8, v6  }
0x7e: {  	v60 =	vmax.f32 v10, $0.0e+00;
	v61 =	vmul.f32 v11, v2;
	v7 =	vsub.f32 $1.000000000e+00, v7  }
0x7f: {  	v8 =	vadd.f32 v60, v9;
	v6 =	vand.u32 $0x7FFFFFFF, v6  }
0x80: {  	v62 =	vsub.f32 $1.000000000e+00, v61;
	v7 =	vmax.f32 v7, $0.0e+00;
	v6 =	vmul.f32 v6, v2  }
0x81: {  	v7 =	vadd.f32 v7, v8  }
0x82: {  	v63 =	vmax.f32 v62, $0.0e+00;
	v6 =	vsub.f32 $1.000000000e+00, v6  }
0x83: {  	v7 =	vadd.f32 v63, v7  }
0x84: {  	v6 =	vmax.f32 v6, $0.0e+00  }
0x85: {  	v6 =	vadd.f32 v6, v7;
	_ =	sdelay $0x1  }
0x86: {  	(xrf2) =	vadd.scan.msk.f32 $0xffff, v6;
	_ =	sdelay $0x9  }
0x87: {  	v6, _, _ =	vpop (xrf2)  }
0x88: {  	(v2sf) =	vpush v6, $0xF;
	_ =	sdelay $0xe  }
0x89: {  	s17 =	spop (v2sf)  }
0x8a: {  	s15 =	smul.f32 $9.765625000e-04, s17  }
0x8b: {  	s13 =	sadd.s32 $0x1, s13  }
0x8c: {  	p0 =	sne.s32 s13, $0x20;
	v6 =	vmov s15  }
.Ltmp1:
0x8d: {  	v6 =	vadd.f32 $0.0e+00, v6;
	(pc) =	sbr.rel @p0 .LBB2_2-.Ltmp1, $3  }
0x8e: {  	_ = 	snop  }
0x8f: {  	v6 =	vbroadcast v6, $0x0;
	_ =	sdelay $0x1  }
0x90: {  	[tilespmem:v5+s2+$0x0] =	vst.idx.msk $0x1, v6  }
0x91: {  	s3 =	sadd.s32 $0x1, s3  }
0x92: {  	p0 =	sne.s32 s3, s11  }
.Ltmp2:
0x93: {  	_ = 	snop;
	(pc) =	sbr.rel @p0 .LBB2_1-.Ltmp2, $4  }
0x94: {  	[hbm4b:s10+s4] =	stream.linear.scatter [tilespmem:s2], [sflag:$0x2], $0x20, $0x38;
	[tilespmem:$0x10500] =	vst v63  }
0x95: {  	_ =	swait.ge [sflag:s12], $0x20  }
0x96: {  	[sflag:s12] =	ssyncset.done $0x0  }
0x97: {  	[sflag:s12] =	ssyncadd.s32 $0xFFFFFFE0  }
0x98: {  	_ =	sfence.sel $0x180000  }
0x99: {  	[bflag:$0x0] =	sbarrier.arrive $0xFFFF  }
0x9a: {  	_ =	strace $0x9000004A  }
0x9b: {  	s0 =	stileid.u32;
	[bflag:$0x2] =	sbarrier.arrive $0xFFFF  }
0x9c: {  	p0 =	sne.s32 s0, $0x0;
	s0 =	rddreg [dreg:$0x3]  }
0x9d: {  	s0 =	sadd.s32 @!p0 $0x100000, s0  }
0x9e: {  	[sflag:s0] =	ssyncadd.tile.s32 @!p0 $0x1;
	_ =	shalt  }
.Lfunc_end2:
_tile_overlayer_lowered:
.L_overlay_start_2:
0x9f: {  	(tag) =	ssettag $0x2  }
0xa0: {  	s0 =	rddreg [dreg:$0x0];
	s2 =	stileid.u32  }
0xa1: {  	s1 =	rddreg [dreg:$0x1];
	p0 =	sne.s32 s2, $0x0  }
0xa2: {  	s3 =	rddreg [dreg:$0x2];
	[bflag:$0x3] =	sbarrier.arrive $0xFFFF;
	s2 =	simm.s32 @!p0 $0x1C02  }
0xa3: {  	[timem:s3], [sflag:s2] =	dma.local @!p0 [hbm:s0], s1  }
0xa4: {  	s0 =	simm.s32 @!p0 $0x2  }
0xa5: {  	_ =	swait.ge @!p0 [sflag:s0], s1  }
0xa6: {  	s1 =	ssub.s32 @!p0 $0x0, s1;
	[sflag:s0] =	ssyncset.done @!p0 $0x0  }
0xa7: {  	[sflag:s0] =	ssyncadd.s32 @!p0 s1  }
0xa8: {  	[bflag:$0x3] =	sbarrier.arrive $0xFFFF  }
0xa9: {  	_ =	shalt  }

// kernel: kernel.32.cloned.1.call-start
scs
__scs_entry_jumppad:
0x0: {  	(pc) =	sbr.rel $0x88, $3  }
0x1: {  	(tag) =	ssettag $0x0;
	lr =	simm.s32 $0x1  }
0x2: {  	[smem:$0x3F6B] =	sst lr;
	_ =	strace $0xD0000000  }
0x3: {  	_ = 	snop  }
0x4: {  	_ = 	snop  }
0x5: {  	_ = 	snop  }
0x6: {  	_ = 	snop  }
0x7: {  	_ = 	snop  }
__scs_overlays_trampoline_lowered:
0x8: {  	[smem:$0x3F7A] =	sst s0  }
0x9: {  	[smem:$0x3F7B] =	sst s1  }
0xa: {  	[smem:$0x3F7C] =	sst s2  }
0xb: {  	[smem:$0x3F7D] =	sst s3  }
0xc: {  	[smem:$0x3F7E] =	sst s4  }
0xd: {  	[smem:$0x3F7F] =	sst s5  }
0xe: {  	[smem:$0x3F80] =	sst s6  }
0xf: {  	[smem:$0x3F81] =	sst s7  }
0x10: {  	[smem:$0x3F82] =	sst s8  }
0x11: {  	[smem:$0x3F83] =	sst s9;
	s0 =	simm.s32 @!p0 $0x0  }
0x12: {  	s1 =	sld [smem:$0x3F69];
	s0 =	simm.s32 @p0 $0x1  }
0x13: {  	[smem:$0x3F84] =	sst s0;
	s0 =	simm.s32 @!p1 $0x0  }
0x14: {  	s2 =	sld [smem:$0x3F68];
	s0 =	simm.s32 @p1 $0x1  }
0x15: {  	[smem:$0x3F85] =	sst s0;
	s0 =	simm.s32 @!p2 $0x0  }
0x16: {  	s3 =	sld [smem:$0x3FDB];
	s0 =	simm.s32 @p2 $0x1  }
0x17: {  	s4 =	simm.s32 $0x1BF5;
	[smem:$0x3F87] =	sst s0  }
0x18: {  	s0 =	sld [smem:$0x3F6A];
	_ =	swait.ge [sflag:s4], $0x0  }
0x19: {  	s7 =	sld [smem:$0x3F6B]  }
0x1a: {  	s8 =	sadd.s32 $0xFFFFE003, lr  }
0x1b: {  	s9 =	sadd.s32 $0xFFFFFEF7, lr;
	s5 =	simm.s32 $0xFFFFFFFF;
	p2 =	slt.u32 s8, $0xFFFFF086  }
0x1c: {  	p1 =	slt.u32 s9, $0xF7A;
	s5 =	simm.s32 @!p2 $0x0  }
0x1d: {  	s5 =	simm.s32 @p1 $0x1;
	p0 =	seq.s32 s7, s2  }
0x1e: {  	s7 =	smul.u32 @!p0 $0xF7A, s2;
	p2 =	seq.s32 @!p0 s5, $0x0  }
0x1f: {  	s9 =	smul.u32 $0xF7A, s1;
	s8 =	simm.s32 @!p0 $0x1BF5;
	p2 =	por !p2, p0  }
0x20: {  	[sflag:s8] =	ssyncset.s32 @!p0 $0xFFFFF086;
	s6 =	sadd.s32 @!p0 s3, s7;
	s7 =	simm.s32 @!p0 $0x108  }
0x21: {  	s3 =	sadd.s32 s3, s9;
	s6 =	sadd.s32 @!p0 $0x88, s6;
	s7 =	simm.s32 @p2 $0x1082  }
0x22: {  	[simem:s7], [sflag:s8] =	dma.local @!p0 [hbm:s6], $0xF7A  }
0x23: {  	s9 =	sor.u32 $0xD0000000, s2;
	s6 =	simm.s32 $0x108;
	_ =	swait.ge @!p0 [sflag:s8], $0x0  }
0x24: {  	s3 =	sadd.s32 $0x88, s3;
	s6 =	simm.s32 @!p1 $0x1082;
	[sflag:s4] =	ssyncset.s32 $0xFFFFF086  }
0x25: {  	[simem:s6], [sflag:s4] =	dma.local [hbm:s3], $0xF7A  }
0x26: {  	[smem:$0x3F6B] =	sst s1;
	(tag) =	ssettag s2;
	_ =	strace s9  }
0x27: {  	s1 =	sld [smem:$0x3F7B]  }
0x28: {  	s2 =	sld [smem:$0x3F7C]  }
0x29: {  	s4 =	sld [smem:$0x3F7E]  }
0x2a: {  	p0 =	seq.s32 s5, $0x0;
	s5 =	sld [smem:$0x3F7F]  }
0x2b: {  	s6 =	sld [smem:$0x3F80]  }
0x2c: {  	s7 =	sld [smem:$0x3F81]  }
0x2d: {  	s3 =	simm.s32 $0x108;
	s8 =	sld [smem:$0x3F82]  }
0x2e: {  	s3 =	simm.s32 @!p0 $0x1082;
	s9 =	sld [smem:$0x3F83]  }
0x2f: {  	lr =	sadd.s32 s0, s3;
	s0 =	sld [smem:$0x3F7A]  }
0x30: {  	s3 =	sld [smem:$0x3F7D]  }
0x31: {  	[smem:$0x3F86] =	sst s10  }
0x32: {  	s10 =	sld [smem:$0x3F84];
	_ =	sdelay $0x3  }
0x33: {  	p0 =	seq.s32 s10, $0x1;
	s10 =	sld [smem:$0x3F86];
	_ =	sdelay $0x3  }
0x34: {  	[smem:$0x3F86] =	sst s10  }
0x35: {  	s10 =	sld [smem:$0x3F85];
	_ =	sdelay $0x3  }
0x36: {  	p1 =	seq.s32 s10, $0x1;
	s10 =	sld [smem:$0x3F86];
	_ =	sdelay $0x3  }
0x37: {  	[smem:$0x3F86] =	sst s10  }
0x38: {  	s10 =	sld [smem:$0x3F87]  }
0x39: {  	_ = 	snop;
	(pc) =	sbr.ind lr, $3  }
0x3a: {  	_ = 	snop  }
0x3b: {  	_ = 	snop  }
0x3c: {  	p2 =	seq.s32 s10, $0x1;
	s10 =	sld [smem:$0x3F86]  }
0x3d: {  	_ =	shalt  }
0x3e: {  	_ =	shalt  }
0x3f: {  	_ =	shalt  }
0x40: {  	_ =	shalt  }
0x41: {  	_ =	shalt  }
0x42: {  	_ =	shalt  }
0x43: {  	_ =	shalt  }
0x44: {  	_ =	shalt  }
0x45: {  	_ =	shalt  }
0x46: {  	_ =	shalt  }
0x47: {  	_ =	shalt  }
0x48: {  	_ =	shalt  }
0x49: {  	_ =	shalt  }
0x4a: {  	_ =	shalt  }
0x4b: {  	_ =	shalt  }
0x4c: {  	_ =	shalt  }
0x4d: {  	_ =	shalt  }
0x4e: {  	_ =	shalt  }
0x4f: {  	_ =	shalt  }
0x50: {  	_ =	shalt  }
0x51: {  	_ =	shalt  }
0x52: {  	_ =	shalt  }
0x53: {  	_ =	shalt  }
0x54: {  	_ =	shalt  }
0x55: {  	_ =	shalt  }
0x56: {  	_ =	shalt  }
0x57: {  	_ =	shalt  }
0x58: {  	_ =	shalt  }
0x59: {  	_ =	shalt  }
0x5a: {  	_ =	shalt  }
0x5b: {  	_ =	shalt  }
0x5c: {  	_ =	shalt  }
0x5d: {  	_ =	shalt  }
0x5e: {  	_ =	shalt  }
0x5f: {  	_ =	shalt  }
0x60: {  	_ =	shalt  }
0x61: {  	_ =	shalt  }
0x62: {  	_ =	shalt  }
0x63: {  	_ =	shalt  }
0x64: {  	_ =	shalt  }
0x65: {  	_ =	shalt  }
0x66: {  	_ =	shalt  }
0x67: {  	_ =	shalt  }
0x68: {  	_ =	shalt  }
0x69: {  	_ =	shalt  }
0x6a: {  	_ =	shalt  }
0x6b: {  	_ =	shalt  }
0x6c: {  	_ =	shalt  }
0x6d: {  	_ =	shalt  }
0x6e: {  	_ =	shalt  }
0x6f: {  	_ =	shalt  }
0x70: {  	_ =	shalt  }
0x71: {  	_ =	shalt  }
0x72: {  	_ =	shalt  }
0x73: {  	_ =	shalt  }
0x74: {  	_ =	shalt  }
0x75: {  	_ =	shalt  }
0x76: {  	_ =	shalt  }
0x77: {  	_ =	shalt  }
0x78: {  	_ =	shalt  }
0x79: {  	_ =	shalt  }
0x7a: {  	_ =	shalt  }
0x7b: {  	_ =	shalt  }
0x7c: {  	_ =	shalt  }
0x7d: {  	_ =	shalt  }
0x7e: {  	_ =	shalt  }
0x7f: {  	_ =	shalt  }
0x80: {  	_ =	shalt  }
0x81: {  	_ =	shalt  }
0x82: {  	_ =	shalt  }
0x83: {  	_ =	shalt  }
0x84: {  	_ =	shalt  }
0x85: {  	_ =	shalt  }
0x86: {  	_ =	shalt  }
0x87: {  	_ =	shalt  }
.Lfunc_end0:
.L_simem_size_0:
called_computation.2_lowered:
.L_overlay_start_0:
0x88: {  	s2 =	sld [smem:$0x3FD9]  }
0x89: {  	s3 =	sld [smem:$0x3FFE];
	_ =	sdelay $0x1  }
0x8a: {  	s1 =	srdreg.scid  }
0x8b: {  	s0 =	sand.u32 $0x1, s1  }
0x8c: {  	s14 =	sshll.u32 s0, $0xA;
	s2 =	sadd.s32 s3, s2  }
0x8d: {  	s2 =	sadd.s32 s2, s14  }
0x8e: {  	[smem:$0x3F92] =	sst s2  }
0x8f: {  	_ = 	snop  }
0x90: {  	s2 =	sld [smem:$0x3FD0];
	_ =	sdelay $0x2  }
0x91: {  	s15 =	simm.s32 $0xB;
	s4 =	simm.s32 $0x10  }
0x92: {  	[smem:s4], [sflag:s15] =	dma.local [hbm:s2], $0x1  }
0x93: {  	_ =	swait.eq [sflag:s15], $0x1  }
0x94: {  	[sflag:s15] =	ssyncset.done $0x0  }
0x95: {  	s16 =	sld [smem:$0x12];
	[sflag:s15] =	ssyncadd.s32 $0xFFFFFFFF  }
0x96: {  	s17 =	sld [smem:$0x14];
	(tm) =	ssettm $0x1  }
0x97: {  	s18 =	sld [smem:$0x3FFB];
	_ =	sdelay $0x3  }
0x98: {  	_ =	strace s18  }
0x99: {  	s4 =	sld [smem:$0x3FFC];
	_ =	sdelay $0x3  }
0x9a: {  	_ =	strace s4  }
0x9b: {  	s4 =	sld [smem:$0x3FFD];
	_ =	sdelay $0x3  }
0x9c: {  	_ =	strace s4  }
0x9d: {  	_ =	strace $0x8FFFFFFF  }
0x9e: {  	s19 =	sld [smem:$0x3FDB];
	_ =	sdelay $0x1  }
0x9f: {  	s5 =	simm.s32 $_scs_section_size  }
0xa0: {  	s6 =	simm.s32 $_size__tile_overlayer_lowered;
	s7 =	simm.s32 $_tile_overlayer_lowered  }
0xa1: {  	s22 =	simm.s32 $0x1BFF;
	s21 =	sshll.u32 s7, $0x1;
	s4 =	sadd.s32 s5, s19  }
0xa2: {  	s8 =	simm.s32 $0x0;
	s20 =	sshll.u32 s6, $0x1;
	s6 =	sadd.s32 s21, s4  }
0xa3: {  	[timem:s8], [sflag:s22] =	dma.local [hbm:s6], s20  }
0xa4: {  	_ =	swait.ge [sflag:s22], s20  }
0xa5: {  	s5 =	ssub.s32 $0x0, s20;
	[sflag:s22] =	ssyncset.done $0x0  }
0xa6: {  	[sflag:s22] =	ssyncadd.s32 s5;
	_ =	sdelay $0x1  }
0xa7: {  	s23 =	simm.s32 $0x1B8B  }
0xa8: {  	_ =	swait.ge [sflag:s23], $0x1  }
0xa9: {  	[sflag:s23] =	ssyncset.done $0x0  }
0xaa: {  	s25 =	simm.s32 $0x1B8E;
	s24 =	sld [smem:$0x3FFE];
	[sflag:s23] =	ssyncadd.s32 $0xFFFFFFFF  }
0xab: {  	s26 =	simm.s32 $execute0_lowered;
	[smem:$0x3FD2] =	sst s25  }
0xac: {  	s6 =	sshll.u32 s26, $0x1;
	_ =	strace $0x8000004C;
	[dreg:$0x1] =	wrdreg $0xFFFFFFFF  }
0xad: {  	s28 =	simm.s32 $_size_execute0_lowered;
	s4 =	sadd.s32 s4, s6;
	[dreg:$0x0] =	wrdreg $0x0  }
0xae: {  	s6 =	sshll.u32 s28, $0x1;
	[dreg:$0x2] =	wrdreg s4  }
0xaf: {  	[dreg:$0x3] =	wrdreg s6  }
0xb0: {  	[dreg:$0x4] =	wrdreg $0xC0  }
0xb1: {  	_ =	task [dreg:s8], $0x5FFFF  }
0xb2: {  	[dreg:$0x1] =	wrdreg $0xFFFFFFFF  }
0xb3: {  	[dreg:$0x0] =	wrdreg $0x60  }
0xb4: {  	[dreg:$0x2] =	wrdreg s16  }
0xb5: {  	[dreg:$0x3] =	wrdreg s24  }
0xb6: {  	[dreg:$0x4] =	wrdreg s17  }
0xb7: {  	[dreg:$0x5] =	wrdreg $0xA  }
0xb8: {  	_ =	task.clear_ibuf [dreg:s8], $0x6FFFF;
	_ =	strace $0x9000004C  }
0xb9: {  	s29 =	simm.s32 $0xA;
	_ =	strace $0x8000004E  }
0xba: {  	_ =	swait.ge [sflag:s29], $0x1  }
0xbb: {  	[sflag:s29] =	ssyncadd.s32 $0xFFFFFFFF  }
0xbc: {  	_ =	strace $0x9000004E  }
0xbd: {  	_ =	sfence  }
0xbe: {  	s30 =	sld [smem:$0x0];
	_ =	sdelay $0x2  }
0xbf: {  	s31 =	sshll.u32 s1, $0xD;
	s1 =	sshrl.u32 s1, $0x2  }
0xc0: {  	s3 =	sand.u32 $0x4000, s31;
	s1 =	sadd.s32 s1, s30  }
0xc1: {  	s0 =	sor.u32 s3, s0;
	s1 =	sshll.u32 s1, $0x11  }
0xc2: {  	s0 =	sor.u32 s1, s0  }
0xc3: {  	s0 =	sadd.s32 $0x8F2B, s0  }
0xc4: {  	[sflag:s0] =	ssyncadd.remote.s32 $0x1  }
0xc5: {  	_ =	sfence.sel $0xFFFF  }
0xc6: {  	[dreg:$0x0] =	wrdreg $0xFFFFFFFF;
	(pc) =	sbr.abs _section_cstart, $3  }
0xc7: {  	[dreg:$0x1] =	wrdreg $0xFFFFFFFF  }
0xc8: {  	_ =	task.clear_ibuf [dreg:s8], $0x2FFFF;
	_ =	strace $0x9FFFFFFF  }
0xc9: {  	(tm) =	ssettm $0x7FFFFFFF  }
tec
execute0_lowered:
.L_overlay_start_1:
0x0: {  	(tag) =	ssettag $0x1  }
0x1: {  	s0 =	rddreg [dreg:$0x0]  }
0x2: {  	s1 =	rddreg [dreg:$0x1]  }
0x3: {  	s8 =	rddreg [dreg:$0x2]  }
0x4: {  	s2 =	srdreg.scid;
	s4 =	stileid.u32  }
0x5: {  	s3 =	simm.s32 $0x0;
	s12 =	simm.s32 $0x2;
	s14 =	simm.s32 $0x480  }
0x6: {  	s18 =	simm.s32 $0x2480;
	s19 =	simm.s32 $0x2C80;
	[smem:$0x7FF] =	sst s3  }
0x7: {  	v0 =	vimm.f32 $3.000000000e+00;
	s20 =	simm.s32 $0x3480;
	s21 =	simm.s32 $0x3C80;
	_ =	strace $0x8000004D  }
0x8: {  	s22 =	simm.s32 $0x4480;
	s23 =	simm.s32 $0x4C80;
	s24 =	simm.s32 $0x5480;
	(erf) = vrcp.f32 v0  }
0x9: {  	s25 =	simm.s32 $0x5C80;
	s26 =	simm.s32 $0x6480;
	s28 =	simm.s32 $0x6C80  }
0xa: {  	s29 =	simm.s32 $0x7480;
	s30 =	simm.s32 $0x7C80;
	s2 =	sand.u32 $0x1, s2  }
0xb: {  	s4 =	sshll.u32 s4, $0x6;
	s5 =	sshll.u32 s2, $0x5;
	s2 =	ssub.s32 $0x2, s2  }
0xc: {  	s31 =	simm.s32 $0x1;
	s7 =	sor.u32 s5, s4;
	s6 =	sshrl.u32 s2, $0x1  }
0xd: {  	s4 =	sadd.s32 $0xA000, s1;
	s5 =	sshrl.u32 s7, $0x3;
	s2 =	ssub.s32 s2, s6  }
0xe: {  	s6 =	sadd.s32 $0xA100, s1;
	s9 =	sshll.u32 s7, $0x7;
	s7 =	sadd.s32 $0xA200, s1  }
0xf: {  	v0 =	vlaneseq.u32;
	s10 =	sadd.s32 s5, s1;
	s5 =	sadd.s32 s8, s5;
	s8 =	sadd.s32 $0xA300, s1  }
0x10: {  	vm0 =	vmmov $0xffff;
	v3 =	vshrl.u32 v0, $0x3;
	s9 =	sadd.s32 s0, s9;
	s11 =	smax.u32 s2, $0x1;
	s0 =	simm.s32 $0x8480  }
0x11: {  	v1 =	vand.u32 $0x7, v0;
	v4 =	vor.u32 $0x8, v0;
	v3 =	vmul.u32 $0x8, v3;
	s1 =	simm.s32 $0x10480;
	s2 =	simm.s32 $0x0;
	s10 =	sadd.s32 $0x2A400, s10;
	v2 =	vpop (erf)  }
.LBB2_1:
0x12: {  	s13 =	rddreg [dreg:$0x2]  }
0x13: {  	[tilespmem:s3], [sflag:$0x2] =	stream.linear.gather [hbm4b:s13+s3], $0x400, $0x38;
	[tilespmem:$0x10500] =	vst v63  }
0x14: {  	_ =	swait.ge [sflag:s12], $0x400  }
0x15: {  	[sflag:s12] =	ssyncset.done $0x0  }
0x16: {  	s17 =	simm.s32 $0x400;
	[sflag:s12] =	ssyncadd.s32 $0xFFFFFC00  }
0x17: {  	[tilespmem:s17], [sflag:$0x2] =	stream.linear.gather [hbm4b:s5+s3], $0x20, $0x38;
	[tilespmem:$0x10500] =	vst v63  }
0x18: {  	_ =	swait.ge [sflag:s12], $0x20  }
0x19: {  	[sflag:s12] =	ssyncset.done $0x0  }
0x1a: {  	[sflag:s12] =	ssyncadd.s32 $0xFFFFFFE0  }
0x1b: {  	v5 =	vld [tilespmem:$0x400];
	_ =	sdelay $0x4  }
0x1c: {  	v6 =	vshll.u32 v5, $0x3  }
0x1d: {  	v5 =	vand.u32 $0x7, v5;
	v6 =	vand.u32 $0xFFFFFFC0, v6  }
0x1e: {  	v5 =	vor.u32 v5, v6  }
0x1f: {  	v6 =	vperm.xlane v5, v1;
	_ =	sdelay $0x1  }
0x20: {  	v6 =	vadd.s32 v3, v6;
	_ =	sdelay $0x4  }
0x21: {  	[tilespmem:s14], [sflag:$0x1] =	stream.indirect_vreg.gather [hbm4b:s4+s3], $0x80, v6, vm0, $0xb8;
	[tilespmem:$0x10500] =	vst v63  }
0x22: {  	s15 =	simm.s32 $0xC80;
	v5 =	vperm.xlane v5, v4  }
0x23: {  	[tilespmem:s15], [sflag:$0x1] =	stream.indirect_vreg.gather [hbm4b:s6+s3], $0x80, v6, vm0, $0xb8;
	[tilespmem:$0x10500] =	vst v63  }
0x24: {  	s16 =	simm.s32 $0x1480;
	v5 =	vadd.s32 v3, v5  }
0x25: {  	[tilespmem:s16], [sflag:$0x1] =	stream.indirect_vreg.gather [hbm4b:s7+s3], $0x80, v6, vm0, $0xb8;
	[tilespmem:$0x10500] =	vst v63  }
0x26: {  	s17 =	simm.s32 $0x1C80  }
0x27: {  	[tilespmem:s17], [sflag:$0x1] =	stream.indirect_vreg.gather [hbm4b:s8+s3], $0x80, v6, vm0, $0xb8;
	[tilespmem:$0x10500] =	vst v63  }
0x28: {  	_ = 	snop  }
0x29: {  	[tilespmem:s18], [sflag:$0x1] =	stream.indirect_vreg.gather [hbm4b:s4+s3], $0x80, v5, vm0, $0xb8;
	[tilespmem:$0x10500] =	vst v63  }
0x2a: {  	_ = 	snop  }
0x2b: {  	[tilespmem:s19], [sflag:$0x1] =	stream.indirect_vreg.gather [hbm4b:s6+s3], $0x80, v5, vm0, $0xb8;
	[tilespmem:$0x10500] =	vst v63  }
0x2c: {  	_ = 	snop  }
0x2d: {  	[tilespmem:s20], [sflag:$0x1] =	stream.indirect_vreg.gather [hbm4b:s7+s3], $0x80, v5, vm0, $0xb8;
	[tilespmem:$0x10500] =	vst v63  }
0x2e: {  	_ = 	snop  }
0x2f: {  	[tilespmem:s21], [sflag:$0x1] =	stream.indirect_vreg.gather [hbm4b:s8+s3], $0x80, v5, vm0, $0xb8;
	[tilespmem:$0x10500] =	vst v63  }
0x30: {  	v5 =	vld [tilespmem:$0x410];
	_ =	sdelay $0x4  }
0x31: {  	v6 =	vshll.u32 v5, $0x3  }
0x32: {  	v5 =	vand.u32 $0x7, v5;
	v6 =	vand.u32 $0xFFFFFFC0, v6  }
0x33: {  	v5 =	vor.u32 v5, v6  }
0x34: {  	v6 =	vperm.xlane v5, v1;
	_ =	sdelay $0x1  }
0x35: {  	v6 =	vadd.s32 v3, v6;
	_ =	sdelay $0x4  }
0x36: {  	[tilespmem:s22], [sflag:$0x1] =	stream.indirect_vreg.gather [hbm4b:s4+s3], $0x80, v6, vm0, $0xb8;
	[tilespmem:$0x10500] =	vst v63  }
0x37: {  	v5 =	vperm.xlane v5, v4  }
0x38: {  	[tilespmem:s23], [sflag:$0x1] =	stream.indirect_vreg.gather [hbm4b:s6+s3], $0x80, v6, vm0, $0xb8;
	[tilespmem:$0x10500] =	vst v63  }
0x39: {  	v5 =	vadd.s32 v3, v5  }
0x3a: {  	[tilespmem:s24], [sflag:$0x1] =	stream.indirect_vreg.gather [hbm4b:s7+s3], $0x80, v6, vm0, $0xb8;
	[tilespmem:$0x10500] =	vst v63  }
0x3b: {  	_ = 	snop  }
0x3c: {  	[tilespmem:s25], [sflag:$0x1] =	stream.indirect_vreg.gather [hbm4b:s8+s3], $0x80, v6, vm0, $0xb8;
	[tilespmem:$0x10500] =	vst v63  }
0x3d: {  	_ = 	snop  }
0x3e: {  	[tilespmem:s26], [sflag:$0x1] =	stream.indirect_vreg.gather [hbm4b:s4+s3], $0x80, v5, vm0, $0xb8;
	[tilespmem:$0x10500] =	vst v63  }
0x3f: {  	_ = 	snop  }
0x40: {  	[tilespmem:s28], [sflag:$0x1] =	stream.indirect_vreg.gather [hbm4b:s6+s3], $0x80, v5, vm0, $0xb8;
	[tilespmem:$0x10500] =	vst v63  }
0x41: {  	_ = 	snop  }
0x42: {  	[tilespmem:s29], [sflag:$0x1] =	stream.indirect_vreg.gather [hbm4b:s7+s3], $0x80, v5, vm0, $0xb8;
	[tilespmem:$0x10500] =	vst v63  }
0x43: {  	_ = 	snop  }
0x44: {  	[tilespmem:s30], [sflag:$0x1] =	stream.indirect_vreg.gather [hbm4b:s8+s3], $0x80, v5, vm0, $0xb8;
	[tilespmem:$0x10500] =	vst v63  }
0x45: {  	_ =	swait.ge [sflag:s31], $0x8000  }
0x46: {  	[sflag:s31] =	ssyncset.done $0x0  }
0x47: {  	[sflag:s31] =	ssyncadd.s32 $0xFFFF8000  }
0x48: {  	[tilespmem:s0], [sflag:$0x2] =	stream.linear.gather [hbm4b:s9+s3], $0x8000, $0x38;
	[tilespmem:$0x10500] =	vst v63  }
0x49: {  	_ =	swait.ge [sflag:s12], $0x8000  }
0x4a: {  	[sflag:s12] =	ssyncset.done $0x0  }
0x4b: {  	s13 =	simm.s32 $0x0;
	[sflag:s12] =	ssyncadd.s32 $0xFFFF8000  }
.LBB2_2:
0x4c: {  	s15 =	simm.s32 $0x0  }
0x4d: {  	v9 =	vor.u32 s15, v0;
	_ =	sdelay $0x4  }
0x4e: {  	s16 =	simm.s32 $0x10;
	v10 =	vld.idx.msk [tilespmem:v9+s3+$0x0], $0xffff  }
0x4f: {  	v11 =	vor.u32 s16, v0  }
0x50: {  	v5 =	vmov s13  }
0x51: {  	s17 =	simm.s32 $0x20;
	v6 =	vshll.u32 v5, $0xA;
	v8 =	vshll.u32 v5, $0x7;
	v12 =	vmov s15  }
0x52: {  	v14 =	vor.u32 s17, v0;
	v7 =	vand.u32 $0x6000, v6;
	v6 =	vand.u32 $0x380, v8  }
0x53: {  	v12 =	vshll.u32 v12, $0x3;
	v8 =	vor.u32 v6, v7;
	v13 =	vshll.u32 v10, $0x3  }
0x54: {  	v12 =	vand.u32 $0x1C00, v12;
	v9 =	vand.u32 $0x7F, v9;
	v15 =	vld.idx.msk [tilespmem:v11+s3+$0x0], $0xffff;
	v13 =	vand.u32 $0xFFFFFC00, v13  }
0x55: {  	v9 =	vor.u32 v12, v9;
	v10 =	vand.u32 $0x7F, v10;
	v12 =	vadd.s32 v7, v13  }
0x56: {  	v9 =	vor.u32 v8, v9;
	v10 =	vor.u32 v10, v12  }
0x57: {  	v10 =	vor.u32 v6, v10;
	_ =	sdelay $0x1  }
0x58: {  	v17 =	vshll.u32 v15, $0x3;
	v12 =	vmov s16  }
0x59: {  	s15 =	simm.s32 $0x30;
	v16 =	vld.idx.msk [tilespmem:v14+s3+$0x0], $0xffff;
	v17 =	vand.u32 $0xFFFFFC00, v17;
	v12 =	vshll.u32 v12, $0x3  }
0x5a: {  	v13 =	vand.u32 $0x7F, v11;
	v11 =	vor.u32 s15, v0;
	v18 =	vld.idx.msk [tilespmem:v9+s0+$0x0], $0xffff;
	v12 =	vand.u32 $0x1C00, v12  }
0x5b: {  	v9 =	vor.u32 v12, v13;
	v12 =	vand.u32 $0x7F, v15;
	v13 =	vadd.s32 v7, v17;
	v10 =	vld.idx.msk [tilespmem:v10+s14+$0x0], $0xffff  }
0x5c: {  	v12 =	vor.u32 v12, v13;
	v13 =	vor.u32 v8, v9  }
0x5d: {  	v17 =	vor.u32 v6, v12  }
0x5e: {  	v20 =	vshll.u32 v16, $0x3;
	v16 =	vand.u32 $0x7F, v16;
	v15 =	vmov s17  }
0x5f: {  	v20 =	vand.u32 $0xFFFFFC00, v20;
	v9 =	vimm.f32 $0.0e+00;
	v12 =	vshll.u32 v15, $0x3  }
0x60: {  	s16 =	simm.s32 $0x40;
	v15 =	vand.u32 $0x7F, v14;
	v14 =	vld.idx.msk [tilespmem:v11+s3+$0x0], $0xffff;
	v19 =	vand.u32 $0x1C00, v12;
	v18 =	vsub.f32 v18, v10  }
0x61: {  	v12 =	vor.u32 s16, v0;
	v15 =	vor.u32 v19, v15;
	v19 =	vadd.s32 v7, v20;
	v10 =	vld.idx.msk [tilespmem:v13+s0+$0x0], $0xffff  }
0x62: {  	s17 =	simm.s32 $0x50;
	v15 =	vor.u32 v8, v15;
	v13 =	vld.idx.msk [tilespmem:v17+s14+$0x0], $0xffff;
	v17 =	vor.u32 v16, v19;
	v16 =	vand.u32 $0x7FFFFFFF, v18  }
.LBB2_3:
0x63: {  	p0 =	sne.s32 s17, $0x3F0;
	v18 =	vmov s15;
	v17 =	vor.u32 v6, v17;
	v16 =	vmul.f32 v16, v2;
	s15 =	smov.u32 s16;
	s16 =	smov.u32 s17  }
0x64: {  	v18 =	vshll.u32 v18, $0x3  }
.Ltmp0:
0x65: {  	v19 =	vand.u32 $0x7F, v11;
	v11 =	vmovc v12;
	v20 =	vmovc v14;
	v18 =	vand.u32 $0x1C00, v18;
	v16 =	vsub.f32 $1.000000000e+00, v16;
	(pc) =	sbr.rel @p0 .LBB2_3-.Ltmp0, $4  }
0x66: {  	v21 =	vshll.u32 v20, $0x3;
	v14 =	vld.idx.msk [tilespmem:v12+s3+$0x0], $0xffff;
	v12 =	vor.u32 s17, v0;
	v18 =	vor.u32 v18, v19  }
0x67: {  	v19 =	vand.u32 $0xFFFFFC00, v21;
	v21 =	vsub.f32 v10, v13;
	v10 =	vld.idx.msk [tilespmem:v15+s0+$0x0], $0xffff;
	v15 =	vmax.f32 v16, $0.0e+00  }
0x68: {  	v16 =	vand.u32 $0x7F, v20;
	v19 =	vadd.s32 v7, v19;
	v13 =	vld.idx.msk [tilespmem:v17+s14+$0x0], $0xffff;
	v9 =	vadd.f32 v15, v9  }
0x69: {  	s17 =	sadd.s32 $0x10, s17;
	v17 =	vor.u32 v16, v19;
	v15 =	vor.u32 v8, v18;
	v16 =	vand.u32 $0x7FFFFFFF, v21  }
0x6a: {  	_ =	sdelay $0x3  }
0x6b: {  	v18 =	vmov s15;
	v19 =	vld.idx.msk [tilespmem:v12+s3+$0x0], $0xffff  }
0x6c: {  	v17 =	vor.u32 v6, v17;
	v11 =	vand.u32 $0x7F, v11;
	v52 =	vmov s16  }
0x6d: {  	v54 =	vand.u32 $0x7F, v12;
	v18 =	vshll.u32 v18, $0x3;
	v20 =	vshll.u32 v14, $0x3  }
0x6e: {  	v50 =	vand.u32 $0x7F, v14;
	v18 =	vand.u32 $0x1C00, v18;
	v20 =	vand.u32 $0xFFFFFC00, v20  }
0x6f: {  	v11 =	vor.u32 v18, v11;
	v51 =	vadd.s32 v7, v20;
	v18 =	vshll.u32 v52, $0x3  }
0x70: {  	v14 =	vor.u32 v50, v51;
	v11 =	vor.u32 v8, v11;
	v53 =	vshll.u32 v19, $0x3  }
0x71: {  	v18 =	vand.u32 $0x1C00, v18;
	v14 =	vor.u32 v6, v14;
	v20 =	vand.u32 $0xFFFFFC00, v53  }
0x72: {  	v12 =	vor.u32 v18, v54;
	v55 =	vand.u32 $0x7F, v19;
	v7 =	vadd.s32 v7, v20  }
0x73: {  	v56 =	vor.u32 v8, v12;
	v7 =	vor.u32 v55, v7  }
0x74: {  	v57 =	vld.idx.msk [tilespmem:v15+s0+$0x0], $0xffff;
	v6 =	vor.u32 v6, v7  }
0x75: {  	v7 =	vld.idx.msk [tilespmem:v17+s14+$0x0], $0xffff  }
0x76: {  	v11 =	vld.idx.msk [tilespmem:v11+s0+$0x0], $0xffff  }
0x77: {  	v14 =	vld.idx.msk [tilespmem:v14+s14+$0x0], $0xffff  }
0x78: {  	v10 =	vsub.f32 v10, v13;
	v8 =	vld.idx.msk [tilespmem:v56+s0+$0x0], $0xffff  }
0x79: {  	v58 =	vmul.f32 v16, v2;
	v6 =	vld.idx.msk [tilespmem:v6+s14+$0x0], $0xffff  }
0x7a: {  	v10 =	vand.u32 $0x7FFFFFFF, v10;
	v7 =	vsub.f32 v57, v7  }
0x7b: {  	v59 =	vsub.f32 $1.000000000e+00, v58;
	v10 =	vmul.f32 v10, v2  }
0x7c: {  	v11 =	vsub.f32 v11, v14;
	v7 =	vand.u32 $0x7FFFFFFF, v7  }
0x7d: {  	v12 =	vmax.f32 v59, $0.0e+00;
	v10 =	vsub.f32 $1.000000000e+00, v10;
	v7 =	vmul.f32 v7, v2  }
0x7e: {  	v9 =	vadd.f32 v12, v9;
	v11 =	vand.u32 $0x7FFFFFFF, v11;
	v6 =	vsub.f32 v8, v6  }
0x7f: {  	v60 =	vmax.f32 v10, $0.0e+00;
	v61 =	vmul.f32 v11, v2;
	v7 =	vsub.f32 $1.000000000e+00, v7  }
0x80: {  	v8 =	vadd.f32 v60, v9;
	v6 =	vand.u32 $0x7FFFFFFF, v6  }
0x81: {  	v62 =	vsub.f32 $1.000000000e+00, v61;
	v7 =	vmax.f32 v7, $0.0e+00;
	v6 =	vmul.f32 v6, v2  }
0x82: {  	v7 =	vadd.f32 v7, v8  }
0x83: {  	v63 =	vmax.f32 v62, $0.0e+00;
	v6 =	vsub.f32 $1.000000000e+00, v6  }
0x84: {  	v7 =	vadd.f32 v63, v7  }
0x85: {  	v6 =	vmax.f32 v6, $0.0e+00  }
0x86: {  	v6 =	vadd.f32 v6, v7;
	_ =	sdelay $0x1  }
0x87: {  	(xrf2) =	vadd.scan.msk.f32 $0xffff, v6;
	_ =	sdelay $0x9  }
0x88: {  	v6, _, _ =	vpop (xrf2)  }
0x89: {  	(v2sf) =	vpush v6, $0xF;
	_ =	sdelay $0xe  }
0x8a: {  	s17 =	spop (v2sf)  }
0x8b: {  	s15 =	smul.f32 $9.765625000e-04, s17  }
0x8c: {  	s13 =	sadd.s32 $0x1, s13  }
0x8d: {  	p0 =	sne.s32 s13, $0x20;
	v6 =	vmov s15  }
.Ltmp1:
0x8e: {  	v6 =	vadd.f32 $0.0e+00, v6;
	(pc) =	sbr.rel @p0 .LBB2_2-.Ltmp1, $3  }
0x8f: {  	_ = 	snop  }
0x90: {  	v6 =	vbroadcast v6, $0x0;
	_ =	sdelay $0x1  }
0x91: {  	[tilespmem:v5+s1+$0x0] =	vst.idx.msk $0x1, v6  }
0x92: {  	s2 =	sadd.s32 $0x1, s2  }
0x93: {  	p0 =	sne.s32 s2, s11  }
.Ltmp2:
0x94: {  	_ = 	snop;
	(pc) =	sbr.rel @p0 .LBB2_1-.Ltmp2, $4  }
0x95: {  	[hbm4b:s10+s3] =	stream.linear.scatter [tilespmem:s1], [sflag:$0x2], $0x20, $0x38;
	[tilespmem:$0x10500] =	vst v63  }
0x96: {  	_ =	swait.ge [sflag:s12], $0x20  }
0x97: {  	[sflag:s12] =	ssyncset.done $0x0  }
0x98: {  	[sflag:s12] =	ssyncadd.s32 $0xFFFFFFE0  }
0x99: {  	_ =	sfence.sel $0x180000  }
0x9a: {  	[bflag:$0x0] =	sbarrier.arrive $0xFFFF  }
0x9b: {  	_ =	strace $0x9000004D  }
0x9c: {  	s0 =	stileid.u32;
	[bflag:$0x2] =	sbarrier.arrive $0xFFFF  }
0x9d: {  	p0 =	sne.s32 s0, $0x0;
	s0 =	rddreg [dreg:$0x3]  }
0x9e: {  	s0 =	sadd.s32 @!p0 $0x100000, s0  }
0x9f: {  	[sflag:s0] =	ssyncadd.tile.s32 @!p0 $0x1;
	_ =	shalt  }
.Lfunc_end2:
_tile_overlayer_lowered:
.L_overlay_start_2:
0xa0: {  	(tag) =	ssettag $0x2  }
0xa1: {  	s0 =	rddreg [dreg:$0x0];
	s2 =	stileid.u32  }
0xa2: {  	s1 =	rddreg [dreg:$0x1];
	p0 =	sne.s32 s2, $0x0  }
0xa3: {  	s3 =	rddreg [dreg:$0x2];
	[bflag:$0x3] =	sbarrier.arrive $0xFFFF;
	s2 =	simm.s32 @!p0 $0x1C02  }
0xa4: {  	[timem:s3], [sflag:s2] =	dma.local @!p0 [hbm:s0], s1  }
0xa5: {  	s0 =	simm.s32 @!p0 $0x2  }
0xa6: {  	_ =	swait.ge @!p0 [sflag:s0], s1  }
0xa7: {  	s1 =	ssub.s32 @!p0 $0x0, s1;
	[sflag:s0] =	ssyncset.done @!p0 $0x0  }
0xa8: {  	[sflag:s0] =	ssyncadd.s32 @!p0 s1  }
0xa9: {  	[bflag:$0x3] =	sbarrier.arrive $0xFFFF  }
0xaa: {  	_ =	shalt  }

// kernel: kernel.35.cloned.1.call-start
scs
__scs_entry_jumppad:
0x0: {  	(pc) =	sbr.rel $0x88, $3  }
0x1: {  	(tag) =	ssettag $0x0;
	lr =	simm.s32 $0x1  }
0x2: {  	[smem:$0x3F6B] =	sst lr;
	_ =	strace $0xD0000000  }
0x3: {  	_ = 	snop  }
0x4: {  	_ = 	snop  }
0x5: {  	_ = 	snop  }
0x6: {  	_ = 	snop  }
0x7: {  	_ = 	snop  }
__scs_overlays_trampoline_lowered:
0x8: {  	[smem:$0x3F7A] =	sst s0  }
0x9: {  	[smem:$0x3F7B] =	sst s1  }
0xa: {  	[smem:$0x3F7C] =	sst s2  }
0xb: {  	[smem:$0x3F7D] =	sst s3  }
0xc: {  	[smem:$0x3F7E] =	sst s4  }
0xd: {  	[smem:$0x3F7F] =	sst s5  }
0xe: {  	[smem:$0x3F80] =	sst s6  }
0xf: {  	[smem:$0x3F81] =	sst s7  }
0x10: {  	[smem:$0x3F82] =	sst s8  }
0x11: {  	[smem:$0x3F83] =	sst s9;
	s0 =	simm.s32 @!p0 $0x0  }
0x12: {  	s1 =	sld [smem:$0x3F69];
	s0 =	simm.s32 @p0 $0x1  }
0x13: {  	[smem:$0x3F84] =	sst s0;
	s0 =	simm.s32 @!p1 $0x0  }
0x14: {  	s2 =	sld [smem:$0x3F68];
	s0 =	simm.s32 @p1 $0x1  }
0x15: {  	[smem:$0x3F85] =	sst s0;
	s0 =	simm.s32 @!p2 $0x0  }
0x16: {  	s3 =	sld [smem:$0x3FDB];
	s0 =	simm.s32 @p2 $0x1  }
0x17: {  	s4 =	simm.s32 $0x1BF5;
	[smem:$0x3F87] =	sst s0  }
0x18: {  	s0 =	sld [smem:$0x3F6A];
	_ =	swait.ge [sflag:s4], $0x0  }
0x19: {  	s7 =	sld [smem:$0x3F6B]  }
0x1a: {  	s8 =	sadd.s32 $0xFFFFE003, lr  }
0x1b: {  	s9 =	sadd.s32 $0xFFFFFEF7, lr;
	s5 =	simm.s32 $0xFFFFFFFF;
	p2 =	slt.u32 s8, $0xFFFFF086  }
0x1c: {  	p1 =	slt.u32 s9, $0xF7A;
	s5 =	simm.s32 @!p2 $0x0  }
0x1d: {  	s5 =	simm.s32 @p1 $0x1;
	p0 =	seq.s32 s7, s2  }
0x1e: {  	s7 =	smul.u32 @!p0 $0xF7A, s2;
	p2 =	seq.s32 @!p0 s5, $0x0  }
0x1f: {  	s9 =	smul.u32 $0xF7A, s1;
	s8 =	simm.s32 @!p0 $0x1BF5;
	p2 =	por !p2, p0  }
0x20: {  	[sflag:s8] =	ssyncset.s32 @!p0 $0xFFFFF086;
	s6 =	sadd.s32 @!p0 s3, s7;
	s7 =	simm.s32 @!p0 $0x108  }
0x21: {  	s3 =	sadd.s32 s3, s9;
	s6 =	sadd.s32 @!p0 $0x88, s6;
	s7 =	simm.s32 @p2 $0x1082  }
0x22: {  	[simem:s7], [sflag:s8] =	dma.local @!p0 [hbm:s6], $0xF7A  }
0x23: {  	s9 =	sor.u32 $0xD0000000, s2;
	s6 =	simm.s32 $0x108;
	_ =	swait.ge @!p0 [sflag:s8], $0x0  }
0x24: {  	s3 =	sadd.s32 $0x88, s3;
	s6 =	simm.s32 @!p1 $0x1082;
	[sflag:s4] =	ssyncset.s32 $0xFFFFF086  }
0x25: {  	[simem:s6], [sflag:s4] =	dma.local [hbm:s3], $0xF7A  }
0x26: {  	[smem:$0x3F6B] =	sst s1;
	(tag) =	ssettag s2;
	_ =	strace s9  }
0x27: {  	s1 =	sld [smem:$0x3F7B]  }
0x28: {  	s2 =	sld [smem:$0x3F7C]  }
0x29: {  	s4 =	sld [smem:$0x3F7E]  }
0x2a: {  	p0 =	seq.s32 s5, $0x0;
	s5 =	sld [smem:$0x3F7F]  }
0x2b: {  	s6 =	sld [smem:$0x3F80]  }
0x2c: {  	s7 =	sld [smem:$0x3F81]  }
0x2d: {  	s3 =	simm.s32 $0x108;
	s8 =	sld [smem:$0x3F82]  }
0x2e: {  	s3 =	simm.s32 @!p0 $0x1082;
	s9 =	sld [smem:$0x3F83]  }
0x2f: {  	lr =	sadd.s32 s0, s3;
	s0 =	sld [smem:$0x3F7A]  }
0x30: {  	s3 =	sld [smem:$0x3F7D]  }
0x31: {  	[smem:$0x3F86] =	sst s10  }
0x32: {  	s10 =	sld [smem:$0x3F84];
	_ =	sdelay $0x3  }
0x33: {  	p0 =	seq.s32 s10, $0x1;
	s10 =	sld [smem:$0x3F86];
	_ =	sdelay $0x3  }
0x34: {  	[smem:$0x3F86] =	sst s10  }
0x35: {  	s10 =	sld [smem:$0x3F85];
	_ =	sdelay $0x3  }
0x36: {  	p1 =	seq.s32 s10, $0x1;
	s10 =	sld [smem:$0x3F86];
	_ =	sdelay $0x3  }
0x37: {  	[smem:$0x3F86] =	sst s10  }
0x38: {  	s10 =	sld [smem:$0x3F87]  }
0x39: {  	_ = 	snop;
	(pc) =	sbr.ind lr, $3  }
0x3a: {  	_ = 	snop  }
0x3b: {  	_ = 	snop  }
0x3c: {  	p2 =	seq.s32 s10, $0x1;
	s10 =	sld [smem:$0x3F86]  }
0x3d: {  	_ =	shalt  }
0x3e: {  	_ =	shalt  }
0x3f: {  	_ =	shalt  }
0x40: {  	_ =	shalt  }
0x41: {  	_ =	shalt  }
0x42: {  	_ =	shalt  }
0x43: {  	_ =	shalt  }
0x44: {  	_ =	shalt  }
0x45: {  	_ =	shalt  }
0x46: {  	_ =	shalt  }
0x47: {  	_ =	shalt  }
0x48: {  	_ =	shalt  }
0x49: {  	_ =	shalt  }
0x4a: {  	_ =	shalt  }
0x4b: {  	_ =	shalt  }
0x4c: {  	_ =	shalt  }
0x4d: {  	_ =	shalt  }
0x4e: {  	_ =	shalt  }
0x4f: {  	_ =	shalt  }
0x50: {  	_ =	shalt  }
0x51: {  	_ =	shalt  }
0x52: {  	_ =	shalt  }
0x53: {  	_ =	shalt  }
0x54: {  	_ =	shalt  }
0x55: {  	_ =	shalt  }
0x56: {  	_ =	shalt  }
0x57: {  	_ =	shalt  }
0x58: {  	_ =	shalt  }
0x59: {  	_ =	shalt  }
0x5a: {  	_ =	shalt  }
0x5b: {  	_ =	shalt  }
0x5c: {  	_ =	shalt  }
0x5d: {  	_ =	shalt  }
0x5e: {  	_ =	shalt  }
0x5f: {  	_ =	shalt  }
0x60: {  	_ =	shalt  }
0x61: {  	_ =	shalt  }
0x62: {  	_ =	shalt  }
0x63: {  	_ =	shalt  }
0x64: {  	_ =	shalt  }
0x65: {  	_ =	shalt  }
0x66: {  	_ =	shalt  }
0x67: {  	_ =	shalt  }
0x68: {  	_ =	shalt  }
0x69: {  	_ =	shalt  }
0x6a: {  	_ =	shalt  }
0x6b: {  	_ =	shalt  }
0x6c: {  	_ =	shalt  }
0x6d: {  	_ =	shalt  }
0x6e: {  	_ =	shalt  }
0x6f: {  	_ =	shalt  }
0x70: {  	_ =	shalt  }
0x71: {  	_ =	shalt  }
0x72: {  	_ =	shalt  }
0x73: {  	_ =	shalt  }
0x74: {  	_ =	shalt  }
0x75: {  	_ =	shalt  }
0x76: {  	_ =	shalt  }
0x77: {  	_ =	shalt  }
0x78: {  	_ =	shalt  }
0x79: {  	_ =	shalt  }
0x7a: {  	_ =	shalt  }
0x7b: {  	_ =	shalt  }
0x7c: {  	_ =	shalt  }
0x7d: {  	_ =	shalt  }
0x7e: {  	_ =	shalt  }
0x7f: {  	_ =	shalt  }
0x80: {  	_ =	shalt  }
0x81: {  	_ =	shalt  }
0x82: {  	_ =	shalt  }
0x83: {  	_ =	shalt  }
0x84: {  	_ =	shalt  }
0x85: {  	_ =	shalt  }
0x86: {  	_ =	shalt  }
0x87: {  	_ =	shalt  }
.Lfunc_end0:
.L_simem_size_0:
called_computation.3_lowered:
.L_overlay_start_0:
0x88: {  	s2 =	sld [smem:$0x3FD9]  }
0x89: {  	s3 =	sld [smem:$0x3FFE];
	_ =	sdelay $0x1  }
0x8a: {  	s1 =	srdreg.scid  }
0x8b: {  	s0 =	sand.u32 $0x1, s1  }
0x8c: {  	s15 =	sshll.u32 s0, $0xA;
	s2 =	sadd.s32 s3, s2  }
0x8d: {  	s2 =	sadd.s32 s2, s15  }
0x8e: {  	[smem:$0x3F92] =	sst s2  }
0x8f: {  	_ = 	snop  }
0x90: {  	s2 =	sld [smem:$0x3FD0];
	_ =	sdelay $0x2  }
0x91: {  	s4 =	simm.s32 $0xB;
	s16 =	simm.s32 $0x10  }
0x92: {  	[smem:s16], [sflag:s4] =	dma.local [hbm:s2], $0x1  }
0x93: {  	_ =	swait.eq [sflag:s4], $0x1  }
0x94: {  	[sflag:s4] =	ssyncset.done $0x0  }
0x95: {  	s17 =	sld [smem:$0x12];
	[sflag:s4] =	ssyncadd.s32 $0xFFFFFFFF  }
0x96: {  	s18 =	sld [smem:$0x13];
	(tm) =	ssettm $0x1  }
0x97: {  	s19 =	sld [smem:$0x3FFB];
	_ =	sdelay $0x3  }
0x98: {  	_ =	strace s19  }
0x99: {  	s2 =	sld [smem:$0x3FFC];
	_ =	sdelay $0x3  }
0x9a: {  	_ =	strace s2  }
0x9b: {  	s2 =	sld [smem:$0x3FFD];
	_ =	sdelay $0x3  }
0x9c: {  	_ =	strace s2  }
0x9d: {  	_ =	strace $0x8FFFFFFF  }
0x9e: {  	s20 =	sld [smem:$0x3FDB];
	_ =	sdelay $0x1  }
0x9f: {  	s5 =	simm.s32 $_scs_section_size  }
0xa0: {  	s6 =	simm.s32 $_size__tile_overlayer_lowered;
	s7 =	simm.s32 $_tile_overlayer_lowered  }
0xa1: {  	s8 =	simm.s32 $0x1BFF;
	s21 =	sshll.u32 s7, $0x1;
	s5 =	sadd.s32 s5, s20  }
0xa2: {  	s22 =	simm.s32 $0x0;
	s6 =	sshll.u32 s6, $0x1;
	s7 =	sadd.s32 s21, s5  }
0xa3: {  	[timem:s22], [sflag:s8] =	dma.local [hbm:s7], s6  }
0xa4: {  	_ =	swait.ge [sflag:s8], s6  }
0xa5: {  	s6 =	ssub.s32 $0x0, s6;
	[sflag:s8] =	ssyncset.done $0x0  }
0xa6: {  	[sflag:s8] =	ssyncadd.s32 s6;
	_ =	sdelay $0x1  }
0xa7: {  	s23 =	simm.s32 $0x1B8B  }
0xa8: {  	_ =	swait.ge [sflag:s23], $0x1  }
0xa9: {  	[sflag:s23] =	ssyncset.done $0x0  }
0xaa: {  	[sflag:s23] =	ssyncadd.s32 $0xFFFFFFFF  }
0xab: {  	s6 =	sld [smem:$0x0]  }
0xac: {  	s7 =	sand.u32 $0xFFFFFFFE, s1  }
0xad: {  	p0 =	sne.s32 s1, s7  }
0xae: {  	s7 =	sshll.u32 @p0 s7, $0xE  }
0xaf: {  	s7 =	sadd.s32 @p0 $0x11B8D, s7;
	s8 =	sshll.u32 @p0 s6, $0x11  }
0xb0: {  	s7 =	sor.u32 @p0 s8, s7  }
0xb1: {  	[sflag:s7] =	ssyncadd.remote.s32 @p0 $0x1;
	_ =	sdelay $0x1  }
0xb2: {  	s7 =	simm.s32 @p0 $0x1B8D  }
0xb3: {  	_ =	swait.eq @p0 [sflag:s7], $0x1  }
0xb4: {  	[sflag:s7] =	ssyncadd.s32 @p0 $0xFFFFFFFF  }
0xb5: {  	s8 =	sshll.u32 @!p0 s1, $0xE  }
0xb6: {  	s8 =	sor.u32 @!p0 $0x4000, s8;
	s7 =	simm.s32 @!p0 $0x1B8D  }
0xb7: {  	s6 =	sshll.u32 @!p0 s6, $0x11;
	s8 =	sadd.s32 @!p0 $0x11B8D, s8;
	_ =	swait.eq @!p0 [sflag:s7], $0x1  }
0xb8: {  	s6 =	sor.u32 @!p0 s6, s8;
	[sflag:s7] =	ssyncadd.s32 @!p0 $0xFFFFFFFF  }
0xb9: {  	s25 =	simm.s32 $0x1B8E;
	s24 =	sld [smem:$0x3FFE];
	[sflag:s6] =	ssyncadd.remote.s32 @!p0 $0x1  }
0xba: {  	s26 =	simm.s32 $execute0_lowered;
	[smem:$0x3FD2] =	sst s25  }
0xbb: {  	s7 =	sshll.u32 s26, $0x1;
	_ =	strace $0x8000004F;
	[dreg:$0x1] =	wrdreg $0xFFFFFFFF  }
0xbc: {  	s28 =	simm.s32 $_size_execute0_lowered;
	s5 =	sadd.s32 s5, s7;
	[dreg:$0x0] =	wrdreg $0x0  }
0xbd: {  	s7 =	sshll.u32 s28, $0x1;
	[dreg:$0x2] =	wrdreg s5  }
0xbe: {  	[dreg:$0x3] =	wrdreg s7  }
0xbf: {  	[dreg:$0x4] =	wrdreg $0xC0  }
0xc0: {  	_ =	task [dreg:s22], $0x5FFFF  }
0xc1: {  	[dreg:$0x1] =	wrdreg $0xFFFFFFFF  }
0xc2: {  	[dreg:$0x0] =	wrdreg $0x60  }
0xc3: {  	[dreg:$0x2] =	wrdreg s24  }
0xc4: {  	[dreg:$0x3] =	wrdreg s17  }
0xc5: {  	[dreg:$0x4] =	wrdreg s18  }
0xc6: {  	[dreg:$0x5] =	wrdreg $0x9  }
0xc7: {  	_ =	task.clear_ibuf [dreg:s22], $0x6FFFF;
	_ =	strace $0x9000004F  }
0xc8: {  	s29 =	simm.s32 $0x9;
	_ =	strace $0x80000051  }
0xc9: {  	_ =	swait.ge [sflag:s29], $0x1  }
0xca: {  	[sflag:s29] =	ssyncadd.s32 $0xFFFFFFFF  }
0xcb: {  	_ =	strace $0x90000051  }
0xcc: {  	_ =	sfence  }
0xcd: {  	s30 =	sld [smem:$0x0];
	_ =	sdelay $0x2  }
0xce: {  	s31 =	sshll.u32 s1, $0xD;
	s1 =	sshrl.u32 s1, $0x2  }
0xcf: {  	s4 =	sand.u32 $0x4000, s31;
	s1 =	sadd.s32 s1, s30  }
0xd0: {  	s0 =	sor.u32 s4, s0;
	s1 =	sshll.u32 s1, $0x11  }
0xd1: {  	s0 =	sor.u32 s1, s0  }
0xd2: {  	s0 =	sadd.s32 $0x8F2B, s0  }
0xd3: {  	[sflag:s0] =	ssyncadd.remote.s32 $0x1  }
0xd4: {  	_ =	sfence.sel $0xFFFF  }
0xd5: {  	[dreg:$0x0] =	wrdreg $0xFFFFFFFF;
	(pc) =	sbr.abs _section_cstart, $3  }
0xd6: {  	[dreg:$0x1] =	wrdreg $0xFFFFFFFF  }
0xd7: {  	_ =	task.clear_ibuf [dreg:s22], $0x2FFFF;
	_ =	strace $0x9FFFFFFF  }
0xd8: {  	(tm) =	ssettm $0x7FFFFFFF  }
0xd9: {  	_ =	shalt  }
tec
execute0_lowered:
.L_overlay_start_1:
0x0: {  	(tag) =	ssettag $0x1  }
0x1: {  	s0 =	rddreg [dreg:$0x0]  }
0x2: {  	s1 =	rddreg [dreg:$0x1]  }
0x3: {  	s6 =	rddreg [dreg:$0x2];
	s2 =	srdreg.scid;
	s4 =	simm.s32 $0x0  }
0x4: {  	s3 =	stileid.u32;
	s12 =	simm.s32 $0x2;
	s14 =	simm.s32 $0x480  }
0x5: {  	s18 =	simm.s32 $0x2480;
	s19 =	simm.s32 $0x2C80;
	[smem:$0x7FF] =	sst s4  }
0x6: {  	v0 =	vimm.f32 $3.000000000e+00;
	s20 =	simm.s32 $0x3480;
	s21 =	simm.s32 $0x3C80;
	_ =	strace $0x80000050  }
0x7: {  	s22 =	simm.s32 $0x4480;
	s23 =	simm.s32 $0x4C80;
	s24 =	simm.s32 $0x5480;
	(erf) = vrcp.f32 v0  }
0x8: {  	s25 =	simm.s32 $0x5C80;
	s28 =	simm.s32 $0x6C80;
	s29 =	simm.s32 $0x7480  }
0x9: {  	s30 =	simm.s32 $0x7C80;
	s31 =	simm.s32 $0x1;
	s2 =	sand.u32 $0x1, s2  }
0xa: {  	s3 =	sshll.u32 s3, $0x6;
	s7 =	sadd.s32 $0x200, s1;
	s5 =	sshll.u32 s2, $0x5  }
0xb: {  	s8 =	sadd.s32 $0x300, s1;
	s2 =	ssub.s32 $0x2, s2;
	s3 =	sor.u32 s5, s3  }
0xc: {  	s26 =	sshrl.u32 s2, $0x1;
	s5 =	sshll.u32 s3, $0x7;
	s3 =	sshrl.u32 s3, $0x3  }
0xd: {  	s2 =	ssub.s32 s2, s26;
	s26 =	simm.s32 $0x6480;
	s9 =	sadd.s32 s5, s0  }
0xe: {  	v0 =	vlaneseq.u32;
	s0 =	sadd.s32 s3, s0;
	s5 =	sadd.s32 s6, s3;
	s6 =	sadd.s32 $0x100, s1  }
0xf: {  	vm0 =	vmmov $0xffff;
	v3 =	vshrl.u32 v0, $0x3;
	s11 =	smax.u32 s2, $0x1;
	s2 =	simm.s32 $0x10480;
	s3 =	simm.s32 $0x0  }
0x10: {  	v1 =	vand.u32 $0x7, v0;
	v4 =	vor.u32 $0x8, v0;
	v3 =	vmul.u32 $0x8, v3;
	s9 =	sadd.s32 $0xA000, s9;
	s10 =	sadd.s32 $0x2A600, s0;
	s0 =	simm.s32 $0x8480;
	v2 =	vpop (erf)  }
.LBB2_1:
0x11: {  	s13 =	rddreg [dreg:$0x2]  }
0x12: {  	[tilespmem:s4], [sflag:$0x2] =	stream.linear.gather [hbm4b:s13+s4], $0x400, $0x38;
	[tilespmem:$0x10500] =	vst v63  }
0x13: {  	_ =	swait.ge [sflag:s12], $0x400  }
0x14: {  	[sflag:s12] =	ssyncset.done $0x0  }
0x15: {  	s17 =	simm.s32 $0x400;
	[sflag:s12] =	ssyncadd.s32 $0xFFFFFC00  }
0x16: {  	[tilespmem:s17], [sflag:$0x2] =	stream.linear.gather [hbm4b:s5+s4], $0x20, $0x38;
	[tilespmem:$0x10500] =	vst v63  }
0x17: {  	_ =	swait.ge [sflag:s12], $0x20  }
0x18: {  	[sflag:s12] =	ssyncset.done $0x0  }
0x19: {  	[sflag:s12] =	ssyncadd.s32 $0xFFFFFFE0  }
0x1a: {  	v5 =	vld [tilespmem:$0x400];
	_ =	sdelay $0x4  }
0x1b: {  	v6 =	vshll.u32 v5, $0x3  }
0x1c: {  	v5 =	vand.u32 $0x7, v5;
	v6 =	vand.u32 $0xFFFFFFC0, v6  }
0x1d: {  	v5 =	vor.u32 v5, v6  }
0x1e: {  	v6 =	vperm.xlane v5, v1;
	_ =	sdelay $0x1  }
0x1f: {  	v6 =	vadd.s32 v3, v6;
	_ =	sdelay $0x4  }
0x20: {  	[tilespmem:s14], [sflag:$0x1] =	stream.indirect_vreg.gather [hbm4b:s1+s4], $0x80, v6, vm0, $0xb8;
	[tilespmem:$0x10500] =	vst v63  }
0x21: {  	s15 =	simm.s32 $0xC80;
	v5 =	vperm.xlane v5, v4  }
0x22: {  	[tilespmem:s15], [sflag:$0x1] =	stream.indirect_vreg.gather [hbm4b:s6+s4], $0x80, v6, vm0, $0xb8;
	[tilespmem:$0x10500] =	vst v63  }
0x23: {  	s16 =	simm.s32 $0x1480;
	v5 =	vadd.s32 v3, v5  }
0x24: {  	[tilespmem:s16], [sflag:$0x1] =	stream.indirect_vreg.gather [hbm4b:s7+s4], $0x80, v6, vm0, $0xb8;
	[tilespmem:$0x10500] =	vst v63  }
0x25: {  	s17 =	simm.s32 $0x1C80  }
0x26: {  	[tilespmem:s17], [sflag:$0x1] =	stream.indirect_vreg.gather [hbm4b:s8+s4], $0x80, v6, vm0, $0xb8;
	[tilespmem:$0x10500] =	vst v63  }
0x27: {  	_ = 	snop  }
0x28: {  	[tilespmem:s18], [sflag:$0x1] =	stream.indirect_vreg.gather [hbm4b:s1+s4], $0x80, v5, vm0, $0xb8;
	[tilespmem:$0x10500] =	vst v63  }
0x29: {  	_ = 	snop  }
0x2a: {  	[tilespmem:s19], [sflag:$0x1] =	stream.indirect_vreg.gather [hbm4b:s6+s4], $0x80, v5, vm0, $0xb8;
	[tilespmem:$0x10500] =	vst v63  }
0x2b: {  	_ = 	snop  }
0x2c: {  	[tilespmem:s20], [sflag:$0x1] =	stream.indirect_vreg.gather [hbm4b:s7+s4], $0x80, v5, vm0, $0xb8;
	[tilespmem:$0x10500] =	vst v63  }
0x2d: {  	_ = 	snop  }
0x2e: {  	[tilespmem:s21], [sflag:$0x1] =	stream.indirect_vreg.gather [hbm4b:s8+s4], $0x80, v5, vm0, $0xb8;
	[tilespmem:$0x10500] =	vst v63  }
0x2f: {  	v5 =	vld [tilespmem:$0x410];
	_ =	sdelay $0x4  }
0x30: {  	v6 =	vshll.u32 v5, $0x3  }
0x31: {  	v5 =	vand.u32 $0x7, v5;
	v6 =	vand.u32 $0xFFFFFFC0, v6  }
0x32: {  	v5 =	vor.u32 v5, v6  }
0x33: {  	v6 =	vperm.xlane v5, v1;
	_ =	sdelay $0x1  }
0x34: {  	v6 =	vadd.s32 v3, v6;
	_ =	sdelay $0x4  }
0x35: {  	[tilespmem:s22], [sflag:$0x1] =	stream.indirect_vreg.gather [hbm4b:s1+s4], $0x80, v6, vm0, $0xb8;
	[tilespmem:$0x10500] =	vst v63  }
0x36: {  	v5 =	vperm.xlane v5, v4  }
0x37: {  	[tilespmem:s23], [sflag:$0x1] =	stream.indirect_vreg.gather [hbm4b:s6+s4], $0x80, v6, vm0, $0xb8;
	[tilespmem:$0x10500] =	vst v63  }
0x38: {  	v5 =	vadd.s32 v3, v5  }
0x39: {  	[tilespmem:s24], [sflag:$0x1] =	stream.indirect_vreg.gather [hbm4b:s7+s4], $0x80, v6, vm0, $0xb8;
	[tilespmem:$0x10500] =	vst v63  }
0x3a: {  	_ = 	snop  }
0x3b: {  	[tilespmem:s25], [sflag:$0x1] =	stream.indirect_vreg.gather [hbm4b:s8+s4], $0x80, v6, vm0, $0xb8;
	[tilespmem:$0x10500] =	vst v63  }
0x3c: {  	_ = 	snop  }
0x3d: {  	[tilespmem:s26], [sflag:$0x1] =	stream.indirect_vreg.gather [hbm4b:s1+s4], $0x80, v5, vm0, $0xb8;
	[tilespmem:$0x10500] =	vst v63  }
0x3e: {  	_ = 	snop  }
0x3f: {  	[tilespmem:s28], [sflag:$0x1] =	stream.indirect_vreg.gather [hbm4b:s6+s4], $0x80, v5, vm0, $0xb8;
	[tilespmem:$0x10500] =	vst v63  }
0x40: {  	_ = 	snop  }
0x41: {  	[tilespmem:s29], [sflag:$0x1] =	stream.indirect_vreg.gather [hbm4b:s7+s4], $0x80, v5, vm0, $0xb8;
	[tilespmem:$0x10500] =	vst v63  }
0x42: {  	_ = 	snop  }
0x43: {  	[tilespmem:s30], [sflag:$0x1] =	stream.indirect_vreg.gather [hbm4b:s8+s4], $0x80, v5, vm0, $0xb8;
	[tilespmem:$0x10500] =	vst v63  }
0x44: {  	_ =	swait.ge [sflag:s31], $0x8000  }
0x45: {  	[sflag:s31] =	ssyncset.done $0x0  }
0x46: {  	[sflag:s31] =	ssyncadd.s32 $0xFFFF8000  }
0x47: {  	[tilespmem:s0], [sflag:$0x2] =	stream.linear.gather [hbm4b:s9+s4], $0x8000, $0x38;
	[tilespmem:$0x10500] =	vst v63  }
0x48: {  	_ =	swait.ge [sflag:s12], $0x8000  }
0x49: {  	[sflag:s12] =	ssyncset.done $0x0  }
0x4a: {  	s13 =	simm.s32 $0x0;
	[sflag:s12] =	ssyncadd.s32 $0xFFFF8000  }
.LBB2_2:
0x4b: {  	s15 =	simm.s32 $0x0  }
0x4c: {  	v9 =	vor.u32 s15, v0;
	_ =	sdelay $0x4  }
0x4d: {  	s16 =	simm.s32 $0x10;
	v10 =	vld.idx.msk [tilespmem:v9+s4+$0x0], $0xffff  }
0x4e: {  	v11 =	vor.u32 s16, v0  }
0x4f: {  	v5 =	vmov s13  }
0x50: {  	s17 =	simm.s32 $0x20;
	v6 =	vshll.u32 v5, $0xA;
	v8 =	vshll.u32 v5, $0x7;
	v12 =	vmov s15  }
0x51: {  	v14 =	vor.u32 s17, v0;
	v7 =	vand.u32 $0x6000, v6;
	v6 =	vand.u32 $0x380, v8  }
0x52: {  	v12 =	vshll.u32 v12, $0x3;
	v8 =	vor.u32 v6, v7;
	v13 =	vshll.u32 v10, $0x3  }
0x53: {  	v12 =	vand.u32 $0x1C00, v12;
	v9 =	vand.u32 $0x7F, v9;
	v15 =	vld.idx.msk [tilespmem:v11+s4+$0x0], $0xffff;
	v13 =	vand.u32 $0xFFFFFC00, v13  }
0x54: {  	v9 =	vor.u32 v12, v9;
	v10 =	vand.u32 $0x7F, v10;
	v12 =	vadd.s32 v7, v13  }
0x55: {  	v9 =	vor.u32 v8, v9;
	v10 =	vor.u32 v10, v12  }
0x56: {  	v10 =	vor.u32 v6, v10;
	_ =	sdelay $0x1  }
0x57: {  	v17 =	vshll.u32 v15, $0x3;
	v12 =	vmov s16  }
0x58: {  	s15 =	simm.s32 $0x30;
	v16 =	vld.idx.msk [tilespmem:v14+s4+$0x0], $0xffff;
	v17 =	vand.u32 $0xFFFFFC00, v17;
	v12 =	vshll.u32 v12, $0x3  }
0x59: {  	v13 =	vand.u32 $0x7F, v11;
	v11 =	vor.u32 s15, v0;
	v18 =	vld.idx.msk [tilespmem:v9+s0+$0x0], $0xffff;
	v12 =	vand.u32 $0x1C00, v12  }
0x5a: {  	v9 =	vor.u32 v12, v13;
	v12 =	vand.u32 $0x7F, v15;
	v13 =	vadd.s32 v7, v17;
	v10 =	vld.idx.msk [tilespmem:v10+s14+$0x0], $0xffff  }
0x5b: {  	v12 =	vor.u32 v12, v13;
	v13 =	vor.u32 v8, v9  }
0x5c: {  	v17 =	vor.u32 v6, v12  }
0x5d: {  	v20 =	vshll.u32 v16, $0x3;
	v16 =	vand.u32 $0x7F, v16;
	v15 =	vmov s17  }
0x5e: {  	v20 =	vand.u32 $0xFFFFFC00, v20;
	v9 =	vimm.f32 $0.0e+00;
	v12 =	vshll.u32 v15, $0x3  }
0x5f: {  	s16 =	simm.s32 $0x40;
	v15 =	vand.u32 $0x7F, v14;
	v14 =	vld.idx.msk [tilespmem:v11+s4+$0x0], $0xffff;
	v19 =	vand.u32 $0x1C00, v12;
	v18 =	vsub.f32 v18, v10  }
0x60: {  	v12 =	vor.u32 s16, v0;
	v15 =	vor.u32 v19, v15;
	v19 =	vadd.s32 v7, v20;
	v10 =	vld.idx.msk [tilespmem:v13+s0+$0x0], $0xffff  }
0x61: {  	s17 =	simm.s32 $0x50;
	v15 =	vor.u32 v8, v15;
	v13 =	vld.idx.msk [tilespmem:v17+s14+$0x0], $0xffff;
	v17 =	vor.u32 v16, v19;
	v16 =	vand.u32 $0x7FFFFFFF, v18  }
.LBB2_3:
0x62: {  	p0 =	sne.s32 s17, $0x3F0;
	v18 =	vmov s15;
	v17 =	vor.u32 v6, v17;
	v16 =	vmul.f32 v16, v2;
	s15 =	smov.u32 s16;
	s16 =	smov.u32 s17  }
0x63: {  	v18 =	vshll.u32 v18, $0x3  }
.Ltmp0:
0x64: {  	v19 =	vand.u32 $0x7F, v11;
	v11 =	vmovc v12;
	v20 =	vmovc v14;
	v18 =	vand.u32 $0x1C00, v18;
	v16 =	vsub.f32 $1.000000000e+00, v16;
	(pc) =	sbr.rel @p0 .LBB2_3-.Ltmp0, $4  }
0x65: {  	v21 =	vshll.u32 v20, $0x3;
	v14 =	vld.idx.msk [tilespmem:v12+s4+$0x0], $0xffff;
	v12 =	vor.u32 s17, v0;
	v18 =	vor.u32 v18, v19  }
0x66: {  	v19 =	vand.u32 $0xFFFFFC00, v21;
	v21 =	vsub.f32 v10, v13;
	v10 =	vld.idx.msk [tilespmem:v15+s0+$0x0], $0xffff;
	v15 =	vmax.f32 v16, $0.0e+00  }
0x67: {  	v16 =	vand.u32 $0x7F, v20;
	v19 =	vadd.s32 v7, v19;
	v13 =	vld.idx.msk [tilespmem:v17+s14+$0x0], $0xffff;
	v9 =	vadd.f32 v15, v9  }
0x68: {  	s17 =	sadd.s32 $0x10, s17;
	v17 =	vor.u32 v16, v19;
	v15 =	vor.u32 v8, v18;
	v16 =	vand.u32 $0x7FFFFFFF, v21  }
0x69: {  	_ =	sdelay $0x3  }
0x6a: {  	v18 =	vmov s15;
	v19 =	vld.idx.msk [tilespmem:v12+s4+$0x0], $0xffff  }
0x6b: {  	v17 =	vor.u32 v6, v17;
	v11 =	vand.u32 $0x7F, v11;
	v52 =	vmov s16  }
0x6c: {  	v54 =	vand.u32 $0x7F, v12;
	v18 =	vshll.u32 v18, $0x3;
	v20 =	vshll.u32 v14, $0x3  }
0x6d: {  	v50 =	vand.u32 $0x7F, v14;
	v18 =	vand.u32 $0x1C00, v18;
	v20 =	vand.u32 $0xFFFFFC00, v20  }
0x6e: {  	v11 =	vor.u32 v18, v11;
	v51 =	vadd.s32 v7, v20;
	v18 =	vshll.u32 v52, $0x3  }
0x6f: {  	v14 =	vor.u32 v50, v51;
	v11 =	vor.u32 v8, v11;
	v53 =	vshll.u32 v19, $0x3  }
0x70: {  	v18 =	vand.u32 $0x1C00, v18;
	v14 =	vor.u32 v6, v14;
	v20 =	vand.u32 $0xFFFFFC00, v53  }
0x71: {  	v12 =	vor.u32 v18, v54;
	v55 =	vand.u32 $0x7F, v19;
	v7 =	vadd.s32 v7, v20  }
0x72: {  	v56 =	vor.u32 v8, v12;
	v7 =	vor.u32 v55, v7  }
0x73: {  	v57 =	vld.idx.msk [tilespmem:v15+s0+$0x0], $0xffff;
	v6 =	vor.u32 v6, v7  }
0x74: {  	v7 =	vld.idx.msk [tilespmem:v17+s14+$0x0], $0xffff  }
0x75: {  	v11 =	vld.idx.msk [tilespmem:v11+s0+$0x0], $0xffff  }
0x76: {  	v14 =	vld.idx.msk [tilespmem:v14+s14+$0x0], $0xffff  }
0x77: {  	v10 =	vsub.f32 v10, v13;
	v8 =	vld.idx.msk [tilespmem:v56+s0+$0x0], $0xffff  }
0x78: {  	v58 =	vmul.f32 v16, v2;
	v6 =	vld.idx.msk [tilespmem:v6+s14+$0x0], $0xffff  }
0x79: {  	v10 =	vand.u32 $0x7FFFFFFF, v10;
	v7 =	vsub.f32 v57, v7  }
0x7a: {  	v59 =	vsub.f32 $1.000000000e+00, v58;
	v10 =	vmul.f32 v10, v2  }
0x7b: {  	v11 =	vsub.f32 v11, v14;
	v7 =	vand.u32 $0x7FFFFFFF, v7  }
0x7c: {  	v12 =	vmax.f32 v59, $0.0e+00;
	v10 =	vsub.f32 $1.000000000e+00, v10;
	v7 =	vmul.f32 v7, v2  }
0x7d: {  	v9 =	vadd.f32 v12, v9;
	v11 =	vand.u32 $0x7FFFFFFF, v11;
	v6 =	vsub.f32 v8, v6  }
0x7e: {  	v60 =	vmax.f32 v10, $0.0e+00;
	v61 =	vmul.f32 v11, v2;
	v7 =	vsub.f32 $1.000000000e+00, v7  }
0x7f: {  	v8 =	vadd.f32 v60, v9;
	v6 =	vand.u32 $0x7FFFFFFF, v6  }
0x80: {  	v62 =	vsub.f32 $1.000000000e+00, v61;
	v7 =	vmax.f32 v7, $0.0e+00;
	v6 =	vmul.f32 v6, v2  }
0x81: {  	v7 =	vadd.f32 v7, v8  }
0x82: {  	v63 =	vmax.f32 v62, $0.0e+00;
	v6 =	vsub.f32 $1.000000000e+00, v6  }
0x83: {  	v7 =	vadd.f32 v63, v7  }
0x84: {  	v6 =	vmax.f32 v6, $0.0e+00  }
0x85: {  	v6 =	vadd.f32 v6, v7;
	_ =	sdelay $0x1  }
0x86: {  	(xrf2) =	vadd.scan.msk.f32 $0xffff, v6;
	_ =	sdelay $0x9  }
0x87: {  	v6, _, _ =	vpop (xrf2)  }
0x88: {  	(v2sf) =	vpush v6, $0xF;
	_ =	sdelay $0xe  }
0x89: {  	s17 =	spop (v2sf)  }
0x8a: {  	s15 =	smul.f32 $9.765625000e-04, s17  }
0x8b: {  	s13 =	sadd.s32 $0x1, s13  }
0x8c: {  	p0 =	sne.s32 s13, $0x20;
	v6 =	vmov s15  }
.Ltmp1:
0x8d: {  	v6 =	vadd.f32 $0.0e+00, v6;
	(pc) =	sbr.rel @p0 .LBB2_2-.Ltmp1, $3  }
0x8e: {  	_ = 	snop  }
0x8f: {  	v6 =	vbroadcast v6, $0x0;
	_ =	sdelay $0x1  }
0x90: {  	[tilespmem:v5+s2+$0x0] =	vst.idx.msk $0x1, v6  }
0x91: {  	s3 =	sadd.s32 $0x1, s3  }
0x92: {  	p0 =	sne.s32 s3, s11  }
.Ltmp2:
0x93: {  	_ = 	snop;
	(pc) =	sbr.rel @p0 .LBB2_1-.Ltmp2, $4  }
0x94: {  	[hbm4b:s10+s4] =	stream.linear.scatter [tilespmem:s2], [sflag:$0x2], $0x20, $0x38;
	[tilespmem:$0x10500] =	vst v63  }
0x95: {  	_ =	swait.ge [sflag:s12], $0x20  }
0x96: {  	[sflag:s12] =	ssyncset.done $0x0  }
0x97: {  	[sflag:s12] =	ssyncadd.s32 $0xFFFFFFE0  }
0x98: {  	_ =	sfence.sel $0x180000  }
0x99: {  	[bflag:$0x0] =	sbarrier.arrive $0xFFFF  }
0x9a: {  	_ =	strace $0x90000050  }
0x9b: {  	s0 =	stileid.u32;
	[bflag:$0x2] =	sbarrier.arrive $0xFFFF  }
0x9c: {  	p0 =	sne.s32 s0, $0x0;
	s0 =	rddreg [dreg:$0x3]  }
0x9d: {  	s0 =	sadd.s32 @!p0 $0x100000, s0  }
0x9e: {  	[sflag:s0] =	ssyncadd.tile.s32 @!p0 $0x1;
	_ =	shalt  }
.Lfunc_end2:
_tile_overlayer_lowered:
.L_overlay_start_2:
0x9f: {  	(tag) =	ssettag $0x2  }
0xa0: {  	s0 =	rddreg [dreg:$0x0];
	s2 =	stileid.u32  }
0xa1: {  	s1 =	rddreg [dreg:$0x1];
	p0 =	sne.s32 s2, $0x0  }
0xa2: {  	s3 =	rddreg [dreg:$0x2];
	[bflag:$0x3] =	sbarrier.arrive $0xFFFF;
	s2 =	simm.s32 @!p0 $0x1C02  }
0xa3: {  	[timem:s3], [sflag:s2] =	dma.local @!p0 [hbm:s0], s1  }
0xa4: {  	s0 =	simm.s32 @!p0 $0x2  }
0xa5: {  	_ =	swait.ge @!p0 [sflag:s0], s1  }
0xa6: {  	s1 =	ssub.s32 @!p0 $0x0, s1;
	[sflag:s0] =	ssyncset.done @!p0 $0x0  }
0xa7: {  	[sflag:s0] =	ssyncadd.s32 @!p0 s1  }
0xa8: {  	[bflag:$0x3] =	sbarrier.arrive $0xFFFF  }
0xa9: {  	_ =	shalt  }

// kernel: kernel.38.cloned.1.call-start
scs
__scs_entry_jumppad:
0x0: {  	(pc) =	sbr.rel $0x88, $3  }
0x1: {  	(tag) =	ssettag $0x0;
	lr =	simm.s32 $0x1  }
0x2: {  	[smem:$0x3F6B] =	sst lr;
	_ =	strace $0xD0000000  }
0x3: {  	_ = 	snop  }
0x4: {  	_ = 	snop  }
0x5: {  	_ = 	snop  }
0x6: {  	_ = 	snop  }
0x7: {  	_ = 	snop  }
__scs_overlays_trampoline_lowered:
0x8: {  	[smem:$0x3F7A] =	sst s0  }
0x9: {  	[smem:$0x3F7B] =	sst s1  }
0xa: {  	[smem:$0x3F7C] =	sst s2  }
0xb: {  	[smem:$0x3F7D] =	sst s3  }
0xc: {  	[smem:$0x3F7E] =	sst s4  }
0xd: {  	[smem:$0x3F7F] =	sst s5  }
0xe: {  	[smem:$0x3F80] =	sst s6  }
0xf: {  	[smem:$0x3F81] =	sst s7  }
0x10: {  	[smem:$0x3F82] =	sst s8  }
0x11: {  	[smem:$0x3F83] =	sst s9;
	s0 =	simm.s32 @!p0 $0x0  }
0x12: {  	s1 =	sld [smem:$0x3F69];
	s0 =	simm.s32 @p0 $0x1  }
0x13: {  	[smem:$0x3F84] =	sst s0;
	s0 =	simm.s32 @!p1 $0x0  }
0x14: {  	s2 =	sld [smem:$0x3F68];
	s0 =	simm.s32 @p1 $0x1  }
0x15: {  	[smem:$0x3F85] =	sst s0;
	s0 =	simm.s32 @!p2 $0x0  }
0x16: {  	s3 =	sld [smem:$0x3FDB];
	s0 =	simm.s32 @p2 $0x1  }
0x17: {  	s4 =	simm.s32 $0x1BF5;
	[smem:$0x3F87] =	sst s0  }
0x18: {  	s0 =	sld [smem:$0x3F6A];
	_ =	swait.ge [sflag:s4], $0x0  }
0x19: {  	s7 =	sld [smem:$0x3F6B]  }
0x1a: {  	s8 =	sadd.s32 $0xFFFFE003, lr  }
0x1b: {  	s9 =	sadd.s32 $0xFFFFFEF7, lr;
	s5 =	simm.s32 $0xFFFFFFFF;
	p2 =	slt.u32 s8, $0xFFFFF086  }
0x1c: {  	p1 =	slt.u32 s9, $0xF7A;
	s5 =	simm.s32 @!p2 $0x0  }
0x1d: {  	s5 =	simm.s32 @p1 $0x1;
	p0 =	seq.s32 s7, s2  }
0x1e: {  	s7 =	smul.u32 @!p0 $0xF7A, s2;
	p2 =	seq.s32 @!p0 s5, $0x0  }
0x1f: {  	s9 =	smul.u32 $0xF7A, s1;
	s8 =	simm.s32 @!p0 $0x1BF5;
	p2 =	por !p2, p0  }
0x20: {  	[sflag:s8] =	ssyncset.s32 @!p0 $0xFFFFF086;
	s6 =	sadd.s32 @!p0 s3, s7;
	s7 =	simm.s32 @!p0 $0x108  }
0x21: {  	s3 =	sadd.s32 s3, s9;
	s6 =	sadd.s32 @!p0 $0x88, s6;
	s7 =	simm.s32 @p2 $0x1082  }
0x22: {  	[simem:s7], [sflag:s8] =	dma.local @!p0 [hbm:s6], $0xF7A  }
0x23: {  	s9 =	sor.u32 $0xD0000000, s2;
	s6 =	simm.s32 $0x108;
	_ =	swait.ge @!p0 [sflag:s8], $0x0  }
0x24: {  	s3 =	sadd.s32 $0x88, s3;
	s6 =	simm.s32 @!p1 $0x1082;
	[sflag:s4] =	ssyncset.s32 $0xFFFFF086  }
0x25: {  	[simem:s6], [sflag:s4] =	dma.local [hbm:s3], $0xF7A  }
0x26: {  	[smem:$0x3F6B] =	sst s1;
	(tag) =	ssettag s2;
	_ =	strace s9  }
0x27: {  	s1 =	sld [smem:$0x3F7B]  }
0x28: {  	s2 =	sld [smem:$0x3F7C]  }
0x29: {  	s4 =	sld [smem:$0x3F7E]  }
0x2a: {  	p0 =	seq.s32 s5, $0x0;
	s5 =	sld [smem:$0x3F7F]  }
0x2b: {  	s6 =	sld [smem:$0x3F80]  }
0x2c: {  	s7 =	sld [smem:$0x3F81]  }
0x2d: {  	s3 =	simm.s32 $0x108;
	s8 =	sld [smem:$0x3F82]  }
0x2e: {  	s3 =	simm.s32 @!p0 $0x1082;
	s9 =	sld [smem:$0x3F83]  }
0x2f: {  	lr =	sadd.s32 s0, s3;
	s0 =	sld [smem:$0x3F7A]  }
0x30: {  	s3 =	sld [smem:$0x3F7D]  }
0x31: {  	[smem:$0x3F86] =	sst s10  }
0x32: {  	s10 =	sld [smem:$0x3F84];
	_ =	sdelay $0x3  }
0x33: {  	p0 =	seq.s32 s10, $0x1;
	s10 =	sld [smem:$0x3F86];
	_ =	sdelay $0x3  }
0x34: {  	[smem:$0x3F86] =	sst s10  }
0x35: {  	s10 =	sld [smem:$0x3F85];
	_ =	sdelay $0x3  }
0x36: {  	p1 =	seq.s32 s10, $0x1;
	s10 =	sld [smem:$0x3F86];
	_ =	sdelay $0x3  }
0x37: {  	[smem:$0x3F86] =	sst s10  }
0x38: {  	s10 =	sld [smem:$0x3F87]  }
0x39: {  	_ = 	snop;
	(pc) =	sbr.ind lr, $3  }
0x3a: {  	_ = 	snop  }
0x3b: {  	_ = 	snop  }
0x3c: {  	p2 =	seq.s32 s10, $0x1;
	s10 =	sld [smem:$0x3F86]  }
0x3d: {  	_ =	shalt  }
0x3e: {  	_ =	shalt  }
0x3f: {  	_ =	shalt  }
0x40: {  	_ =	shalt  }
0x41: {  	_ =	shalt  }
0x42: {  	_ =	shalt  }
0x43: {  	_ =	shalt  }
0x44: {  	_ =	shalt  }
0x45: {  	_ =	shalt  }
0x46: {  	_ =	shalt  }
0x47: {  	_ =	shalt  }
0x48: {  	_ =	shalt  }
0x49: {  	_ =	shalt  }
0x4a: {  	_ =	shalt  }
0x4b: {  	_ =	shalt  }
0x4c: {  	_ =	shalt  }
0x4d: {  	_ =	shalt  }
0x4e: {  	_ =	shalt  }
0x4f: {  	_ =	shalt  }
0x50: {  	_ =	shalt  }
0x51: {  	_ =	shalt  }
0x52: {  	_ =	shalt  }
0x53: {  	_ =	shalt  }
0x54: {  	_ =	shalt  }
0x55: {  	_ =	shalt  }
0x56: {  	_ =	shalt  }
0x57: {  	_ =	shalt  }
0x58: {  	_ =	shalt  }
0x59: {  	_ =	shalt  }
0x5a: {  	_ =	shalt  }
0x5b: {  	_ =	shalt  }
0x5c: {  	_ =	shalt  }
0x5d: {  	_ =	shalt  }
0x5e: {  	_ =	shalt  }
0x5f: {  	_ =	shalt  }
0x60: {  	_ =	shalt  }
0x61: {  	_ =	shalt  }
0x62: {  	_ =	shalt  }
0x63: {  	_ =	shalt  }
0x64: {  	_ =	shalt  }
0x65: {  	_ =	shalt  }
0x66: {  	_ =	shalt  }
0x67: {  	_ =	shalt  }
0x68: {  	_ =	shalt  }
0x69: {  	_ =	shalt  }
0x6a: {  	_ =	shalt  }
0x6b: {  	_ =	shalt  }
0x6c: {  	_ =	shalt  }
0x6d: {  	_ =	shalt  }
0x6e: {  	_ =	shalt  }
0x6f: {  	_ =	shalt  }
0x70: {  	_ =	shalt  }
0x71: {  	_ =	shalt  }
0x72: {  	_ =	shalt  }
0x73: {  	_ =	shalt  }
0x74: {  	_ =	shalt  }
0x75: {  	_ =	shalt  }
0x76: {  	_ =	shalt  }
0x77: {  	_ =	shalt  }
0x78: {  	_ =	shalt  }
0x79: {  	_ =	shalt  }
0x7a: {  	_ =	shalt  }
0x7b: {  	_ =	shalt  }
0x7c: {  	_ =	shalt  }
0x7d: {  	_ =	shalt  }
0x7e: {  	_ =	shalt  }
0x7f: {  	_ =	shalt  }
0x80: {  	_ =	shalt  }
0x81: {  	_ =	shalt  }
0x82: {  	_ =	shalt  }
0x83: {  	_ =	shalt  }
0x84: {  	_ =	shalt  }
0x85: {  	_ =	shalt  }
0x86: {  	_ =	shalt  }
0x87: {  	_ =	shalt  }
.Lfunc_end0:
.L_simem_size_0:
called_computation.4_lowered:
.L_overlay_start_0:
0x88: {  	s2 =	sld [smem:$0x3FD9]  }
0x89: {  	s3 =	sld [smem:$0x3FFE];
	_ =	sdelay $0x1  }
0x8a: {  	s1 =	srdreg.scid  }
0x8b: {  	s0 =	sand.u32 $0x1, s1  }
0x8c: {  	s15 =	sshll.u32 s0, $0xA;
	s2 =	sadd.s32 s3, s2  }
0x8d: {  	s2 =	sadd.s32 s2, s15  }
0x8e: {  	[smem:$0x3F92] =	sst s2  }
0x8f: {  	_ = 	snop  }
0x90: {  	s2 =	sld [smem:$0x3FD0];
	_ =	sdelay $0x2  }
0x91: {  	s4 =	simm.s32 $0xB;
	s16 =	simm.s32 $0x10  }
0x92: {  	[smem:s16], [sflag:s4] =	dma.local [hbm:s2], $0x1  }
0x93: {  	_ =	swait.eq [sflag:s4], $0x1  }
0x94: {  	[sflag:s4] =	ssyncset.done $0x0  }
0x95: {  	s17 =	sld [smem:$0x10];
	[sflag:s4] =	ssyncadd.s32 $0xFFFFFFFF  }
0x96: {  	s18 =	sld [smem:$0x14];
	(tm) =	ssettm $0x1  }
0x97: {  	s19 =	sld [smem:$0x3FFB];
	_ =	sdelay $0x3  }
0x98: {  	_ =	strace s19  }
0x99: {  	s2 =	sld [smem:$0x3FFC];
	_ =	sdelay $0x3  }
0x9a: {  	_ =	strace s2  }
0x9b: {  	s2 =	sld [smem:$0x3FFD];
	_ =	sdelay $0x3  }
0x9c: {  	_ =	strace s2  }
0x9d: {  	_ =	strace $0x8FFFFFFF  }
0x9e: {  	s20 =	sld [smem:$0x3FDB];
	_ =	sdelay $0x1  }
0x9f: {  	s5 =	simm.s32 $_scs_section_size  }
0xa0: {  	s6 =	simm.s32 $_size__tile_overlayer_lowered;
	s7 =	simm.s32 $_tile_overlayer_lowered  }
0xa1: {  	s8 =	simm.s32 $0x1BFF;
	s21 =	sshll.u32 s7, $0x1;
	s5 =	sadd.s32 s5, s20  }
0xa2: {  	s22 =	simm.s32 $0x0;
	s6 =	sshll.u32 s6, $0x1;
	s7 =	sadd.s32 s21, s5  }
0xa3: {  	[timem:s22], [sflag:s8] =	dma.local [hbm:s7], s6  }
0xa4: {  	_ =	swait.ge [sflag:s8], s6  }
0xa5: {  	s6 =	ssub.s32 $0x0, s6;
	[sflag:s8] =	ssyncset.done $0x0  }
0xa6: {  	[sflag:s8] =	ssyncadd.s32 s6;
	_ =	sdelay $0x1  }
0xa7: {  	s23 =	simm.s32 $0x1B8B  }
0xa8: {  	_ =	swait.ge [sflag:s23], $0x1  }
0xa9: {  	[sflag:s23] =	ssyncset.done $0x0  }
0xaa: {  	[sflag:s23] =	ssyncadd.s32 $0xFFFFFFFF  }
0xab: {  	s6 =	sld [smem:$0x0]  }
0xac: {  	s7 =	sand.u32 $0xFFFFFFFE, s1  }
0xad: {  	p0 =	sne.s32 s1, s7  }
0xae: {  	s7 =	sshll.u32 @p0 s7, $0xE  }
0xaf: {  	s7 =	sadd.s32 @p0 $0x11B8D, s7;
	s8 =	sshll.u32 @p0 s6, $0x11  }
0xb0: {  	s7 =	sor.u32 @p0 s8, s7  }
0xb1: {  	[sflag:s7] =	ssyncadd.remote.s32 @p0 $0x1;
	_ =	sdelay $0x1  }
0xb2: {  	s7 =	simm.s32 @p0 $0x1B8D  }
0xb3: {  	_ =	swait.eq @p0 [sflag:s7], $0x1  }
0xb4: {  	[sflag:s7] =	ssyncadd.s32 @p0 $0xFFFFFFFF  }
0xb5: {  	s8 =	sshll.u32 @!p0 s1, $0xE  }
0xb6: {  	s8 =	sor.u32 @!p0 $0x4000, s8;
	s7 =	simm.s32 @!p0 $0x1B8D  }
0xb7: {  	s6 =	sshll.u32 @!p0 s6, $0x11;
	s8 =	sadd.s32 @!p0 $0x11B8D, s8;
	_ =	swait.eq @!p0 [sflag:s7], $0x1  }
0xb8: {  	s6 =	sor.u32 @!p0 s6, s8;
	[sflag:s7] =	ssyncadd.s32 @!p0 $0xFFFFFFFF  }
0xb9: {  	s25 =	simm.s32 $0x1B8E;
	s24 =	sld [smem:$0x3FFE];
	[sflag:s6] =	ssyncadd.remote.s32 @!p0 $0x1  }
0xba: {  	s26 =	simm.s32 $execute0_lowered;
	[smem:$0x3FD2] =	sst s25  }
0xbb: {  	s7 =	sshll.u32 s26, $0x1;
	_ =	strace $0x80000052;
	[dreg:$0x1] =	wrdreg $0xFFFFFFFF  }
0xbc: {  	s28 =	simm.s32 $_size_execute0_lowered;
	s5 =	sadd.s32 s5, s7;
	[dreg:$0x0] =	wrdreg $0x0  }
0xbd: {  	s7 =	sshll.u32 s28, $0x1;
	[dreg:$0x2] =	wrdreg s5  }
0xbe: {  	[dreg:$0x3] =	wrdreg s7  }
0xbf: {  	[dreg:$0x4] =	wrdreg $0xC0  }
0xc0: {  	_ =	task [dreg:s22], $0x5FFFF  }
0xc1: {  	[dreg:$0x1] =	wrdreg $0xFFFFFFFF  }
0xc2: {  	[dreg:$0x0] =	wrdreg $0x60  }
0xc3: {  	[dreg:$0x2] =	wrdreg s24  }
0xc4: {  	[dreg:$0x3] =	wrdreg s18  }
0xc5: {  	[dreg:$0x4] =	wrdreg s17  }
0xc6: {  	[dreg:$0x5] =	wrdreg $0xA  }
0xc7: {  	_ =	task.clear_ibuf [dreg:s22], $0x6FFFF;
	_ =	strace $0x90000052  }
0xc8: {  	s29 =	simm.s32 $0xA;
	_ =	strace $0x80000054  }
0xc9: {  	_ =	swait.ge [sflag:s29], $0x1  }
0xca: {  	[sflag:s29] =	ssyncadd.s32 $0xFFFFFFFF  }
0xcb: {  	_ =	strace $0x90000054  }
0xcc: {  	_ =	sfence  }
0xcd: {  	s30 =	sld [smem:$0x0];
	_ =	sdelay $0x2  }
0xce: {  	s31 =	sshll.u32 s1, $0xD;
	s1 =	sshrl.u32 s1, $0x2  }
0xcf: {  	s4 =	sand.u32 $0x4000, s31;
	s1 =	sadd.s32 s1, s30  }
0xd0: {  	s0 =	sor.u32 s4, s0;
	s1 =	sshll.u32 s1, $0x11  }
0xd1: {  	s0 =	sor.u32 s1, s0  }
0xd2: {  	s0 =	sadd.s32 $0x8F2B, s0  }
0xd3: {  	[sflag:s0] =	ssyncadd.remote.s32 $0x1  }
0xd4: {  	_ =	sfence.sel $0xFFFF  }
0xd5: {  	[dreg:$0x0] =	wrdreg $0xFFFFFFFF;
	(pc) =	sbr.abs _section_cstart, $3  }
0xd6: {  	[dreg:$0x1] =	wrdreg $0xFFFFFFFF  }
0xd7: {  	_ =	task.clear_ibuf [dreg:s22], $0x2FFFF;
	_ =	strace $0x9FFFFFFF  }
0xd8: {  	(tm) =	ssettm $0x7FFFFFFF  }
0xd9: {  	_ =	shalt  }
tec
execute0_lowered:
.L_overlay_start_1:
0x0: {  	(tag) =	ssettag $0x1  }
0x1: {  	s5 =	rddreg [dreg:$0x0]  }
0x2: {  	s2 =	rddreg [dreg:$0x1]  }
0x3: {  	s7 =	rddreg [dreg:$0x2]  }
0x4: {  	s0 =	rddreg [dreg:$0x3]  }
0x5: {  	s4 =	srdreg.scid;
	s1 =	stileid.u32;
	s3 =	simm.s32 $0x0  }
0x6: {  	s11 =	simm.s32 $0x8400;
	s12 =	simm.s32 $0x8800;
	s13 =	simm.s32 $0x9400  }
0x7: {  	s14 =	simm.s32 $0x9480;
	s15 =	simm.s32 $0x8C00;
	s16 =	simm.s32 $0x0  }
0x8: {  	s6 =	sand.u32 $0x1, s4;
	s31 =	sshll.u32 s1, $0x1;
	[smem:$0x7FF] =	sst s3  }
0x9: {  	s8 =	sor.u32 s6, s31;
	_ =	strace $0x80000053;
	s6 =	ssub.s32 $0x2, s6  }
0xa: {  	s4 =	sshll.u32 s8, $0x7;
	s10 =	sshrl.u32 s6, $0x1;
	s8 =	sshll.u32 s8, $0x8  }
0xb: {  	s9 =	sadd.s32 s4, s5;
	s4 =	sadd.s32 $0x2A800, s5;
	s5 =	sadd.s32 $0x2C800, s5  }
0xc: {  	v0 =	vlaneseq.u32;
	s10 =	ssub.s32 s6, s10;
	s7 =	sadd.s32 s7, s8;
	s6 =	sadd.s32 $0x2B800, s9  }
0xd: {  	vm0 =	vmmov $0x1;
	v2 =	vimm.f32 $-1.000000020e+30;
	v1 =	vor.u32 $0x10, v0;
	s8 =	smax.u32 s10, $0x1;
	s9 =	simm.s32 $0x1;
	s10 =	simm.s32 $0x400  }
.LBB2_1:
0xe: {  	[tilespmem:s3], [sflag:$0x1] =	stream.linear.gather [hbm4b:s6+s3], $0x400, $0x38;
	[tilespmem:$0x9500] =	vst v63  }
0xf: {  	_ =	swait.ge [sflag:s9], $0x400  }
0x10: {  	[sflag:s9] =	ssyncset.done $0x0  }
0x11: {  	[sflag:s9] =	ssyncadd.s32 $0xFFFFFC00  }
0x12: {  	[tilespmem:s10], [sflag:$0x1] =	stream.linear.gather [hbm4b:s4+s3], $0x8000, $0x38;
	[tilespmem:$0x9500] =	vst v63  }
0x13: {  	_ =	swait.ge [sflag:s9], $0x8000  }
0x14: {  	[sflag:s9] =	ssyncset.done $0x0  }
0x15: {  	[sflag:s9] =	ssyncadd.s32 $0xFFFF8000  }
0x16: {  	[tilespmem:s11], [sflag:$0x1] =	stream.linear.gather [hbm4b:s5+s3], $0x400, $0x38;
	[tilespmem:$0x9500] =	vst v63  }
0x17: {  	_ =	swait.ge [sflag:s9], $0x400  }
0x18: {  	[sflag:s9] =	ssyncset.done $0x0  }
0x19: {  	[sflag:s9] =	ssyncadd.s32 $0xFFFFFC00  }
0x1a: {  	[tilespmem:s12], [sflag:$0x1] =	stream.linear.gather [hbm4b:s2+s3], $0x400, $0x38;
	[tilespmem:$0x9500] =	vst v63  }
0x1b: {  	_ =	swait.ge [sflag:s9], $0x400  }
0x1c: {  	[sflag:s9] =	ssyncset.done $0x0  }
0x1d: {  	s17 =	simm.s32 $0x0;
	s18 =	simm.s32 $0x0;
	[sflag:s9] =	ssyncadd.s32 $0xFFFFFC00  }
.LBB2_2:
0x1e: {  	v3 =	vmov s18;
	v4 =	vor.u32 s18, v0  }
0x1f: {  	v3 =	vor.u32 $0x10, v3;
	_ =	sdelay $0x3  }
0x20: {  	v4 =	vld.idx.msk [tilespmem:v4+s3+$0x0], $0xffff  }
0x21: {  	v3 =	vld.idx.msk [tilespmem:v3+s3+$0x0], $0xffff;
	_ =	sdelay $0x6  }
0x22: {  	v5 =	vld.idx.msk [tilespmem:v4+s11+$0x0], $0xffff  }
0x23: {  	v6 =	vld.idx.msk [tilespmem:v3+s11+$0x0], $0xffff;
	_ =	sdelay $0x1  }
0x24: {  	v4 =	vld.idx.msk [tilespmem:v4+s12+$0x0], $0xffff  }
0x25: {  	v3 =	vld.idx.msk [tilespmem:v3+s12+$0x0], $0xffff;
	_ =	sdelay $0x1  }
0x26: {  	[tilespmem:v0+s13+$0x0] =	vst.idx.msk $0xffff, v5;
	v47 =	vnsel vm0, $0xF149F2CA, v6  }
0x27: {  	[tilespmem:v1+s13+$0x0] =	vst.idx.msk $0xffff, v47  }
0x28: {  	[tilespmem:v0+s14+$0x0] =	vst.idx.msk $0xffff, v4  }
0x29: {  	[tilespmem:v1+s14+$0x0] =	vst.idx.msk $0xffff, v3  }
0x2a: {  	v3 =	vld.idx.msk [tilespmem:v0+s13+$0x0], $0xffff  }
0x2b: {  	v4 =	vld.idx.msk [tilespmem:v1+s13+$0x0], $0xffff;
	_ =	sdelay $0x4  }
0x2c: {  	v48 =	vmax.f32 v3, v4  }
0x2d: {  	(xrf0) =	vmax.scan.msk.f32 $0xffff, v48;
	_ =	sdelay $0x5  }
0x2e: {  	v5, _, _ =	vpop (xrf0)  }
0x2f: {  	v5 =	vbroadcast v5, $0xF;
	_ =	sdelay $0x1  }
0x30: {  	vm1 =	veq.f32 v3, v5;
	vm2 =	veq.f32 v4, v5  }
0x31: {  	v3 =	vmpcnt.ones.xlane vm1;
	v4 =	vmctz.xlane vm2  }
0x32: {  	v49 =	vmctz.xlane vm1  }
0x33: {  	vm1 =	vgt.s32 v3, $0x0;
	v3 =	vadd.s32 $0x10, v4  }
0x34: {  	v3 =	vsel vm1, v49, v3;
	_ =	sdelay $0x4  }
0x35: {  	v50 =	vld.idx.msk [tilespmem:v3+s14+$0x0], $0xffff;
	_ =	sdelay $0x4  }
0x36: {  	v4 =	vshll.u32 v50, $0x5  }
0x37: {  	v4 =	vor.u32 v0, v4;
	_ =	sdelay $0x4  }
0x38: {  	v51 =	vor.u32 s17, v0;
	v4 =	vld.idx.msk [tilespmem:v4+s10+$0x0], $0xffff;
	_ =	sdelay $0x4  }
0x39: {  	[tilespmem:v51+s15+$0x0] =	vst.idx.msk $0xffff, v4  }
0x3a: {  	[tilespmem:v3+s13+$0x0] =	vst.idx.msk $0x1, v2  }
0x3b: {  	v3 =	vld.idx.msk [tilespmem:v0+s13+$0x0], $0xffff  }
0x3c: {  	v4 =	vld.idx.msk [tilespmem:v1+s13+$0x0], $0xffff;
	_ =	sdelay $0x4  }
0x3d: {  	v52 =	vmax.f32 v3, v4  }
0x3e: {  	(xrf0) =	vmax.scan.msk.f32 $0xffff, v52;
	_ =	sdelay $0x5  }
0x3f: {  	v5, _, _ =	vpop (xrf0)  }
0x40: {  	v5 =	vbroadcast v5, $0xF;
	_ =	sdelay $0x1  }
0x41: {  	vm1 =	veq.f32 v3, v5;
	vm2 =	veq.f32 v4, v5  }
0x42: {  	v3 =	vmpcnt.ones.xlane vm1;
	v4 =	vmctz.xlane vm2  }
0x43: {  	v53 =	vmctz.xlane vm1  }
0x44: {  	vm1 =	vgt.s32 v3, $0x0;
	v3 =	vadd.s32 $0x10, v4  }
0x45: {  	v3 =	vsel vm1, v53, v3;
	_ =	sdelay $0x4  }
0x46: {  	v54 =	vld.idx.msk [tilespmem:v3+s14+$0x0], $0xffff;
	_ =	sdelay $0x4  }
0x47: {  	v4 =	vshll.u32 v54, $0x5  }
0x48: {  	v4 =	vor.u32 v0, v4;
	_ =	sdelay $0x3  }
0x49: {  	s19 =	sadd.s32 $0x10, s17  }
0x4a: {  	v55 =	vor.u32 s19, v0;
	v4 =	vld.idx.msk [tilespmem:v4+s10+$0x0], $0xffff;
	_ =	sdelay $0x4  }
0x4b: {  	[tilespmem:v55+s15+$0x0] =	vst.idx.msk $0xffff, v4  }
0x4c: {  	[tilespmem:v3+s13+$0x0] =	vst.idx.msk $0x1, v2  }
0x4d: {  	v3 =	vld.idx.msk [tilespmem:v0+s13+$0x0], $0xffff  }
0x4e: {  	v4 =	vld.idx.msk [tilespmem:v1+s13+$0x0], $0xffff;
	_ =	sdelay $0x4  }
0x4f: {  	v56 =	vmax.f32 v3, v4  }
0x50: {  	(xrf0) =	vmax.scan.msk.f32 $0xffff, v56;
	_ =	sdelay $0x5  }
0x51: {  	v5, _, _ =	vpop (xrf0)  }
0x52: {  	v5 =	vbroadcast v5, $0xF;
	_ =	sdelay $0x1  }
0x53: {  	vm1 =	veq.f32 v3, v5;
	vm2 =	veq.f32 v4, v5  }
0x54: {  	v3 =	vmpcnt.ones.xlane vm1;
	v4 =	vmctz.xlane vm2  }
0x55: {  	v57 =	vmctz.xlane vm1  }
0x56: {  	vm1 =	vgt.s32 v3, $0x0;
	v3 =	vadd.s32 $0x10, v4  }
0x57: {  	v3 =	vsel vm1, v57, v3;
	_ =	sdelay $0x4  }
0x58: {  	v58 =	vld.idx.msk [tilespmem:v3+s14+$0x0], $0xffff;
	_ =	sdelay $0x4  }
0x59: {  	v4 =	vshll.u32 v58, $0x5  }
0x5a: {  	v4 =	vor.u32 v0, v4;
	_ =	sdelay $0x3  }
0x5b: {  	s30 =	sadd.s32 $0x20, s17  }
0x5c: {  	v59 =	vor.u32 s30, v0;
	v4 =	vld.idx.msk [tilespmem:v4+s10+$0x0], $0xffff;
	_ =	sdelay $0x4  }
0x5d: {  	[tilespmem:v59+s15+$0x0] =	vst.idx.msk $0xffff, v4  }
0x5e: {  	[tilespmem:v3+s13+$0x0] =	vst.idx.msk $0x1, v2  }
0x5f: {  	v3 =	vld.idx.msk [tilespmem:v0+s13+$0x0], $0xffff  }
0x60: {  	v4 =	vld.idx.msk [tilespmem:v1+s13+$0x0], $0xffff;
	_ =	sdelay $0x4  }
0x61: {  	v60 =	vmax.f32 v3, v4  }
0x62: {  	(xrf0) =	vmax.scan.msk.f32 $0xffff, v60;
	_ =	sdelay $0x5  }
0x63: {  	v5, _, _ =	vpop (xrf0)  }
0x64: {  	v5 =	vbroadcast v5, $0xF;
	_ =	sdelay $0x1  }
0x65: {  	vm1 =	veq.f32 v3, v5;
	vm2 =	veq.f32 v4, v5  }
0x66: {  	v3 =	vmpcnt.ones.xlane vm1;
	v4 =	vmctz.xlane vm2  }
0x67: {  	v61 =	vmctz.xlane vm1  }
0x68: {  	vm1 =	vgt.s32 v3, $0x0;
	v3 =	vadd.s32 $0x10, v4  }
0x69: {  	v3 =	vsel vm1, v61, v3;
	_ =	sdelay $0x4  }
0x6a: {  	v62 =	vld.idx.msk [tilespmem:v3+s14+$0x0], $0xffff;
	_ =	sdelay $0x4  }
0x6b: {  	v4 =	vshll.u32 v62, $0x5  }
0x6c: {  	v4 =	vor.u32 v0, v4;
	_ =	sdelay $0x3  }
0x6d: {  	s31 =	sadd.s32 $0x30, s17  }
0x6e: {  	v63 =	vor.u32 s31, v0;
	v4 =	vld.idx.msk [tilespmem:v4+s10+$0x0], $0xffff  }
0x6f: {  	p0 =	sne.s32 s18, $0x3E0  }
.Ltmp0:
0x70: {  	_ = 	snop;
	(pc) =	sbr.rel @p0 .LBB2_2-.Ltmp0, $3  }
0x71: {  	_ =	sdelay $0x1  }
0x72: {  	[tilespmem:v63+s15+$0x0] =	vst.idx.msk $0xffff, v4  }
0x73: {  	s17 =	sadd.s32 $0x40, s17;
	s18 =	sadd.s32 $0x20, s18;
	[tilespmem:v3+s13+$0x0] =	vst.idx.msk $0x1, v2  }
0x74: {  	s16 =	sadd.s32 $0x1, s16  }
0x75: {  	p0 =	sne.s32 s16, s8  }
.Ltmp1:
0x76: {  	_ = 	snop;
	(pc) =	sbr.rel @p0 .LBB2_1-.Ltmp1, $4  }
0x77: {  	[hbm4b:s7+s3] =	stream.linear.scatter [tilespmem:s15], [sflag:$0x1], $0x800, $0x38;
	[tilespmem:$0x9500] =	vst v63  }
0x78: {  	_ =	swait.ge [sflag:s9], $0x800  }
0x79: {  	[sflag:s9] =	ssyncset.done $0x0  }
0x7a: {  	[sflag:s9] =	ssyncadd.s32 $0xFFFFF800  }
0x7b: {  	_ =	sfence.sel $0x180000  }
0x7c: {  	[bflag:$0x0] =	sbarrier.arrive $0xFFFF  }
0x7d: {  	p0 =	sne.s32 s1, $0x0;
	_ =	strace $0x90000053  }
0x7e: {  	s0 =	sadd.s32 @!p0 $0x100000, s0;
	[bflag:$0x2] =	sbarrier.arrive $0xFFFF  }
0x7f: {  	[sflag:s0] =	ssyncadd.tile.s32 @!p0 $0x1;
	_ =	shalt  }
.Lfunc_end2:
_tile_overlayer_lowered:
.L_overlay_start_2:
0x80: {  	(tag) =	ssettag $0x2  }
0x81: {  	s0 =	rddreg [dreg:$0x0];
	s2 =	stileid.u32  }
0x82: {  	s1 =	rddreg [dreg:$0x1];
	p0 =	sne.s32 s2, $0x0  }
0x83: {  	s3 =	rddreg [dreg:$0x2];
	[bflag:$0x3] =	sbarrier.arrive $0xFFFF;
	s2 =	simm.s32 @!p0 $0x1C01  }
0x84: {  	[timem:s3], [sflag:s2] =	dma.local @!p0 [hbm:s0], s1  }
0x85: {  	s0 =	simm.s32 @!p0 $0x1  }
0x86: {  	_ =	swait.ge @!p0 [sflag:s0], s1  }
0x87: {  	s1 =	ssub.s32 @!p0 $0x0, s1;
	[sflag:s0] =	ssyncset.done @!p0 $0x0  }
0x88: {  	[sflag:s0] =	ssyncadd.s32 @!p0 s1  }
0x89: {  	[bflag:$0x3] =	sbarrier.arrive $0xFFFF  }
0x8a: {  	_ =	shalt  }

// kernel: kernel.41.cloned.1.call-start
scs
__scs_entry_jumppad:
0x0: {  	(pc) =	sbr.rel $0x88, $3  }
0x1: {  	(tag) =	ssettag $0x0;
	lr =	simm.s32 $0x1  }
0x2: {  	[smem:$0x3F6B] =	sst lr;
	_ =	strace $0xD0000000  }
0x3: {  	_ = 	snop  }
0x4: {  	_ = 	snop  }
0x5: {  	_ = 	snop  }
0x6: {  	_ = 	snop  }
0x7: {  	_ = 	snop  }
__scs_overlays_trampoline_lowered:
0x8: {  	[smem:$0x3F7A] =	sst s0  }
0x9: {  	[smem:$0x3F7B] =	sst s1  }
0xa: {  	[smem:$0x3F7C] =	sst s2  }
0xb: {  	[smem:$0x3F7D] =	sst s3  }
0xc: {  	[smem:$0x3F7E] =	sst s4  }
0xd: {  	[smem:$0x3F7F] =	sst s5  }
0xe: {  	[smem:$0x3F80] =	sst s6  }
0xf: {  	[smem:$0x3F81] =	sst s7  }
0x10: {  	[smem:$0x3F82] =	sst s8  }
0x11: {  	[smem:$0x3F83] =	sst s9;
	s0 =	simm.s32 @!p0 $0x0  }
0x12: {  	s1 =	sld [smem:$0x3F69];
	s0 =	simm.s32 @p0 $0x1  }
0x13: {  	[smem:$0x3F84] =	sst s0;
	s0 =	simm.s32 @!p1 $0x0  }
0x14: {  	s2 =	sld [smem:$0x3F68];
	s0 =	simm.s32 @p1 $0x1  }
0x15: {  	[smem:$0x3F85] =	sst s0;
	s0 =	simm.s32 @!p2 $0x0  }
0x16: {  	s3 =	sld [smem:$0x3FDB];
	s0 =	simm.s32 @p2 $0x1  }
0x17: {  	s4 =	simm.s32 $0x1BF5;
	[smem:$0x3F87] =	sst s0  }
0x18: {  	s0 =	sld [smem:$0x3F6A];
	_ =	swait.ge [sflag:s4], $0x0  }
0x19: {  	s7 =	sld [smem:$0x3F6B]  }
0x1a: {  	s8 =	sadd.s32 $0xFFFFE003, lr  }
0x1b: {  	s9 =	sadd.s32 $0xFFFFFEF7, lr;
	s5 =	simm.s32 $0xFFFFFFFF;
	p2 =	slt.u32 s8, $0xFFFFF086  }
0x1c: {  	p1 =	slt.u32 s9, $0xF7A;
	s5 =	simm.s32 @!p2 $0x0  }
0x1d: {  	s5 =	simm.s32 @p1 $0x1;
	p0 =	seq.s32 s7, s2  }
0x1e: {  	s7 =	smul.u32 @!p0 $0xF7A, s2;
	p2 =	seq.s32 @!p0 s5, $0x0  }
0x1f: {  	s9 =	smul.u32 $0xF7A, s1;
	s8 =	simm.s32 @!p0 $0x1BF5;
	p2 =	por !p2, p0  }
0x20: {  	[sflag:s8] =	ssyncset.s32 @!p0 $0xFFFFF086;
	s6 =	sadd.s32 @!p0 s3, s7;
	s7 =	simm.s32 @!p0 $0x108  }
0x21: {  	s3 =	sadd.s32 s3, s9;
	s6 =	sadd.s32 @!p0 $0x88, s6;
	s7 =	simm.s32 @p2 $0x1082  }
0x22: {  	[simem:s7], [sflag:s8] =	dma.local @!p0 [hbm:s6], $0xF7A  }
0x23: {  	s9 =	sor.u32 $0xD0000000, s2;
	s6 =	simm.s32 $0x108;
	_ =	swait.ge @!p0 [sflag:s8], $0x0  }
0x24: {  	s3 =	sadd.s32 $0x88, s3;
	s6 =	simm.s32 @!p1 $0x1082;
	[sflag:s4] =	ssyncset.s32 $0xFFFFF086  }
0x25: {  	[simem:s6], [sflag:s4] =	dma.local [hbm:s3], $0xF7A  }
0x26: {  	[smem:$0x3F6B] =	sst s1;
	(tag) =	ssettag s2;
	_ =	strace s9  }
0x27: {  	s1 =	sld [smem:$0x3F7B]  }
0x28: {  	s2 =	sld [smem:$0x3F7C]  }
0x29: {  	s4 =	sld [smem:$0x3F7E]  }
0x2a: {  	p0 =	seq.s32 s5, $0x0;
	s5 =	sld [smem:$0x3F7F]  }
0x2b: {  	s6 =	sld [smem:$0x3F80]  }
0x2c: {  	s7 =	sld [smem:$0x3F81]  }
0x2d: {  	s3 =	simm.s32 $0x108;
	s8 =	sld [smem:$0x3F82]  }
0x2e: {  	s3 =	simm.s32 @!p0 $0x1082;
	s9 =	sld [smem:$0x3F83]  }
0x2f: {  	lr =	sadd.s32 s0, s3;
	s0 =	sld [smem:$0x3F7A]  }
0x30: {  	s3 =	sld [smem:$0x3F7D]  }
0x31: {  	[smem:$0x3F86] =	sst s10  }
0x32: {  	s10 =	sld [smem:$0x3F84];
	_ =	sdelay $0x3  }
0x33: {  	p0 =	seq.s32 s10, $0x1;
	s10 =	sld [smem:$0x3F86];
	_ =	sdelay $0x3  }
0x34: {  	[smem:$0x3F86] =	sst s10  }
0x35: {  	s10 =	sld [smem:$0x3F85];
	_ =	sdelay $0x3  }
0x36: {  	p1 =	seq.s32 s10, $0x1;
	s10 =	sld [smem:$0x3F86];
	_ =	sdelay $0x3  }
0x37: {  	[smem:$0x3F86] =	sst s10  }
0x38: {  	s10 =	sld [smem:$0x3F87]  }
0x39: {  	_ = 	snop;
	(pc) =	sbr.ind lr, $3  }
0x3a: {  	_ = 	snop  }
0x3b: {  	_ = 	snop  }
0x3c: {  	p2 =	seq.s32 s10, $0x1;
	s10 =	sld [smem:$0x3F86]  }
0x3d: {  	_ =	shalt  }
0x3e: {  	_ =	shalt  }
0x3f: {  	_ =	shalt  }
0x40: {  	_ =	shalt  }
0x41: {  	_ =	shalt  }
0x42: {  	_ =	shalt  }
0x43: {  	_ =	shalt  }
0x44: {  	_ =	shalt  }
0x45: {  	_ =	shalt  }
0x46: {  	_ =	shalt  }
0x47: {  	_ =	shalt  }
0x48: {  	_ =	shalt  }
0x49: {  	_ =	shalt  }
0x4a: {  	_ =	shalt  }
0x4b: {  	_ =	shalt  }
0x4c: {  	_ =	shalt  }
0x4d: {  	_ =	shalt  }
0x4e: {  	_ =	shalt  }
0x4f: {  	_ =	shalt  }
0x50: {  	_ =	shalt  }
0x51: {  	_ =	shalt  }
0x52: {  	_ =	shalt  }
0x53: {  	_ =	shalt  }
0x54: {  	_ =	shalt  }
0x55: {  	_ =	shalt  }
0x56: {  	_ =	shalt  }
0x57: {  	_ =	shalt  }
0x58: {  	_ =	shalt  }
0x59: {  	_ =	shalt  }
0x5a: {  	_ =	shalt  }
0x5b: {  	_ =	shalt  }
0x5c: {  	_ =	shalt  }
0x5d: {  	_ =	shalt  }
0x5e: {  	_ =	shalt  }
0x5f: {  	_ =	shalt  }
0x60: {  	_ =	shalt  }
0x61: {  	_ =	shalt  }
0x62: {  	_ =	shalt  }
0x63: {  	_ =	shalt  }
0x64: {  	_ =	shalt  }
0x65: {  	_ =	shalt  }
0x66: {  	_ =	shalt  }
0x67: {  	_ =	shalt  }
0x68: {  	_ =	shalt  }
0x69: {  	_ =	shalt  }
0x6a: {  	_ =	shalt  }
0x6b: {  	_ =	shalt  }
0x6c: {  	_ =	shalt  }
0x6d: {  	_ =	shalt  }
0x6e: {  	_ =	shalt  }
0x6f: {  	_ =	shalt  }
0x70: {  	_ =	shalt  }
0x71: {  	_ =	shalt  }
0x72: {  	_ =	shalt  }
0x73: {  	_ =	shalt  }
0x74: {  	_ =	shalt  }
0x75: {  	_ =	shalt  }
0x76: {  	_ =	shalt  }
0x77: {  	_ =	shalt  }
0x78: {  	_ =	shalt  }
0x79: {  	_ =	shalt  }
0x7a: {  	_ =	shalt  }
0x7b: {  	_ =	shalt  }
0x7c: {  	_ =	shalt  }
0x7d: {  	_ =	shalt  }
0x7e: {  	_ =	shalt  }
0x7f: {  	_ =	shalt  }
0x80: {  	_ =	shalt  }
0x81: {  	_ =	shalt  }
0x82: {  	_ =	shalt  }
0x83: {  	_ =	shalt  }
0x84: {  	_ =	shalt  }
0x85: {  	_ =	shalt  }
0x86: {  	_ =	shalt  }
0x87: {  	_ =	shalt  }
.Lfunc_end0:
.L_simem_size_0:
called_computation.5_lowered:
.L_overlay_start_0:
0x88: {  	s2 =	sld [smem:$0x3FD9]  }
0x89: {  	s3 =	sld [smem:$0x3FFE];
	_ =	sdelay $0x1  }
0x8a: {  	s1 =	srdreg.scid  }
0x8b: {  	s0 =	sand.u32 $0x1, s1  }
0x8c: {  	s15 =	sshll.u32 s0, $0xA;
	s2 =	sadd.s32 s3, s2  }
0x8d: {  	s2 =	sadd.s32 s2, s15  }
0x8e: {  	[smem:$0x3F92] =	sst s2  }
0x8f: {  	_ = 	snop  }
0x90: {  	s2 =	sld [smem:$0x3FD0];
	_ =	sdelay $0x2  }
0x91: {  	s5 =	simm.s32 $0xB;
	s16 =	simm.s32 $0x10  }
0x92: {  	[smem:s16], [sflag:s5] =	dma.local [hbm:s2], $0x1  }
0x93: {  	_ =	swait.eq [sflag:s5], $0x1  }
0x94: {  	s17 =	sld [smem:$0x11];
	[sflag:s5] =	ssyncset.done $0x0  }
0x95: {  	s4 =	sld [smem:$0x12];
	[sflag:s5] =	ssyncadd.s32 $0xFFFFFFFF  }
0x96: {  	s18 =	sld [smem:$0x13];
	(tm) =	ssettm $0x1  }
0x97: {  	s19 =	sld [smem:$0x3FFB];
	_ =	sdelay $0x3  }
0x98: {  	_ =	strace s19  }
0x99: {  	s2 =	sld [smem:$0x3FFC];
	_ =	sdelay $0x3  }
0x9a: {  	_ =	strace s2  }
0x9b: {  	s2 =	sld [smem:$0x3FFD];
	_ =	sdelay $0x3  }
0x9c: {  	_ =	strace s2  }
0x9d: {  	_ =	strace $0x8FFFFFFF  }
0x9e: {  	s20 =	sld [smem:$0x3FDB];
	_ =	sdelay $0x1  }
0x9f: {  	s6 =	simm.s32 $_scs_section_size  }
0xa0: {  	s7 =	simm.s32 $_size__tile_overlayer_lowered;
	s8 =	simm.s32 $_tile_overlayer_lowered  }
0xa1: {  	s9 =	simm.s32 $0x1BFF;
	s21 =	sshll.u32 s8, $0x1;
	s6 =	sadd.s32 s6, s20  }
0xa2: {  	s22 =	simm.s32 $0x0;
	s7 =	sshll.u32 s7, $0x1;
	s8 =	sadd.s32 s21, s6  }
0xa3: {  	[timem:s22], [sflag:s9] =	dma.local [hbm:s8], s7  }
0xa4: {  	_ =	swait.ge [sflag:s9], s7  }
0xa5: {  	s7 =	ssub.s32 $0x0, s7;
	[sflag:s9] =	ssyncset.done $0x0  }
0xa6: {  	[sflag:s9] =	ssyncadd.s32 s7;
	_ =	sdelay $0x1  }
0xa7: {  	s23 =	simm.s32 $0x1B8B  }
0xa8: {  	_ =	swait.ge [sflag:s23], $0x1  }
0xa9: {  	[sflag:s23] =	ssyncset.done $0x0  }
0xaa: {  	[sflag:s23] =	ssyncadd.s32 $0xFFFFFFFF  }
0xab: {  	s7 =	sld [smem:$0x0]  }
0xac: {  	s8 =	sand.u32 $0xFFFFFFFE, s1  }
0xad: {  	p0 =	sne.s32 s1, s8  }
0xae: {  	s8 =	sshll.u32 @p0 s8, $0xE  }
0xaf: {  	s8 =	sadd.s32 @p0 $0x11B8D, s8;
	s9 =	sshll.u32 @p0 s7, $0x11  }
0xb0: {  	s8 =	sor.u32 @p0 s9, s8  }
0xb1: {  	[sflag:s8] =	ssyncadd.remote.s32 @p0 $0x1;
	_ =	sdelay $0x1  }
0xb2: {  	s8 =	simm.s32 @p0 $0x1B8D  }
0xb3: {  	_ =	swait.eq @p0 [sflag:s8], $0x1  }
0xb4: {  	[sflag:s8] =	ssyncadd.s32 @p0 $0xFFFFFFFF  }
0xb5: {  	s9 =	sshll.u32 @!p0 s1, $0xE  }
0xb6: {  	s9 =	sor.u32 @!p0 $0x4000, s9;
	s8 =	simm.s32 @!p0 $0x1B8D  }
0xb7: {  	s7 =	sshll.u32 @!p0 s7, $0x11;
	s9 =	sadd.s32 @!p0 $0x11B8D, s9;
	_ =	swait.eq @!p0 [sflag:s8], $0x1  }
0xb8: {  	s7 =	sor.u32 @!p0 s7, s9;
	[sflag:s8] =	ssyncadd.s32 @!p0 $0xFFFFFFFF  }
0xb9: {  	s25 =	simm.s32 $0x1B8E;
	s24 =	sld [smem:$0x3FFE];
	[sflag:s7] =	ssyncadd.remote.s32 @!p0 $0x1  }
0xba: {  	s26 =	simm.s32 $execute0_lowered;
	[smem:$0x3FD2] =	sst s25  }
0xbb: {  	s8 =	sshll.u32 s26, $0x1;
	_ =	strace $0x80000055;
	[dreg:$0x1] =	wrdreg $0xFFFFFFFF  }
0xbc: {  	s28 =	simm.s32 $_size_execute0_lowered;
	s6 =	sadd.s32 s6, s8;
	[dreg:$0x0] =	wrdreg $0x0  }
0xbd: {  	s8 =	sshll.u32 s28, $0x1;
	[dreg:$0x2] =	wrdreg s6  }
0xbe: {  	[dreg:$0x3] =	wrdreg s8  }
0xbf: {  	[dreg:$0x4] =	wrdreg $0xC0  }
0xc0: {  	_ =	task [dreg:s22], $0x5FFFF  }
0xc1: {  	[dreg:$0x1] =	wrdreg $0xFFFFFFFF  }
0xc2: {  	[dreg:$0x0] =	wrdreg $0x60  }
0xc3: {  	[dreg:$0x2] =	wrdreg s24  }
0xc4: {  	[dreg:$0x3] =	wrdreg s4  }
0xc5: {  	[dreg:$0x4] =	wrdreg s18  }
0xc6: {  	[dreg:$0x5] =	wrdreg s17  }
0xc7: {  	[dreg:$0x6] =	wrdreg $0x9  }
0xc8: {  	_ =	task.clear_ibuf [dreg:s22], $0x7FFFF;
	_ =	strace $0x90000055  }
0xc9: {  	s29 =	simm.s32 $0x9;
	_ =	strace $0x80000057  }
0xca: {  	_ =	swait.ge [sflag:s29], $0x1  }
0xcb: {  	[sflag:s29] =	ssyncadd.s32 $0xFFFFFFFF  }
0xcc: {  	_ =	strace $0x90000057  }
0xcd: {  	_ =	sfence  }
0xce: {  	s30 =	sld [smem:$0x0];
	_ =	sdelay $0x2  }
0xcf: {  	s31 =	sshll.u32 s1, $0xD;
	s1 =	sshrl.u32 s1, $0x2  }
0xd0: {  	s4 =	sand.u32 $0x4000, s31;
	s1 =	sadd.s32 s1, s30  }
0xd1: {  	s0 =	sor.u32 s4, s0;
	s1 =	sshll.u32 s1, $0x11  }
0xd2: {  	s0 =	sor.u32 s1, s0  }
0xd3: {  	s0 =	sadd.s32 $0x8F2B, s0  }
0xd4: {  	[sflag:s0] =	ssyncadd.remote.s32 $0x1  }
0xd5: {  	_ =	sfence.sel $0xFFFF  }
0xd6: {  	[dreg:$0x0] =	wrdreg $0xFFFFFFFF;
	(pc) =	sbr.abs _section_cstart, $3  }
0xd7: {  	[dreg:$0x1] =	wrdreg $0xFFFFFFFF  }
0xd8: {  	_ =	task.clear_ibuf [dreg:s22], $0x2FFFF;
	_ =	strace $0x9FFFFFFF  }
0xd9: {  	(tm) =	ssettm $0x7FFFFFFF  }
tec
execute0_lowered:
.L_overlay_start_1:
0x0: {  	(tag) =	ssettag $0x1  }
0x1: {  	s5 =	rddreg [dreg:$0x0]  }
0x2: {  	s1 =	rddreg [dreg:$0x1]  }
0x3: {  	s3 =	rddreg [dreg:$0x2];
	s2 =	srdreg.scid  }
0x4: {  	s0 =	stileid.u32;
	s7 =	rddreg [dreg:$0x3];
	s4 =	simm.s32 $0x0  }
0x5: {  	s11 =	simm.s32 $0x8400;
	s12 =	simm.s32 $0x8800;
	s13 =	simm.s32 $0x9400  }
0x6: {  	s14 =	simm.s32 $0x9480;
	s15 =	simm.s32 $0x8C00;
	s16 =	simm.s32 $0x0  }
0x7: {  	s6 =	sand.u32 $0x1, s2;
	s8 =	sshll.u32 s0, $0x1;
	s2 =	rddreg [dreg:$0x4]  }
0x8: {  	[smem:$0x7FF] =	sst s4;
	s8 =	sor.u32 s6, s8;
	s6 =	ssub.s32 $0x2, s6  }
0x9: {  	_ =	strace $0x80000056;
	s9 =	sshll.u32 s8, $0x7;
	s10 =	sshrl.u32 s6, $0x1  }
0xa: {  	s8 =	sshll.u32 s8, $0x8;
	s9 =	sadd.s32 s9, s5;
	s5 =	sadd.s32 $0x2B800, s5  }
0xb: {  	v0 =	vlaneseq.u32;
	s10 =	ssub.s32 s6, s10;
	s7 =	sadd.s32 s7, s8;
	s6 =	sadd.s32 $0x2A800, s9  }
0xc: {  	vm0 =	vmmov $0x1;
	v2 =	vimm.f32 $-1.000000020e+30;
	v1 =	vor.u32 $0x10, v0;
	s8 =	smax.u32 s10, $0x1;
	s9 =	simm.s32 $0x1;
	s10 =	simm.s32 $0x400  }
.LBB2_1:
0xd: {  	[tilespmem:s4], [sflag:$0x1] =	stream.linear.gather [hbm4b:s6+s4], $0x400, $0x38;
	[tilespmem:$0x9500] =	vst v63  }
0xe: {  	_ =	swait.ge [sflag:s9], $0x400  }
0xf: {  	[sflag:s9] =	ssyncset.done $0x0  }
0x10: {  	[sflag:s9] =	ssyncadd.s32 $0xFFFFFC00  }
0x11: {  	[tilespmem:s10], [sflag:$0x1] =	stream.linear.gather [hbm4b:s5+s4], $0x8000, $0x38;
	[tilespmem:$0x9500] =	vst v63  }
0x12: {  	_ =	swait.ge [sflag:s9], $0x8000  }
0x13: {  	[sflag:s9] =	ssyncset.done $0x0  }
0x14: {  	[sflag:s9] =	ssyncadd.s32 $0xFFFF8000  }
0x15: {  	[tilespmem:s11], [sflag:$0x1] =	stream.linear.gather [hbm4b:s1+s4], $0x400, $0x38;
	[tilespmem:$0x9500] =	vst v63  }
0x16: {  	_ =	swait.ge [sflag:s9], $0x400  }
0x17: {  	[sflag:s9] =	ssyncset.done $0x0  }
0x18: {  	[sflag:s9] =	ssyncadd.s32 $0xFFFFFC00  }
0x19: {  	[tilespmem:s12], [sflag:$0x1] =	stream.linear.gather [hbm4b:s3+s4], $0x400, $0x38;
	[tilespmem:$0x9500] =	vst v63  }
0x1a: {  	_ =	swait.ge [sflag:s9], $0x400  }
0x1b: {  	[sflag:s9] =	ssyncset.done $0x0  }
0x1c: {  	s17 =	simm.s32 $0x0;
	s18 =	simm.s32 $0x0;
	[sflag:s9] =	ssyncadd.s32 $0xFFFFFC00  }
.LBB2_2:
0x1d: {  	v3 =	vmov s18;
	v4 =	vor.u32 s18, v0  }
0x1e: {  	v3 =	vor.u32 $0x10, v3;
	_ =	sdelay $0x3  }
0x1f: {  	v4 =	vld.idx.msk [tilespmem:v4+s4+$0x0], $0xffff  }
0x20: {  	v3 =	vld.idx.msk [tilespmem:v3+s4+$0x0], $0xffff;
	_ =	sdelay $0x6  }
0x21: {  	v5 =	vld.idx.msk [tilespmem:v4+s11+$0x0], $0xffff  }
0x22: {  	v6 =	vld.idx.msk [tilespmem:v3+s11+$0x0], $0xffff;
	_ =	sdelay $0x1  }
0x23: {  	v4 =	vld.idx.msk [tilespmem:v4+s12+$0x0], $0xffff  }
0x24: {  	v3 =	vld.idx.msk [tilespmem:v3+s12+$0x0], $0xffff;
	_ =	sdelay $0x1  }
0x25: {  	[tilespmem:v0+s13+$0x0] =	vst.idx.msk $0xffff, v5;
	v47 =	vnsel vm0, $0xF149F2CA, v6  }
0x26: {  	[tilespmem:v1+s13+$0x0] =	vst.idx.msk $0xffff, v47  }
0x27: {  	[tilespmem:v0+s14+$0x0] =	vst.idx.msk $0xffff, v4  }
0x28: {  	[tilespmem:v1+s14+$0x0] =	vst.idx.msk $0xffff, v3  }
0x29: {  	v3 =	vld.idx.msk [tilespmem:v0+s13+$0x0], $0xffff  }
0x2a: {  	v4 =	vld.idx.msk [tilespmem:v1+s13+$0x0], $0xffff;
	_ =	sdelay $0x4  }
0x2b: {  	v48 =	vmax.f32 v3, v4  }
0x2c: {  	(xrf0) =	vmax.scan.msk.f32 $0xffff, v48;
	_ =	sdelay $0x5  }
0x2d: {  	v5, _, _ =	vpop (xrf0)  }
0x2e: {  	v5 =	vbroadcast v5, $0xF;
	_ =	sdelay $0x1  }
0x2f: {  	vm1 =	veq.f32 v3, v5;
	vm2 =	veq.f32 v4, v5  }
0x30: {  	v3 =	vmpcnt.ones.xlane vm1;
	v4 =	vmctz.xlane vm2  }
0x31: {  	v49 =	vmctz.xlane vm1  }
0x32: {  	vm1 =	vgt.s32 v3, $0x0;
	v3 =	vadd.s32 $0x10, v4  }
0x33: {  	v3 =	vsel vm1, v49, v3;
	_ =	sdelay $0x4  }
0x34: {  	v50 =	vld.idx.msk [tilespmem:v3+s14+$0x0], $0xffff;
	_ =	sdelay $0x4  }
0x35: {  	v4 =	vshll.u32 v50, $0x5  }
0x36: {  	v4 =	vor.u32 v0, v4;
	_ =	sdelay $0x4  }
0x37: {  	v51 =	vor.u32 s17, v0;
	v4 =	vld.idx.msk [tilespmem:v4+s10+$0x0], $0xffff;
	_ =	sdelay $0x4  }
0x38: {  	[tilespmem:v51+s15+$0x0] =	vst.idx.msk $0xffff, v4  }
0x39: {  	[tilespmem:v3+s13+$0x0] =	vst.idx.msk $0x1, v2  }
0x3a: {  	v3 =	vld.idx.msk [tilespmem:v0+s13+$0x0], $0xffff  }
0x3b: {  	v4 =	vld.idx.msk [tilespmem:v1+s13+$0x0], $0xffff;
	_ =	sdelay $0x4  }
0x3c: {  	v52 =	vmax.f32 v3, v4  }
0x3d: {  	(xrf0) =	vmax.scan.msk.f32 $0xffff, v52;
	_ =	sdelay $0x5  }
0x3e: {  	v5, _, _ =	vpop (xrf0)  }
0x3f: {  	v5 =	vbroadcast v5, $0xF;
	_ =	sdelay $0x1  }
0x40: {  	vm1 =	veq.f32 v3, v5;
	vm2 =	veq.f32 v4, v5  }
0x41: {  	v3 =	vmpcnt.ones.xlane vm1;
	v4 =	vmctz.xlane vm2  }
0x42: {  	v53 =	vmctz.xlane vm1  }
0x43: {  	vm1 =	vgt.s32 v3, $0x0;
	v3 =	vadd.s32 $0x10, v4  }
0x44: {  	v3 =	vsel vm1, v53, v3;
	_ =	sdelay $0x4  }
0x45: {  	v54 =	vld.idx.msk [tilespmem:v3+s14+$0x0], $0xffff;
	_ =	sdelay $0x4  }
0x46: {  	v4 =	vshll.u32 v54, $0x5  }
0x47: {  	v4 =	vor.u32 v0, v4;
	_ =	sdelay $0x3  }
0x48: {  	s19 =	sadd.s32 $0x10, s17  }
0x49: {  	v55 =	vor.u32 s19, v0;
	v4 =	vld.idx.msk [tilespmem:v4+s10+$0x0], $0xffff;
	_ =	sdelay $0x4  }
0x4a: {  	[tilespmem:v55+s15+$0x0] =	vst.idx.msk $0xffff, v4  }
0x4b: {  	[tilespmem:v3+s13+$0x0] =	vst.idx.msk $0x1, v2  }
0x4c: {  	v3 =	vld.idx.msk [tilespmem:v0+s13+$0x0], $0xffff  }
0x4d: {  	v4 =	vld.idx.msk [tilespmem:v1+s13+$0x0], $0xffff;
	_ =	sdelay $0x4  }
0x4e: {  	v56 =	vmax.f32 v3, v4  }
0x4f: {  	(xrf0) =	vmax.scan.msk.f32 $0xffff, v56;
	_ =	sdelay $0x5  }
0x50: {  	v5, _, _ =	vpop (xrf0)  }
0x51: {  	v5 =	vbroadcast v5, $0xF;
	_ =	sdelay $0x1  }
0x52: {  	vm1 =	veq.f32 v3, v5;
	vm2 =	veq.f32 v4, v5  }
0x53: {  	v3 =	vmpcnt.ones.xlane vm1;
	v4 =	vmctz.xlane vm2  }
0x54: {  	v57 =	vmctz.xlane vm1  }
0x55: {  	vm1 =	vgt.s32 v3, $0x0;
	v3 =	vadd.s32 $0x10, v4  }
0x56: {  	v3 =	vsel vm1, v57, v3;
	_ =	sdelay $0x4  }
0x57: {  	v58 =	vld.idx.msk [tilespmem:v3+s14+$0x0], $0xffff;
	_ =	sdelay $0x4  }
0x58: {  	v4 =	vshll.u32 v58, $0x5  }
0x59: {  	v4 =	vor.u32 v0, v4;
	_ =	sdelay $0x3  }
0x5a: {  	s30 =	sadd.s32 $0x20, s17  }
0x5b: {  	v59 =	vor.u32 s30, v0;
	v4 =	vld.idx.msk [tilespmem:v4+s10+$0x0], $0xffff;
	_ =	sdelay $0x4  }
0x5c: {  	[tilespmem:v59+s15+$0x0] =	vst.idx.msk $0xffff, v4  }
0x5d: {  	[tilespmem:v3+s13+$0x0] =	vst.idx.msk $0x1, v2  }
0x5e: {  	v3 =	vld.idx.msk [tilespmem:v0+s13+$0x0], $0xffff  }
0x5f: {  	v4 =	vld.idx.msk [tilespmem:v1+s13+$0x0], $0xffff;
	_ =	sdelay $0x4  }
0x60: {  	v60 =	vmax.f32 v3, v4  }
0x61: {  	(xrf0) =	vmax.scan.msk.f32 $0xffff, v60;
	_ =	sdelay $0x5  }
0x62: {  	v5, _, _ =	vpop (xrf0)  }
0x63: {  	v5 =	vbroadcast v5, $0xF;
	_ =	sdelay $0x1  }
0x64: {  	vm1 =	veq.f32 v3, v5;
	vm2 =	veq.f32 v4, v5  }
0x65: {  	v3 =	vmpcnt.ones.xlane vm1;
	v4 =	vmctz.xlane vm2  }
0x66: {  	v61 =	vmctz.xlane vm1  }
0x67: {  	vm1 =	vgt.s32 v3, $0x0;
	v3 =	vadd.s32 $0x10, v4  }
0x68: {  	v3 =	vsel vm1, v61, v3;
	_ =	sdelay $0x4  }
0x69: {  	v62 =	vld.idx.msk [tilespmem:v3+s14+$0x0], $0xffff;
	_ =	sdelay $0x4  }
0x6a: {  	v4 =	vshll.u32 v62, $0x5  }
0x6b: {  	v4 =	vor.u32 v0, v4;
	_ =	sdelay $0x3  }
0x6c: {  	s31 =	sadd.s32 $0x30, s17  }
0x6d: {  	v63 =	vor.u32 s31, v0;
	v4 =	vld.idx.msk [tilespmem:v4+s10+$0x0], $0xffff  }
0x6e: {  	p0 =	sne.s32 s18, $0x3E0  }
.Ltmp0:
0x6f: {  	_ = 	snop;
	(pc) =	sbr.rel @p0 .LBB2_2-.Ltmp0, $3  }
0x70: {  	_ =	sdelay $0x1  }
0x71: {  	[tilespmem:v63+s15+$0x0] =	vst.idx.msk $0xffff, v4  }
0x72: {  	s17 =	sadd.s32 $0x40, s17;
	s18 =	sadd.s32 $0x20, s18;
	[tilespmem:v3+s13+$0x0] =	vst.idx.msk $0x1, v2  }
0x73: {  	s16 =	sadd.s32 $0x1, s16  }
0x74: {  	p0 =	sne.s32 s16, s8  }
.Ltmp1:
0x75: {  	_ = 	snop;
	(pc) =	sbr.rel @p0 .LBB2_1-.Ltmp1, $4  }
0x76: {  	[hbm4b:s7+s4] =	stream.linear.scatter [tilespmem:s15], [sflag:$0x1], $0x800, $0x38;
	[tilespmem:$0x9500] =	vst v63  }
0x77: {  	_ =	swait.ge [sflag:s9], $0x800  }
0x78: {  	[sflag:s9] =	ssyncset.done $0x0  }
0x79: {  	[sflag:s9] =	ssyncadd.s32 $0xFFFFF800  }
0x7a: {  	_ =	sfence.sel $0x180000  }
0x7b: {  	[bflag:$0x0] =	sbarrier.arrive $0xFFFF  }
0x7c: {  	p0 =	sne.s32 s0, $0x0;
	_ =	strace $0x90000056  }
0x7d: {  	s0 =	sadd.s32 @!p0 $0x100000, s2;
	[bflag:$0x2] =	sbarrier.arrive $0xFFFF  }
0x7e: {  	[sflag:s0] =	ssyncadd.tile.s32 @!p0 $0x1;
	_ =	shalt  }
.Lfunc_end2:
_tile_overlayer_lowered:
.L_overlay_start_2:
0x7f: {  	(tag) =	ssettag $0x2  }
0x80: {  	s0 =	rddreg [dreg:$0x0];
	s2 =	stileid.u32  }
0x81: {  	s1 =	rddreg [dreg:$0x1];
	p0 =	sne.s32 s2, $0x0  }
0x82: {  	s3 =	rddreg [dreg:$0x2];
	[bflag:$0x3] =	sbarrier.arrive $0xFFFF;
	s2 =	simm.s32 @!p0 $0x1C01  }
0x83: {  	[timem:s3], [sflag:s2] =	dma.local @!p0 [hbm:s0], s1  }
0x84: {  	s0 =	simm.s32 @!p0 $0x1  }
0x85: {  	_ =	swait.ge @!p0 [sflag:s0], s1  }
0x86: {  	s1 =	ssub.s32 @!p0 $0x0, s1;
	[sflag:s0] =	ssyncset.done @!p0 $0x0  }
0x87: {  	[sflag:s0] =	ssyncadd.s32 @!p0 s1  }
0x88: {  	[bflag:$0x3] =	sbarrier.arrive $0xFFFF  }
0x89: {  	_ =	shalt  }

// kernel: kernel.44.cloned.1.call-start
scs
__scs_entry_jumppad:
0x0: {  	(pc) =	sbr.rel $0x88, $3  }
0x1: {  	(tag) =	ssettag $0x0;
	lr =	simm.s32 $0x1  }
0x2: {  	[smem:$0x3F6B] =	sst lr;
	_ =	strace $0xD0000000  }
0x3: {  	_ = 	snop  }
0x4: {  	_ = 	snop  }
0x5: {  	_ = 	snop  }
0x6: {  	_ = 	snop  }
0x7: {  	_ = 	snop  }
__scs_overlays_trampoline_lowered:
0x8: {  	[smem:$0x3F7A] =	sst s0  }
0x9: {  	[smem:$0x3F7B] =	sst s1  }
0xa: {  	[smem:$0x3F7C] =	sst s2  }
0xb: {  	[smem:$0x3F7D] =	sst s3  }
0xc: {  	[smem:$0x3F7E] =	sst s4  }
0xd: {  	[smem:$0x3F7F] =	sst s5  }
0xe: {  	[smem:$0x3F80] =	sst s6  }
0xf: {  	[smem:$0x3F81] =	sst s7  }
0x10: {  	[smem:$0x3F82] =	sst s8  }
0x11: {  	[smem:$0x3F83] =	sst s9;
	s0 =	simm.s32 @!p0 $0x0  }
0x12: {  	s1 =	sld [smem:$0x3F69];
	s0 =	simm.s32 @p0 $0x1  }
0x13: {  	[smem:$0x3F84] =	sst s0;
	s0 =	simm.s32 @!p1 $0x0  }
0x14: {  	s2 =	sld [smem:$0x3F68];
	s0 =	simm.s32 @p1 $0x1  }
0x15: {  	[smem:$0x3F85] =	sst s0;
	s0 =	simm.s32 @!p2 $0x0  }
0x16: {  	s3 =	sld [smem:$0x3FDB];
	s0 =	simm.s32 @p2 $0x1  }
0x17: {  	s4 =	simm.s32 $0x1BF5;
	[smem:$0x3F87] =	sst s0  }
0x18: {  	s0 =	sld [smem:$0x3F6A];
	_ =	swait.ge [sflag:s4], $0x0  }
0x19: {  	s7 =	sld [smem:$0x3F6B]  }
0x1a: {  	s8 =	sadd.s32 $0xFFFFE003, lr  }
0x1b: {  	s9 =	sadd.s32 $0xFFFFFEF7, lr;
	s5 =	simm.s32 $0xFFFFFFFF;
	p2 =	slt.u32 s8, $0xFFFFF086  }
0x1c: {  	p1 =	slt.u32 s9, $0xF7A;
	s5 =	simm.s32 @!p2 $0x0  }
0x1d: {  	s5 =	simm.s32 @p1 $0x1;
	p0 =	seq.s32 s7, s2  }
0x1e: {  	s7 =	smul.u32 @!p0 $0xF7A, s2;
	p2 =	seq.s32 @!p0 s5, $0x0  }
0x1f: {  	s9 =	smul.u32 $0xF7A, s1;
	s8 =	simm.s32 @!p0 $0x1BF5;
	p2 =	por !p2, p0  }
0x20: {  	[sflag:s8] =	ssyncset.s32 @!p0 $0xFFFFF086;
	s6 =	sadd.s32 @!p0 s3, s7;
	s7 =	simm.s32 @!p0 $0x108  }
0x21: {  	s3 =	sadd.s32 s3, s9;
	s6 =	sadd.s32 @!p0 $0x88, s6;
	s7 =	simm.s32 @p2 $0x1082  }
0x22: {  	[simem:s7], [sflag:s8] =	dma.local @!p0 [hbm:s6], $0xF7A  }
0x23: {  	s9 =	sor.u32 $0xD0000000, s2;
	s6 =	simm.s32 $0x108;
	_ =	swait.ge @!p0 [sflag:s8], $0x0  }
0x24: {  	s3 =	sadd.s32 $0x88, s3;
	s6 =	simm.s32 @!p1 $0x1082;
	[sflag:s4] =	ssyncset.s32 $0xFFFFF086  }
0x25: {  	[simem:s6], [sflag:s4] =	dma.local [hbm:s3], $0xF7A  }
0x26: {  	[smem:$0x3F6B] =	sst s1;
	(tag) =	ssettag s2;
	_ =	strace s9  }
0x27: {  	s1 =	sld [smem:$0x3F7B]  }
0x28: {  	s2 =	sld [smem:$0x3F7C]  }
0x29: {  	s4 =	sld [smem:$0x3F7E]  }
0x2a: {  	p0 =	seq.s32 s5, $0x0;
	s5 =	sld [smem:$0x3F7F]  }
0x2b: {  	s6 =	sld [smem:$0x3F80]  }
0x2c: {  	s7 =	sld [smem:$0x3F81]  }
0x2d: {  	s3 =	simm.s32 $0x108;
	s8 =	sld [smem:$0x3F82]  }
0x2e: {  	s3 =	simm.s32 @!p0 $0x1082;
	s9 =	sld [smem:$0x3F83]  }
0x2f: {  	lr =	sadd.s32 s0, s3;
	s0 =	sld [smem:$0x3F7A]  }
0x30: {  	s3 =	sld [smem:$0x3F7D]  }
0x31: {  	[smem:$0x3F86] =	sst s10  }
0x32: {  	s10 =	sld [smem:$0x3F84];
	_ =	sdelay $0x3  }
0x33: {  	p0 =	seq.s32 s10, $0x1;
	s10 =	sld [smem:$0x3F86];
	_ =	sdelay $0x3  }
0x34: {  	[smem:$0x3F86] =	sst s10  }
0x35: {  	s10 =	sld [smem:$0x3F85];
	_ =	sdelay $0x3  }
0x36: {  	p1 =	seq.s32 s10, $0x1;
	s10 =	sld [smem:$0x3F86];
	_ =	sdelay $0x3  }
0x37: {  	[smem:$0x3F86] =	sst s10  }
0x38: {  	s10 =	sld [smem:$0x3F87]  }
0x39: {  	_ = 	snop;
	(pc) =	sbr.ind lr, $3  }
0x3a: {  	_ = 	snop  }
0x3b: {  	_ = 	snop  }
0x3c: {  	p2 =	seq.s32 s10, $0x1;
	s10 =	sld [smem:$0x3F86]  }
0x3d: {  	_ =	shalt  }
0x3e: {  	_ =	shalt  }
0x3f: {  	_ =	shalt  }
0x40: {  	_ =	shalt  }
0x41: {  	_ =	shalt  }
0x42: {  	_ =	shalt  }
0x43: {  	_ =	shalt  }
0x44: {  	_ =	shalt  }
0x45: {  	_ =	shalt  }
0x46: {  	_ =	shalt  }
0x47: {  	_ =	shalt  }
0x48: {  	_ =	shalt  }
0x49: {  	_ =	shalt  }
0x4a: {  	_ =	shalt  }
0x4b: {  	_ =	shalt  }
0x4c: {  	_ =	shalt  }
0x4d: {  	_ =	shalt  }
0x4e: {  	_ =	shalt  }
0x4f: {  	_ =	shalt  }
0x50: {  	_ =	shalt  }
0x51: {  	_ =	shalt  }
0x52: {  	_ =	shalt  }
0x53: {  	_ =	shalt  }
0x54: {  	_ =	shalt  }
0x55: {  	_ =	shalt  }
0x56: {  	_ =	shalt  }
0x57: {  	_ =	shalt  }
0x58: {  	_ =	shalt  }
0x59: {  	_ =	shalt  }
0x5a: {  	_ =	shalt  }
0x5b: {  	_ =	shalt  }
0x5c: {  	_ =	shalt  }
0x5d: {  	_ =	shalt  }
0x5e: {  	_ =	shalt  }
0x5f: {  	_ =	shalt  }
0x60: {  	_ =	shalt  }
0x61: {  	_ =	shalt  }
0x62: {  	_ =	shalt  }
0x63: {  	_ =	shalt  }
0x64: {  	_ =	shalt  }
0x65: {  	_ =	shalt  }
0x66: {  	_ =	shalt  }
0x67: {  	_ =	shalt  }
0x68: {  	_ =	shalt  }
0x69: {  	_ =	shalt  }
0x6a: {  	_ =	shalt  }
0x6b: {  	_ =	shalt  }
0x6c: {  	_ =	shalt  }
0x6d: {  	_ =	shalt  }
0x6e: {  	_ =	shalt  }
0x6f: {  	_ =	shalt  }
0x70: {  	_ =	shalt  }
0x71: {  	_ =	shalt  }
0x72: {  	_ =	shalt  }
0x73: {  	_ =	shalt  }
0x74: {  	_ =	shalt  }
0x75: {  	_ =	shalt  }
0x76: {  	_ =	shalt  }
0x77: {  	_ =	shalt  }
0x78: {  	_ =	shalt  }
0x79: {  	_ =	shalt  }
0x7a: {  	_ =	shalt  }
0x7b: {  	_ =	shalt  }
0x7c: {  	_ =	shalt  }
0x7d: {  	_ =	shalt  }
0x7e: {  	_ =	shalt  }
0x7f: {  	_ =	shalt  }
0x80: {  	_ =	shalt  }
0x81: {  	_ =	shalt  }
0x82: {  	_ =	shalt  }
0x83: {  	_ =	shalt  }
0x84: {  	_ =	shalt  }
0x85: {  	_ =	shalt  }
0x86: {  	_ =	shalt  }
0x87: {  	_ =	shalt  }
.Lfunc_end0:
.L_simem_size_0:
called_computation.6_lowered:
.L_overlay_start_0:
0x88: {  	s2 =	sld [smem:$0x3FD9]  }
0x89: {  	s3 =	sld [smem:$0x3FFE];
	_ =	sdelay $0x1  }
0x8a: {  	s1 =	srdreg.scid  }
0x8b: {  	s0 =	sand.u32 $0x1, s1  }
0x8c: {  	s15 =	sshll.u32 s0, $0xA;
	s2 =	sadd.s32 s3, s2  }
0x8d: {  	s2 =	sadd.s32 s2, s15  }
0x8e: {  	[smem:$0x3F92] =	sst s2  }
0x8f: {  	_ = 	snop  }
0x90: {  	s2 =	sld [smem:$0x3FD0];
	_ =	sdelay $0x2  }
0x91: {  	s16 =	simm.s32 $0xB;
	s4 =	simm.s32 $0x10  }
0x92: {  	[smem:s4], [sflag:s16] =	dma.local [hbm:s2], $0x1  }
0x93: {  	_ =	swait.eq [sflag:s16], $0x1  }
0x94: {  	[sflag:s16] =	ssyncset.done $0x0  }
0x95: {  	[sflag:s16] =	ssyncadd.s32 $0xFFFFFFFF  }
0x96: {  	s17 =	sld [smem:$0x10];
	(tm) =	ssettm $0x1  }
0x97: {  	s18 =	sld [smem:$0x3FFB];
	_ =	sdelay $0x3  }
0x98: {  	_ =	strace s18  }
0x99: {  	s2 =	sld [smem:$0x3FFC];
	_ =	sdelay $0x3  }
0x9a: {  	_ =	strace s2  }
0x9b: {  	s2 =	sld [smem:$0x3FFD];
	_ =	sdelay $0x3  }
0x9c: {  	_ =	strace s2  }
0x9d: {  	_ =	strace $0x8FFFFFFF  }
0x9e: {  	s19 =	sld [smem:$0x3FDB];
	_ =	sdelay $0x1  }
0x9f: {  	s20 =	simm.s32 $_scs_section_size  }
0xa0: {  	s5 =	simm.s32 $_size__tile_overlayer_lowered;
	s6 =	simm.s32 $_tile_overlayer_lowered  }
0xa1: {  	s7 =	simm.s32 $0x1BFF;
	s21 =	sshll.u32 s6, $0x1;
	s4 =	sadd.s32 s20, s19  }
0xa2: {  	s22 =	simm.s32 $0x0;
	s5 =	sshll.u32 s5, $0x1;
	s6 =	sadd.s32 s21, s4  }
0xa3: {  	[timem:s22], [sflag:s7] =	dma.local [hbm:s6], s5  }
0xa4: {  	_ =	swait.ge [sflag:s7], s5  }
0xa5: {  	s5 =	ssub.s32 $0x0, s5;
	[sflag:s7] =	ssyncset.done $0x0  }
0xa6: {  	[sflag:s7] =	ssyncadd.s32 s5;
	_ =	sdelay $0x1  }
0xa7: {  	s23 =	simm.s32 $0x1B8B  }
0xa8: {  	_ =	swait.ge [sflag:s23], $0x1  }
0xa9: {  	[sflag:s23] =	ssyncset.done $0x0  }
0xaa: {  	[sflag:s23] =	ssyncadd.s32 $0xFFFFFFFF  }
0xab: {  	s5 =	sld [smem:$0x0]  }
0xac: {  	s6 =	sand.u32 $0xFFFFFFFE, s1  }
0xad: {  	p0 =	sne.s32 s1, s6  }
0xae: {  	s6 =	sshll.u32 @p0 s6, $0xE  }
0xaf: {  	s6 =	sadd.s32 @p0 $0x11B8D, s6;
	s7 =	sshll.u32 @p0 s5, $0x11  }
0xb0: {  	s6 =	sor.u32 @p0 s7, s6  }
0xb1: {  	[sflag:s6] =	ssyncadd.remote.s32 @p0 $0x1;
	_ =	sdelay $0x1  }
0xb2: {  	s6 =	simm.s32 @p0 $0x1B8D  }
0xb3: {  	_ =	swait.eq @p0 [sflag:s6], $0x1  }
0xb4: {  	[sflag:s6] =	ssyncadd.s32 @p0 $0xFFFFFFFF  }
0xb5: {  	s7 =	sshll.u32 @!p0 s1, $0xE  }
0xb6: {  	s7 =	sor.u32 @!p0 $0x4000, s7;
	s6 =	simm.s32 @!p0 $0x1B8D  }
0xb7: {  	s5 =	sshll.u32 @!p0 s5, $0x11;
	s7 =	sadd.s32 @!p0 $0x11B8D, s7;
	_ =	swait.eq @!p0 [sflag:s6], $0x1  }
0xb8: {  	s5 =	sor.u32 @!p0 s5, s7;
	[sflag:s6] =	ssyncadd.s32 @!p0 $0xFFFFFFFF  }
0xb9: {  	s25 =	simm.s32 $0x1B8E;
	s24 =	sld [smem:$0x3FFE];
	[sflag:s5] =	ssyncadd.remote.s32 @!p0 $0x1  }
0xba: {  	s26 =	simm.s32 $execute0_lowered;
	[smem:$0x3FD2] =	sst s25  }
0xbb: {  	s6 =	sshll.u32 s26, $0x1;
	_ =	strace $0x80000058;
	[dreg:$0x1] =	wrdreg $0xFFFFFFFF  }
0xbc: {  	s28 =	simm.s32 $_size_execute0_lowered;
	s4 =	sadd.s32 s4, s6;
	[dreg:$0x0] =	wrdreg $0x0  }
0xbd: {  	s6 =	sshll.u32 s28, $0x1;
	[dreg:$0x2] =	wrdreg s4  }
0xbe: {  	[dreg:$0x3] =	wrdreg s6  }
0xbf: {  	[dreg:$0x4] =	wrdreg $0xC0  }
0xc0: {  	_ =	task [dreg:s22], $0x5FFFF  }
0xc1: {  	[dreg:$0x1] =	wrdreg $0xFFFFFFFF  }
0xc2: {  	[dreg:$0x0] =	wrdreg $0x60  }
0xc3: {  	[dreg:$0x2] =	wrdreg s17  }
0xc4: {  	[dreg:$0x3] =	wrdreg s24  }
0xc5: {  	[dreg:$0x4] =	wrdreg $0xA  }
0xc6: {  	_ =	task.clear_ibuf [dreg:s22], $0x5FFFF;
	_ =	strace $0x90000058  }
0xc7: {  	s29 =	simm.s32 $0xA;
	_ =	strace $0x8000005A  }
0xc8: {  	_ =	swait.ge [sflag:s29], $0x1  }
0xc9: {  	[sflag:s29] =	ssyncadd.s32 $0xFFFFFFFF  }
0xca: {  	_ =	strace $0x9000005A  }
0xcb: {  	_ =	sfence  }
0xcc: {  	s30 =	sld [smem:$0x0];
	_ =	sdelay $0x2  }
0xcd: {  	s31 =	sshll.u32 s1, $0xD;
	s1 =	sshrl.u32 s1, $0x2  }
0xce: {  	s4 =	sand.u32 $0x4000, s31;
	s1 =	sadd.s32 s1, s30  }
0xcf: {  	s0 =	sor.u32 s4, s0;
	s1 =	sshll.u32 s1, $0x11  }
0xd0: {  	s0 =	sor.u32 s1, s0  }
0xd1: {  	s0 =	sadd.s32 $0x8F2B, s0  }
0xd2: {  	[sflag:s0] =	ssyncadd.remote.s32 $0x1  }
0xd3: {  	_ =	sfence.sel $0xFFFF  }
0xd4: {  	[dreg:$0x0] =	wrdreg $0xFFFFFFFF;
	(pc) =	sbr.abs _section_cstart, $3  }
0xd5: {  	[dreg:$0x1] =	wrdreg $0xFFFFFFFF  }
0xd6: {  	_ =	task.clear_ibuf [dreg:s22], $0x2FFFF;
	_ =	strace $0x9FFFFFFF  }
0xd7: {  	(tm) =	ssettm $0x7FFFFFFF  }
tec
execute0_lowered:
.L_overlay_start_1:
0x0: {  	(tag) =	ssettag $0x1  }
0x1: {  	s3 =	rddreg [dreg:$0x0]  }
0x2: {  	s4 =	rddreg [dreg:$0x1]  }
0x3: {  	s0 =	rddreg [dreg:$0x2]  }
0x4: {  	s5 =	srdreg.scid;
	s1 =	stileid.u32  }
0x5: {  	s2 =	simm.s32 $0x0;
	s5 =	sand.u32 $0x1, s5;
	s6 =	sshll.u32 s1, $0x1  }
0x6: {  	[smem:$0x7FF] =	sst s2;
	s6 =	sor.u32 s5, s6;
	s5 =	ssub.s32 $0x2, s5  }
0x7: {  	_ =	strace $0x80000059;
	s7 =	sshll.u32 s6, $0xC;
	s8 =	sshrl.u32 s5, $0x1  }
0x8: {  	s6 =	sshll.u32 s6, $0x8;
	s4 =	sadd.s32 s7, s4;
	s5 =	ssub.s32 s5, s8  }
0x9: {  	s3 =	sadd.s32 s3, s6;
	s6 =	simm.s32 $0x1;
	s7 =	simm.s32 $0x800  }
0xa: {  	v0 =	vlaneseq.u32;
	v1 =	vimm.f32 $0.0e+00;
	v2 =	vimm.f32 $1.000000000e+00;
	s8 =	simm.s32 $0x0;
	s4 =	sadd.s32 $0xA000, s4;
	s5 =	smax.u32 s5, $0x1  }
.LBB2_1:
0xb: {  	[tilespmem:s2], [sflag:$0x1] =	stream.linear.gather [hbm4b:s3+s2], $0x800, $0x38;
	[tilespmem:$0x8800] =	vst v63  }
0xc: {  	_ =	swait.ge [sflag:s6], $0x800  }
0xd: {  	[sflag:s6] =	ssyncset.done $0x0  }
0xe: {  	s9 =	simm.s32 $0x0;
	[sflag:s6] =	ssyncadd.s32 $0xFFFFF800  }
.LBB2_2:
0xf: {  	v3 =	vor.u32 s9, v0;
	p0 =	sne.s32 s9, $0x7FF0  }
.Ltmp0:
0x10: {  	_ = 	snop;
	(pc) =	sbr.rel @p0 .LBB2_2-.Ltmp0, $2  }
0x11: {  	_ =	sdelay $0x2  }
0x12: {  	s9 =	sadd.s32 $0x10, s9;
	[tilespmem:v3+s7+$0x0] =	vst.idx.msk $0xffff, v1  }
0x13: {  	s9 =	simm.s32 $0x0;
	s10 =	simm.s32 $0x0  }
.LBB2_4:
0x14: {  	v3 =	vor.u32 s10, v0;
	_ =	sdelay $0x4  }
0x15: {  	v3 =	vld.idx.msk [tilespmem:v3+s2+$0x0], $0xffff;
	_ =	sdelay $0x4  }
0x16: {  	s11 =	sadd.s32 $0x10, s10;
	v3 =	vadd.s32 s9, v3  }
0x17: {  	v4 =	vor.u32 s11, v0;
	_ =	sdelay $0x3  }
0x18: {  	[tilespmem:v3+s7+$0x0] =	vst.idx.add.f32.msk $0xffff, v2  }
0x19: {  	v3 =	vld.idx.msk [tilespmem:v4+s2+$0x0], $0xffff;
	_ =	sdelay $0x4  }
0x1a: {  	s30 =	sadd.s32 $0x20, s10;
	v3 =	vadd.s32 s9, v3  }
0x1b: {  	v62 =	vor.u32 s30, v0;
	_ =	sdelay $0x3  }
0x1c: {  	[tilespmem:v3+s7+$0x0] =	vst.idx.add.f32.msk $0xffff, v2  }
0x1d: {  	v3 =	vld.idx.msk [tilespmem:v62+s2+$0x0], $0xffff;
	_ =	sdelay $0x4  }
0x1e: {  	s31 =	sadd.s32 $0x30, s10;
	v3 =	vadd.s32 s9, v3  }
0x1f: {  	v63 =	vor.u32 s31, v0;
	_ =	sdelay $0x3  }
0x20: {  	[tilespmem:v3+s7+$0x0] =	vst.idx.add.f32.msk $0xffff, v2  }
0x21: {  	v3 =	vld.idx.msk [tilespmem:v63+s2+$0x0], $0xffff;
	_ =	sdelay $0x4  }
0x22: {  	p0 =	sne.s32 s10, $0x7C0;
	v3 =	vadd.s32 s9, v3  }
.Ltmp1:
0x23: {  	_ = 	snop;
	(pc) =	sbr.rel @p0 .LBB2_4-.Ltmp1, $2  }
0x24: {  	_ =	sdelay $0x2  }
0x25: {  	s10 =	sadd.s32 $0x40, s10;
	s9 =	sadd.s32 $0x400, s9;
	[tilespmem:v3+s7+$0x0] =	vst.idx.add.f32.msk $0xffff, v2  }
0x26: {  	s8 =	sadd.s32 $0x1, s8  }
0x27: {  	p0 =	sne.s32 s8, s5  }
.Ltmp2:
0x28: {  	_ = 	snop;
	(pc) =	sbr.rel @p0 .LBB2_1-.Ltmp2, $4  }
0x29: {  	[hbm4b:s4+s2] =	stream.linear.scatter [tilespmem:s7], [sflag:$0x1], $0x8000, $0x38;
	[tilespmem:$0x8800] =	vst v63  }
0x2a: {  	_ =	swait.ge [sflag:s6], $0x8000  }
0x2b: {  	[sflag:s6] =	ssyncset.done $0x0  }
0x2c: {  	[sflag:s6] =	ssyncadd.s32 $0xFFFF8000  }
0x2d: {  	_ =	sfence.sel $0x180000  }
0x2e: {  	[bflag:$0x0] =	sbarrier.arrive $0xFFFF  }
0x2f: {  	p0 =	sne.s32 s1, $0x0;
	_ =	strace $0x90000059  }
0x30: {  	s0 =	sadd.s32 @!p0 $0x100000, s0;
	[bflag:$0x2] =	sbarrier.arrive $0xFFFF  }
0x31: {  	[sflag:s0] =	ssyncadd.tile.s32 @!p0 $0x1;
	_ =	shalt  }
.Lfunc_end2:
_tile_overlayer_lowered:
.L_overlay_start_2:
0x32: {  	(tag) =	ssettag $0x2  }
0x33: {  	s0 =	rddreg [dreg:$0x0];
	s2 =	stileid.u32  }
0x34: {  	s1 =	rddreg [dreg:$0x1];
	p0 =	sne.s32 s2, $0x0  }
0x35: {  	s3 =	rddreg [dreg:$0x2];
	[bflag:$0x3] =	sbarrier.arrive $0xFFFF;
	s2 =	simm.s32 @!p0 $0x1C01  }
0x36: {  	[timem:s3], [sflag:s2] =	dma.local @!p0 [hbm:s0], s1  }
0x37: {  	s0 =	simm.s32 @!p0 $0x1  }
0x38: {  	_ =	swait.ge @!p0 [sflag:s0], s1  }
0x39: {  	s1 =	ssub.s32 @!p0 $0x0, s1;
	[sflag:s0] =	ssyncset.done @!p0 $0x0  }
0x3a: {  	[sflag:s0] =	ssyncadd.s32 @!p0 s1  }
0x3b: {  	[bflag:$0x3] =	sbarrier.arrive $0xFFFF  }
0x3c: {  	_ =	shalt  }

// kernel: kernel.47.cloned.1.call-start
scs
__scs_entry_jumppad:
0x0: {  	(pc) =	sbr.rel $0x88, $3  }
0x1: {  	(tag) =	ssettag $0x0;
	lr =	simm.s32 $0x1  }
0x2: {  	[smem:$0x3F6B] =	sst lr;
	_ =	strace $0xD0000000  }
0x3: {  	_ = 	snop  }
0x4: {  	_ = 	snop  }
0x5: {  	_ = 	snop  }
0x6: {  	_ = 	snop  }
0x7: {  	_ = 	snop  }
__scs_overlays_trampoline_lowered:
0x8: {  	[smem:$0x3F7A] =	sst s0  }
0x9: {  	[smem:$0x3F7B] =	sst s1  }
0xa: {  	[smem:$0x3F7C] =	sst s2  }
0xb: {  	[smem:$0x3F7D] =	sst s3  }
0xc: {  	[smem:$0x3F7E] =	sst s4  }
0xd: {  	[smem:$0x3F7F] =	sst s5  }
0xe: {  	[smem:$0x3F80] =	sst s6  }
0xf: {  	[smem:$0x3F81] =	sst s7  }
0x10: {  	[smem:$0x3F82] =	sst s8  }
0x11: {  	[smem:$0x3F83] =	sst s9;
	s0 =	simm.s32 @!p0 $0x0  }
0x12: {  	s1 =	sld [smem:$0x3F69];
	s0 =	simm.s32 @p0 $0x1  }
0x13: {  	[smem:$0x3F84] =	sst s0;
	s0 =	simm.s32 @!p1 $0x0  }
0x14: {  	s2 =	sld [smem:$0x3F68];
	s0 =	simm.s32 @p1 $0x1  }
0x15: {  	[smem:$0x3F85] =	sst s0;
	s0 =	simm.s32 @!p2 $0x0  }
0x16: {  	s3 =	sld [smem:$0x3FDB];
	s0 =	simm.s32 @p2 $0x1  }
0x17: {  	s4 =	simm.s32 $0x1BF5;
	[smem:$0x3F87] =	sst s0  }
0x18: {  	s0 =	sld [smem:$0x3F6A];
	_ =	swait.ge [sflag:s4], $0x0  }
0x19: {  	s7 =	sld [smem:$0x3F6B]  }
0x1a: {  	s8 =	sadd.s32 $0xFFFFE003, lr  }
0x1b: {  	s9 =	sadd.s32 $0xFFFFFEF7, lr;
	s5 =	simm.s32 $0xFFFFFFFF;
	p2 =	slt.u32 s8, $0xFFFFF086  }
0x1c: {  	p1 =	slt.u32 s9, $0xF7A;
	s5 =	simm.s32 @!p2 $0x0  }
0x1d: {  	s5 =	simm.s32 @p1 $0x1;
	p0 =	seq.s32 s7, s2  }
0x1e: {  	s7 =	smul.u32 @!p0 $0xF7A, s2;
	p2 =	seq.s32 @!p0 s5, $0x0  }
0x1f: {  	s9 =	smul.u32 $0xF7A, s1;
	s8 =	simm.s32 @!p0 $0x1BF5;
	p2 =	por !p2, p0  }
0x20: {  	[sflag:s8] =	ssyncset.s32 @!p0 $0xFFFFF086;
	s6 =	sadd.s32 @!p0 s3, s7;
	s7 =	simm.s32 @!p0 $0x108  }
0x21: {  	s3 =	sadd.s32 s3, s9;
	s6 =	sadd.s32 @!p0 $0x88, s6;
	s7 =	simm.s32 @p2 $0x1082  }
0x22: {  	[simem:s7], [sflag:s8] =	dma.local @!p0 [hbm:s6], $0xF7A  }
0x23: {  	s9 =	sor.u32 $0xD0000000, s2;
	s6 =	simm.s32 $0x108;
	_ =	swait.ge @!p0 [sflag:s8], $0x0  }
0x24: {  	s3 =	sadd.s32 $0x88, s3;
	s6 =	simm.s32 @!p1 $0x1082;
	[sflag:s4] =	ssyncset.s32 $0xFFFFF086  }
0x25: {  	[simem:s6], [sflag:s4] =	dma.local [hbm:s3], $0xF7A  }
0x26: {  	[smem:$0x3F6B] =	sst s1;
	(tag) =	ssettag s2;
	_ =	strace s9  }
0x27: {  	s1 =	sld [smem:$0x3F7B]  }
0x28: {  	s2 =	sld [smem:$0x3F7C]  }
0x29: {  	s4 =	sld [smem:$0x3F7E]  }
0x2a: {  	p0 =	seq.s32 s5, $0x0;
	s5 =	sld [smem:$0x3F7F]  }
0x2b: {  	s6 =	sld [smem:$0x3F80]  }
0x2c: {  	s7 =	sld [smem:$0x3F81]  }
0x2d: {  	s3 =	simm.s32 $0x108;
	s8 =	sld [smem:$0x3F82]  }
0x2e: {  	s3 =	simm.s32 @!p0 $0x1082;
	s9 =	sld [smem:$0x3F83]  }
0x2f: {  	lr =	sadd.s32 s0, s3;
	s0 =	sld [smem:$0x3F7A]  }
0x30: {  	s3 =	sld [smem:$0x3F7D]  }
0x31: {  	[smem:$0x3F86] =	sst s10  }
0x32: {  	s10 =	sld [smem:$0x3F84];
	_ =	sdelay $0x3  }
0x33: {  	p0 =	seq.s32 s10, $0x1;
	s10 =	sld [smem:$0x3F86];
	_ =	sdelay $0x3  }
0x34: {  	[smem:$0x3F86] =	sst s10  }
0x35: {  	s10 =	sld [smem:$0x3F85];
	_ =	sdelay $0x3  }
0x36: {  	p1 =	seq.s32 s10, $0x1;
	s10 =	sld [smem:$0x3F86];
	_ =	sdelay $0x3  }
0x37: {  	[smem:$0x3F86] =	sst s10  }
0x38: {  	s10 =	sld [smem:$0x3F87]  }
0x39: {  	_ = 	snop;
	(pc) =	sbr.ind lr, $3  }
0x3a: {  	_ = 	snop  }
0x3b: {  	_ = 	snop  }
0x3c: {  	p2 =	seq.s32 s10, $0x1;
	s10 =	sld [smem:$0x3F86]  }
0x3d: {  	_ =	shalt  }
0x3e: {  	_ =	shalt  }
0x3f: {  	_ =	shalt  }
0x40: {  	_ =	shalt  }
0x41: {  	_ =	shalt  }
0x42: {  	_ =	shalt  }
0x43: {  	_ =	shalt  }
0x44: {  	_ =	shalt  }
0x45: {  	_ =	shalt  }
0x46: {  	_ =	shalt  }
0x47: {  	_ =	shalt  }
0x48: {  	_ =	shalt  }
0x49: {  	_ =	shalt  }
0x4a: {  	_ =	shalt  }
0x4b: {  	_ =	shalt  }
0x4c: {  	_ =	shalt  }
0x4d: {  	_ =	shalt  }
0x4e: {  	_ =	shalt  }
0x4f: {  	_ =	shalt  }
0x50: {  	_ =	shalt  }
0x51: {  	_ =	shalt  }
0x52: {  	_ =	shalt  }
0x53: {  	_ =	shalt  }
0x54: {  	_ =	shalt  }
0x55: {  	_ =	shalt  }
0x56: {  	_ =	shalt  }
0x57: {  	_ =	shalt  }
0x58: {  	_ =	shalt  }
0x59: {  	_ =	shalt  }
0x5a: {  	_ =	shalt  }
0x5b: {  	_ =	shalt  }
0x5c: {  	_ =	shalt  }
0x5d: {  	_ =	shalt  }
0x5e: {  	_ =	shalt  }
0x5f: {  	_ =	shalt  }
0x60: {  	_ =	shalt  }
0x61: {  	_ =	shalt  }
0x62: {  	_ =	shalt  }
0x63: {  	_ =	shalt  }
0x64: {  	_ =	shalt  }
0x65: {  	_ =	shalt  }
0x66: {  	_ =	shalt  }
0x67: {  	_ =	shalt  }
0x68: {  	_ =	shalt  }
0x69: {  	_ =	shalt  }
0x6a: {  	_ =	shalt  }
0x6b: {  	_ =	shalt  }
0x6c: {  	_ =	shalt  }
0x6d: {  	_ =	shalt  }
0x6e: {  	_ =	shalt  }
0x6f: {  	_ =	shalt  }
0x70: {  	_ =	shalt  }
0x71: {  	_ =	shalt  }
0x72: {  	_ =	shalt  }
0x73: {  	_ =	shalt  }
0x74: {  	_ =	shalt  }
0x75: {  	_ =	shalt  }
0x76: {  	_ =	shalt  }
0x77: {  	_ =	shalt  }
0x78: {  	_ =	shalt  }
0x79: {  	_ =	shalt  }
0x7a: {  	_ =	shalt  }
0x7b: {  	_ =	shalt  }
0x7c: {  	_ =	shalt  }
0x7d: {  	_ =	shalt  }
0x7e: {  	_ =	shalt  }
0x7f: {  	_ =	shalt  }
0x80: {  	_ =	shalt  }
0x81: {  	_ =	shalt  }
0x82: {  	_ =	shalt  }
0x83: {  	_ =	shalt  }
0x84: {  	_ =	shalt  }
0x85: {  	_ =	shalt  }
0x86: {  	_ =	shalt  }
0x87: {  	_ =	shalt  }
.Lfunc_end0:
.L_simem_size_0:
called_computation.7_lowered:
.L_overlay_start_0:
0x88: {  	s2 =	sld [smem:$0x3FD9]  }
0x89: {  	s3 =	sld [smem:$0x3FFE];
	_ =	sdelay $0x1  }
0x8a: {  	s1 =	srdreg.scid  }
0x8b: {  	s0 =	sand.u32 $0x1, s1  }
0x8c: {  	s15 =	sshll.u32 s0, $0xA;
	s2 =	sadd.s32 s3, s2  }
0x8d: {  	s2 =	sadd.s32 s2, s15  }
0x8e: {  	[smem:$0x3F92] =	sst s2  }
0x8f: {  	_ = 	snop  }
0x90: {  	s2 =	sld [smem:$0x3FD0];
	_ =	sdelay $0x2  }
0x91: {  	s16 =	simm.s32 $0xB;
	s4 =	simm.s32 $0x10  }
0x92: {  	[smem:s4], [sflag:s16] =	dma.local [hbm:s2], $0x1  }
0x93: {  	_ =	swait.eq [sflag:s16], $0x1  }
0x94: {  	[sflag:s16] =	ssyncset.done $0x0  }
0x95: {  	[sflag:s16] =	ssyncadd.s32 $0xFFFFFFFF  }
0x96: {  	s17 =	sld [smem:$0x11];
	(tm) =	ssettm $0x1  }
0x97: {  	s18 =	sld [smem:$0x3FFB];
	_ =	sdelay $0x3  }
0x98: {  	_ =	strace s18  }
0x99: {  	s2 =	sld [smem:$0x3FFC];
	_ =	sdelay $0x3  }
0x9a: {  	_ =	strace s2  }
0x9b: {  	s2 =	sld [smem:$0x3FFD];
	_ =	sdelay $0x3  }
0x9c: {  	_ =	strace s2  }
0x9d: {  	_ =	strace $0x8FFFFFFF  }
0x9e: {  	s19 =	sld [smem:$0x3FDB];
	_ =	sdelay $0x1  }
0x9f: {  	s20 =	simm.s32 $_scs_section_size  }
0xa0: {  	s5 =	simm.s32 $_size__tile_overlayer_lowered;
	s6 =	simm.s32 $_tile_overlayer_lowered  }
0xa1: {  	s7 =	simm.s32 $0x1BFF;
	s21 =	sshll.u32 s6, $0x1;
	s4 =	sadd.s32 s20, s19  }
0xa2: {  	s22 =	simm.s32 $0x0;
	s5 =	sshll.u32 s5, $0x1;
	s6 =	sadd.s32 s21, s4  }
0xa3: {  	[timem:s22], [sflag:s7] =	dma.local [hbm:s6], s5  }
0xa4: {  	_ =	swait.ge [sflag:s7], s5  }
0xa5: {  	s5 =	ssub.s32 $0x0, s5;
	[sflag:s7] =	ssyncset.done $0x0  }
0xa6: {  	[sflag:s7] =	ssyncadd.s32 s5;
	_ =	sdelay $0x1  }
0xa7: {  	s23 =	simm.s32 $0x1B8B  }
0xa8: {  	_ =	swait.ge [sflag:s23], $0x1  }
0xa9: {  	[sflag:s23] =	ssyncset.done $0x0  }
0xaa: {  	[sflag:s23] =	ssyncadd.s32 $0xFFFFFFFF  }
0xab: {  	s5 =	sld [smem:$0x0]  }
0xac: {  	s6 =	sand.u32 $0xFFFFFFFE, s1  }
0xad: {  	p0 =	sne.s32 s1, s6  }
0xae: {  	s6 =	sshll.u32 @p0 s6, $0xE  }
0xaf: {  	s6 =	sadd.s32 @p0 $0x11B8D, s6;
	s7 =	sshll.u32 @p0 s5, $0x11  }
0xb0: {  	s6 =	sor.u32 @p0 s7, s6  }
0xb1: {  	[sflag:s6] =	ssyncadd.remote.s32 @p0 $0x1;
	_ =	sdelay $0x1  }
0xb2: {  	s6 =	simm.s32 @p0 $0x1B8D  }
0xb3: {  	_ =	swait.eq @p0 [sflag:s6], $0x1  }
0xb4: {  	[sflag:s6] =	ssyncadd.s32 @p0 $0xFFFFFFFF  }
0xb5: {  	s7 =	sshll.u32 @!p0 s1, $0xE  }
0xb6: {  	s7 =	sor.u32 @!p0 $0x4000, s7;
	s6 =	simm.s32 @!p0 $0x1B8D  }
0xb7: {  	s5 =	sshll.u32 @!p0 s5, $0x11;
	s7 =	sadd.s32 @!p0 $0x11B8D, s7;
	_ =	swait.eq @!p0 [sflag:s6], $0x1  }
0xb8: {  	s5 =	sor.u32 @!p0 s5, s7;
	[sflag:s6] =	ssyncadd.s32 @!p0 $0xFFFFFFFF  }
0xb9: {  	s25 =	simm.s32 $0x1B8E;
	s24 =	sld [smem:$0x3FFE];
	[sflag:s5] =	ssyncadd.remote.s32 @!p0 $0x1  }
0xba: {  	s26 =	simm.s32 $execute0_lowered;
	[smem:$0x3FD2] =	sst s25  }
0xbb: {  	s6 =	sshll.u32 s26, $0x1;
	_ =	strace $0x8000005B;
	[dreg:$0x1] =	wrdreg $0xFFFFFFFF  }
0xbc: {  	s28 =	simm.s32 $_size_execute0_lowered;
	s4 =	sadd.s32 s4, s6;
	[dreg:$0x0] =	wrdreg $0x0  }
0xbd: {  	s6 =	sshll.u32 s28, $0x1;
	[dreg:$0x2] =	wrdreg s4  }
0xbe: {  	[dreg:$0x3] =	wrdreg s6  }
0xbf: {  	[dreg:$0x4] =	wrdreg $0xC0  }
0xc0: {  	_ =	task [dreg:s22], $0x5FFFF  }
0xc1: {  	[dreg:$0x1] =	wrdreg $0xFFFFFFFF  }
0xc2: {  	[dreg:$0x0] =	wrdreg $0x60  }
0xc3: {  	[dreg:$0x2] =	wrdreg s17  }
0xc4: {  	[dreg:$0x3] =	wrdreg s24  }
0xc5: {  	[dreg:$0x4] =	wrdreg $0x9  }
0xc6: {  	_ =	task.clear_ibuf [dreg:s22], $0x5FFFF;
	_ =	strace $0x9000005B  }
0xc7: {  	s29 =	simm.s32 $0x9;
	_ =	strace $0x8000005D  }
0xc8: {  	_ =	swait.ge [sflag:s29], $0x1  }
0xc9: {  	[sflag:s29] =	ssyncadd.s32 $0xFFFFFFFF  }
0xca: {  	_ =	strace $0x9000005D  }
0xcb: {  	_ =	sfence  }
0xcc: {  	s30 =	sld [smem:$0x0];
	_ =	sdelay $0x2  }
0xcd: {  	s31 =	sshll.u32 s1, $0xD;
	s1 =	sshrl.u32 s1, $0x2  }
0xce: {  	s4 =	sand.u32 $0x4000, s31;
	s1 =	sadd.s32 s1, s30  }
0xcf: {  	s0 =	sor.u32 s4, s0;
	s1 =	sshll.u32 s1, $0x11  }
0xd0: {  	s0 =	sor.u32 s1, s0  }
0xd1: {  	s0 =	sadd.s32 $0x8F2B, s0  }
0xd2: {  	[sflag:s0] =	ssyncadd.remote.s32 $0x1  }
0xd3: {  	_ =	sfence.sel $0xFFFF  }
0xd4: {  	[dreg:$0x0] =	wrdreg $0xFFFFFFFF;
	(pc) =	sbr.abs _section_cstart, $3  }
0xd5: {  	[dreg:$0x1] =	wrdreg $0xFFFFFFFF  }
0xd6: {  	_ =	task.clear_ibuf [dreg:s22], $0x2FFFF;
	_ =	strace $0x9FFFFFFF  }
0xd7: {  	(tm) =	ssettm $0x7FFFFFFF  }
tec
execute0_lowered:
.L_overlay_start_1:
0x0: {  	(tag) =	ssettag $0x1  }
0x1: {  	s3 =	rddreg [dreg:$0x0]  }
0x2: {  	s4 =	rddreg [dreg:$0x1]  }
0x3: {  	s0 =	rddreg [dreg:$0x2]  }
0x4: {  	s5 =	srdreg.scid;
	s1 =	stileid.u32  }
0x5: {  	s2 =	simm.s32 $0x0;
	s5 =	sand.u32 $0x1, s5;
	s6 =	sshll.u32 s1, $0x1  }
0x6: {  	[smem:$0x7FF] =	sst s2;
	s6 =	sor.u32 s5, s6;
	s5 =	ssub.s32 $0x2, s5  }
0x7: {  	_ =	strace $0x8000005C;
	s7 =	sshll.u32 s6, $0xC;
	s8 =	sshrl.u32 s5, $0x1  }
0x8: {  	s6 =	sshll.u32 s6, $0x8;
	s4 =	sadd.s32 s7, s4;
	s5 =	ssub.s32 s5, s8  }
0x9: {  	s3 =	sadd.s32 s3, s6;
	s6 =	simm.s32 $0x1;
	s7 =	simm.s32 $0x800  }
0xa: {  	v0 =	vlaneseq.u32;
	v1 =	vimm.f32 $0.0e+00;
	v2 =	vimm.f32 $1.000000000e+00;
	s8 =	simm.s32 $0x0;
	s4 =	sadd.s32 $0x2A800, s4;
	s5 =	smax.u32 s5, $0x1  }
.LBB2_1:
0xb: {  	[tilespmem:s2], [sflag:$0x1] =	stream.linear.gather [hbm4b:s3+s2], $0x800, $0x38;
	[tilespmem:$0x8800] =	vst v63  }
0xc: {  	_ =	swait.ge [sflag:s6], $0x800  }
0xd: {  	[sflag:s6] =	ssyncset.done $0x0  }
0xe: {  	s9 =	simm.s32 $0x0;
	[sflag:s6] =	ssyncadd.s32 $0xFFFFF800  }
.LBB2_2:
0xf: {  	v3 =	vor.u32 s9, v0;
	p0 =	sne.s32 s9, $0x7FF0  }
.Ltmp0:
0x10: {  	_ = 	snop;
	(pc) =	sbr.rel @p0 .LBB2_2-.Ltmp0, $2  }
0x11: {  	_ =	sdelay $0x2  }
0x12: {  	s9 =	sadd.s32 $0x10, s9;
	[tilespmem:v3+s7+$0x0] =	vst.idx.msk $0xffff, v1  }
0x13: {  	s9 =	simm.s32 $0x0;
	s10 =	simm.s32 $0x0  }
.LBB2_4:
0x14: {  	v3 =	vor.u32 s10, v0;
	_ =	sdelay $0x4  }
0x15: {  	v3 =	vld.idx.msk [tilespmem:v3+s2+$0x0], $0xffff;
	_ =	sdelay $0x4  }
0x16: {  	s11 =	sadd.s32 $0x10, s10;
	v3 =	vadd.s32 s9, v3  }
0x17: {  	v4 =	vor.u32 s11, v0;
	_ =	sdelay $0x3  }
0x18: {  	[tilespmem:v3+s7+$0x0] =	vst.idx.add.f32.msk $0xffff, v2  }
0x19: {  	v3 =	vld.idx.msk [tilespmem:v4+s2+$0x0], $0xffff;
	_ =	sdelay $0x4  }
0x1a: {  	s30 =	sadd.s32 $0x20, s10;
	v3 =	vadd.s32 s9, v3  }
0x1b: {  	v62 =	vor.u32 s30, v0;
	_ =	sdelay $0x3  }
0x1c: {  	[tilespmem:v3+s7+$0x0] =	vst.idx.add.f32.msk $0xffff, v2  }
0x1d: {  	v3 =	vld.idx.msk [tilespmem:v62+s2+$0x0], $0xffff;
	_ =	sdelay $0x4  }
0x1e: {  	s31 =	sadd.s32 $0x30, s10;
	v3 =	vadd.s32 s9, v3  }
0x1f: {  	v63 =	vor.u32 s31, v0;
	_ =	sdelay $0x3  }
0x20: {  	[tilespmem:v3+s7+$0x0] =	vst.idx.add.f32.msk $0xffff, v2  }
0x21: {  	v3 =	vld.idx.msk [tilespmem:v63+s2+$0x0], $0xffff;
	_ =	sdelay $0x4  }
0x22: {  	p0 =	sne.s32 s10, $0x7C0;
	v3 =	vadd.s32 s9, v3  }
.Ltmp1:
0x23: {  	_ = 	snop;
	(pc) =	sbr.rel @p0 .LBB2_4-.Ltmp1, $2  }
0x24: {  	_ =	sdelay $0x2  }
0x25: {  	s10 =	sadd.s32 $0x40, s10;
	s9 =	sadd.s32 $0x400, s9;
	[tilespmem:v3+s7+$0x0] =	vst.idx.add.f32.msk $0xffff, v2  }
0x26: {  	s8 =	sadd.s32 $0x1, s8  }
0x27: {  	p0 =	sne.s32 s8, s5  }
.Ltmp2:
0x28: {  	_ = 	snop;
	(pc) =	sbr.rel @p0 .LBB2_1-.Ltmp2, $4  }
0x29: {  	[hbm4b:s4+s2] =	stream.linear.scatter [tilespmem:s7], [sflag:$0x1], $0x8000, $0x38;
	[tilespmem:$0x8800] =	vst v63  }
0x2a: {  	_ =	swait.ge [sflag:s6], $0x8000  }
0x2b: {  	[sflag:s6] =	ssyncset.done $0x0  }
0x2c: {  	[sflag:s6] =	ssyncadd.s32 $0xFFFF8000  }
0x2d: {  	_ =	sfence.sel $0x180000  }
0x2e: {  	[bflag:$0x0] =	sbarrier.arrive $0xFFFF  }
0x2f: {  	p0 =	sne.s32 s1, $0x0;
	_ =	strace $0x9000005C  }
0x30: {  	s0 =	sadd.s32 @!p0 $0x100000, s0;
	[bflag:$0x2] =	sbarrier.arrive $0xFFFF  }
0x31: {  	[sflag:s0] =	ssyncadd.tile.s32 @!p0 $0x1;
	_ =	shalt  }
.Lfunc_end2:
_tile_overlayer_lowered:
.L_overlay_start_2:
0x32: {  	(tag) =	ssettag $0x2  }
0x33: {  	s0 =	rddreg [dreg:$0x0];
	s2 =	stileid.u32  }
0x34: {  	s1 =	rddreg [dreg:$0x1];
	p0 =	sne.s32 s2, $0x0  }
0x35: {  	s3 =	rddreg [dreg:$0x2];
	[bflag:$0x3] =	sbarrier.arrive $0xFFFF;
	s2 =	simm.s32 @!p0 $0x1C01  }
0x36: {  	[timem:s3], [sflag:s2] =	dma.local @!p0 [hbm:s0], s1  }
0x37: {  	s0 =	simm.s32 @!p0 $0x1  }
0x38: {  	_ =	swait.ge @!p0 [sflag:s0], s1  }
0x39: {  	s1 =	ssub.s32 @!p0 $0x0, s1;
	[sflag:s0] =	ssyncset.done @!p0 $0x0  }
0x3a: {  	[sflag:s0] =	ssyncadd.s32 @!p0 s1  }
0x3b: {  	[bflag:$0x3] =	sbarrier.arrive $0xFFFF  }
0x3c: {  	_ =	shalt  }

</sc_bundles>
